<compile_context>
chip_gen: v7x
topology: tpu7x:2x2x1
jax: 0.10.2.dev20260603
libtpu: 0.0.44.dev20260713+nightly
codegen_flags: <defaults>
</compile_context>

<pallas_src>
import functools

import jax
import jax.numpy as jnp
from jax import lax
from jax.experimental import pallas as pl
from jax.experimental.pallas import tpu as pltpu, tpu_sc as plsc

N = 10000
E = 320000
D = 128
H = 128

NC = 2
NS = 16
NW = NC * NS
EPW = E // NW
CH = 320
K = 32
P = 4
KP = K // P
EPW_PAD = K * CH
NPAD = 10240
RPC = NPAD // NS

_mesh = plsc.VectorSubcoreMesh(
    core_axis_name="c", subcore_axis_name="s", num_cores=NC, num_subcores=NS)
_sc_params = pltpu.CompilerParams(use_tc_tiling_on_sc=False)


def _sc_agg_body(h_hbm, src_hbm, dst_hbm, zf_hbm, agg_out,
                 src_v, dst_v, rows_v, agg_sh, sem):
    c = lax.axis_index("c")
    s = lax.axis_index("s")

    pltpu.sync_copy(zf_hbm.at[pl.ds(s * RPC, RPC)], agg_sh.at[pl.ds(s * RPC, RPC)])
    plsc.subcore_barrier()

    for p in range(P):
        pltpu.sync_copy(src_hbm.at[c].at[s].at[p], src_v)
        pltpu.sync_copy(dst_hbm.at[c].at[s].at[p], dst_v)

        def chunk(j, carry):
            pltpu.async_copy(h_hbm.at[src_v.at[j]], rows_v, sem).wait()
            pltpu.sync_copy(rows_v, agg_sh.at[dst_v.at[j]], add=True)
            return carry

        lax.fori_loop(0, KP, chunk, 0)
    plsc.subcore_barrier()

    pltpu.sync_copy(agg_sh.at[pl.ds(s * RPC, RPC)],
                    agg_out.at[c].at[pl.ds(s * RPC, RPC)])


_sc_agg = pl.kernel(
    _sc_agg_body,
    out_type=jax.ShapeDtypeStruct((NC, NPAD, D), jnp.float32),
    mesh=_mesh,
    scratch_types=[
        pltpu.VMEM((KP, CH), jnp.int32),
        pltpu.VMEM((KP, CH), jnp.int32),
        pltpu.VMEM((CH, D), jnp.float32),
        pltpu.VMEM_SHARED((NPAD, D), jnp.float32),
        pltpu.SemaphoreType.DMA,
    ],
    compiler_params=_sc_params,
)


def _sc_cnt_body(dst_hbm, zc_hbm, ones_hbm, cnt_out,
                 dst_v, ones_v, cnt_sh):
    c = lax.axis_index("c")
    s = lax.axis_index("s")

    pltpu.sync_copy(zc_hbm.at[pl.ds(s * RPC, RPC)], cnt_sh.at[pl.ds(s * RPC, RPC)])
    pltpu.sync_copy(ones_hbm, ones_v)
    plsc.subcore_barrier()

    for p in range(P):
        pltpu.sync_copy(dst_hbm.at[c].at[s].at[p], dst_v)

        def chunk(j, carry):
            pltpu.sync_copy(ones_v, cnt_sh.at[dst_v.at[j]], add=True)
            return carry

        lax.fori_loop(0, KP, chunk, 0)
    plsc.subcore_barrier()

    pltpu.sync_copy(cnt_sh.at[pl.ds(s * RPC, RPC)],
                    cnt_out.at[c].at[pl.ds(s * RPC, RPC)])


_sc_cnt = pl.kernel(
    _sc_cnt_body,
    out_type=jax.ShapeDtypeStruct((NC, NPAD, 16), jnp.float32),
    mesh=_mesh,
    scratch_types=[
        pltpu.VMEM((KP, CH), jnp.int32),
        pltpu.VMEM((CH, 16), jnp.float32),
        pltpu.VMEM_SHARED((NPAD, 16), jnp.float32),
    ],
    compiler_params=_sc_params,
)


def _prep_edges(edge_index):
    src = edge_index[0].reshape(NW, EPW)
    dst = edge_index[1].reshape(NW, EPW)
    src_p = jnp.pad(src, ((0, 0), (0, EPW_PAD - EPW))).reshape(NC, NS, P, KP, CH)
    dst_p = jnp.pad(dst, ((0, 0), (0, EPW_PAD - EPW)),
                    constant_values=N).reshape(NC, NS, P, KP, CH)
    return src_p, dst_p


def _tc_layer_body(relu, h, p0, p1, c0, c1, ws, wn, b, out):
    deg = c0[...] + c1[...] + 1.0
    agg = (p0[...] + p1[...] + h[...]) / deg
    acc = (jnp.dot(h[...], ws[...], preferred_element_type=jnp.float32)
           + jnp.dot(agg, wn[...], preferred_element_type=jnp.float32)
           + b[...])
    out[...] = jnp.maximum(acc, 0.0) if relu else acc


def _tc_layer(h, p0, p1, c0, c1, W_self, W_neigh, b, relu):
    R = 1000
    grid = N // R
    row = lambda i: (i, 0)
    full = lambda i: (0, 0)
    return pl.pallas_call(
        functools.partial(_tc_layer_body, relu),
        grid=(grid,),
        in_specs=[
            pl.BlockSpec((R, D), row),
            pl.BlockSpec((R, D), row),
            pl.BlockSpec((R, D), row),
            pl.BlockSpec((R, 1), row),
            pl.BlockSpec((R, 1), row),
            pl.BlockSpec((D, H), full),
            pl.BlockSpec((D, H), full),
            pl.BlockSpec((1, H), full),
        ],
        out_specs=pl.BlockSpec((R, H), row),
        out_shape=jax.ShapeDtypeStruct((N, H), jnp.float32),
    )(h, p0, p1, c0, c1, W_self, W_neigh, b)


def kernel(in_feat, edge_index, W_self1, W_neigh1, b1, W_self2, W_neigh2, b2):
    src_p, dst_p = _prep_edges(edge_index)
    zf = jnp.zeros((NPAD, D), jnp.float32)
    zc = jnp.zeros((NPAD, 16), jnp.float32)
    ones = jnp.ones((CH, 16), jnp.float32)
    b1r = b1.reshape(1, H)
    b2r = b2.reshape(1, H)

    cnt = _sc_cnt(dst_p, zc, ones)
    agg1 = _sc_agg(in_feat, src_p, dst_p, zf)
    c0 = cnt[0, :N, 0:1]
    c1 = cnt[1, :N, 0:1]
    h1 = _tc_layer(in_feat, agg1[0, :N], agg1[1, :N], c0, c1,
                   W_self1, W_neigh1, b1r, True)
    agg2 = _sc_agg(h1, src_p, dst_p, zf)
    out = _tc_layer(h1, agg2[0, :N], agg2[1, :N], c0, c1,
                    W_self2, W_neigh2, b2r, False)
    return out

# --- scband reference (transcript-rebuilt; emitter-appended) ---
"""Pipeline reference for scband-graph-sage-79164837200035 (READ-ONLY COPY).

The authoritative reference and input builder live on the scoring server;
editing this copy changes nothing except your own understanding.
"""

import jax, jax.numpy as jnp
import numpy as np

N = 10000
E = 320000
D = 128
H = 128


def setup_inputs(seed: int = 0) -> dict:
    key = jax.random.key(seed)
    ks = jax.random.split(key, 8)
    x = jax.random.normal(ks[0], (N, D), dtype=jnp.float32)
    edge_index = jax.random.randint(ks[1], (2, E), 0, N, dtype=jnp.int32)
    s1 = 1.0 / np.sqrt(D)
    s2 = 1.0 / np.sqrt(H)
    W_self1 = jax.random.uniform(ks[2], (D, H), dtype=jnp.float32, minval=-s1, maxval=s1)
    W_neigh1 = jax.random.uniform(ks[3], (D, H), dtype=jnp.float32, minval=-s1, maxval=s1)
    b1 = jnp.zeros((H,), dtype=jnp.float32)
    W_self2 = jax.random.uniform(ks[4], (H, H), dtype=jnp.float32, minval=-s2, maxval=s2)
    W_neigh2 = jax.random.uniform(ks[5], (H, H), dtype=jnp.float32, minval=-s2, maxval=s2)
    b2 = jnp.zeros((H,), dtype=jnp.float32)
    return {"in_feat": x, "edge_index": edge_index, "W_self1": W_self1, "W_neigh1": W_neigh1, "b1": b1, "W_self2": W_self2, "W_neigh2": W_neigh2, "b2": b2}


def _sage_mean_layer(h, src, dst, W_self, W_neigh, b, n_nodes):
    # DGL SAGEConv with 'mean' aggregator: fc_self(h) + fc_neigh(mean_{u in N(v)} h_u) + bias
    msgs = h[src]
    agg_sum = jax.ops.segment_sum(msgs, dst, num_segments=n_nodes)
    deg = jax.ops.segment_sum(jnp.ones((src.shape[0],), h.dtype), dst, num_segments=n_nodes)
    agg = agg_sum / deg[:, None]
    return h @ W_self + agg @ W_neigh + b


def reference(in_feat, edge_index, W_self1, W_neigh1, b1, W_self2, W_neigh2, b2):
    n_nodes = in_feat.shape[0]
    loop = jnp.arange(n_nodes, dtype=edge_index.dtype)
    # g = g.add_self_loop()
    src = jnp.concatenate([edge_index[0], loop])
    dst = jnp.concatenate([edge_index[1], loop])
    h = _sage_mean_layer(in_feat, src, dst, W_self1, W_neigh1, b1, n_nodes)
    # dropout inactive in eval mode (training=False)
    h = jax.nn.relu(h)
    h = _sage_mean_layer(h, src, dst, W_self2, W_neigh2, b2, n_nodes)
    return h

if __name__ == "__main__":
    import jax
    _d = setup_inputs()
    print(jax.jit(kernel)(*tuple(_d.values())))

</pallas_src>

<mosaic_0001>
#map = affine_map<(d0, d1) -> (0, 0, 0, 0, 0)>
#map1 = affine_map<(d0, d1) -> (0, 0)>
#map2 = affine_map<(d0, d1) -> (0, 0, 0)>
module attributes {stable_mosaic.version = 14 : i64} {
  func.func @_sc_cnt_body(%arg0: i32, %arg1: i32, %arg2: memref<2x16x4x8x320xi32, #tpu.memory_space<hbm>>, %arg3: memref<10240x16xf32, #tpu.memory_space<hbm>>, %arg4: memref<320x16xf32, #tpu.memory_space<hbm>>, %arg5: memref<2x10240x16xf32, #tpu.memory_space<hbm>>, %arg6: memref<8x320xi32, #tpu.memory_space<vmem>>, %arg7: memref<320x16xf32, #tpu.memory_space<vmem>>, %arg8: memref<10240x16xf32, #tpu.memory_space<vmem_shared>>) attributes {dimension_semantics = [#tpu.dimension_semantics<core_parallel>, #tpu.dimension_semantics<subcore_parallel>], iteration_bounds = array<i64: 2, 16>, scalar_prefetch = 0 : i64, scratch_operands = 3 : i64, tpu.core_type = #tpu.core_type<sc_vector_subcore>, window_params = [{transform_indices = #map}, {transform_indices = #map1}, {transform_indices = #map1}, {transform_indices = #map2}]} {
    %mul3A = arith.constant 640 : i32
    %mul3A_0 = arith.muli %arg1, %mul3A : i32
    %mul3A_1 = arith.constant 640 : i32
    %mul3A_2 = arith.muli %arg1, %mul3A_1 : i32
    "tpu.region"() ({
      %run_scoped3A_34 = tpu.sem_alloc : memref<!tpu.dma_semaphore, #tpu.memory_space<semaphore_mem>>
      %dma_start3A = arith.constant 0 : i32
      %dma_start3A_35 = tpu.memref_slice %arg8[%mul3A_2, %dma_start3A] : memref<10240x16xf32, #tpu.memory_space<vmem_shared>> -> memref<640x16xf32, #tpu.memory_space<vmem_shared>>
      %dma_start3A_36 = arith.constant 0 : i32
      %dma_start3A_37 = tpu.memref_slice %arg3[%mul3A_0, %dma_start3A_36] : memref<10240x16xf32, #tpu.memory_space<hbm>> -> memref<640x16xf32, #tpu.memory_space<hbm>>
      tpu.enqueue_dma source(%dma_start3A_37 : memref<640x16xf32, #tpu.memory_space<hbm>>) target(%dma_start3A_35 : memref<640x16xf32, #tpu.memory_space<vmem_shared>>) target_semaphore(%run_scoped3A_34 : memref<!tpu.dma_semaphore, #tpu.memory_space<semaphore_mem>>)
      %dma_wait3A = arith.constant 0 : i32
      %dma_wait3A_38 = tpu.memref_slice %arg8[%mul3A_2, %dma_wait3A] : memref<10240x16xf32, #tpu.memory_space<vmem_shared>> -> memref<640x16xf32, #tpu.memory_space<vmem_shared>>
      %dma_wait3A_39 = arith.constant 0 : i32
      %dma_wait3A_40 = tpu.memref_slice %arg3[%mul3A_0, %dma_wait3A_39] : memref<10240x16xf32, #tpu.memory_space<hbm>> -> memref<640x16xf32, #tpu.memory_space<hbm>>
      tpu.wait_dma2 semaphore(%run_scoped3A_34 : memref<!tpu.dma_semaphore, #tpu.memory_space<semaphore_mem>>) src(%dma_wait3A_40 : memref<640x16xf32, #tpu.memory_space<hbm>>) dst(%dma_wait3A_38 : memref<640x16xf32, #tpu.memory_space<vmem_shared>>)
      tpu.yield
    }) : () -> ()
    "tpu.region"() ({
      %run_scoped3A_34 = tpu.sem_alloc : memref<!tpu.dma_semaphore, #tpu.memory_space<semaphore_mem>>
      tpu.enqueue_dma source(%arg4 : memref<320x16xf32, #tpu.memory_space<hbm>>) target(%arg7 : memref<320x16xf32, #tpu.memory_space<vmem>>) target_semaphore(%run_scoped3A_34 : memref<!tpu.dma_semaphore, #tpu.memory_space<semaphore_mem>>)
      tpu.wait_dma2 semaphore(%run_scoped3A_34 : memref<!tpu.dma_semaphore, #tpu.memory_space<semaphore_mem>>) src(%arg4 : memref<320x16xf32, #tpu.memory_space<hbm>>) dst(%arg7 : memref<320x16xf32, #tpu.memory_space<vmem>>)
      tpu.yield
    }) : () -> ()
    %barrier3A = arith.constant 0 : index
    tpu.barrier barrier_id(%barrier3A)
    %run_scoped3A = arith.constant 0 : i32
    "tpu.region"() ({
      %run_scoped3A_34 = tpu.sem_alloc : memref<!tpu.dma_semaphore, #tpu.memory_space<semaphore_mem>>
      %dma_start3A = arith.constant 0 : i32
      %dma_start3A_35 = arith.constant 0 : i32
      %dma_start3A_36 = arith.constant 0 : i32
      %dma_start3A_37 = arith.constant 0 : i32
      %dma_start3A_38 = tpu.memref_slice %arg2[%arg0, %dma_start3A, %dma_start3A_35, %dma_start3A_36, %dma_start3A_37] : memref<2x16x4x8x320xi32, #tpu.memory_space<hbm>> -> memref<1x16x4x8x320xi32, #tpu.memory_space<hbm>>
      %dma_start3A_39 = tpu.memref_squeeze %dma_start3A_38 : memref<1x16x4x8x320xi32, #tpu.memory_space<hbm>> -> memref<16x4x8x320xi32, #tpu.memory_space<hbm>>
      %dma_start3A_40 = arith.constant 0 : i32
      %dma_start3A_41 = arith.constant 0 : i32
      %dma_start3A_42 = arith.constant 0 : i32
      %dma_start3A_43 = tpu.memref_slice %dma_start3A_39[%arg1, %dma_start3A_40, %dma_start3A_41, %dma_start3A_42] : memref<16x4x8x320xi32, #tpu.memory_space<hbm>> -> memref<1x4x8x320xi32, #tpu.memory_space<hbm>>
      %dma_start3A_44 = tpu.memref_squeeze %dma_start3A_43 : memref<1x4x8x320xi32, #tpu.memory_space<hbm>> -> memref<4x8x320xi32, #tpu.memory_space<hbm>>
      %dma_start3A_45 = arith.constant 0 : i32
      %dma_start3A_46 = arith.constant 0 : i32
      %dma_start3A_47 = tpu.memref_slice %dma_start3A_44[%run_scoped3A, %dma_start3A_45, %dma_start3A_46] : memref<4x8x320xi32, #tpu.memory_space<hbm>> -> memref<1x8x320xi32, #tpu.memory_space<hbm>>
      %dma_start3A_48 = tpu.memref_squeeze %dma_start3A_47 : memref<1x8x320xi32, #tpu.memory_space<hbm>> -> memref<8x320xi32, #tpu.memory_space<hbm>>
      %dma_start3A_49 = arith.constant 0 : i32
      %dma_start3A_50 = arith.constant 0 : i32
      %dma_start3A_51 = arith.constant 0 : i32
      %dma_start3A_52 = arith.constant 0 : i32
      %dma_start3A_53 = tpu.memref_slice %arg2[%arg0, %dma_start3A_49, %dma_start3A_50, %dma_start3A_51, %dma_start3A_52] : memref<2x16x4x8x320xi32, #tpu.memory_space<hbm>> -> memref<1x16x4x8x320xi32, #tpu.memory_space<hbm>>
      %dma_start3A_54 = tpu.memref_squeeze %dma_start3A_53 : memref<1x16x4x8x320xi32, #tpu.memory_space<hbm>> -> memref<16x4x8x320xi32, #tpu.memory_space<hbm>>
      %dma_start3A_55 = arith.constant 0 : i32
      %dma_start3A_56 = arith.constant 0 : i32
      %dma_start3A_57 = arith.constant 0 : i32
      %dma_start3A_58 = tpu.memref_slice %dma_start3A_54[%arg1, %dma_start3A_55, %dma_start3A_56, %dma_start3A_57] : memref<16x4x8x320xi32, #tpu.memory_space<hbm>> -> memref<1x4x8x320xi32, #tpu.memory_space<hbm>>
      %dma_start3A_59 = tpu.memref_squeeze %dma_start3A_58 : memref<1x4x8x320xi32, #tpu.memory_space<hbm>> -> memref<4x8x320xi32, #tpu.memory_space<hbm>>
      %dma_start3A_60 = arith.constant 0 : i32
      %dma_start3A_61 = arith.constant 0 : i32
      %dma_start3A_62 = tpu.memref_slice %dma_start3A_59[%run_scoped3A, %dma_start3A_60, %dma_start3A_61] : memref<4x8x320xi32, #tpu.memory_space<hbm>> -> memref<1x8x320xi32, #tpu.memory_space<hbm>>
      %dma_start3A_63 = tpu.memref_squeeze %dma_start3A_62 : memref<1x8x320xi32, #tpu.memory_space<hbm>> -> memref<8x320xi32, #tpu.memory_space<hbm>>
      tpu.enqueue_dma source(%dma_start3A_63 : memref<8x320xi32, #tpu.memory_space<hbm>>) target(%arg6 : memref<8x320xi32, #tpu.memory_space<vmem>>) target_semaphore(%run_scoped3A_34 : memref<!tpu.dma_semaphore, #tpu.memory_space<semaphore_mem>>)
      %dma_wait3A = arith.constant 0 : i32
      %dma_wait3A_64 = arith.constant 0 : i32
      %dma_wait3A_65 = arith.constant 0 : i32
      %dma_wait3A_66 = arith.constant 0 : i32
      %dma_wait3A_67 = tpu.memref_slice %arg2[%arg0, %dma_wait3A, %dma_wait3A_64, %dma_wait3A_65, %dma_wait3A_66] : memref<2x16x4x8x320xi32, #tpu.memory_space<hbm>> -> memref<1x16x4x8x320xi32, #tpu.memory_space<hbm>>
      %dma_wait3A_68 = tpu.memref_squeeze %dma_wait3A_67 : memref<1x16x4x8x320xi32, #tpu.memory_space<hbm>> -> memref<16x4x8x320xi32, #tpu.memory_space<hbm>>
      %dma_wait3A_69 = arith.constant 0 : i32
      %dma_wait3A_70 = arith.constant 0 : i32
      %dma_wait3A_71 = arith.constant 0 : i32
      %dma_wait3A_72 = tpu.memref_slice %dma_wait3A_68[%arg1, %dma_wait3A_69, %dma_wait3A_70, %dma_wait3A_71] : memref<16x4x8x320xi32, #tpu.memory_space<hbm>> -> memref<1x4x8x320xi32, #tpu.memory_space<hbm>>
      %dma_wait3A_73 = tpu.memref_squeeze %dma_wait3A_72 : memref<1x4x8x320xi32, #tpu.memory_space<hbm>> -> memref<4x8x320xi32, #tpu.memory_space<hbm>>
      %dma_wait3A_74 = arith.constant 0 : i32
      %dma_wait3A_75 = arith.constant 0 : i32
      %dma_wait3A_76 = tpu.memref_slice %dma_wait3A_73[%run_scoped3A, %dma_wait3A_74, %dma_wait3A_75] : memref<4x8x320xi32, #tpu.memory_space<hbm>> -> memref<1x8x320xi32, #tpu.memory_space<hbm>>
      %dma_wait3A_77 = tpu.memref_squeeze %dma_wait3A_76 : memref<1x8x320xi32, #tpu.memory_space<hbm>> -> memref<8x320xi32, #tpu.memory_space<hbm>>
      %dma_wait3A_78 = arith.constant 0 : i32
      %dma_wait3A_79 = arith.constant 0 : i32
      %dma_wait3A_80 = arith.constant 0 : i32
      %dma_wait3A_81 = arith.constant 0 : i32
      %dma_wait3A_82 = tpu.memref_slice %arg2[%arg0, %dma_wait3A_78, %dma_wait3A_79, %dma_wait3A_80, %dma_wait3A_81] : memref<2x16x4x8x320xi32, #tpu.memory_space<hbm>> -> memref<1x16x4x8x320xi32, #tpu.memory_space<hbm>>
      %dma_wait3A_83 = tpu.memref_squeeze %dma_wait3A_82 : memref<1x16x4x8x320xi32, #tpu.memory_space<hbm>> -> memref<16x4x8x320xi32, #tpu.memory_space<hbm>>
      %dma_wait3A_84 = arith.constant 0 : i32
      %dma_wait3A_85 = arith.constant 0 : i32
      %dma_wait3A_86 = arith.constant 0 : i32
      %dma_wait3A_87 = tpu.memref_slice %dma_wait3A_83[%arg1, %dma_wait3A_84, %dma_wait3A_85, %dma_wait3A_86] : memref<16x4x8x320xi32, #tpu.memory_space<hbm>> -> memref<1x4x8x320xi32, #tpu.memory_space<hbm>>
      %dma_wait3A_88 = tpu.memref_squeeze %dma_wait3A_87 : memref<1x4x8x320xi32, #tpu.memory_space<hbm>> -> memref<4x8x320xi32, #tpu.memory_space<hbm>>
      %dma_wait3A_89 = arith.constant 0 : i32
      %dma_wait3A_90 = arith.constant 0 : i32
      %dma_wait3A_91 = tpu.memref_slice %dma_wait3A_88[%run_scoped3A, %dma_wait3A_89, %dma_wait3A_90] : memref<4x8x320xi32, #tpu.memory_space<hbm>> -> memref<1x8x320xi32, #tpu.memory_space<hbm>>
      %dma_wait3A_92 = tpu.memref_squeeze %dma_wait3A_91 : memref<1x8x320xi32, #tpu.memory_space<hbm>> -> memref<8x320xi32, #tpu.memory_space<hbm>>
      tpu.wait_dma2 semaphore(%run_scoped3A_34 : memref<!tpu.dma_semaphore, #tpu.memory_space<semaphore_mem>>) src(%dma_wait3A_92 : memref<8x320xi32, #tpu.memory_space<hbm>>) dst(%arg6 : memref<8x320xi32, #tpu.memory_space<vmem>>)
      tpu.yield
    }) : () -> ()
    %scan3A = arith.constant 0 : i32
    %scan3A_3 = arith.constant 0 : i32
    %scan3A_4 = arith.constant 8 : i32
    %scan3A_5 = arith.addi %scan3A_3, %scan3A_4 : i32
    %scan3A_6 = arith.constant 1 : i32
    scf.for %scan3A_34 = %scan3A_3 to %scan3A_5 step %scan3A_6  : i32 {
      "tpu.region"() ({
        %run_scoped3A_35 = tpu.sem_alloc : memref<!tpu.dma_semaphore, #tpu.memory_space<semaphore_mem>>
        %dma_start3A = arith.constant 0 : i32
        %dma_start3A_36 = tpu.memref_slice %arg6[%scan3A_34, %dma_start3A] : memref<8x320xi32, #tpu.memory_space<vmem>> -> memref<1x320xi32, #tpu.memory_space<vmem>>
        %dma_start3A_37 = tpu.memref_squeeze %dma_start3A_36 : memref<1x320xi32, #tpu.memory_space<vmem>> -> memref<320xi32, #tpu.memory_space<vmem>>
        %dma_start3A_38 = arith.constant 0 : i32
        %dma_start3A_39 = arith.constant 0 : i32
        %dma_start3A_40 = tpu.memref_slice %arg8[%dma_start3A_38, %dma_start3A_39] : memref<10240x16xf32, #tpu.memory_space<vmem_shared>> -> memref<10240x16xf32, #tpu.memory_space<vmem_shared>>
        tpu.enqueue_indirect_dma source(%arg7 : memref<320x16xf32, #tpu.memory_space<vmem>>) target(%dma_start3A_40 : memref<10240x16xf32, #tpu.memory_space<vmem_shared>>) offsets(%dma_start3A_37 : memref<320xi32, #tpu.memory_space<vmem>>) semaphore(%run_scoped3A_35 : memref<!tpu.dma_semaphore, #tpu.memory_space<semaphore_mem>>) {add = true}
        %dma_wait3A = arith.constant 0 : i32
        %dma_wait3A_41 = tpu.memref_slice %arg6[%scan3A_34, %dma_wait3A] : memref<8x320xi32, #tpu.memory_space<vmem>> -> memref<1x320xi32, #tpu.memory_space<vmem>>
        %dma_wait3A_42 = tpu.memref_squeeze %dma_wait3A_41 : memref<1x320xi32, #tpu.memory_space<vmem>> -> memref<320xi32, #tpu.memory_space<vmem>>
        %dma_wait3A_43 = arith.constant 0 : i32
        %dma_wait3A_44 = arith.constant 0 : i32
        %dma_wait3A_45 = tpu.memref_slice %arg8[%dma_wait3A_43, %dma_wait3A_44] : memref<10240x16xf32, #tpu.memory_space<vmem_shared>> -> memref<10240x16xf32, #tpu.memory_space<vmem_shared>>
        tpu.wait_indirect_dma semaphore(%run_scoped3A_35 : memref<!tpu.dma_semaphore, #tpu.memory_space<semaphore_mem>>) src(%arg7 : memref<320x16xf32, #tpu.memory_space<vmem>>) dst(%dma_wait3A_45 : memref<10240x16xf32, #tpu.memory_space<vmem_shared>>)
        tpu.yield
      }) : () -> ()
    }
    %scan3A_7 = arith.constant 8 : i32
    %run_scoped3A_8 = arith.constant 1 : i32
    "tpu.region"() ({
      %run_scoped3A_34 = tpu.sem_alloc : memref<!tpu.dma_semaphore, #tpu.memory_space<semaphore_mem>>
      %dma_start3A = arith.constant 0 : i32
      %dma_start3A_35 = arith.constant 0 : i32
      %dma_start3A_36 = arith.constant 0 : i32
      %dma_start3A_37 = arith.constant 0 : i32
      %dma_start3A_38 = tpu.memref_slice %arg2[%arg0, %dma_start3A, %dma_start3A_35, %dma_start3A_36, %dma_start3A_37] : memref<2x16x4x8x320xi32, #tpu.memory_space<hbm>> -> memref<1x16x4x8x320xi32, #tpu.memory_space<hbm>>
      %dma_start3A_39 = tpu.memref_squeeze %dma_start3A_38 : memref<1x16x4x8x320xi32, #tpu.memory_space<hbm>> -> memref<16x4x8x320xi32, #tpu.memory_space<hbm>>
      %dma_start3A_40 = arith.constant 0 : i32
      %dma_start3A_41 = arith.constant 0 : i32
      %dma_start3A_42 = arith.constant 0 : i32
      %dma_start3A_43 = tpu.memref_slice %dma_start3A_39[%arg1, %dma_start3A_40, %dma_start3A_41, %dma_start3A_42] : memref<16x4x8x320xi32, #tpu.memory_space<hbm>> -> memref<1x4x8x320xi32, #tpu.memory_space<hbm>>
      %dma_start3A_44 = tpu.memref_squeeze %dma_start3A_43 : memref<1x4x8x320xi32, #tpu.memory_space<hbm>> -> memref<4x8x320xi32, #tpu.memory_space<hbm>>
      %dma_start3A_45 = arith.constant 0 : i32
      %dma_start3A_46 = arith.constant 0 : i32
      %dma_start3A_47 = tpu.memref_slice %dma_start3A_44[%run_scoped3A_8, %dma_start3A_45, %dma_start3A_46] : memref<4x8x320xi32, #tpu.memory_space<hbm>> -> memref<1x8x320xi32, #tpu.memory_space<hbm>>
      %dma_start3A_48 = tpu.memref_squeeze %dma_start3A_47 : memref<1x8x320xi32, #tpu.memory_space<hbm>> -> memref<8x320xi32, #tpu.memory_space<hbm>>
      %dma_start3A_49 = arith.constant 0 : i32
      %dma_start3A_50 = arith.constant 0 : i32
      %dma_start3A_51 = arith.constant 0 : i32
      %dma_start3A_52 = arith.constant 0 : i32
      %dma_start3A_53 = tpu.memref_slice %arg2[%arg0, %dma_start3A_49, %dma_start3A_50, %dma_start3A_51, %dma_start3A_52] : memref<2x16x4x8x320xi32, #tpu.memory_space<hbm>> -> memref<1x16x4x8x320xi32, #tpu.memory_space<hbm>>
      %dma_start3A_54 = tpu.memref_squeeze %dma_start3A_53 : memref<1x16x4x8x320xi32, #tpu.memory_space<hbm>> -> memref<16x4x8x320xi32, #tpu.memory_space<hbm>>
      %dma_start3A_55 = arith.constant 0 : i32
      %dma_start3A_56 = arith.constant 0 : i32
      %dma_start3A_57 = arith.constant 0 : i32
      %dma_start3A_58 = tpu.memref_slice %dma_start3A_54[%arg1, %dma_start3A_55, %dma_start3A_56, %dma_start3A_57] : memref<16x4x8x320xi32, #tpu.memory_space<hbm>> -> memref<1x4x8x320xi32, #tpu.memory_space<hbm>>
      %dma_start3A_59 = tpu.memref_squeeze %dma_start3A_58 : memref<1x4x8x320xi32, #tpu.memory_space<hbm>> -> memref<4x8x320xi32, #tpu.memory_space<hbm>>
      %dma_start3A_60 = arith.constant 0 : i32
      %dma_start3A_61 = arith.constant 0 : i32
      %dma_start3A_62 = tpu.memref_slice %dma_start3A_59[%run_scoped3A_8, %dma_start3A_60, %dma_start3A_61] : memref<4x8x320xi32, #tpu.memory_space<hbm>> -> memref<1x8x320xi32, #tpu.memory_space<hbm>>
      %dma_start3A_63 = tpu.memref_squeeze %dma_start3A_62 : memref<1x8x320xi32, #tpu.memory_space<hbm>> -> memref<8x320xi32, #tpu.memory_space<hbm>>
      tpu.enqueue_dma source(%dma_start3A_63 : memref<8x320xi32, #tpu.memory_space<hbm>>) target(%arg6 : memref<8x320xi32, #tpu.memory_space<vmem>>) target_semaphore(%run_scoped3A_34 : memref<!tpu.dma_semaphore, #tpu.memory_space<semaphore_mem>>)
      %dma_wait3A = arith.constant 0 : i32
      %dma_wait3A_64 = arith.constant 0 : i32
      %dma_wait3A_65 = arith.constant 0 : i32
      %dma_wait3A_66 = arith.constant 0 : i32
      %dma_wait3A_67 = tpu.memref_slice %arg2[%arg0, %dma_wait3A, %dma_wait3A_64, %dma_wait3A_65, %dma_wait3A_66] : memref<2x16x4x8x320xi32, #tpu.memory_space<hbm>> -> memref<1x16x4x8x320xi32, #tpu.memory_space<hbm>>
      %dma_wait3A_68 = tpu.memref_squeeze %dma_wait3A_67 : memref<1x16x4x8x320xi32, #tpu.memory_space<hbm>> -> memref<16x4x8x320xi32, #tpu.memory_space<hbm>>
      %dma_wait3A_69 = arith.constant 0 : i32
      %dma_wait3A_70 = arith.constant 0 : i32
      %dma_wait3A_71 = arith.constant 0 : i32
      %dma_wait3A_72 = tpu.memref_slice %dma_wait3A_68[%arg1, %dma_wait3A_69, %dma_wait3A_70, %dma_wait3A_71] : memref<16x4x8x320xi32, #tpu.memory_space<hbm>> -> memref<1x4x8x320xi32, #tpu.memory_space<hbm>>
      %dma_wait3A_73 = tpu.memref_squeeze %dma_wait3A_72 : memref<1x4x8x320xi32, #tpu.memory_space<hbm>> -> memref<4x8x320xi32, #tpu.memory_space<hbm>>
      %dma_wait3A_74 = arith.constant 0 : i32
      %dma_wait3A_75 = arith.constant 0 : i32
      %dma_wait3A_76 = tpu.memref_slice %dma_wait3A_73[%run_scoped3A_8, %dma_wait3A_74, %dma_wait3A_75] : memref<4x8x320xi32, #tpu.memory_space<hbm>> -> memref<1x8x320xi32, #tpu.memory_space<hbm>>
      %dma_wait3A_77 = tpu.memref_squeeze %dma_wait3A_76 : memref<1x8x320xi32, #tpu.memory_space<hbm>> -> memref<8x320xi32, #tpu.memory_space<hbm>>
      %dma_wait3A_78 = arith.constant 0 : i32
      %dma_wait3A_79 = arith.constant 0 : i32
      %dma_wait3A_80 = arith.constant 0 : i32
      %dma_wait3A_81 = arith.constant 0 : i32
      %dma_wait3A_82 = tpu.memref_slice %arg2[%arg0, %dma_wait3A_78, %dma_wait3A_79, %dma_wait3A_80, %dma_wait3A_81] : memref<2x16x4x8x320xi32, #tpu.memory_space<hbm>> -> memref<1x16x4x8x320xi32, #tpu.memory_space<hbm>>
      %dma_wait3A_83 = tpu.memref_squeeze %dma_wait3A_82 : memref<1x16x4x8x320xi32, #tpu.memory_space<hbm>> -> memref<16x4x8x320xi32, #tpu.memory_space<hbm>>
      %dma_wait3A_84 = arith.constant 0 : i32
      %dma_wait3A_85 = arith.constant 0 : i32
      %dma_wait3A_86 = arith.constant 0 : i32
      %dma_wait3A_87 = tpu.memref_slice %dma_wait3A_83[%arg1, %dma_wait3A_84, %dma_wait3A_85, %dma_wait3A_86] : memref<16x4x8x320xi32, #tpu.memory_space<hbm>> -> memref<1x4x8x320xi32, #tpu.memory_space<hbm>>
      %dma_wait3A_88 = tpu.memref_squeeze %dma_wait3A_87 : memref<1x4x8x320xi32, #tpu.memory_space<hbm>> -> memref<4x8x320xi32, #tpu.memory_space<hbm>>
      %dma_wait3A_89 = arith.constant 0 : i32
      %dma_wait3A_90 = arith.constant 0 : i32
      %dma_wait3A_91 = tpu.memref_slice %dma_wait3A_88[%run_scoped3A_8, %dma_wait3A_89, %dma_wait3A_90] : memref<4x8x320xi32, #tpu.memory_space<hbm>> -> memref<1x8x320xi32, #tpu.memory_space<hbm>>
      %dma_wait3A_92 = tpu.memref_squeeze %dma_wait3A_91 : memref<1x8x320xi32, #tpu.memory_space<hbm>> -> memref<8x320xi32, #tpu.memory_space<hbm>>
      tpu.wait_dma2 semaphore(%run_scoped3A_34 : memref<!tpu.dma_semaphore, #tpu.memory_space<semaphore_mem>>) src(%dma_wait3A_92 : memref<8x320xi32, #tpu.memory_space<hbm>>) dst(%arg6 : memref<8x320xi32, #tpu.memory_space<vmem>>)
      tpu.yield
    }) : () -> ()
    %scan3A_9 = arith.constant 0 : i32
    %scan3A_10 = arith.constant 0 : i32
    %scan3A_11 = arith.constant 8 : i32
    %scan3A_12 = arith.addi %scan3A_10, %scan3A_11 : i32
    %scan3A_13 = arith.constant 1 : i32
    scf.for %scan3A_34 = %scan3A_10 to %scan3A_12 step %scan3A_13  : i32 {
      "tpu.region"() ({
        %run_scoped3A_35 = tpu.sem_alloc : memref<!tpu.dma_semaphore, #tpu.memory_space<semaphore_mem>>
        %dma_start3A = arith.constant 0 : i32
        %dma_start3A_36 = tpu.memref_slice %arg6[%scan3A_34, %dma_start3A] : memref<8x320xi32, #tpu.memory_space<vmem>> -> memref<1x320xi32, #tpu.memory_space<vmem>>
        %dma_start3A_37 = tpu.memref_squeeze %dma_start3A_36 : memref<1x320xi32, #tpu.memory_space<vmem>> -> memref<320xi32, #tpu.memory_space<vmem>>
        %dma_start3A_38 = arith.constant 0 : i32
        %dma_start3A_39 = arith.constant 0 : i32
        %dma_start3A_40 = tpu.memref_slice %arg8[%dma_start3A_38, %dma_start3A_39] : memref<10240x16xf32, #tpu.memory_space<vmem_shared>> -> memref<10240x16xf32, #tpu.memory_space<vmem_shared>>
        tpu.enqueue_indirect_dma source(%arg7 : memref<320x16xf32, #tpu.memory_space<vmem>>) target(%dma_start3A_40 : memref<10240x16xf32, #tpu.memory_space<vmem_shared>>) offsets(%dma_start3A_37 : memref<320xi32, #tpu.memory_space<vmem>>) semaphore(%run_scoped3A_35 : memref<!tpu.dma_semaphore, #tpu.memory_space<semaphore_mem>>) {add = true}
        %dma_wait3A = arith.constant 0 : i32
        %dma_wait3A_41 = tpu.memref_slice %arg6[%scan3A_34, %dma_wait3A] : memref<8x320xi32, #tpu.memory_space<vmem>> -> memref<1x320xi32, #tpu.memory_space<vmem>>
        %dma_wait3A_42 = tpu.memref_squeeze %dma_wait3A_41 : memref<1x320xi32, #tpu.memory_space<vmem>> -> memref<320xi32, #tpu.memory_space<vmem>>
        %dma_wait3A_43 = arith.constant 0 : i32
        %dma_wait3A_44 = arith.constant 0 : i32
        %dma_wait3A_45 = tpu.memref_slice %arg8[%dma_wait3A_43, %dma_wait3A_44] : memref<10240x16xf32, #tpu.memory_space<vmem_shared>> -> memref<10240x16xf32, #tpu.memory_space<vmem_shared>>
        tpu.wait_indirect_dma semaphore(%run_scoped3A_35 : memref<!tpu.dma_semaphore, #tpu.memory_space<semaphore_mem>>) src(%arg7 : memref<320x16xf32, #tpu.memory_space<vmem>>) dst(%dma_wait3A_45 : memref<10240x16xf32, #tpu.memory_space<vmem_shared>>)
        tpu.yield
      }) : () -> ()
    }
    %scan3A_14 = arith.constant 8 : i32
    %run_scoped3A_15 = arith.constant 2 : i32
    "tpu.region"() ({
      %run_scoped3A_34 = tpu.sem_alloc : memref<!tpu.dma_semaphore, #tpu.memory_space<semaphore_mem>>
      %dma_start3A = arith.constant 0 : i32
      %dma_start3A_35 = arith.constant 0 : i32
      %dma_start3A_36 = arith.constant 0 : i32
      %dma_start3A_37 = arith.constant 0 : i32
      %dma_start3A_38 = tpu.memref_slice %arg2[%arg0, %dma_start3A, %dma_start3A_35, %dma_start3A_36, %dma_start3A_37] : memref<2x16x4x8x320xi32, #tpu.memory_space<hbm>> -> memref<1x16x4x8x320xi32, #tpu.memory_space<hbm>>
      %dma_start3A_39 = tpu.memref_squeeze %dma_start3A_38 : memref<1x16x4x8x320xi32, #tpu.memory_space<hbm>> -> memref<16x4x8x320xi32, #tpu.memory_space<hbm>>
      %dma_start3A_40 = arith.constant 0 : i32
      %dma_start3A_41 = arith.constant 0 : i32
      %dma_start3A_42 = arith.constant 0 : i32
      %dma_start3A_43 = tpu.memref_slice %dma_start3A_39[%arg1, %dma_start3A_40, %dma_start3A_41, %dma_start3A_42] : memref<16x4x8x320xi32, #tpu.memory_space<hbm>> -> memref<1x4x8x320xi32, #tpu.memory_space<hbm>>
      %dma_start3A_44 = tpu.memref_squeeze %dma_start3A_43 : memref<1x4x8x320xi32, #tpu.memory_space<hbm>> -> memref<4x8x320xi32, #tpu.memory_space<hbm>>
      %dma_start3A_45 = arith.constant 0 : i32
      %dma_start3A_46 = arith.constant 0 : i32
      %dma_start3A_47 = tpu.memref_slice %dma_start3A_44[%run_scoped3A_15, %dma_start3A_45, %dma_start3A_46] : memref<4x8x320xi32, #tpu.memory_space<hbm>> -> memref<1x8x320xi32, #tpu.memory_space<hbm>>
      %dma_start3A_48 = tpu.memref_squeeze %dma_start3A_47 : memref<1x8x320xi32, #tpu.memory_space<hbm>> -> memref<8x320xi32, #tpu.memory_space<hbm>>
      %dma_start3A_49 = arith.constant 0 : i32
      %dma_start3A_50 = arith.constant 0 : i32
      %dma_start3A_51 = arith.constant 0 : i32
      %dma_start3A_52 = arith.constant 0 : i32
      %dma_start3A_53 = tpu.memref_slice %arg2[%arg0, %dma_start3A_49, %dma_start3A_50, %dma_start3A_51, %dma_start3A_52] : memref<2x16x4x8x320xi32, #tpu.memory_space<hbm>> -> memref<1x16x4x8x320xi32, #tpu.memory_space<hbm>>
      %dma_start3A_54 = tpu.memref_squeeze %dma_start3A_53 : memref<1x16x4x8x320xi32, #tpu.memory_space<hbm>> -> memref<16x4x8x320xi32, #tpu.memory_space<hbm>>
      %dma_start3A_55 = arith.constant 0 : i32
      %dma_start3A_56 = arith.constant 0 : i32
      %dma_start3A_57 = arith.constant 0 : i32
      %dma_start3A_58 = tpu.memref_slice %dma_start3A_54[%arg1, %dma_start3A_55, %dma_start3A_56, %dma_start3A_57] : memref<16x4x8x320xi32, #tpu.memory_space<hbm>> -> memref<1x4x8x320xi32, #tpu.memory_space<hbm>>
      %dma_start3A_59 = tpu.memref_squeeze %dma_start3A_58 : memref<1x4x8x320xi32, #tpu.memory_space<hbm>> -> memref<4x8x320xi32, #tpu.memory_space<hbm>>
      %dma_start3A_60 = arith.constant 0 : i32
      %dma_start3A_61 = arith.constant 0 : i32
      %dma_start3A_62 = tpu.memref_slice %dma_start3A_59[%run_scoped3A_15, %dma_start3A_60, %dma_start3A_61] : memref<4x8x320xi32, #tpu.memory_space<hbm>> -> memref<1x8x320xi32, #tpu.memory_space<hbm>>
      %dma_start3A_63 = tpu.memref_squeeze %dma_start3A_62 : memref<1x8x320xi32, #tpu.memory_space<hbm>> -> memref<8x320xi32, #tpu.memory_space<hbm>>
      tpu.enqueue_dma source(%dma_start3A_63 : memref<8x320xi32, #tpu.memory_space<hbm>>) target(%arg6 : memref<8x320xi32, #tpu.memory_space<vmem>>) target_semaphore(%run_scoped3A_34 : memref<!tpu.dma_semaphore, #tpu.memory_space<semaphore_mem>>)
      %dma_wait3A = arith.constant 0 : i32
      %dma_wait3A_64 = arith.constant 0 : i32
      %dma_wait3A_65 = arith.constant 0 : i32
      %dma_wait3A_66 = arith.constant 0 : i32
      %dma_wait3A_67 = tpu.memref_slice %arg2[%arg0, %dma_wait3A, %dma_wait3A_64, %dma_wait3A_65, %dma_wait3A_66] : memref<2x16x4x8x320xi32, #tpu.memory_space<hbm>> -> memref<1x16x4x8x320xi32, #tpu.memory_space<hbm>>
      %dma_wait3A_68 = tpu.memref_squeeze %dma_wait3A_67 : memref<1x16x4x8x320xi32, #tpu.memory_space<hbm>> -> memref<16x4x8x320xi32, #tpu.memory_space<hbm>>
      %dma_wait3A_69 = arith.constant 0 : i32
      %dma_wait3A_70 = arith.constant 0 : i32
      %dma_wait3A_71 = arith.constant 0 : i32
      %dma_wait3A_72 = tpu.memref_slice %dma_wait3A_68[%arg1, %dma_wait3A_69, %dma_wait3A_70, %dma_wait3A_71] : memref<16x4x8x320xi32, #tpu.memory_space<hbm>> -> memref<1x4x8x320xi32, #tpu.memory_space<hbm>>
      %dma_wait3A_73 = tpu.memref_squeeze %dma_wait3A_72 : memref<1x4x8x320xi32, #tpu.memory_space<hbm>> -> memref<4x8x320xi32, #tpu.memory_space<hbm>>
      %dma_wait3A_74 = arith.constant 0 : i32
      %dma_wait3A_75 = arith.constant 0 : i32
      %dma_wait3A_76 = tpu.memref_slice %dma_wait3A_73[%run_scoped3A_15, %dma_wait3A_74, %dma_wait3A_75] : memref<4x8x320xi32, #tpu.memory_space<hbm>> -> memref<1x8x320xi32, #tpu.memory_space<hbm>>
      %dma_wait3A_77 = tpu.memref_squeeze %dma_wait3A_76 : memref<1x8x320xi32, #tpu.memory_space<hbm>> -> memref<8x320xi32, #tpu.memory_space<hbm>>
      %dma_wait3A_78 = arith.constant 0 : i32
      %dma_wait3A_79 = arith.constant 0 : i32
      %dma_wait3A_80 = arith.constant 0 : i32
      %dma_wait3A_81 = arith.constant 0 : i32
      %dma_wait3A_82 = tpu.memref_slice %arg2[%arg0, %dma_wait3A_78, %dma_wait3A_79, %dma_wait3A_80, %dma_wait3A_81] : memref<2x16x4x8x320xi32, #tpu.memory_space<hbm>> -> memref<1x16x4x8x320xi32, #tpu.memory_space<hbm>>
      %dma_wait3A_83 = tpu.memref_squeeze %dma_wait3A_82 : memref<1x16x4x8x320xi32, #tpu.memory_space<hbm>> -> memref<16x4x8x320xi32, #tpu.memory_space<hbm>>
      %dma_wait3A_84 = arith.constant 0 : i32
      %dma_wait3A_85 = arith.constant 0 : i32
      %dma_wait3A_86 = arith.constant 0 : i32
      %dma_wait3A_87 = tpu.memref_slice %dma_wait3A_83[%arg1, %dma_wait3A_84, %dma_wait3A_85, %dma_wait3A_86] : memref<16x4x8x320xi32, #tpu.memory_space<hbm>> -> memref<1x4x8x320xi32, #tpu.memory_space<hbm>>
      %dma_wait3A_88 = tpu.memref_squeeze %dma_wait3A_87 : memref<1x4x8x320xi32, #tpu.memory_space<hbm>> -> memref<4x8x320xi32, #tpu.memory_space<hbm>>
      %dma_wait3A_89 = arith.constant 0 : i32
      %dma_wait3A_90 = arith.constant 0 : i32
      %dma_wait3A_91 = tpu.memref_slice %dma_wait3A_88[%run_scoped3A_15, %dma_wait3A_89, %dma_wait3A_90] : memref<4x8x320xi32, #tpu.memory_space<hbm>> -> memref<1x8x320xi32, #tpu.memory_space<hbm>>
      %dma_wait3A_92 = tpu.memref_squeeze %dma_wait3A_91 : memref<1x8x320xi32, #tpu.memory_space<hbm>> -> memref<8x320xi32, #tpu.memory_space<hbm>>
      tpu.wait_dma2 semaphore(%run_scoped3A_34 : memref<!tpu.dma_semaphore, #tpu.memory_space<semaphore_mem>>) src(%dma_wait3A_92 : memref<8x320xi32, #tpu.memory_space<hbm>>) dst(%arg6 : memref<8x320xi32, #tpu.memory_space<vmem>>)
      tpu.yield
    }) : () -> ()
    %scan3A_16 = arith.constant 0 : i32
    %scan3A_17 = arith.constant 0 : i32
    %scan3A_18 = arith.constant 8 : i32
    %scan3A_19 = arith.addi %scan3A_17, %scan3A_18 : i32
    %scan3A_20 = arith.constant 1 : i32
    scf.for %scan3A_34 = %scan3A_17 to %scan3A_19 step %scan3A_20  : i32 {
      "tpu.region"() ({
        %run_scoped3A_35 = tpu.sem_alloc : memref<!tpu.dma_semaphore, #tpu.memory_space<semaphore_mem>>
        %dma_start3A = arith.constant 0 : i32
        %dma_start3A_36 = tpu.memref_slice %arg6[%scan3A_34, %dma_start3A] : memref<8x320xi32, #tpu.memory_space<vmem>> -> memref<1x320xi32, #tpu.memory_space<vmem>>
        %dma_start3A_37 = tpu.memref_squeeze %dma_start3A_36 : memref<1x320xi32, #tpu.memory_space<vmem>> -> memref<320xi32, #tpu.memory_space<vmem>>
        %dma_start3A_38 = arith.constant 0 : i32
        %dma_start3A_39 = arith.constant 0 : i32
        %dma_start3A_40 = tpu.memref_slice %arg8[%dma_start3A_38, %dma_start3A_39] : memref<10240x16xf32, #tpu.memory_space<vmem_shared>> -> memref<10240x16xf32, #tpu.memory_space<vmem_shared>>
        tpu.enqueue_indirect_dma source(%arg7 : memref<320x16xf32, #tpu.memory_space<vmem>>) target(%dma_start3A_40 : memref<10240x16xf32, #tpu.memory_space<vmem_shared>>) offsets(%dma_start3A_37 : memref<320xi32, #tpu.memory_space<vmem>>) semaphore(%run_scoped3A_35 : memref<!tpu.dma_semaphore, #tpu.memory_space<semaphore_mem>>) {add = true}
        %dma_wait3A = arith.constant 0 : i32
        %dma_wait3A_41 = tpu.memref_slice %arg6[%scan3A_34, %dma_wait3A] : memref<8x320xi32, #tpu.memory_space<vmem>> -> memref<1x320xi32, #tpu.memory_space<vmem>>
        %dma_wait3A_42 = tpu.memref_squeeze %dma_wait3A_41 : memref<1x320xi32, #tpu.memory_space<vmem>> -> memref<320xi32, #tpu.memory_space<vmem>>
        %dma_wait3A_43 = arith.constant 0 : i32
        %dma_wait3A_44 = arith.constant 0 : i32
        %dma_wait3A_45 = tpu.memref_slice %arg8[%dma_wait3A_43, %dma_wait3A_44] : memref<10240x16xf32, #tpu.memory_space<vmem_shared>> -> memref<10240x16xf32, #tpu.memory_space<vmem_shared>>
        tpu.wait_indirect_dma semaphore(%run_scoped3A_35 : memref<!tpu.dma_semaphore, #tpu.memory_space<semaphore_mem>>) src(%arg7 : memref<320x16xf32, #tpu.memory_space<vmem>>) dst(%dma_wait3A_45 : memref<10240x16xf32, #tpu.memory_space<vmem_shared>>)
        tpu.yield
      }) : () -> ()
    }
    %scan3A_21 = arith.constant 8 : i32
    %run_scoped3A_22 = arith.constant 3 : i32
    "tpu.region"() ({
      %run_scoped3A_34 = tpu.sem_alloc : memref<!tpu.dma_semaphore, #tpu.memory_space<semaphore_mem>>
      %dma_start3A = arith.constant 0 : i32
      %dma_start3A_35 = arith.constant 0 : i32
      %dma_start3A_36 = arith.constant 0 : i32
      %dma_start3A_37 = arith.constant 0 : i32
      %dma_start3A_38 = tpu.memref_slice %arg2[%arg0, %dma_start3A, %dma_start3A_35, %dma_start3A_36, %dma_start3A_37] : memref<2x16x4x8x320xi32, #tpu.memory_space<hbm>> -> memref<1x16x4x8x320xi32, #tpu.memory_space<hbm>>
      %dma_start3A_39 = tpu.memref_squeeze %dma_start3A_38 : memref<1x16x4x8x320xi32, #tpu.memory_space<hbm>> -> memref<16x4x8x320xi32, #tpu.memory_space<hbm>>
      %dma_start3A_40 = arith.constant 0 : i32
      %dma_start3A_41 = arith.constant 0 : i32
      %dma_start3A_42 = arith.constant 0 : i32
      %dma_start3A_43 = tpu.memref_slice %dma_start3A_39[%arg1, %dma_start3A_40, %dma_start3A_41, %dma_start3A_42] : memref<16x4x8x320xi32, #tpu.memory_space<hbm>> -> memref<1x4x8x320xi32, #tpu.memory_space<hbm>>
      %dma_start3A_44 = tpu.memref_squeeze %dma_start3A_43 : memref<1x4x8x320xi32, #tpu.memory_space<hbm>> -> memref<4x8x320xi32, #tpu.memory_space<hbm>>
      %dma_start3A_45 = arith.constant 0 : i32
      %dma_start3A_46 = arith.constant 0 : i32
      %dma_start3A_47 = tpu.memref_slice %dma_start3A_44[%run_scoped3A_22, %dma_start3A_45, %dma_start3A_46] : memref<4x8x320xi32, #tpu.memory_space<hbm>> -> memref<1x8x320xi32, #tpu.memory_space<hbm>>
      %dma_start3A_48 = tpu.memref_squeeze %dma_start3A_47 : memref<1x8x320xi32, #tpu.memory_space<hbm>> -> memref<8x320xi32, #tpu.memory_space<hbm>>
      %dma_start3A_49 = arith.constant 0 : i32
      %dma_start3A_50 = arith.constant 0 : i32
      %dma_start3A_51 = arith.constant 0 : i32
      %dma_start3A_52 = arith.constant 0 : i32
      %dma_start3A_53 = tpu.memref_slice %arg2[%arg0, %dma_start3A_49, %dma_start3A_50, %dma_start3A_51, %dma_start3A_52] : memref<2x16x4x8x320xi32, #tpu.memory_space<hbm>> -> memref<1x16x4x8x320xi32, #tpu.memory_space<hbm>>
      %dma_start3A_54 = tpu.memref_squeeze %dma_start3A_53 : memref<1x16x4x8x320xi32, #tpu.memory_space<hbm>> -> memref<16x4x8x320xi32, #tpu.memory_space<hbm>>
      %dma_start3A_55 = arith.constant 0 : i32
      %dma_start3A_56 = arith.constant 0 : i32
      %dma_start3A_57 = arith.constant 0 : i32
      %dma_start3A_58 = tpu.memref_slice %dma_start3A_54[%arg1, %dma_start3A_55, %dma_start3A_56, %dma_start3A_57] : memref<16x4x8x320xi32, #tpu.memory_space<hbm>> -> memref<1x4x8x320xi32, #tpu.memory_space<hbm>>
      %dma_start3A_59 = tpu.memref_squeeze %dma_start3A_58 : memref<1x4x8x320xi32, #tpu.memory_space<hbm>> -> memref<4x8x320xi32, #tpu.memory_space<hbm>>
      %dma_start3A_60 = arith.constant 0 : i32
      %dma_start3A_61 = arith.constant 0 : i32
      %dma_start3A_62 = tpu.memref_slice %dma_start3A_59[%run_scoped3A_22, %dma_start3A_60, %dma_start3A_61] : memref<4x8x320xi32, #tpu.memory_space<hbm>> -> memref<1x8x320xi32, #tpu.memory_space<hbm>>
      %dma_start3A_63 = tpu.memref_squeeze %dma_start3A_62 : memref<1x8x320xi32, #tpu.memory_space<hbm>> -> memref<8x320xi32, #tpu.memory_space<hbm>>
      tpu.enqueue_dma source(%dma_start3A_63 : memref<8x320xi32, #tpu.memory_space<hbm>>) target(%arg6 : memref<8x320xi32, #tpu.memory_space<vmem>>) target_semaphore(%run_scoped3A_34 : memref<!tpu.dma_semaphore, #tpu.memory_space<semaphore_mem>>)
      %dma_wait3A = arith.constant 0 : i32
      %dma_wait3A_64 = arith.constant 0 : i32
      %dma_wait3A_65 = arith.constant 0 : i32
      %dma_wait3A_66 = arith.constant 0 : i32
      %dma_wait3A_67 = tpu.memref_slice %arg2[%arg0, %dma_wait3A, %dma_wait3A_64, %dma_wait3A_65, %dma_wait3A_66] : memref<2x16x4x8x320xi32, #tpu.memory_space<hbm>> -> memref<1x16x4x8x320xi32, #tpu.memory_space<hbm>>
      %dma_wait3A_68 = tpu.memref_squeeze %dma_wait3A_67 : memref<1x16x4x8x320xi32, #tpu.memory_space<hbm>> -> memref<16x4x8x320xi32, #tpu.memory_space<hbm>>
      %dma_wait3A_69 = arith.constant 0 : i32
      %dma_wait3A_70 = arith.constant 0 : i32
      %dma_wait3A_71 = arith.constant 0 : i32
      %dma_wait3A_72 = tpu.memref_slice %dma_wait3A_68[%arg1, %dma_wait3A_69, %dma_wait3A_70, %dma_wait3A_71] : memref<16x4x8x320xi32, #tpu.memory_space<hbm>> -> memref<1x4x8x320xi32, #tpu.memory_space<hbm>>
      %dma_wait3A_73 = tpu.memref_squeeze %dma_wait3A_72 : memref<1x4x8x320xi32, #tpu.memory_space<hbm>> -> memref<4x8x320xi32, #tpu.memory_space<hbm>>
      %dma_wait3A_74 = arith.constant 0 : i32
      %dma_wait3A_75 = arith.constant 0 : i32
      %dma_wait3A_76 = tpu.memref_slice %dma_wait3A_73[%run_scoped3A_22, %dma_wait3A_74, %dma_wait3A_75] : memref<4x8x320xi32, #tpu.memory_space<hbm>> -> memref<1x8x320xi32, #tpu.memory_space<hbm>>
      %dma_wait3A_77 = tpu.memref_squeeze %dma_wait3A_76 : memref<1x8x320xi32, #tpu.memory_space<hbm>> -> memref<8x320xi32, #tpu.memory_space<hbm>>
      %dma_wait3A_78 = arith.constant 0 : i32
      %dma_wait3A_79 = arith.constant 0 : i32
      %dma_wait3A_80 = arith.constant 0 : i32
      %dma_wait3A_81 = arith.constant 0 : i32
      %dma_wait3A_82 = tpu.memref_slice %arg2[%arg0, %dma_wait3A_78, %dma_wait3A_79, %dma_wait3A_80, %dma_wait3A_81] : memref<2x16x4x8x320xi32, #tpu.memory_space<hbm>> -> memref<1x16x4x8x320xi32, #tpu.memory_space<hbm>>
      %dma_wait3A_83 = tpu.memref_squeeze %dma_wait3A_82 : memref<1x16x4x8x320xi32, #tpu.memory_space<hbm>> -> memref<16x4x8x320xi32, #tpu.memory_space<hbm>>
      %dma_wait3A_84 = arith.constant 0 : i32
      %dma_wait3A_85 = arith.constant 0 : i32
      %dma_wait3A_86 = arith.constant 0 : i32
      %dma_wait3A_87 = tpu.memref_slice %dma_wait3A_83[%arg1, %dma_wait3A_84, %dma_wait3A_85, %dma_wait3A_86] : memref<16x4x8x320xi32, #tpu.memory_space<hbm>> -> memref<1x4x8x320xi32, #tpu.memory_space<hbm>>
      %dma_wait3A_88 = tpu.memref_squeeze %dma_wait3A_87 : memref<1x4x8x320xi32, #tpu.memory_space<hbm>> -> memref<4x8x320xi32, #tpu.memory_space<hbm>>
      %dma_wait3A_89 = arith.constant 0 : i32
      %dma_wait3A_90 = arith.constant 0 : i32
      %dma_wait3A_91 = tpu.memref_slice %dma_wait3A_88[%run_scoped3A_22, %dma_wait3A_89, %dma_wait3A_90] : memref<4x8x320xi32, #tpu.memory_space<hbm>> -> memref<1x8x320xi32, #tpu.memory_space<hbm>>
      %dma_wait3A_92 = tpu.memref_squeeze %dma_wait3A_91 : memref<1x8x320xi32, #tpu.memory_space<hbm>> -> memref<8x320xi32, #tpu.memory_space<hbm>>
      tpu.wait_dma2 semaphore(%run_scoped3A_34 : memref<!tpu.dma_semaphore, #tpu.memory_space<semaphore_mem>>) src(%dma_wait3A_92 : memref<8x320xi32, #tpu.memory_space<hbm>>) dst(%arg6 : memref<8x320xi32, #tpu.memory_space<vmem>>)
      tpu.yield
    }) : () -> ()
    %scan3A_23 = arith.constant 0 : i32
    %scan3A_24 = arith.constant 0 : i32
    %scan3A_25 = arith.constant 8 : i32
    %scan3A_26 = arith.addi %scan3A_24, %scan3A_25 : i32
    %scan3A_27 = arith.constant 1 : i32
    scf.for %scan3A_34 = %scan3A_24 to %scan3A_26 step %scan3A_27  : i32 {
      "tpu.region"() ({
        %run_scoped3A_35 = tpu.sem_alloc : memref<!tpu.dma_semaphore, #tpu.memory_space<semaphore_mem>>
        %dma_start3A = arith.constant 0 : i32
        %dma_start3A_36 = tpu.memref_slice %arg6[%scan3A_34, %dma_start3A] : memref<8x320xi32, #tpu.memory_space<vmem>> -> memref<1x320xi32, #tpu.memory_space<vmem>>
        %dma_start3A_37 = tpu.memref_squeeze %dma_start3A_36 : memref<1x320xi32, #tpu.memory_space<vmem>> -> memref<320xi32, #tpu.memory_space<vmem>>
        %dma_start3A_38 = arith.constant 0 : i32
        %dma_start3A_39 = arith.constant 0 : i32
        %dma_start3A_40 = tpu.memref_slice %arg8[%dma_start3A_38, %dma_start3A_39] : memref<10240x16xf32, #tpu.memory_space<vmem_shared>> -> memref<10240x16xf32, #tpu.memory_space<vmem_shared>>
        tpu.enqueue_indirect_dma source(%arg7 : memref<320x16xf32, #tpu.memory_space<vmem>>) target(%dma_start3A_40 : memref<10240x16xf32, #tpu.memory_space<vmem_shared>>) offsets(%dma_start3A_37 : memref<320xi32, #tpu.memory_space<vmem>>) semaphore(%run_scoped3A_35 : memref<!tpu.dma_semaphore, #tpu.memory_space<semaphore_mem>>) {add = true}
        %dma_wait3A = arith.constant 0 : i32
        %dma_wait3A_41 = tpu.memref_slice %arg6[%scan3A_34, %dma_wait3A] : memref<8x320xi32, #tpu.memory_space<vmem>> -> memref<1x320xi32, #tpu.memory_space<vmem>>
        %dma_wait3A_42 = tpu.memref_squeeze %dma_wait3A_41 : memref<1x320xi32, #tpu.memory_space<vmem>> -> memref<320xi32, #tpu.memory_space<vmem>>
        %dma_wait3A_43 = arith.constant 0 : i32
        %dma_wait3A_44 = arith.constant 0 : i32
        %dma_wait3A_45 = tpu.memref_slice %arg8[%dma_wait3A_43, %dma_wait3A_44] : memref<10240x16xf32, #tpu.memory_space<vmem_shared>> -> memref<10240x16xf32, #tpu.memory_space<vmem_shared>>
        tpu.wait_indirect_dma semaphore(%run_scoped3A_35 : memref<!tpu.dma_semaphore, #tpu.memory_space<semaphore_mem>>) src(%arg7 : memref<320x16xf32, #tpu.memory_space<vmem>>) dst(%dma_wait3A_45 : memref<10240x16xf32, #tpu.memory_space<vmem_shared>>)
        tpu.yield
      }) : () -> ()
    }
    %scan3A_28 = arith.constant 8 : i32
    %barrier3A_29 = arith.constant 0 : index
    tpu.barrier barrier_id(%barrier3A_29)
    %mul3A_30 = arith.constant 640 : i32
    %mul3A_31 = arith.muli %arg1, %mul3A_30 : i32
    %mul3A_32 = arith.constant 640 : i32
    %mul3A_33 = arith.muli %arg1, %mul3A_32 : i32
    "tpu.region"() ({
      %run_scoped3A_34 = tpu.sem_alloc : memref<!tpu.dma_semaphore, #tpu.memory_space<semaphore_mem>>
      %dma_start3A = arith.constant 0 : i32
      %dma_start3A_35 = arith.constant 0 : i32
      %dma_start3A_36 = tpu.memref_slice %arg5[%arg0, %dma_start3A, %dma_start3A_35] : memref<2x10240x16xf32, #tpu.memory_space<hbm>> -> memref<1x10240x16xf32, #tpu.memory_space<hbm>>
      %dma_start3A_37 = tpu.memref_squeeze %dma_start3A_36 : memref<1x10240x16xf32, #tpu.memory_space<hbm>> -> memref<10240x16xf32, #tpu.memory_space<hbm>>
      %dma_start3A_38 = arith.constant 0 : i32
      %dma_start3A_39 = tpu.memref_slice %dma_start3A_37[%mul3A_33, %dma_start3A_38] : memref<10240x16xf32, #tpu.memory_space<hbm>> -> memref<640x16xf32, #tpu.memory_space<hbm>>
      %dma_start3A_40 = arith.constant 0 : i32
      %dma_start3A_41 = tpu.memref_slice %arg8[%mul3A_31, %dma_start3A_40] : memref<10240x16xf32, #tpu.memory_space<vmem_shared>> -> memref<640x16xf32, #tpu.memory_space<vmem_shared>>
      tpu.enqueue_dma source(%dma_start3A_41 : memref<640x16xf32, #tpu.memory_space<vmem_shared>>) target(%dma_start3A_39 : memref<640x16xf32, #tpu.memory_space<hbm>>) target_semaphore(%run_scoped3A_34 : memref<!tpu.dma_semaphore, #tpu.memory_space<semaphore_mem>>)
      %dma_wait3A = arith.constant 0 : i32
      %dma_wait3A_42 = arith.constant 0 : i32
      %dma_wait3A_43 = tpu.memref_slice %arg5[%arg0, %dma_wait3A, %dma_wait3A_42] : memref<2x10240x16xf32, #tpu.memory_space<hbm>> -> memref<1x10240x16xf32, #tpu.memory_space<hbm>>
      %dma_wait3A_44 = tpu.memref_squeeze %dma_wait3A_43 : memref<1x10240x16xf32, #tpu.memory_space<hbm>> -> memref<10240x16xf32, #tpu.memory_space<hbm>>
      %dma_wait3A_45 = arith.constant 0 : i32
      %dma_wait3A_46 = tpu.memref_slice %dma_wait3A_44[%mul3A_33, %dma_wait3A_45] : memref<10240x16xf32, #tpu.memory_space<hbm>> -> memref<640x16xf32, #tpu.memory_space<hbm>>
      %dma_wait3A_47 = arith.constant 0 : i32
      %dma_wait3A_48 = tpu.memref_slice %arg8[%mul3A_31, %dma_wait3A_47] : memref<10240x16xf32, #tpu.memory_space<vmem_shared>> -> memref<640x16xf32, #tpu.memory_space<vmem_shared>>
      tpu.wait_dma2 semaphore(%run_scoped3A_34 : memref<!tpu.dma_semaphore, #tpu.memory_space<semaphore_mem>>) src(%dma_wait3A_48 : memref<640x16xf32, #tpu.memory_space<vmem_shared>>) dst(%dma_wait3A_46 : memref<640x16xf32, #tpu.memory_space<hbm>>)
      tpu.yield
    }) : () -> ()
    return
  }
}

#map = affine_map<(d0, d1) -> (0, 0)>
#map1 = affine_map<(d0, d1) -> (0, 0, 0, 0, 0)>
#map2 = affine_map<(d0, d1) -> (0, 0, 0)>
module attributes {stable_mosaic.version = 14 : i64} {
  func.func @_sc_agg_body(%arg0: i32, %arg1: i32, %arg2: memref<10000x128xf32, #tpu.memory_space<hbm>>, %arg3: memref<2x16x4x8x320xi32, #tpu.memory_space<hbm>>, %arg4: memref<2x16x4x8x320xi32, #tpu.memory_space<hbm>>, %arg5: memref<10240x128xf32, #tpu.memory_space<hbm>>, %arg6: memref<2x10240x128xf32, #tpu.memory_space<hbm>>, %arg7: memref<8x320xi32, #tpu.memory_space<vmem>>, %arg8: memref<8x320xi32, #tpu.memory_space<vmem>>, %arg9: memref<320x128xf32, #tpu.memory_space<vmem>>, %arg10: memref<10240x128xf32, #tpu.memory_space<vmem_shared>>, %arg11: memref<!tpu.dma_semaphore, #tpu.memory_space<semaphore_mem>>) attributes {dimension_semantics = [#tpu.dimension_semantics<core_parallel>, #tpu.dimension_semantics<subcore_parallel>], iteration_bounds = array<i64: 2, 16>, scalar_prefetch = 0 : i64, scratch_operands = 5 : i64, tpu.core_type = #tpu.core_type<sc_vector_subcore>, window_params = [{transform_indices = #map}, {transform_indices = #map1}, {transform_indices = #map1}, {transform_indices = #map}, {transform_indices = #map2}]} {
    %mul3A = arith.constant 640 : i32
    %mul3A_0 = arith.muli %arg1, %mul3A : i32
    %mul3A_1 = arith.constant 640 : i32
    %mul3A_2 = arith.muli %arg1, %mul3A_1 : i32
    "tpu.region"() ({
      %run_scoped3A_38 = tpu.sem_alloc : memref<!tpu.dma_semaphore, #tpu.memory_space<semaphore_mem>>
      %dma_start3A = arith.constant 0 : i32
      %dma_start3A_39 = tpu.memref_slice %arg10[%mul3A_2, %dma_start3A] : memref<10240x128xf32, #tpu.memory_space<vmem_shared>> -> memref<640x128xf32, #tpu.memory_space<vmem_shared>>
      %dma_start3A_40 = arith.constant 0 : i32
      %dma_start3A_41 = tpu.memref_slice %arg5[%mul3A_0, %dma_start3A_40] : memref<10240x128xf32, #tpu.memory_space<hbm>> -> memref<640x128xf32, #tpu.memory_space<hbm>>
      tpu.enqueue_dma source(%dma_start3A_41 : memref<640x128xf32, #tpu.memory_space<hbm>>) target(%dma_start3A_39 : memref<640x128xf32, #tpu.memory_space<vmem_shared>>) target_semaphore(%run_scoped3A_38 : memref<!tpu.dma_semaphore, #tpu.memory_space<semaphore_mem>>)
      %dma_wait3A = arith.constant 0 : i32
      %dma_wait3A_42 = tpu.memref_slice %arg10[%mul3A_2, %dma_wait3A] : memref<10240x128xf32, #tpu.memory_space<vmem_shared>> -> memref<640x128xf32, #tpu.memory_space<vmem_shared>>
      %dma_wait3A_43 = arith.constant 0 : i32
      %dma_wait3A_44 = tpu.memref_slice %arg5[%mul3A_0, %dma_wait3A_43] : memref<10240x128xf32, #tpu.memory_space<hbm>> -> memref<640x128xf32, #tpu.memory_space<hbm>>
      tpu.wait_dma2 semaphore(%run_scoped3A_38 : memref<!tpu.dma_semaphore, #tpu.memory_space<semaphore_mem>>) src(%dma_wait3A_44 : memref<640x128xf32, #tpu.memory_space<hbm>>) dst(%dma_wait3A_42 : memref<640x128xf32, #tpu.memory_space<vmem_shared>>)
      tpu.yield
    }) : () -> ()
    %barrier3A = arith.constant 0 : index
    tpu.barrier barrier_id(%barrier3A)
    %run_scoped3A = arith.constant 0 : i32
    "tpu.region"() ({
      %run_scoped3A_38 = tpu.sem_alloc : memref<!tpu.dma_semaphore, #tpu.memory_space<semaphore_mem>>
      %dma_start3A = arith.constant 0 : i32
      %dma_start3A_39 = arith.constant 0 : i32
      %dma_start3A_40 = arith.constant 0 : i32
      %dma_start3A_41 = arith.constant 0 : i32
      %dma_start3A_42 = tpu.memref_slice %arg3[%arg0, %dma_start3A, %dma_start3A_39, %dma_start3A_40, %dma_start3A_41] : memref<2x16x4x8x320xi32, #tpu.memory_space<hbm>> -> memref<1x16x4x8x320xi32, #tpu.memory_space<hbm>>
      %dma_start3A_43 = tpu.memref_squeeze %dma_start3A_42 : memref<1x16x4x8x320xi32, #tpu.memory_space<hbm>> -> memref<16x4x8x320xi32, #tpu.memory_space<hbm>>
      %dma_start3A_44 = arith.constant 0 : i32
      %dma_start3A_45 = arith.constant 0 : i32
      %dma_start3A_46 = arith.constant 0 : i32
      %dma_start3A_47 = tpu.memref_slice %dma_start3A_43[%arg1, %dma_start3A_44, %dma_start3A_45, %dma_start3A_46] : memref<16x4x8x320xi32, #tpu.memory_space<hbm>> -> memref<1x4x8x320xi32, #tpu.memory_space<hbm>>
      %dma_start3A_48 = tpu.memref_squeeze %dma_start3A_47 : memref<1x4x8x320xi32, #tpu.memory_space<hbm>> -> memref<4x8x320xi32, #tpu.memory_space<hbm>>
      %dma_start3A_49 = arith.constant 0 : i32
      %dma_start3A_50 = arith.constant 0 : i32
      %dma_start3A_51 = tpu.memref_slice %dma_start3A_48[%run_scoped3A, %dma_start3A_49, %dma_start3A_50] : memref<4x8x320xi32, #tpu.memory_space<hbm>> -> memref<1x8x320xi32, #tpu.memory_space<hbm>>
      %dma_start3A_52 = tpu.memref_squeeze %dma_start3A_51 : memref<1x8x320xi32, #tpu.memory_space<hbm>> -> memref<8x320xi32, #tpu.memory_space<hbm>>
      %dma_start3A_53 = arith.constant 0 : i32
      %dma_start3A_54 = arith.constant 0 : i32
      %dma_start3A_55 = arith.constant 0 : i32
      %dma_start3A_56 = arith.constant 0 : i32
      %dma_start3A_57 = tpu.memref_slice %arg3[%arg0, %dma_start3A_53, %dma_start3A_54, %dma_start3A_55, %dma_start3A_56] : memref<2x16x4x8x320xi32, #tpu.memory_space<hbm>> -> memref<1x16x4x8x320xi32, #tpu.memory_space<hbm>>
      %dma_start3A_58 = tpu.memref_squeeze %dma_start3A_57 : memref<1x16x4x8x320xi32, #tpu.memory_space<hbm>> -> memref<16x4x8x320xi32, #tpu.memory_space<hbm>>
      %dma_start3A_59 = arith.constant 0 : i32
      %dma_start3A_60 = arith.constant 0 : i32
      %dma_start3A_61 = arith.constant 0 : i32
      %dma_start3A_62 = tpu.memref_slice %dma_start3A_58[%arg1, %dma_start3A_59, %dma_start3A_60, %dma_start3A_61] : memref<16x4x8x320xi32, #tpu.memory_space<hbm>> -> memref<1x4x8x320xi32, #tpu.memory_space<hbm>>
      %dma_start3A_63 = tpu.memref_squeeze %dma_start3A_62 : memref<1x4x8x320xi32, #tpu.memory_space<hbm>> -> memref<4x8x320xi32, #tpu.memory_space<hbm>>
      %dma_start3A_64 = arith.constant 0 : i32
      %dma_start3A_65 = arith.constant 0 : i32
      %dma_start3A_66 = tpu.memref_slice %dma_start3A_63[%run_scoped3A, %dma_start3A_64, %dma_start3A_65] : memref<4x8x320xi32, #tpu.memory_space<hbm>> -> memref<1x8x320xi32, #tpu.memory_space<hbm>>
      %dma_start3A_67 = tpu.memref_squeeze %dma_start3A_66 : memref<1x8x320xi32, #tpu.memory_space<hbm>> -> memref<8x320xi32, #tpu.memory_space<hbm>>
      tpu.enqueue_dma source(%dma_start3A_67 : memref<8x320xi32, #tpu.memory_space<hbm>>) target(%arg7 : memref<8x320xi32, #tpu.memory_space<vmem>>) target_semaphore(%run_scoped3A_38 : memref<!tpu.dma_semaphore, #tpu.memory_space<semaphore_mem>>)
      %dma_wait3A = arith.constant 0 : i32
      %dma_wait3A_68 = arith.constant 0 : i32
      %dma_wait3A_69 = arith.constant 0 : i32
      %dma_wait3A_70 = arith.constant 0 : i32
      %dma_wait3A_71 = tpu.memref_slice %arg3[%arg0, %dma_wait3A, %dma_wait3A_68, %dma_wait3A_69, %dma_wait3A_70] : memref<2x16x4x8x320xi32, #tpu.memory_space<hbm>> -> memref<1x16x4x8x320xi32, #tpu.memory_space<hbm>>
      %dma_wait3A_72 = tpu.memref_squeeze %dma_wait3A_71 : memref<1x16x4x8x320xi32, #tpu.memory_space<hbm>> -> memref<16x4x8x320xi32, #tpu.memory_space<hbm>>
      %dma_wait3A_73 = arith.constant 0 : i32
      %dma_wait3A_74 = arith.constant 0 : i32
      %dma_wait3A_75 = arith.constant 0 : i32
      %dma_wait3A_76 = tpu.memref_slice %dma_wait3A_72[%arg1, %dma_wait3A_73, %dma_wait3A_74, %dma_wait3A_75] : memref<16x4x8x320xi32, #tpu.memory_space<hbm>> -> memref<1x4x8x320xi32, #tpu.memory_space<hbm>>
      %dma_wait3A_77 = tpu.memref_squeeze %dma_wait3A_76 : memref<1x4x8x320xi32, #tpu.memory_space<hbm>> -> memref<4x8x320xi32, #tpu.memory_space<hbm>>
      %dma_wait3A_78 = arith.constant 0 : i32
      %dma_wait3A_79 = arith.constant 0 : i32
      %dma_wait3A_80 = tpu.memref_slice %dma_wait3A_77[%run_scoped3A, %dma_wait3A_78, %dma_wait3A_79] : memref<4x8x320xi32, #tpu.memory_space<hbm>> -> memref<1x8x320xi32, #tpu.memory_space<hbm>>
      %dma_wait3A_81 = tpu.memref_squeeze %dma_wait3A_80 : memref<1x8x320xi32, #tpu.memory_space<hbm>> -> memref<8x320xi32, #tpu.memory_space<hbm>>
      %dma_wait3A_82 = arith.constant 0 : i32
      %dma_wait3A_83 = arith.constant 0 : i32
      %dma_wait3A_84 = arith.constant 0 : i32
      %dma_wait3A_85 = arith.constant 0 : i32
      %dma_wait3A_86 = tpu.memref_slice %arg3[%arg0, %dma_wait3A_82, %dma_wait3A_83, %dma_wait3A_84, %dma_wait3A_85] : memref<2x16x4x8x320xi32, #tpu.memory_space<hbm>> -> memref<1x16x4x8x320xi32, #tpu.memory_space<hbm>>
      %dma_wait3A_87 = tpu.memref_squeeze %dma_wait3A_86 : memref<1x16x4x8x320xi32, #tpu.memory_space<hbm>> -> memref<16x4x8x320xi32, #tpu.memory_space<hbm>>
      %dma_wait3A_88 = arith.constant 0 : i32
      %dma_wait3A_89 = arith.constant 0 : i32
      %dma_wait3A_90 = arith.constant 0 : i32
      %dma_wait3A_91 = tpu.memref_slice %dma_wait3A_87[%arg1, %dma_wait3A_88, %dma_wait3A_89, %dma_wait3A_90] : memref<16x4x8x320xi32, #tpu.memory_space<hbm>> -> memref<1x4x8x320xi32, #tpu.memory_space<hbm>>
      %dma_wait3A_92 = tpu.memref_squeeze %dma_wait3A_91 : memref<1x4x8x320xi32, #tpu.memory_space<hbm>> -> memref<4x8x320xi32, #tpu.memory_space<hbm>>
      %dma_wait3A_93 = arith.constant 0 : i32
      %dma_wait3A_94 = arith.constant 0 : i32
      %dma_wait3A_95 = tpu.memref_slice %dma_wait3A_92[%run_scoped3A, %dma_wait3A_93, %dma_wait3A_94] : memref<4x8x320xi32, #tpu.memory_space<hbm>> -> memref<1x8x320xi32, #tpu.memory_space<hbm>>
      %dma_wait3A_96 = tpu.memref_squeeze %dma_wait3A_95 : memref<1x8x320xi32, #tpu.memory_space<hbm>> -> memref<8x320xi32, #tpu.memory_space<hbm>>
      tpu.wait_dma2 semaphore(%run_scoped3A_38 : memref<!tpu.dma_semaphore, #tpu.memory_space<semaphore_mem>>) src(%dma_wait3A_96 : memref<8x320xi32, #tpu.memory_space<hbm>>) dst(%arg7 : memref<8x320xi32, #tpu.memory_space<vmem>>)
      tpu.yield
    }) : () -> ()
    %run_scoped3A_3 = arith.constant 0 : i32
    "tpu.region"() ({
      %run_scoped3A_38 = tpu.sem_alloc : memref<!tpu.dma_semaphore, #tpu.memory_space<semaphore_mem>>
      %dma_start3A = arith.constant 0 : i32
      %dma_start3A_39 = arith.constant 0 : i32
      %dma_start3A_40 = arith.constant 0 : i32
      %dma_start3A_41 = arith.constant 0 : i32
      %dma_start3A_42 = tpu.memref_slice %arg4[%arg0, %dma_start3A, %dma_start3A_39, %dma_start3A_40, %dma_start3A_41] : memref<2x16x4x8x320xi32, #tpu.memory_space<hbm>> -> memref<1x16x4x8x320xi32, #tpu.memory_space<hbm>>
      %dma_start3A_43 = tpu.memref_squeeze %dma_start3A_42 : memref<1x16x4x8x320xi32, #tpu.memory_space<hbm>> -> memref<16x4x8x320xi32, #tpu.memory_space<hbm>>
      %dma_start3A_44 = arith.constant 0 : i32
      %dma_start3A_45 = arith.constant 0 : i32
      %dma_start3A_46 = arith.constant 0 : i32
      %dma_start3A_47 = tpu.memref_slice %dma_start3A_43[%arg1, %dma_start3A_44, %dma_start3A_45, %dma_start3A_46] : memref<16x4x8x320xi32, #tpu.memory_space<hbm>> -> memref<1x4x8x320xi32, #tpu.memory_space<hbm>>
      %dma_start3A_48 = tpu.memref_squeeze %dma_start3A_47 : memref<1x4x8x320xi32, #tpu.memory_space<hbm>> -> memref<4x8x320xi32, #tpu.memory_space<hbm>>
      %dma_start3A_49 = arith.constant 0 : i32
      %dma_start3A_50 = arith.constant 0 : i32
      %dma_start3A_51 = tpu.memref_slice %dma_start3A_48[%run_scoped3A_3, %dma_start3A_49, %dma_start3A_50] : memref<4x8x320xi32, #tpu.memory_space<hbm>> -> memref<1x8x320xi32, #tpu.memory_space<hbm>>
      %dma_start3A_52 = tpu.memref_squeeze %dma_start3A_51 : memref<1x8x320xi32, #tpu.memory_space<hbm>> -> memref<8x320xi32, #tpu.memory_space<hbm>>
      %dma_start3A_53 = arith.constant 0 : i32
      %dma_start3A_54 = arith.constant 0 : i32
      %dma_start3A_55 = arith.constant 0 : i32
      %dma_start3A_56 = arith.constant 0 : i32
      %dma_start3A_57 = tpu.memref_slice %arg4[%arg0, %dma_start3A_53, %dma_start3A_54, %dma_start3A_55, %dma_start3A_56] : memref<2x16x4x8x320xi32, #tpu.memory_space<hbm>> -> memref<1x16x4x8x320xi32, #tpu.memory_space<hbm>>
      %dma_start3A_58 = tpu.memref_squeeze %dma_start3A_57 : memref<1x16x4x8x320xi32, #tpu.memory_space<hbm>> -> memref<16x4x8x320xi32, #tpu.memory_space<hbm>>
      %dma_start3A_59 = arith.constant 0 : i32
      %dma_start3A_60 = arith.constant 0 : i32
      %dma_start3A_61 = arith.constant 0 : i32
      %dma_start3A_62 = tpu.memref_slice %dma_start3A_58[%arg1, %dma_start3A_59, %dma_start3A_60, %dma_start3A_61] : memref<16x4x8x320xi32, #tpu.memory_space<hbm>> -> memref<1x4x8x320xi32, #tpu.memory_space<hbm>>
      %dma_start3A_63 = tpu.memref_squeeze %dma_start3A_62 : memref<1x4x8x320xi32, #tpu.memory_space<hbm>> -> memref<4x8x320xi32, #tpu.memory_space<hbm>>
      %dma_start3A_64 = arith.constant 0 : i32
      %dma_start3A_65 = arith.constant 0 : i32
      %dma_start3A_66 = tpu.memref_slice %dma_start3A_63[%run_scoped3A_3, %dma_start3A_64, %dma_start3A_65] : memref<4x8x320xi32, #tpu.memory_space<hbm>> -> memref<1x8x320xi32, #tpu.memory_space<hbm>>
      %dma_start3A_67 = tpu.memref_squeeze %dma_start3A_66 : memref<1x8x320xi32, #tpu.memory_space<hbm>> -> memref<8x320xi32, #tpu.memory_space<hbm>>
      tpu.enqueue_dma source(%dma_start3A_67 : memref<8x320xi32, #tpu.memory_space<hbm>>) target(%arg8 : memref<8x320xi32, #tpu.memory_space<vmem>>) target_semaphore(%run_scoped3A_38 : memref<!tpu.dma_semaphore, #tpu.memory_space<semaphore_mem>>)
      %dma_wait3A = arith.constant 0 : i32
      %dma_wait3A_68 = arith.constant 0 : i32
      %dma_wait3A_69 = arith.constant 0 : i32
      %dma_wait3A_70 = arith.constant 0 : i32
      %dma_wait3A_71 = tpu.memref_slice %arg4[%arg0, %dma_wait3A, %dma_wait3A_68, %dma_wait3A_69, %dma_wait3A_70] : memref<2x16x4x8x320xi32, #tpu.memory_space<hbm>> -> memref<1x16x4x8x320xi32, #tpu.memory_space<hbm>>
      %dma_wait3A_72 = tpu.memref_squeeze %dma_wait3A_71 : memref<1x16x4x8x320xi32, #tpu.memory_space<hbm>> -> memref<16x4x8x320xi32, #tpu.memory_space<hbm>>
      %dma_wait3A_73 = arith.constant 0 : i32
      %dma_wait3A_74 = arith.constant 0 : i32
      %dma_wait3A_75 = arith.constant 0 : i32
      %dma_wait3A_76 = tpu.memref_slice %dma_wait3A_72[%arg1, %dma_wait3A_73, %dma_wait3A_74, %dma_wait3A_75] : memref<16x4x8x320xi32, #tpu.memory_space<hbm>> -> memref<1x4x8x320xi32, #tpu.memory_space<hbm>>
      %dma_wait3A_77 = tpu.memref_squeeze %dma_wait3A_76 : memref<1x4x8x320xi32, #tpu.memory_space<hbm>> -> memref<4x8x320xi32, #tpu.memory_space<hbm>>
      %dma_wait3A_78 = arith.constant 0 : i32
      %dma_wait3A_79 = arith.constant 0 : i32
      %dma_wait3A_80 = tpu.memref_slice %dma_wait3A_77[%run_scoped3A_3, %dma_wait3A_78, %dma_wait3A_79] : memref<4x8x320xi32, #tpu.memory_space<hbm>> -> memref<1x8x320xi32, #tpu.memory_space<hbm>>
      %dma_wait3A_81 = tpu.memref_squeeze %dma_wait3A_80 : memref<1x8x320xi32, #tpu.memory_space<hbm>> -> memref<8x320xi32, #tpu.memory_space<hbm>>
      %dma_wait3A_82 = arith.constant 0 : i32
      %dma_wait3A_83 = arith.constant 0 : i32
      %dma_wait3A_84 = arith.constant 0 : i32
      %dma_wait3A_85 = arith.constant 0 : i32
      %dma_wait3A_86 = tpu.memref_slice %arg4[%arg0, %dma_wait3A_82, %dma_wait3A_83, %dma_wait3A_84, %dma_wait3A_85] : memref<2x16x4x8x320xi32, #tpu.memory_space<hbm>> -> memref<1x16x4x8x320xi32, #tpu.memory_space<hbm>>
      %dma_wait3A_87 = tpu.memref_squeeze %dma_wait3A_86 : memref<1x16x4x8x320xi32, #tpu.memory_space<hbm>> -> memref<16x4x8x320xi32, #tpu.memory_space<hbm>>
      %dma_wait3A_88 = arith.constant 0 : i32
      %dma_wait3A_89 = arith.constant 0 : i32
      %dma_wait3A_90 = arith.constant 0 : i32
      %dma_wait3A_91 = tpu.memref_slice %dma_wait3A_87[%arg1, %dma_wait3A_88, %dma_wait3A_89, %dma_wait3A_90] : memref<16x4x8x320xi32, #tpu.memory_space<hbm>> -> memref<1x4x8x320xi32, #tpu.memory_space<hbm>>
      %dma_wait3A_92 = tpu.memref_squeeze %dma_wait3A_91 : memref<1x4x8x320xi32, #tpu.memory_space<hbm>> -> memref<4x8x320xi32, #tpu.memory_space<hbm>>
      %dma_wait3A_93 = arith.constant 0 : i32
      %dma_wait3A_94 = arith.constant 0 : i32
      %dma_wait3A_95 = tpu.memref_slice %dma_wait3A_92[%run_scoped3A_3, %dma_wait3A_93, %dma_wait3A_94] : memref<4x8x320xi32, #tpu.memory_space<hbm>> -> memref<1x8x320xi32, #tpu.memory_space<hbm>>
      %dma_wait3A_96 = tpu.memref_squeeze %dma_wait3A_95 : memref<1x8x320xi32, #tpu.memory_space<hbm>> -> memref<8x320xi32, #tpu.memory_space<hbm>>
      tpu.wait_dma2 semaphore(%run_scoped3A_38 : memref<!tpu.dma_semaphore, #tpu.memory_space<semaphore_mem>>) src(%dma_wait3A_96 : memref<8x320xi32, #tpu.memory_space<hbm>>) dst(%arg8 : memref<8x320xi32, #tpu.memory_space<vmem>>)
      tpu.yield
    }) : () -> ()
    %scan3A = arith.constant 0 : i32
    %scan3A_4 = arith.constant 0 : i32
    %scan3A_5 = arith.constant 8 : i32
    %scan3A_6 = arith.addi %scan3A_4, %scan3A_5 : i32
    %scan3A_7 = arith.constant 1 : i32
    scf.for %scan3A_38 = %scan3A_4 to %scan3A_6 step %scan3A_7  : i32 {
      %dma_start3A = arith.constant 0 : i32
      %dma_start3A_39 = tpu.memref_slice %arg7[%scan3A_38, %dma_start3A] : memref<8x320xi32, #tpu.memory_space<vmem>> -> memref<1x320xi32, #tpu.memory_space<vmem>>
      %dma_start3A_40 = tpu.memref_squeeze %dma_start3A_39 : memref<1x320xi32, #tpu.memory_space<vmem>> -> memref<320xi32, #tpu.memory_space<vmem>>
      %dma_start3A_41 = arith.constant 0 : i32
      %dma_start3A_42 = arith.constant 0 : i32
      %dma_start3A_43 = tpu.memref_slice %arg2[%dma_start3A_41, %dma_start3A_42] : memref<10000x128xf32, #tpu.memory_space<hbm>> -> memref<10000x128xf32, #tpu.memory_space<hbm>>
      tpu.enqueue_indirect_dma source(%dma_start3A_43 : memref<10000x128xf32, #tpu.memory_space<hbm>>) target(%arg9 : memref<320x128xf32, #tpu.memory_space<vmem>>) offsets(%dma_start3A_40 : memref<320xi32, #tpu.memory_space<vmem>>) semaphore(%arg11 : memref<!tpu.dma_semaphore, #tpu.memory_space<semaphore_mem>>)
      %dma_wait3A = arith.constant 0 : i32
      %dma_wait3A_44 = tpu.memref_slice %arg7[%scan3A_38, %dma_wait3A] : memref<8x320xi32, #tpu.memory_space<vmem>> -> memref<1x320xi32, #tpu.memory_space<vmem>>
      %dma_wait3A_45 = tpu.memref_squeeze %dma_wait3A_44 : memref<1x320xi32, #tpu.memory_space<vmem>> -> memref<320xi32, #tpu.memory_space<vmem>>
      %dma_wait3A_46 = arith.constant 0 : i32
      %dma_wait3A_47 = arith.constant 0 : i32
      %dma_wait3A_48 = tpu.memref_slice %arg2[%dma_wait3A_46, %dma_wait3A_47] : memref<10000x128xf32, #tpu.memory_space<hbm>> -> memref<10000x128xf32, #tpu.memory_space<hbm>>
      tpu.wait_indirect_dma semaphore(%arg11 : memref<!tpu.dma_semaphore, #tpu.memory_space<semaphore_mem>>) src(%dma_wait3A_48 : memref<10000x128xf32, #tpu.memory_space<hbm>>) dst(%arg9 : memref<320x128xf32, #tpu.memory_space<vmem>>)
      "tpu.region"() ({
        %run_scoped3A_49 = tpu.sem_alloc : memref<!tpu.dma_semaphore, #tpu.memory_space<semaphore_mem>>
        %dma_start3A_50 = arith.constant 0 : i32
        %dma_start3A_51 = tpu.memref_slice %arg8[%scan3A_38, %dma_start3A_50] : memref<8x320xi32, #tpu.memory_space<vmem>> -> memref<1x320xi32, #tpu.memory_space<vmem>>
        %dma_start3A_52 = tpu.memref_squeeze %dma_start3A_51 : memref<1x320xi32, #tpu.memory_space<vmem>> -> memref<320xi32, #tpu.memory_space<vmem>>
        %dma_start3A_53 = arith.constant 0 : i32
        %dma_start3A_54 = arith.constant 0 : i32
        %dma_start3A_55 = tpu.memref_slice %arg10[%dma_start3A_53, %dma_start3A_54] : memref<10240x128xf32, #tpu.memory_space<vmem_shared>> -> memref<10240x128xf32, #tpu.memory_space<vmem_shared>>
        tpu.enqueue_indirect_dma source(%arg9 : memref<320x128xf32, #tpu.memory_space<vmem>>) target(%dma_start3A_55 : memref<10240x128xf32, #tpu.memory_space<vmem_shared>>) offsets(%dma_start3A_52 : memref<320xi32, #tpu.memory_space<vmem>>) semaphore(%run_scoped3A_49 : memref<!tpu.dma_semaphore, #tpu.memory_space<semaphore_mem>>) {add = true}
        %dma_wait3A_56 = arith.constant 0 : i32
        %dma_wait3A_57 = tpu.memref_slice %arg8[%scan3A_38, %dma_wait3A_56] : memref<8x320xi32, #tpu.memory_space<vmem>> -> memref<1x320xi32, #tpu.memory_space<vmem>>
        %dma_wait3A_58 = tpu.memref_squeeze %dma_wait3A_57 : memref<1x320xi32, #tpu.memory_space<vmem>> -> memref<320xi32, #tpu.memory_space<vmem>>
        %dma_wait3A_59 = arith.constant 0 : i32
        %dma_wait3A_60 = arith.constant 0 : i32
        %dma_wait3A_61 = tpu.memref_slice %arg10[%dma_wait3A_59, %dma_wait3A_60] : memref<10240x128xf32, #tpu.memory_space<vmem_shared>> -> memref<10240x128xf32, #tpu.memory_space<vmem_shared>>
        tpu.wait_indirect_dma semaphore(%run_scoped3A_49 : memref<!tpu.dma_semaphore, #tpu.memory_space<semaphore_mem>>) src(%arg9 : memref<320x128xf32, #tpu.memory_space<vmem>>) dst(%dma_wait3A_61 : memref<10240x128xf32, #tpu.memory_space<vmem_shared>>)
        tpu.yield
      }) : () -> ()
    }
    %scan3A_8 = arith.constant 8 : i32
    %run_scoped3A_9 = arith.constant 1 : i32
    "tpu.region"() ({
      %run_scoped3A_38 = tpu.sem_alloc : memref<!tpu.dma_semaphore, #tpu.memory_space<semaphore_mem>>
      %dma_start3A = arith.constant 0 : i32
      %dma_start3A_39 = arith.constant 0 : i32
      %dma_start3A_40 = arith.constant 0 : i32
      %dma_start3A_41 = arith.constant 0 : i32
      %dma_start3A_42 = tpu.memref_slice %arg3[%arg0, %dma_start3A, %dma_start3A_39, %dma_start3A_40, %dma_start3A_41] : memref<2x16x4x8x320xi32, #tpu.memory_space<hbm>> -> memref<1x16x4x8x320xi32, #tpu.memory_space<hbm>>
      %dma_start3A_43 = tpu.memref_squeeze %dma_start3A_42 : memref<1x16x4x8x320xi32, #tpu.memory_space<hbm>> -> memref<16x4x8x320xi32, #tpu.memory_space<hbm>>
      %dma_start3A_44 = arith.constant 0 : i32
      %dma_start3A_45 = arith.constant 0 : i32
      %dma_start3A_46 = arith.constant 0 : i32
      %dma_start3A_47 = tpu.memref_slice %dma_start3A_43[%arg1, %dma_start3A_44, %dma_start3A_45, %dma_start3A_46] : memref<16x4x8x320xi32, #tpu.memory_space<hbm>> -> memref<1x4x8x320xi32, #tpu.memory_space<hbm>>
      %dma_start3A_48 = tpu.memref_squeeze %dma_start3A_47 : memref<1x4x8x320xi32, #tpu.memory_space<hbm>> -> memref<4x8x320xi32, #tpu.memory_space<hbm>>
      %dma_start3A_49 = arith.constant 0 : i32
      %dma_start3A_50 = arith.constant 0 : i32
      %dma_start3A_51 = tpu.memref_slice %dma_start3A_48[%run_scoped3A_9, %dma_start3A_49, %dma_start3A_50] : memref<4x8x320xi32, #tpu.memory_space<hbm>> -> memref<1x8x320xi32, #tpu.memory_space<hbm>>
      %dma_start3A_52 = tpu.memref_squeeze %dma_start3A_51 : memref<1x8x320xi32, #tpu.memory_space<hbm>> -> memref<8x320xi32, #tpu.memory_space<hbm>>
      %dma_start3A_53 = arith.constant 0 : i32
      %dma_start3A_54 = arith.constant 0 : i32
      %dma_start3A_55 = arith.constant 0 : i32
      %dma_start3A_56 = arith.constant 0 : i32
      %dma_start3A_57 = tpu.memref_slice %arg3[%arg0, %dma_start3A_53, %dma_start3A_54, %dma_start3A_55, %dma_start3A_56] : memref<2x16x4x8x320xi32, #tpu.memory_space<hbm>> -> memref<1x16x4x8x320xi32, #tpu.memory_space<hbm>>
      %dma_start3A_58 = tpu.memref_squeeze %dma_start3A_57 : memref<1x16x4x8x320xi32, #tpu.memory_space<hbm>> -> memref<16x4x8x320xi32, #tpu.memory_space<hbm>>
      %dma_start3A_59 = arith.constant 0 : i32
      %dma_start3A_60 = arith.constant 0 : i32
      %dma_start3A_61 = arith.constant 0 : i32
      %dma_start3A_62 = tpu.memref_slice %dma_start3A_58[%arg1, %dma_start3A_59, %dma_start3A_60, %dma_start3A_61] : memref<16x4x8x320xi32, #tpu.memory_space<hbm>> -> memref<1x4x8x320xi32, #tpu.memory_space<hbm>>
      %dma_start3A_63 = tpu.memref_squeeze %dma_start3A_62 : memref<1x4x8x320xi32, #tpu.memory_space<hbm>> -> memref<4x8x320xi32, #tpu.memory_space<hbm>>
      %dma_start3A_64 = arith.constant 0 : i32
      %dma_start3A_65 = arith.constant 0 : i32
      %dma_start3A_66 = tpu.memref_slice %dma_start3A_63[%run_scoped3A_9, %dma_start3A_64, %dma_start3A_65] : memref<4x8x320xi32, #tpu.memory_space<hbm>> -> memref<1x8x320xi32, #tpu.memory_space<hbm>>
      %dma_start3A_67 = tpu.memref_squeeze %dma_start3A_66 : memref<1x8x320xi32, #tpu.memory_space<hbm>> -> memref<8x320xi32, #tpu.memory_space<hbm>>
      tpu.enqueue_dma source(%dma_start3A_67 : memref<8x320xi32, #tpu.memory_space<hbm>>) target(%arg7 : memref<8x320xi32, #tpu.memory_space<vmem>>) target_semaphore(%run_scoped3A_38 : memref<!tpu.dma_semaphore, #tpu.memory_space<semaphore_mem>>)
      %dma_wait3A = arith.constant 0 : i32
      %dma_wait3A_68 = arith.constant 0 : i32
      %dma_wait3A_69 = arith.constant 0 : i32
      %dma_wait3A_70 = arith.constant 0 : i32
      %dma_wait3A_71 = tpu.memref_slice %arg3[%arg0, %dma_wait3A, %dma_wait3A_68, %dma_wait3A_69, %dma_wait3A_70] : memref<2x16x4x8x320xi32, #tpu.memory_space<hbm>> -> memref<1x16x4x8x320xi32, #tpu.memory_space<hbm>>
      %dma_wait3A_72 = tpu.memref_squeeze %dma_wait3A_71 : memref<1x16x4x8x320xi32, #tpu.memory_space<hbm>> -> memref<16x4x8x320xi32, #tpu.memory_space<hbm>>
      %dma_wait3A_73 = arith.constant 0 : i32
      %dma_wait3A_74 = arith.constant 0 : i32
      %dma_wait3A_75 = arith.constant 0 : i32
      %dma_wait3A_76 = tpu.memref_slice %dma_wait3A_72[%arg1, %dma_wait3A_73, %dma_wait3A_74, %dma_wait3A_75] : memref<16x4x8x320xi32, #tpu.memory_space<hbm>> -> memref<1x4x8x320xi32, #tpu.memory_space<hbm>>
      %dma_wait3A_77 = tpu.memref_squeeze %dma_wait3A_76 : memref<1x4x8x320xi32, #tpu.memory_space<hbm>> -> memref<4x8x320xi32, #tpu.memory_space<hbm>>
      %dma_wait3A_78 = arith.constant 0 : i32
      %dma_wait3A_79 = arith.constant 0 : i32
      %dma_wait3A_80 = tpu.memref_slice %dma_wait3A_77[%run_scoped3A_9, %dma_wait3A_78, %dma_wait3A_79] : memref<4x8x320xi32, #tpu.memory_space<hbm>> -> memref<1x8x320xi32, #tpu.memory_space<hbm>>
      %dma_wait3A_81 = tpu.memref_squeeze %dma_wait3A_80 : memref<1x8x320xi32, #tpu.memory_space<hbm>> -> memref<8x320xi32, #tpu.memory_space<hbm>>
      %dma_wait3A_82 = arith.constant 0 : i32
      %dma_wait3A_83 = arith.constant 0 : i32
      %dma_wait3A_84 = arith.constant 0 : i32
      %dma_wait3A_85 = arith.constant 0 : i32
      %dma_wait3A_86 = tpu.memref_slice %arg3[%arg0, %dma_wait3A_82, %dma_wait3A_83, %dma_wait3A_84, %dma_wait3A_85] : memref<2x16x4x8x320xi32, #tpu.memory_space<hbm>> -> memref<1x16x4x8x320xi32, #tpu.memory_space<hbm>>
      %dma_wait3A_87 = tpu.memref_squeeze %dma_wait3A_86 : memref<1x16x4x8x320xi32, #tpu.memory_space<hbm>> -> memref<16x4x8x320xi32, #tpu.memory_space<hbm>>
      %dma_wait3A_88 = arith.constant 0 : i32
      %dma_wait3A_89 = arith.constant 0 : i32
      %dma_wait3A_90 = arith.constant 0 : i32
      %dma_wait3A_91 = tpu.memref_slice %dma_wait3A_87[%arg1, %dma_wait3A_88, %dma_wait3A_89, %dma_wait3A_90] : memref<16x4x8x320xi32, #tpu.memory_space<hbm>> -> memref<1x4x8x320xi32, #tpu.memory_space<hbm>>
      %dma_wait3A_92 = tpu.memref_squeeze %dma_wait3A_91 : memref<1x4x8x320xi32, #tpu.memory_space<hbm>> -> memref<4x8x320xi32, #tpu.memory_space<hbm>>
      %dma_wait3A_93 = arith.constant 0 : i32
      %dma_wait3A_94 = arith.constant 0 : i32
      %dma_wait3A_95 = tpu.memref_slice %dma_wait3A_92[%run_scoped3A_9, %dma_wait3A_93, %dma_wait3A_94] : memref<4x8x320xi32, #tpu.memory_space<hbm>> -> memref<1x8x320xi32, #tpu.memory_space<hbm>>
      %dma_wait3A_96 = tpu.memref_squeeze %dma_wait3A_95 : memref<1x8x320xi32, #tpu.memory_space<hbm>> -> memref<8x320xi32, #tpu.memory_space<hbm>>
      tpu.wait_dma2 semaphore(%run_scoped3A_38 : memref<!tpu.dma_semaphore, #tpu.memory_space<semaphore_mem>>) src(%dma_wait3A_96 : memref<8x320xi32, #tpu.memory_space<hbm>>) dst(%arg7 : memref<8x320xi32, #tpu.memory_space<vmem>>)
      tpu.yield
    }) : () -> ()
    %run_scoped3A_10 = arith.constant 1 : i32
    "tpu.region"() ({
      %run_scoped3A_38 = tpu.sem_alloc : memref<!tpu.dma_semaphore, #tpu.memory_space<semaphore_mem>>
      %dma_start3A = arith.constant 0 : i32
      %dma_start3A_39 = arith.constant 0 : i32
      %dma_start3A_40 = arith.constant 0 : i32
      %dma_start3A_41 = arith.constant 0 : i32
      %dma_start3A_42 = tpu.memref_slice %arg4[%arg0, %dma_start3A, %dma_start3A_39, %dma_start3A_40, %dma_start3A_41] : memref<2x16x4x8x320xi32, #tpu.memory_space<hbm>> -> memref<1x16x4x8x320xi32, #tpu.memory_space<hbm>>
      %dma_start3A_43 = tpu.memref_squeeze %dma_start3A_42 : memref<1x16x4x8x320xi32, #tpu.memory_space<hbm>> -> memref<16x4x8x320xi32, #tpu.memory_space<hbm>>
      %dma_start3A_44 = arith.constant 0 : i32
      %dma_start3A_45 = arith.constant 0 : i32
      %dma_start3A_46 = arith.constant 0 : i32
      %dma_start3A_47 = tpu.memref_slice %dma_start3A_43[%arg1, %dma_start3A_44, %dma_start3A_45, %dma_start3A_46] : memref<16x4x8x320xi32, #tpu.memory_space<hbm>> -> memref<1x4x8x320xi32, #tpu.memory_space<hbm>>
      %dma_start3A_48 = tpu.memref_squeeze %dma_start3A_47 : memref<1x4x8x320xi32, #tpu.memory_space<hbm>> -> memref<4x8x320xi32, #tpu.memory_space<hbm>>
      %dma_start3A_49 = arith.constant 0 : i32
      %dma_start3A_50 = arith.constant 0 : i32
      %dma_start3A_51 = tpu.memref_slice %dma_start3A_48[%run_scoped3A_10, %dma_start3A_49, %dma_start3A_50] : memref<4x8x320xi32, #tpu.memory_space<hbm>> -> memref<1x8x320xi32, #tpu.memory_space<hbm>>
      %dma_start3A_52 = tpu.memref_squeeze %dma_start3A_51 : memref<1x8x320xi32, #tpu.memory_space<hbm>> -> memref<8x320xi32, #tpu.memory_space<hbm>>
      %dma_start3A_53 = arith.constant 0 : i32
      %dma_start3A_54 = arith.constant 0 : i32
      %dma_start3A_55 = arith.constant 0 : i32
      %dma_start3A_56 = arith.constant 0 : i32
      %dma_start3A_57 = tpu.memref_slice %arg4[%arg0, %dma_start3A_53, %dma_start3A_54, %dma_start3A_55, %dma_start3A_56] : memref<2x16x4x8x320xi32, #tpu.memory_space<hbm>> -> memref<1x16x4x8x320xi32, #tpu.memory_space<hbm>>
      %dma_start3A_58 = tpu.memref_squeeze %dma_start3A_57 : memref<1x16x4x8x320xi32, #tpu.memory_space<hbm>> -> memref<16x4x8x320xi32, #tpu.memory_space<hbm>>
      %dma_start3A_59 = arith.constant 0 : i32
      %dma_start3A_60 = arith.constant 0 : i32
      %dma_start3A_61 = arith.constant 0 : i32
      %dma_start3A_62 = tpu.memref_slice %dma_start3A_58[%arg1, %dma_start3A_59, %dma_start3A_60, %dma_start3A_61] : memref<16x4x8x320xi32, #tpu.memory_space<hbm>> -> memref<1x4x8x320xi32, #tpu.memory_space<hbm>>
      %dma_start3A_63 = tpu.memref_squeeze %dma_start3A_62 : memref<1x4x8x320xi32, #tpu.memory_space<hbm>> -> memref<4x8x320xi32, #tpu.memory_space<hbm>>
      %dma_start3A_64 = arith.constant 0 : i32
      %dma_start3A_65 = arith.constant 0 : i32
      %dma_start3A_66 = tpu.memref_slice %dma_start3A_63[%run_scoped3A_10, %dma_start3A_64, %dma_start3A_65] : memref<4x8x320xi32, #tpu.memory_space<hbm>> -> memref<1x8x320xi32, #tpu.memory_space<hbm>>
      %dma_start3A_67 = tpu.memref_squeeze %dma_start3A_66 : memref<1x8x320xi32, #tpu.memory_space<hbm>> -> memref<8x320xi32, #tpu.memory_space<hbm>>
      tpu.enqueue_dma source(%dma_start3A_67 : memref<8x320xi32, #tpu.memory_space<hbm>>) target(%arg8 : memref<8x320xi32, #tpu.memory_space<vmem>>) target_semaphore(%run_scoped3A_38 : memref<!tpu.dma_semaphore, #tpu.memory_space<semaphore_mem>>)
      %dma_wait3A = arith.constant 0 : i32
      %dma_wait3A_68 = arith.constant 0 : i32
      %dma_wait3A_69 = arith.constant 0 : i32
      %dma_wait3A_70 = arith.constant 0 : i32
      %dma_wait3A_71 = tpu.memref_slice %arg4[%arg0, %dma_wait3A, %dma_wait3A_68, %dma_wait3A_69, %dma_wait3A_70] : memref<2x16x4x8x320xi32, #tpu.memory_space<hbm>> -> memref<1x16x4x8x320xi32, #tpu.memory_space<hbm>>
      %dma_wait3A_72 = tpu.memref_squeeze %dma_wait3A_71 : memref<1x16x4x8x320xi32, #tpu.memory_space<hbm>> -> memref<16x4x8x320xi32, #tpu.memory_space<hbm>>
      %dma_wait3A_73 = arith.constant 0 : i32
      %dma_wait3A_74 = arith.constant 0 : i32
      %dma_wait3A_75 = arith.constant 0 : i32
      %dma_wait3A_76 = tpu.memref_slice %dma_wait3A_72[%arg1, %dma_wait3A_73, %dma_wait3A_74, %dma_wait3A_75] : memref<16x4x8x320xi32, #tpu.memory_space<hbm>> -> memref<1x4x8x320xi32, #tpu.memory_space<hbm>>
      %dma_wait3A_77 = tpu.memref_squeeze %dma_wait3A_76 : memref<1x4x8x320xi32, #tpu.memory_space<hbm>> -> memref<4x8x320xi32, #tpu.memory_space<hbm>>
      %dma_wait3A_78 = arith.constant 0 : i32
      %dma_wait3A_79 = arith.constant 0 : i32
      %dma_wait3A_80 = tpu.memref_slice %dma_wait3A_77[%run_scoped3A_10, %dma_wait3A_78, %dma_wait3A_79] : memref<4x8x320xi32, #tpu.memory_space<hbm>> -> memref<1x8x320xi32, #tpu.memory_space<hbm>>
      %dma_wait3A_81 = tpu.memref_squeeze %dma_wait3A_80 : memref<1x8x320xi32, #tpu.memory_space<hbm>> -> memref<8x320xi32, #tpu.memory_space<hbm>>
      %dma_wait3A_82 = arith.constant 0 : i32
      %dma_wait3A_83 = arith.constant 0 : i32
      %dma_wait3A_84 = arith.constant 0 : i32
      %dma_wait3A_85 = arith.constant 0 : i32
      %dma_wait3A_86 = tpu.memref_slice %arg4[%arg0, %dma_wait3A_82, %dma_wait3A_83, %dma_wait3A_84, %dma_wait3A_85] : memref<2x16x4x8x320xi32, #tpu.memory_space<hbm>> -> memref<1x16x4x8x320xi32, #tpu.memory_space<hbm>>
      %dma_wait3A_87 = tpu.memref_squeeze %dma_wait3A_86 : memref<1x16x4x8x320xi32, #tpu.memory_space<hbm>> -> memref<16x4x8x320xi32, #tpu.memory_space<hbm>>
      %dma_wait3A_88 = arith.constant 0 : i32
      %dma_wait3A_89 = arith.constant 0 : i32
      %dma_wait3A_90 = arith.constant 0 : i32
      %dma_wait3A_91 = tpu.memref_slice %dma_wait3A_87[%arg1, %dma_wait3A_88, %dma_wait3A_89, %dma_wait3A_90] : memref<16x4x8x320xi32, #tpu.memory_space<hbm>> -> memref<1x4x8x320xi32, #tpu.memory_space<hbm>>
      %dma_wait3A_92 = tpu.memref_squeeze %dma_wait3A_91 : memref<1x4x8x320xi32, #tpu.memory_space<hbm>> -> memref<4x8x320xi32, #tpu.memory_space<hbm>>
      %dma_wait3A_93 = arith.constant 0 : i32
      %dma_wait3A_94 = arith.constant 0 : i32
      %dma_wait3A_95 = tpu.memref_slice %dma_wait3A_92[%run_scoped3A_10, %dma_wait3A_93, %dma_wait3A_94] : memref<4x8x320xi32, #tpu.memory_space<hbm>> -> memref<1x8x320xi32, #tpu.memory_space<hbm>>
      %dma_wait3A_96 = tpu.memref_squeeze %dma_wait3A_95 : memref<1x8x320xi32, #tpu.memory_space<hbm>> -> memref<8x320xi32, #tpu.memory_space<hbm>>
      tpu.wait_dma2 semaphore(%run_scoped3A_38 : memref<!tpu.dma_semaphore, #tpu.memory_space<semaphore_mem>>) src(%dma_wait3A_96 : memref<8x320xi32, #tpu.memory_space<hbm>>) dst(%arg8 : memref<8x320xi32, #tpu.memory_space<vmem>>)
      tpu.yield
    }) : () -> ()
    %scan3A_11 = arith.constant 0 : i32
    %scan3A_12 = arith.constant 0 : i32
    %scan3A_13 = arith.constant 8 : i32
    %scan3A_14 = arith.addi %scan3A_12, %scan3A_13 : i32
    %scan3A_15 = arith.constant 1 : i32
    scf.for %scan3A_38 = %scan3A_12 to %scan3A_14 step %scan3A_15  : i32 {
      %dma_start3A = arith.constant 0 : i32
      %dma_start3A_39 = tpu.memref_slice %arg7[%scan3A_38, %dma_start3A] : memref<8x320xi32, #tpu.memory_space<vmem>> -> memref<1x320xi32, #tpu.memory_space<vmem>>
      %dma_start3A_40 = tpu.memref_squeeze %dma_start3A_39 : memref<1x320xi32, #tpu.memory_space<vmem>> -> memref<320xi32, #tpu.memory_space<vmem>>
      %dma_start3A_41 = arith.constant 0 : i32
      %dma_start3A_42 = arith.constant 0 : i32
      %dma_start3A_43 = tpu.memref_slice %arg2[%dma_start3A_41, %dma_start3A_42] : memref<10000x128xf32, #tpu.memory_space<hbm>> -> memref<10000x128xf32, #tpu.memory_space<hbm>>
      tpu.enqueue_indirect_dma source(%dma_start3A_43 : memref<10000x128xf32, #tpu.memory_space<hbm>>) target(%arg9 : memref<320x128xf32, #tpu.memory_space<vmem>>) offsets(%dma_start3A_40 : memref<320xi32, #tpu.memory_space<vmem>>) semaphore(%arg11 : memref<!tpu.dma_semaphore, #tpu.memory_space<semaphore_mem>>)
      %dma_wait3A = arith.constant 0 : i32
      %dma_wait3A_44 = tpu.memref_slice %arg7[%scan3A_38, %dma_wait3A] : memref<8x320xi32, #tpu.memory_space<vmem>> -> memref<1x320xi32, #tpu.memory_space<vmem>>
      %dma_wait3A_45 = tpu.memref_squeeze %dma_wait3A_44 : memref<1x320xi32, #tpu.memory_space<vmem>> -> memref<320xi32, #tpu.memory_space<vmem>>
      %dma_wait3A_46 = arith.constant 0 : i32
      %dma_wait3A_47 = arith.constant 0 : i32
      %dma_wait3A_48 = tpu.memref_slice %arg2[%dma_wait3A_46, %dma_wait3A_47] : memref<10000x128xf32, #tpu.memory_space<hbm>> -> memref<10000x128xf32, #tpu.memory_space<hbm>>
      tpu.wait_indirect_dma semaphore(%arg11 : memref<!tpu.dma_semaphore, #tpu.memory_space<semaphore_mem>>) src(%dma_wait3A_48 : memref<10000x128xf32, #tpu.memory_space<hbm>>) dst(%arg9 : memref<320x128xf32, #tpu.memory_space<vmem>>)
      "tpu.region"() ({
        %run_scoped3A_49 = tpu.sem_alloc : memref<!tpu.dma_semaphore, #tpu.memory_space<semaphore_mem>>
        %dma_start3A_50 = arith.constant 0 : i32
        %dma_start3A_51 = tpu.memref_slice %arg8[%scan3A_38, %dma_start3A_50] : memref<8x320xi32, #tpu.memory_space<vmem>> -> memref<1x320xi32, #tpu.memory_space<vmem>>
        %dma_start3A_52 = tpu.memref_squeeze %dma_start3A_51 : memref<1x320xi32, #tpu.memory_space<vmem>> -> memref<320xi32, #tpu.memory_space<vmem>>
        %dma_start3A_53 = arith.constant 0 : i32
        %dma_start3A_54 = arith.constant 0 : i32
        %dma_start3A_55 = tpu.memref_slice %arg10[%dma_start3A_53, %dma_start3A_54] : memref<10240x128xf32, #tpu.memory_space<vmem_shared>> -> memref<10240x128xf32, #tpu.memory_space<vmem_shared>>
        tpu.enqueue_indirect_dma source(%arg9 : memref<320x128xf32, #tpu.memory_space<vmem>>) target(%dma_start3A_55 : memref<10240x128xf32, #tpu.memory_space<vmem_shared>>) offsets(%dma_start3A_52 : memref<320xi32, #tpu.memory_space<vmem>>) semaphore(%run_scoped3A_49 : memref<!tpu.dma_semaphore, #tpu.memory_space<semaphore_mem>>) {add = true}
        %dma_wait3A_56 = arith.constant 0 : i32
        %dma_wait3A_57 = tpu.memref_slice %arg8[%scan3A_38, %dma_wait3A_56] : memref<8x320xi32, #tpu.memory_space<vmem>> -> memref<1x320xi32, #tpu.memory_space<vmem>>
        %dma_wait3A_58 = tpu.memref_squeeze %dma_wait3A_57 : memref<1x320xi32, #tpu.memory_space<vmem>> -> memref<320xi32, #tpu.memory_space<vmem>>
        %dma_wait3A_59 = arith.constant 0 : i32
        %dma_wait3A_60 = arith.constant 0 : i32
        %dma_wait3A_61 = tpu.memref_slice %arg10[%dma_wait3A_59, %dma_wait3A_60] : memref<10240x128xf32, #tpu.memory_space<vmem_shared>> -> memref<10240x128xf32, #tpu.memory_space<vmem_shared>>
        tpu.wait_indirect_dma semaphore(%run_scoped3A_49 : memref<!tpu.dma_semaphore, #tpu.memory_space<semaphore_mem>>) src(%arg9 : memref<320x128xf32, #tpu.memory_space<vmem>>) dst(%dma_wait3A_61 : memref<10240x128xf32, #tpu.memory_space<vmem_shared>>)
        tpu.yield
      }) : () -> ()
    }
    %scan3A_16 = arith.constant 8 : i32
    %run_scoped3A_17 = arith.constant 2 : i32
    "tpu.region"() ({
      %run_scoped3A_38 = tpu.sem_alloc : memref<!tpu.dma_semaphore, #tpu.memory_space<semaphore_mem>>
      %dma_start3A = arith.constant 0 : i32
      %dma_start3A_39 = arith.constant 0 : i32
      %dma_start3A_40 = arith.constant 0 : i32
      %dma_start3A_41 = arith.constant 0 : i32
      %dma_start3A_42 = tpu.memref_slice %arg3[%arg0, %dma_start3A, %dma_start3A_39, %dma_start3A_40, %dma_start3A_41] : memref<2x16x4x8x320xi32, #tpu.memory_space<hbm>> -> memref<1x16x4x8x320xi32, #tpu.memory_space<hbm>>
      %dma_start3A_43 = tpu.memref_squeeze %dma_start3A_42 : memref<1x16x4x8x320xi32, #tpu.memory_space<hbm>> -> memref<16x4x8x320xi32, #tpu.memory_space<hbm>>
      %dma_start3A_44 = arith.constant 0 : i32
      %dma_start3A_45 = arith.constant 0 : i32
      %dma_start3A_46 = arith.constant 0 : i32
      %dma_start3A_47 = tpu.memref_slice %dma_start3A_43[%arg1, %dma_start3A_44, %dma_start3A_45, %dma_start3A_46] : memref<16x4x8x320xi32, #tpu.memory_space<hbm>> -> memref<1x4x8x320xi32, #tpu.memory_space<hbm>>
      %dma_start3A_48 = tpu.memref_squeeze %dma_start3A_47 : memref<1x4x8x320xi32, #tpu.memory_space<hbm>> -> memref<4x8x320xi32, #tpu.memory_space<hbm>>
      %dma_start3A_49 = arith.constant 0 : i32
      %dma_start3A_50 = arith.constant 0 : i32
      %dma_start3A_51 = tpu.memref_slice %dma_start3A_48[%run_scoped3A_17, %dma_start3A_49, %dma_start3A_50] : memref<4x8x320xi32, #tpu.memory_space<hbm>> -> memref<1x8x320xi32, #tpu.memory_space<hbm>>
      %dma_start3A_52 = tpu.memref_squeeze %dma_start3A_51 : memref<1x8x320xi32, #tpu.memory_space<hbm>> -> memref<8x320xi32, #tpu.memory_space<hbm>>
      %dma_start3A_53 = arith.constant 0 : i32
      %dma_start3A_54 = arith.constant 0 : i32
      %dma_start3A_55 = arith.constant 0 : i32
      %dma_start3A_56 = arith.constant 0 : i32
      %dma_start3A_57 = tpu.memref_slice %arg3[%arg0, %dma_start3A_53, %dma_start3A_54, %dma_start3A_55, %dma_start3A_56] : memref<2x16x4x8x320xi32, #tpu.memory_space<hbm>> -> memref<1x16x4x8x320xi32, #tpu.memory_space<hbm>>
      %dma_start3A_58 = tpu.memref_squeeze %dma_start3A_57 : memref<1x16x4x8x320xi32, #tpu.memory_space<hbm>> -> memref<16x4x8x320xi32, #tpu.memory_space<hbm>>
      %dma_start3A_59 = arith.constant 0 : i32
      %dma_start3A_60 = arith.constant 0 : i32
      %dma_start3A_61 = arith.constant 0 : i32
      %dma_start3A_62 = tpu.memref_slice %dma_start3A_58[%arg1, %dma_start3A_59, %dma_start3A_60, %dma_start3A_61] : memref<16x4x8x320xi32, #tpu.memory_space<hbm>> -> memref<1x4x8x320xi32, #tpu.memory_space<hbm>>
      %dma_start3A_63 = tpu.memref_squeeze %dma_start3A_62 : memref<1x4x8x320xi32, #tpu.memory_space<hbm>> -> memref<4x8x320xi32, #tpu.memory_space<hbm>>
      %dma_start3A_64 = arith.constant 0 : i32
      %dma_start3A_65 = arith.constant 0 : i32
      %dma_start3A_66 = tpu.memref_slice %dma_start3A_63[%run_scoped3A_17, %dma_start3A_64, %dma_start3A_65] : memref<4x8x320xi32, #tpu.memory_space<hbm>> -> memref<1x8x320xi32, #tpu.memory_space<hbm>>
      %dma_start3A_67 = tpu.memref_squeeze %dma_start3A_66 : memref<1x8x320xi32, #tpu.memory_space<hbm>> -> memref<8x320xi32, #tpu.memory_space<hbm>>
      tpu.enqueue_dma source(%dma_start3A_67 : memref<8x320xi32, #tpu.memory_space<hbm>>) target(%arg7 : memref<8x320xi32, #tpu.memory_space<vmem>>) target_semaphore(%run_scoped3A_38 : memref<!tpu.dma_semaphore, #tpu.memory_space<semaphore_mem>>)
      %dma_wait3A = arith.constant 0 : i32
      %dma_wait3A_68 = arith.constant 0 : i32
      %dma_wait3A_69 = arith.constant 0 : i32
      %dma_wait3A_70 = arith.constant 0 : i32
      %dma_wait3A_71 = tpu.memref_slice %arg3[%arg0, %dma_wait3A, %dma_wait3A_68, %dma_wait3A_69, %dma_wait3A_70] : memref<2x16x4x8x320xi32, #tpu.memory_space<hbm>> -> memref<1x16x4x8x320xi32, #tpu.memory_space<hbm>>
      %dma_wait3A_72 = tpu.memref_squeeze %dma_wait3A_71 : memref<1x16x4x8x320xi32, #tpu.memory_space<hbm>> -> memref<16x4x8x320xi32, #tpu.memory_space<hbm>>
      %dma_wait3A_73 = arith.constant 0 : i32
      %dma_wait3A_74 = arith.constant 0 : i32
      %dma_wait3A_75 = arith.constant 0 : i32
      %dma_wait3A_76 = tpu.memref_slice %dma_wait3A_72[%arg1, %dma_wait3A_73, %dma_wait3A_74, %dma_wait3A_75] : memref<16x4x8x320xi32, #tpu.memory_space<hbm>> -> memref<1x4x8x320xi32, #tpu.memory_space<hbm>>
      %dma_wait3A_77 = tpu.memref_squeeze %dma_wait3A_76 : memref<1x4x8x320xi32, #tpu.memory_space<hbm>> -> memref<4x8x320xi32, #tpu.memory_space<hbm>>
      %dma_wait3A_78 = arith.constant 0 : i32
      %dma_wait3A_79 = arith.constant 0 : i32
      %dma_wait3A_80 = tpu.memref_slice %dma_wait3A_77[%run_scoped3A_17, %dma_wait3A_78, %dma_wait3A_79] : memref<4x8x320xi32, #tpu.memory_space<hbm>> -> memref<1x8x320xi32, #tpu.memory_space<hbm>>
      %dma_wait3A_81 = tpu.memref_squeeze %dma_wait3A_80 : memref<1x8x320xi32, #tpu.memory_space<hbm>> -> memref<8x320xi32, #tpu.memory_space<hbm>>
      %dma_wait3A_82 = arith.constant 0 : i32
      %dma_wait3A_83 = arith.constant 0 : i32
      %dma_wait3A_84 = arith.constant 0 : i32
      %dma_wait3A_85 = arith.constant 0 : i32
      %dma_wait3A_86 = tpu.memref_slice %arg3[%arg0, %dma_wait3A_82, %dma_wait3A_83, %dma_wait3A_84, %dma_wait3A_85] : memref<2x16x4x8x320xi32, #tpu.memory_space<hbm>> -> memref<1x16x4x8x320xi32, #tpu.memory_space<hbm>>
      %dma_wait3A_87 = tpu.memref_squeeze %dma_wait3A_86 : memref<1x16x4x8x320xi32, #tpu.memory_space<hbm>> -> memref<16x4x8x320xi32, #tpu.memory_space<hbm>>
      %dma_wait3A_88 = arith.constant 0 : i32
      %dma_wait3A_89 = arith.constant 0 : i32
      %dma_wait3A_90 = arith.constant 0 : i32
      %dma_wait3A_91 = tpu.memref_slice %dma_wait3A_87[%arg1, %dma_wait3A_88, %dma_wait3A_89, %dma_wait3A_90] : memref<16x4x8x320xi32, #tpu.memory_space<hbm>> -> memref<1x4x8x320xi32, #tpu.memory_space<hbm>>
      %dma_wait3A_92 = tpu.memref_squeeze %dma_wait3A_91 : memref<1x4x8x320xi32, #tpu.memory_space<hbm>> -> memref<4x8x320xi32, #tpu.memory_space<hbm>>
      %dma_wait3A_93 = arith.constant 0 : i32
      %dma_wait3A_94 = arith.constant 0 : i32
      %dma_wait3A_95 = tpu.memref_slice %dma_wait3A_92[%run_scoped3A_17, %dma_wait3A_93, %dma_wait3A_94] : memref<4x8x320xi32, #tpu.memory_space<hbm>> -> memref<1x8x320xi32, #tpu.memory_space<hbm>>
      %dma_wait3A_96 = tpu.memref_squeeze %dma_wait3A_95 : memref<1x8x320xi32, #tpu.memory_space<hbm>> -> memref<8x320xi32, #tpu.memory_space<hbm>>
      tpu.wait_dma2 semaphore(%run_scoped3A_38 : memref<!tpu.dma_semaphore, #tpu.memory_space<semaphore_mem>>) src(%dma_wait3A_96 : memref<8x320xi32, #tpu.memory_space<hbm>>) dst(%arg7 : memref<8x320xi32, #tpu.memory_space<vmem>>)
      tpu.yield
    }) : () -> ()
    %run_scoped3A_18 = arith.constant 2 : i32
    "tpu.region"() ({
      %run_scoped3A_38 = tpu.sem_alloc : memref<!tpu.dma_semaphore, #tpu.memory_space<semaphore_mem>>
      %dma_start3A = arith.constant 0 : i32
      %dma_start3A_39 = arith.constant 0 : i32
      %dma_start3A_40 = arith.constant 0 : i32
      %dma_start3A_41 = arith.constant 0 : i32
      %dma_start3A_42 = tpu.memref_slice %arg4[%arg0, %dma_start3A, %dma_start3A_39, %dma_start3A_40, %dma_start3A_41] : memref<2x16x4x8x320xi32, #tpu.memory_space<hbm>> -> memref<1x16x4x8x320xi32, #tpu.memory_space<hbm>>
      %dma_start3A_43 = tpu.memref_squeeze %dma_start3A_42 : memref<1x16x4x8x320xi32, #tpu.memory_space<hbm>> -> memref<16x4x8x320xi32, #tpu.memory_space<hbm>>
      %dma_start3A_44 = arith.constant 0 : i32
      %dma_start3A_45 = arith.constant 0 : i32
      %dma_start3A_46 = arith.constant 0 : i32
      %dma_start3A_47 = tpu.memref_slice %dma_start3A_43[%arg1, %dma_start3A_44, %dma_start3A_45, %dma_start3A_46] : memref<16x4x8x320xi32, #tpu.memory_space<hbm>> -> memref<1x4x8x320xi32, #tpu.memory_space<hbm>>
      %dma_start3A_48 = tpu.memref_squeeze %dma_start3A_47 : memref<1x4x8x320xi32, #tpu.memory_space<hbm>> -> memref<4x8x320xi32, #tpu.memory_space<hbm>>
      %dma_start3A_49 = arith.constant 0 : i32
      %dma_start3A_50 = arith.constant 0 : i32
      %dma_start3A_51 = tpu.memref_slice %dma_start3A_48[%run_scoped3A_18, %dma_start3A_49, %dma_start3A_50] : memref<4x8x320xi32, #tpu.memory_space<hbm>> -> memref<1x8x320xi32, #tpu.memory_space<hbm>>
      %dma_start3A_52 = tpu.memref_squeeze %dma_start3A_51 : memref<1x8x320xi32, #tpu.memory_space<hbm>> -> memref<8x320xi32, #tpu.memory_space<hbm>>
      %dma_start3A_53 = arith.constant 0 : i32
      %dma_start3A_54 = arith.constant 0 : i32
      %dma_start3A_55 = arith.constant 0 : i32
      %dma_start3A_56 = arith.constant 0 : i32
      %dma_start3A_57 = tpu.memref_slice %arg4[%arg0, %dma_start3A_53, %dma_start3A_54, %dma_start3A_55, %dma_start3A_56] : memref<2x16x4x8x320xi32, #tpu.memory_space<hbm>> -> memref<1x16x4x8x320xi32, #tpu.memory_space<hbm>>
      %dma_start3A_58 = tpu.memref_squeeze %dma_start3A_57 : memref<1x16x4x8x320xi32, #tpu.memory_space<hbm>> -> memref<16x4x8x320xi32, #tpu.memory_space<hbm>>
      %dma_start3A_59 = arith.constant 0 : i32
      %dma_start3A_60 = arith.constant 0 : i32
      %dma_start3A_61 = arith.constant 0 : i32
      %dma_start3A_62 = tpu.memref_slice %dma_start3A_58[%arg1, %dma_start3A_59, %dma_start3A_60, %dma_start3A_61] : memref<16x4x8x320xi32, #tpu.memory_space<hbm>> -> memref<1x4x8x320xi32, #tpu.memory_space<hbm>>
      %dma_start3A_63 = tpu.memref_squeeze %dma_start3A_62 : memref<1x4x8x320xi32, #tpu.memory_space<hbm>> -> memref<4x8x320xi32, #tpu.memory_space<hbm>>
      %dma_start3A_64 = arith.constant 0 : i32
      %dma_start3A_65 = arith.constant 0 : i32
      %dma_start3A_66 = tpu.memref_slice %dma_start3A_63[%run_scoped3A_18, %dma_start3A_64, %dma_start3A_65] : memref<4x8x320xi32, #tpu.memory_space<hbm>> -> memref<1x8x320xi32, #tpu.memory_space<hbm>>
      %dma_start3A_67 = tpu.memref_squeeze %dma_start3A_66 : memref<1x8x320xi32, #tpu.memory_space<hbm>> -> memref<8x320xi32, #tpu.memory_space<hbm>>
      tpu.enqueue_dma source(%dma_start3A_67 : memref<8x320xi32, #tpu.memory_space<hbm>>) target(%arg8 : memref<8x320xi32, #tpu.memory_space<vmem>>) target_semaphore(%run_scoped3A_38 : memref<!tpu.dma_semaphore, #tpu.memory_space<semaphore_mem>>)
      %dma_wait3A = arith.constant 0 : i32
      %dma_wait3A_68 = arith.constant 0 : i32
      %dma_wait3A_69 = arith.constant 0 : i32
      %dma_wait3A_70 = arith.constant 0 : i32
      %dma_wait3A_71 = tpu.memref_slice %arg4[%arg0, %dma_wait3A, %dma_wait3A_68, %dma_wait3A_69, %dma_wait3A_70] : memref<2x16x4x8x320xi32, #tpu.memory_space<hbm>> -> memref<1x16x4x8x320xi32, #tpu.memory_space<hbm>>
      %dma_wait3A_72 = tpu.memref_squeeze %dma_wait3A_71 : memref<1x16x4x8x320xi32, #tpu.memory_space<hbm>> -> memref<16x4x8x320xi32, #tpu.memory_space<hbm>>
      %dma_wait3A_73 = arith.constant 0 : i32
      %dma_wait3A_74 = arith.constant 0 : i32
      %dma_wait3A_75 = arith.constant 0 : i32
      %dma_wait3A_76 = tpu.memref_slice %dma_wait3A_72[%arg1, %dma_wait3A_73, %dma_wait3A_74, %dma_wait3A_75] : memref<16x4x8x320xi32, #tpu.memory_space<hbm>> -> memref<1x4x8x320xi32, #tpu.memory_space<hbm>>
      %dma_wait3A_77 = tpu.memref_squeeze %dma_wait3A_76 : memref<1x4x8x320xi32, #tpu.memory_space<hbm>> -> memref<4x8x320xi32, #tpu.memory_space<hbm>>
      %dma_wait3A_78 = arith.constant 0 : i32
      %dma_wait3A_79 = arith.constant 0 : i32
      %dma_wait3A_80 = tpu.memref_slice %dma_wait3A_77[%run_scoped3A_18, %dma_wait3A_78, %dma_wait3A_79] : memref<4x8x320xi32, #tpu.memory_space<hbm>> -> memref<1x8x320xi32, #tpu.memory_space<hbm>>
      %dma_wait3A_81 = tpu.memref_squeeze %dma_wait3A_80 : memref<1x8x320xi32, #tpu.memory_space<hbm>> -> memref<8x320xi32, #tpu.memory_space<hbm>>
      %dma_wait3A_82 = arith.constant 0 : i32
      %dma_wait3A_83 = arith.constant 0 : i32
      %dma_wait3A_84 = arith.constant 0 : i32
      %dma_wait3A_85 = arith.constant 0 : i32
      %dma_wait3A_86 = tpu.memref_slice %arg4[%arg0, %dma_wait3A_82, %dma_wait3A_83, %dma_wait3A_84, %dma_wait3A_85] : memref<2x16x4x8x320xi32, #tpu.memory_space<hbm>> -> memref<1x16x4x8x320xi32, #tpu.memory_space<hbm>>
      %dma_wait3A_87 = tpu.memref_squeeze %dma_wait3A_86 : memref<1x16x4x8x320xi32, #tpu.memory_space<hbm>> -> memref<16x4x8x320xi32, #tpu.memory_space<hbm>>
      %dma_wait3A_88 = arith.constant 0 : i32
      %dma_wait3A_89 = arith.constant 0 : i32
      %dma_wait3A_90 = arith.constant 0 : i32
      %dma_wait3A_91 = tpu.memref_slice %dma_wait3A_87[%arg1, %dma_wait3A_88, %dma_wait3A_89, %dma_wait3A_90] : memref<16x4x8x320xi32, #tpu.memory_space<hbm>> -> memref<1x4x8x320xi32, #tpu.memory_space<hbm>>
      %dma_wait3A_92 = tpu.memref_squeeze %dma_wait3A_91 : memref<1x4x8x320xi32, #tpu.memory_space<hbm>> -> memref<4x8x320xi32, #tpu.memory_space<hbm>>
      %dma_wait3A_93 = arith.constant 0 : i32
      %dma_wait3A_94 = arith.constant 0 : i32
      %dma_wait3A_95 = tpu.memref_slice %dma_wait3A_92[%run_scoped3A_18, %dma_wait3A_93, %dma_wait3A_94] : memref<4x8x320xi32, #tpu.memory_space<hbm>> -> memref<1x8x320xi32, #tpu.memory_space<hbm>>
      %dma_wait3A_96 = tpu.memref_squeeze %dma_wait3A_95 : memref<1x8x320xi32, #tpu.memory_space<hbm>> -> memref<8x320xi32, #tpu.memory_space<hbm>>
      tpu.wait_dma2 semaphore(%run_scoped3A_38 : memref<!tpu.dma_semaphore, #tpu.memory_space<semaphore_mem>>) src(%dma_wait3A_96 : memref<8x320xi32, #tpu.memory_space<hbm>>) dst(%arg8 : memref<8x320xi32, #tpu.memory_space<vmem>>)
      tpu.yield
    }) : () -> ()
    %scan3A_19 = arith.constant 0 : i32
    %scan3A_20 = arith.constant 0 : i32
    %scan3A_21 = arith.constant 8 : i32
    %scan3A_22 = arith.addi %scan3A_20, %scan3A_21 : i32
    %scan3A_23 = arith.constant 1 : i32
    scf.for %scan3A_38 = %scan3A_20 to %scan3A_22 step %scan3A_23  : i32 {
      %dma_start3A = arith.constant 0 : i32
      %dma_start3A_39 = tpu.memref_slice %arg7[%scan3A_38, %dma_start3A] : memref<8x320xi32, #tpu.memory_space<vmem>> -> memref<1x320xi32, #tpu.memory_space<vmem>>
      %dma_start3A_40 = tpu.memref_squeeze %dma_start3A_39 : memref<1x320xi32, #tpu.memory_space<vmem>> -> memref<320xi32, #tpu.memory_space<vmem>>
      %dma_start3A_41 = arith.constant 0 : i32
      %dma_start3A_42 = arith.constant 0 : i32
      %dma_start3A_43 = tpu.memref_slice %arg2[%dma_start3A_41, %dma_start3A_42] : memref<10000x128xf32, #tpu.memory_space<hbm>> -> memref<10000x128xf32, #tpu.memory_space<hbm>>
      tpu.enqueue_indirect_dma source(%dma_start3A_43 : memref<10000x128xf32, #tpu.memory_space<hbm>>) target(%arg9 : memref<320x128xf32, #tpu.memory_space<vmem>>) offsets(%dma_start3A_40 : memref<320xi32, #tpu.memory_space<vmem>>) semaphore(%arg11 : memref<!tpu.dma_semaphore, #tpu.memory_space<semaphore_mem>>)
      %dma_wait3A = arith.constant 0 : i32
      %dma_wait3A_44 = tpu.memref_slice %arg7[%scan3A_38, %dma_wait3A] : memref<8x320xi32, #tpu.memory_space<vmem>> -> memref<1x320xi32, #tpu.memory_space<vmem>>
      %dma_wait3A_45 = tpu.memref_squeeze %dma_wait3A_44 : memref<1x320xi32, #tpu.memory_space<vmem>> -> memref<320xi32, #tpu.memory_space<vmem>>
      %dma_wait3A_46 = arith.constant 0 : i32
      %dma_wait3A_47 = arith.constant 0 : i32
      %dma_wait3A_48 = tpu.memref_slice %arg2[%dma_wait3A_46, %dma_wait3A_47] : memref<10000x128xf32, #tpu.memory_space<hbm>> -> memref<10000x128xf32, #tpu.memory_space<hbm>>
      tpu.wait_indirect_dma semaphore(%arg11 : memref<!tpu.dma_semaphore, #tpu.memory_space<semaphore_mem>>) src(%dma_wait3A_48 : memref<10000x128xf32, #tpu.memory_space<hbm>>) dst(%arg9 : memref<320x128xf32, #tpu.memory_space<vmem>>)
      "tpu.region"() ({
        %run_scoped3A_49 = tpu.sem_alloc : memref<!tpu.dma_semaphore, #tpu.memory_space<semaphore_mem>>
        %dma_start3A_50 = arith.constant 0 : i32
        %dma_start3A_51 = tpu.memref_slice %arg8[%scan3A_38, %dma_start3A_50] : memref<8x320xi32, #tpu.memory_space<vmem>> -> memref<1x320xi32, #tpu.memory_space<vmem>>
        %dma_start3A_52 = tpu.memref_squeeze %dma_start3A_51 : memref<1x320xi32, #tpu.memory_space<vmem>> -> memref<320xi32, #tpu.memory_space<vmem>>
        %dma_start3A_53 = arith.constant 0 : i32
        %dma_start3A_54 = arith.constant 0 : i32
        %dma_start3A_55 = tpu.memref_slice %arg10[%dma_start3A_53, %dma_start3A_54] : memref<10240x128xf32, #tpu.memory_space<vmem_shared>> -> memref<10240x128xf32, #tpu.memory_space<vmem_shared>>
        tpu.enqueue_indirect_dma source(%arg9 : memref<320x128xf32, #tpu.memory_space<vmem>>) target(%dma_start3A_55 : memref<10240x128xf32, #tpu.memory_space<vmem_shared>>) offsets(%dma_start3A_52 : memref<320xi32, #tpu.memory_space<vmem>>) semaphore(%run_scoped3A_49 : memref<!tpu.dma_semaphore, #tpu.memory_space<semaphore_mem>>) {add = true}
        %dma_wait3A_56 = arith.constant 0 : i32
        %dma_wait3A_57 = tpu.memref_slice %arg8[%scan3A_38, %dma_wait3A_56] : memref<8x320xi32, #tpu.memory_space<vmem>> -> memref<1x320xi32, #tpu.memory_space<vmem>>
        %dma_wait3A_58 = tpu.memref_squeeze %dma_wait3A_57 : memref<1x320xi32, #tpu.memory_space<vmem>> -> memref<320xi32, #tpu.memory_space<vmem>>
        %dma_wait3A_59 = arith.constant 0 : i32
        %dma_wait3A_60 = arith.constant 0 : i32
        %dma_wait3A_61 = tpu.memref_slice %arg10[%dma_wait3A_59, %dma_wait3A_60] : memref<10240x128xf32, #tpu.memory_space<vmem_shared>> -> memref<10240x128xf32, #tpu.memory_space<vmem_shared>>
        tpu.wait_indirect_dma semaphore(%run_scoped3A_49 : memref<!tpu.dma_semaphore, #tpu.memory_space<semaphore_mem>>) src(%arg9 : memref<320x128xf32, #tpu.memory_space<vmem>>) dst(%dma_wait3A_61 : memref<10240x128xf32, #tpu.memory_space<vmem_shared>>)
        tpu.yield
      }) : () -> ()
    }
    %scan3A_24 = arith.constant 8 : i32
    %run_scoped3A_25 = arith.constant 3 : i32
    "tpu.region"() ({
      %run_scoped3A_38 = tpu.sem_alloc : memref<!tpu.dma_semaphore, #tpu.memory_space<semaphore_mem>>
      %dma_start3A = arith.constant 0 : i32
      %dma_start3A_39 = arith.constant 0 : i32
      %dma_start3A_40 = arith.constant 0 : i32
      %dma_start3A_41 = arith.constant 0 : i32
      %dma_start3A_42 = tpu.memref_slice %arg3[%arg0, %dma_start3A, %dma_start3A_39, %dma_start3A_40, %dma_start3A_41] : memref<2x16x4x8x320xi32, #tpu.memory_space<hbm>> -> memref<1x16x4x8x320xi32, #tpu.memory_space<hbm>>
      %dma_start3A_43 = tpu.memref_squeeze %dma_start3A_42 : memref<1x16x4x8x320xi32, #tpu.memory_space<hbm>> -> memref<16x4x8x320xi32, #tpu.memory_space<hbm>>
      %dma_start3A_44 = arith.constant 0 : i32
      %dma_start3A_45 = arith.constant 0 : i32
      %dma_start3A_46 = arith.constant 0 : i32
      %dma_start3A_47 = tpu.memref_slice %dma_start3A_43[%arg1, %dma_start3A_44, %dma_start3A_45, %dma_start3A_46] : memref<16x4x8x320xi32, #tpu.memory_space<hbm>> -> memref<1x4x8x320xi32, #tpu.memory_space<hbm>>
      %dma_start3A_48 = tpu.memref_squeeze %dma_start3A_47 : memref<1x4x8x320xi32, #tpu.memory_space<hbm>> -> memref<4x8x320xi32, #tpu.memory_space<hbm>>
      %dma_start3A_49 = arith.constant 0 : i32
      %dma_start3A_50 = arith.constant 0 : i32
      %dma_start3A_51 = tpu.memref_slice %dma_start3A_48[%run_scoped3A_25, %dma_start3A_49, %dma_start3A_50] : memref<4x8x320xi32, #tpu.memory_space<hbm>> -> memref<1x8x320xi32, #tpu.memory_space<hbm>>
      %dma_start3A_52 = tpu.memref_squeeze %dma_start3A_51 : memref<1x8x320xi32, #tpu.memory_space<hbm>> -> memref<8x320xi32, #tpu.memory_space<hbm>>
      %dma_start3A_53 = arith.constant 0 : i32
      %dma_start3A_54 = arith.constant 0 : i32
      %dma_start3A_55 = arith.constant 0 : i32
      %dma_start3A_56 = arith.constant 0 : i32
      %dma_start3A_57 = tpu.memref_slice %arg3[%arg0, %dma_start3A_53, %dma_start3A_54, %dma_start3A_55, %dma_start3A_56] : memref<2x16x4x8x320xi32, #tpu.memory_space<hbm>> -> memref<1x16x4x8x320xi32, #tpu.memory_space<hbm>>
      %dma_start3A_58 = tpu.memref_squeeze %dma_start3A_57 : memref<1x16x4x8x320xi32, #tpu.memory_space<hbm>> -> memref<16x4x8x320xi32, #tpu.memory_space<hbm>>
      %dma_start3A_59 = arith.constant 0 : i32
      %dma_start3A_60 = arith.constant 0 : i32
      %dma_start3A_61 = arith.constant 0 : i32
      %dma_start3A_62 = tpu.memref_slice %dma_start3A_58[%arg1, %dma_start3A_59, %dma_start3A_60, %dma_start3A_61] : memref<16x4x8x320xi32, #tpu.memory_space<hbm>> -> memref<1x4x8x320xi32, #tpu.memory_space<hbm>>
      %dma_start3A_63 = tpu.memref_squeeze %dma_start3A_62 : memref<1x4x8x320xi32, #tpu.memory_space<hbm>> -> memref<4x8x320xi32, #tpu.memory_space<hbm>>
      %dma_start3A_64 = arith.constant 0 : i32
      %dma_start3A_65 = arith.constant 0 : i32
      %dma_start3A_66 = tpu.memref_slice %dma_start3A_63[%run_scoped3A_25, %dma_start3A_64, %dma_start3A_65] : memref<4x8x320xi32, #tpu.memory_space<hbm>> -> memref<1x8x320xi32, #tpu.memory_space<hbm>>
      %dma_start3A_67 = tpu.memref_squeeze %dma_start3A_66 : memref<1x8x320xi32, #tpu.memory_space<hbm>> -> memref<8x320xi32, #tpu.memory_space<hbm>>
      tpu.enqueue_dma source(%dma_start3A_67 : memref<8x320xi32, #tpu.memory_space<hbm>>) target(%arg7 : memref<8x320xi32, #tpu.memory_space<vmem>>) target_semaphore(%run_scoped3A_38 : memref<!tpu.dma_semaphore, #tpu.memory_space<semaphore_mem>>)
      %dma_wait3A = arith.constant 0 : i32
      %dma_wait3A_68 = arith.constant 0 : i32
      %dma_wait3A_69 = arith.constant 0 : i32
      %dma_wait3A_70 = arith.constant 0 : i32
      %dma_wait3A_71 = tpu.memref_slice %arg3[%arg0, %dma_wait3A, %dma_wait3A_68, %dma_wait3A_69, %dma_wait3A_70] : memref<2x16x4x8x320xi32, #tpu.memory_space<hbm>> -> memref<1x16x4x8x320xi32, #tpu.memory_space<hbm>>
      %dma_wait3A_72 = tpu.memref_squeeze %dma_wait3A_71 : memref<1x16x4x8x320xi32, #tpu.memory_space<hbm>> -> memref<16x4x8x320xi32, #tpu.memory_space<hbm>>
      %dma_wait3A_73 = arith.constant 0 : i32
      %dma_wait3A_74 = arith.constant 0 : i32
      %dma_wait3A_75 = arith.constant 0 : i32
      %dma_wait3A_76 = tpu.memref_slice %dma_wait3A_72[%arg1, %dma_wait3A_73, %dma_wait3A_74, %dma_wait3A_75] : memref<16x4x8x320xi32, #tpu.memory_space<hbm>> -> memref<1x4x8x320xi32, #tpu.memory_space<hbm>>
      %dma_wait3A_77 = tpu.memref_squeeze %dma_wait3A_76 : memref<1x4x8x320xi32, #tpu.memory_space<hbm>> -> memref<4x8x320xi32, #tpu.memory_space<hbm>>
      %dma_wait3A_78 = arith.constant 0 : i32
      %dma_wait3A_79 = arith.constant 0 : i32
      %dma_wait3A_80 = tpu.memref_slice %dma_wait3A_77[%run_scoped3A_25, %dma_wait3A_78, %dma_wait3A_79] : memref<4x8x320xi32, #tpu.memory_space<hbm>> -> memref<1x8x320xi32, #tpu.memory_space<hbm>>
      %dma_wait3A_81 = tpu.memref_squeeze %dma_wait3A_80 : memref<1x8x320xi32, #tpu.memory_space<hbm>> -> memref<8x320xi32, #tpu.memory_space<hbm>>
      %dma_wait3A_82 = arith.constant 0 : i32
      %dma_wait3A_83 = arith.constant 0 : i32
      %dma_wait3A_84 = arith.constant 0 : i32
      %dma_wait3A_85 = arith.constant 0 : i32
      %dma_wait3A_86 = tpu.memref_slice %arg3[%arg0, %dma_wait3A_82, %dma_wait3A_83, %dma_wait3A_84, %dma_wait3A_85] : memref<2x16x4x8x320xi32, #tpu.memory_space<hbm>> -> memref<1x16x4x8x320xi32, #tpu.memory_space<hbm>>
      %dma_wait3A_87 = tpu.memref_squeeze %dma_wait3A_86 : memref<1x16x4x8x320xi32, #tpu.memory_space<hbm>> -> memref<16x4x8x320xi32, #tpu.memory_space<hbm>>
      %dma_wait3A_88 = arith.constant 0 : i32
      %dma_wait3A_89 = arith.constant 0 : i32
      %dma_wait3A_90 = arith.constant 0 : i32
      %dma_wait3A_91 = tpu.memref_slice %dma_wait3A_87[%arg1, %dma_wait3A_88, %dma_wait3A_89, %dma_wait3A_90] : memref<16x4x8x320xi32, #tpu.memory_space<hbm>> -> memref<1x4x8x320xi32, #tpu.memory_space<hbm>>
      %dma_wait3A_92 = tpu.memref_squeeze %dma_wait3A_91 : memref<1x4x8x320xi32, #tpu.memory_space<hbm>> -> memref<4x8x320xi32, #tpu.memory_space<hbm>>
      %dma_wait3A_93 = arith.constant 0 : i32
      %dma_wait3A_94 = arith.constant 0 : i32
      %dma_wait3A_95 = tpu.memref_slice %dma_wait3A_92[%run_scoped3A_25, %dma_wait3A_93, %dma_wait3A_94] : memref<4x8x320xi32, #tpu.memory_space<hbm>> -> memref<1x8x320xi32, #tpu.memory_space<hbm>>
      %dma_wait3A_96 = tpu.memref_squeeze %dma_wait3A_95 : memref<1x8x320xi32, #tpu.memory_space<hbm>> -> memref<8x320xi32, #tpu.memory_space<hbm>>
      tpu.wait_dma2 semaphore(%run_scoped3A_38 : memref<!tpu.dma_semaphore, #tpu.memory_space<semaphore_mem>>) src(%dma_wait3A_96 : memref<8x320xi32, #tpu.memory_space<hbm>>) dst(%arg7 : memref<8x320xi32, #tpu.memory_space<vmem>>)
      tpu.yield
    }) : () -> ()
    %run_scoped3A_26 = arith.constant 3 : i32
    "tpu.region"() ({
      %run_scoped3A_38 = tpu.sem_alloc : memref<!tpu.dma_semaphore, #tpu.memory_space<semaphore_mem>>
      %dma_start3A = arith.constant 0 : i32
      %dma_start3A_39 = arith.constant 0 : i32
      %dma_start3A_40 = arith.constant 0 : i32
      %dma_start3A_41 = arith.constant 0 : i32
      %dma_start3A_42 = tpu.memref_slice %arg4[%arg0, %dma_start3A, %dma_start3A_39, %dma_start3A_40, %dma_start3A_41] : memref<2x16x4x8x320xi32, #tpu.memory_space<hbm>> -> memref<1x16x4x8x320xi32, #tpu.memory_space<hbm>>
      %dma_start3A_43 = tpu.memref_squeeze %dma_start3A_42 : memref<1x16x4x8x320xi32, #tpu.memory_space<hbm>> -> memref<16x4x8x320xi32, #tpu.memory_space<hbm>>
      %dma_start3A_44 = arith.constant 0 : i32
      %dma_start3A_45 = arith.constant 0 : i32
      %dma_start3A_46 = arith.constant 0 : i32
      %dma_start3A_47 = tpu.memref_slice %dma_start3A_43[%arg1, %dma_start3A_44, %dma_start3A_45, %dma_start3A_46] : memref<16x4x8x320xi32, #tpu.memory_space<hbm>> -> memref<1x4x8x320xi32, #tpu.memory_space<hbm>>
      %dma_start3A_48 = tpu.memref_squeeze %dma_start3A_47 : memref<1x4x8x320xi32, #tpu.memory_space<hbm>> -> memref<4x8x320xi32, #tpu.memory_space<hbm>>
      %dma_start3A_49 = arith.constant 0 : i32
      %dma_start3A_50 = arith.constant 0 : i32
      %dma_start3A_51 = tpu.memref_slice %dma_start3A_48[%run_scoped3A_26, %dma_start3A_49, %dma_start3A_50] : memref<4x8x320xi32, #tpu.memory_space<hbm>> -> memref<1x8x320xi32, #tpu.memory_space<hbm>>
      %dma_start3A_52 = tpu.memref_squeeze %dma_start3A_51 : memref<1x8x320xi32, #tpu.memory_space<hbm>> -> memref<8x320xi32, #tpu.memory_space<hbm>>
      %dma_start3A_53 = arith.constant 0 : i32
      %dma_start3A_54 = arith.constant 0 : i32
      %dma_start3A_55 = arith.constant 0 : i32
      %dma_start3A_56 = arith.constant 0 : i32
      %dma_start3A_57 = tpu.memref_slice %arg4[%arg0, %dma_start3A_53, %dma_start3A_54, %dma_start3A_55, %dma_start3A_56] : memref<2x16x4x8x320xi32, #tpu.memory_space<hbm>> -> memref<1x16x4x8x320xi32, #tpu.memory_space<hbm>>
      %dma_start3A_58 = tpu.memref_squeeze %dma_start3A_57 : memref<1x16x4x8x320xi32, #tpu.memory_space<hbm>> -> memref<16x4x8x320xi32, #tpu.memory_space<hbm>>
      %dma_start3A_59 = arith.constant 0 : i32
      %dma_start3A_60 = arith.constant 0 : i32
      %dma_start3A_61 = arith.constant 0 : i32
      %dma_start3A_62 = tpu.memref_slice %dma_start3A_58[%arg1, %dma_start3A_59, %dma_start3A_60, %dma_start3A_61] : memref<16x4x8x320xi32, #tpu.memory_space<hbm>> -> memref<1x4x8x320xi32, #tpu.memory_space<hbm>>
      %dma_start3A_63 = tpu.memref_squeeze %dma_start3A_62 : memref<1x4x8x320xi32, #tpu.memory_space<hbm>> -> memref<4x8x320xi32, #tpu.memory_space<hbm>>
      %dma_start3A_64 = arith.constant 0 : i32
      %dma_start3A_65 = arith.constant 0 : i32
      %dma_start3A_66 = tpu.memref_slice %dma_start3A_63[%run_scoped3A_26, %dma_start3A_64, %dma_start3A_65] : memref<4x8x320xi32, #tpu.memory_space<hbm>> -> memref<1x8x320xi32, #tpu.memory_space<hbm>>
      %dma_start3A_67 = tpu.memref_squeeze %dma_start3A_66 : memref<1x8x320xi32, #tpu.memory_space<hbm>> -> memref<8x320xi32, #tpu.memory_space<hbm>>
      tpu.enqueue_dma source(%dma_start3A_67 : memref<8x320xi32, #tpu.memory_space<hbm>>) target(%arg8 : memref<8x320xi32, #tpu.memory_space<vmem>>) target_semaphore(%run_scoped3A_38 : memref<!tpu.dma_semaphore, #tpu.memory_space<semaphore_mem>>)
      %dma_wait3A = arith.constant 0 : i32
      %dma_wait3A_68 = arith.constant 0 : i32
      %dma_wait3A_69 = arith.constant 0 : i32
      %dma_wait3A_70 = arith.constant 0 : i32
      %dma_wait3A_71 = tpu.memref_slice %arg4[%arg0, %dma_wait3A, %dma_wait3A_68, %dma_wait3A_69, %dma_wait3A_70] : memref<2x16x4x8x320xi32, #tpu.memory_space<hbm>> -> memref<1x16x4x8x320xi32, #tpu.memory_space<hbm>>
      %dma_wait3A_72 = tpu.memref_squeeze %dma_wait3A_71 : memref<1x16x4x8x320xi32, #tpu.memory_space<hbm>> -> memref<16x4x8x320xi32, #tpu.memory_space<hbm>>
      %dma_wait3A_73 = arith.constant 0 : i32
      %dma_wait3A_74 = arith.constant 0 : i32
      %dma_wait3A_75 = arith.constant 0 : i32
      %dma_wait3A_76 = tpu.memref_slice %dma_wait3A_72[%arg1, %dma_wait3A_73, %dma_wait3A_74, %dma_wait3A_75] : memref<16x4x8x320xi32, #tpu.memory_space<hbm>> -> memref<1x4x8x320xi32, #tpu.memory_space<hbm>>
      %dma_wait3A_77 = tpu.memref_squeeze %dma_wait3A_76 : memref<1x4x8x320xi32, #tpu.memory_space<hbm>> -> memref<4x8x320xi32, #tpu.memory_space<hbm>>
      %dma_wait3A_78 = arith.constant 0 : i32
      %dma_wait3A_79 = arith.constant 0 : i32
      %dma_wait3A_80 = tpu.memref_slice %dma_wait3A_77[%run_scoped3A_26, %dma_wait3A_78, %dma_wait3A_79] : memref<4x8x320xi32, #tpu.memory_space<hbm>> -> memref<1x8x320xi32, #tpu.memory_space<hbm>>
      %dma_wait3A_81 = tpu.memref_squeeze %dma_wait3A_80 : memref<1x8x320xi32, #tpu.memory_space<hbm>> -> memref<8x320xi32, #tpu.memory_space<hbm>>
      %dma_wait3A_82 = arith.constant 0 : i32
      %dma_wait3A_83 = arith.constant 0 : i32
      %dma_wait3A_84 = arith.constant 0 : i32
      %dma_wait3A_85 = arith.constant 0 : i32
      %dma_wait3A_86 = tpu.memref_slice %arg4[%arg0, %dma_wait3A_82, %dma_wait3A_83, %dma_wait3A_84, %dma_wait3A_85] : memref<2x16x4x8x320xi32, #tpu.memory_space<hbm>> -> memref<1x16x4x8x320xi32, #tpu.memory_space<hbm>>
      %dma_wait3A_87 = tpu.memref_squeeze %dma_wait3A_86 : memref<1x16x4x8x320xi32, #tpu.memory_space<hbm>> -> memref<16x4x8x320xi32, #tpu.memory_space<hbm>>
      %dma_wait3A_88 = arith.constant 0 : i32
      %dma_wait3A_89 = arith.constant 0 : i32
      %dma_wait3A_90 = arith.constant 0 : i32
      %dma_wait3A_91 = tpu.memref_slice %dma_wait3A_87[%arg1, %dma_wait3A_88, %dma_wait3A_89, %dma_wait3A_90] : memref<16x4x8x320xi32, #tpu.memory_space<hbm>> -> memref<1x4x8x320xi32, #tpu.memory_space<hbm>>
      %dma_wait3A_92 = tpu.memref_squeeze %dma_wait3A_91 : memref<1x4x8x320xi32, #tpu.memory_space<hbm>> -> memref<4x8x320xi32, #tpu.memory_space<hbm>>
      %dma_wait3A_93 = arith.constant 0 : i32
      %dma_wait3A_94 = arith.constant 0 : i32
      %dma_wait3A_95 = tpu.memref_slice %dma_wait3A_92[%run_scoped3A_26, %dma_wait3A_93, %dma_wait3A_94] : memref<4x8x320xi32, #tpu.memory_space<hbm>> -> memref<1x8x320xi32, #tpu.memory_space<hbm>>
      %dma_wait3A_96 = tpu.memref_squeeze %dma_wait3A_95 : memref<1x8x320xi32, #tpu.memory_space<hbm>> -> memref<8x320xi32, #tpu.memory_space<hbm>>
      tpu.wait_dma2 semaphore(%run_scoped3A_38 : memref<!tpu.dma_semaphore, #tpu.memory_space<semaphore_mem>>) src(%dma_wait3A_96 : memref<8x320xi32, #tpu.memory_space<hbm>>) dst(%arg8 : memref<8x320xi32, #tpu.memory_space<vmem>>)
      tpu.yield
    }) : () -> ()
    %scan3A_27 = arith.constant 0 : i32
    %scan3A_28 = arith.constant 0 : i32
    %scan3A_29 = arith.constant 8 : i32
    %scan3A_30 = arith.addi %scan3A_28, %scan3A_29 : i32
    %scan3A_31 = arith.constant 1 : i32
    scf.for %scan3A_38 = %scan3A_28 to %scan3A_30 step %scan3A_31  : i32 {
      %dma_start3A = arith.constant 0 : i32
      %dma_start3A_39 = tpu.memref_slice %arg7[%scan3A_38, %dma_start3A] : memref<8x320xi32, #tpu.memory_space<vmem>> -> memref<1x320xi32, #tpu.memory_space<vmem>>
      %dma_start3A_40 = tpu.memref_squeeze %dma_start3A_39 : memref<1x320xi32, #tpu.memory_space<vmem>> -> memref<320xi32, #tpu.memory_space<vmem>>
      %dma_start3A_41 = arith.constant 0 : i32
      %dma_start3A_42 = arith.constant 0 : i32
      %dma_start3A_43 = tpu.memref_slice %arg2[%dma_start3A_41, %dma_start3A_42] : memref<10000x128xf32, #tpu.memory_space<hbm>> -> memref<10000x128xf32, #tpu.memory_space<hbm>>
      tpu.enqueue_indirect_dma source(%dma_start3A_43 : memref<10000x128xf32, #tpu.memory_space<hbm>>) target(%arg9 : memref<320x128xf32, #tpu.memory_space<vmem>>) offsets(%dma_start3A_40 : memref<320xi32, #tpu.memory_space<vmem>>) semaphore(%arg11 : memref<!tpu.dma_semaphore, #tpu.memory_space<semaphore_mem>>)
      %dma_wait3A = arith.constant 0 : i32
      %dma_wait3A_44 = tpu.memref_slice %arg7[%scan3A_38, %dma_wait3A] : memref<8x320xi32, #tpu.memory_space<vmem>> -> memref<1x320xi32, #tpu.memory_space<vmem>>
      %dma_wait3A_45 = tpu.memref_squeeze %dma_wait3A_44 : memref<1x320xi32, #tpu.memory_space<vmem>> -> memref<320xi32, #tpu.memory_space<vmem>>
      %dma_wait3A_46 = arith.constant 0 : i32
      %dma_wait3A_47 = arith.constant 0 : i32
      %dma_wait3A_48 = tpu.memref_slice %arg2[%dma_wait3A_46, %dma_wait3A_47] : memref<10000x128xf32, #tpu.memory_space<hbm>> -> memref<10000x128xf32, #tpu.memory_space<hbm>>
      tpu.wait_indirect_dma semaphore(%arg11 : memref<!tpu.dma_semaphore, #tpu.memory_space<semaphore_mem>>) src(%dma_wait3A_48 : memref<10000x128xf32, #tpu.memory_space<hbm>>) dst(%arg9 : memref<320x128xf32, #tpu.memory_space<vmem>>)
      "tpu.region"() ({
        %run_scoped3A_49 = tpu.sem_alloc : memref<!tpu.dma_semaphore, #tpu.memory_space<semaphore_mem>>
        %dma_start3A_50 = arith.constant 0 : i32
        %dma_start3A_51 = tpu.memref_slice %arg8[%scan3A_38, %dma_start3A_50] : memref<8x320xi32, #tpu.memory_space<vmem>> -> memref<1x320xi32, #tpu.memory_space<vmem>>
        %dma_start3A_52 = tpu.memref_squeeze %dma_start3A_51 : memref<1x320xi32, #tpu.memory_space<vmem>> -> memref<320xi32, #tpu.memory_space<vmem>>
        %dma_start3A_53 = arith.constant 0 : i32
        %dma_start3A_54 = arith.constant 0 : i32
        %dma_start3A_55 = tpu.memref_slice %arg10[%dma_start3A_53, %dma_start3A_54] : memref<10240x128xf32, #tpu.memory_space<vmem_shared>> -> memref<10240x128xf32, #tpu.memory_space<vmem_shared>>
        tpu.enqueue_indirect_dma source(%arg9 : memref<320x128xf32, #tpu.memory_space<vmem>>) target(%dma_start3A_55 : memref<10240x128xf32, #tpu.memory_space<vmem_shared>>) offsets(%dma_start3A_52 : memref<320xi32, #tpu.memory_space<vmem>>) semaphore(%run_scoped3A_49 : memref<!tpu.dma_semaphore, #tpu.memory_space<semaphore_mem>>) {add = true}
        %dma_wait3A_56 = arith.constant 0 : i32
        %dma_wait3A_57 = tpu.memref_slice %arg8[%scan3A_38, %dma_wait3A_56] : memref<8x320xi32, #tpu.memory_space<vmem>> -> memref<1x320xi32, #tpu.memory_space<vmem>>
        %dma_wait3A_58 = tpu.memref_squeeze %dma_wait3A_57 : memref<1x320xi32, #tpu.memory_space<vmem>> -> memref<320xi32, #tpu.memory_space<vmem>>
        %dma_wait3A_59 = arith.constant 0 : i32
        %dma_wait3A_60 = arith.constant 0 : i32
        %dma_wait3A_61 = tpu.memref_slice %arg10[%dma_wait3A_59, %dma_wait3A_60] : memref<10240x128xf32, #tpu.memory_space<vmem_shared>> -> memref<10240x128xf32, #tpu.memory_space<vmem_shared>>
        tpu.wait_indirect_dma semaphore(%run_scoped3A_49 : memref<!tpu.dma_semaphore, #tpu.memory_space<semaphore_mem>>) src(%arg9 : memref<320x128xf32, #tpu.memory_space<vmem>>) dst(%dma_wait3A_61 : memref<10240x128xf32, #tpu.memory_space<vmem_shared>>)
        tpu.yield
      }) : () -> ()
    }
    %scan3A_32 = arith.constant 8 : i32
    %barrier3A_33 = arith.constant 0 : index
    tpu.barrier barrier_id(%barrier3A_33)
    %mul3A_34 = arith.constant 640 : i32
    %mul3A_35 = arith.muli %arg1, %mul3A_34 : i32
    %mul3A_36 = arith.constant 640 : i32
    %mul3A_37 = arith.muli %arg1, %mul3A_36 : i32
    "tpu.region"() ({
      %run_scoped3A_38 = tpu.sem_alloc : memref<!tpu.dma_semaphore, #tpu.memory_space<semaphore_mem>>
      %dma_start3A = arith.constant 0 : i32
      %dma_start3A_39 = arith.constant 0 : i32
      %dma_start3A_40 = tpu.memref_slice %arg6[%arg0, %dma_start3A, %dma_start3A_39] : memref<2x10240x128xf32, #tpu.memory_space<hbm>> -> memref<1x10240x128xf32, #tpu.memory_space<hbm>>
      %dma_start3A_41 = tpu.memref_squeeze %dma_start3A_40 : memref<1x10240x128xf32, #tpu.memory_space<hbm>> -> memref<10240x128xf32, #tpu.memory_space<hbm>>
      %dma_start3A_42 = arith.constant 0 : i32
      %dma_start3A_43 = tpu.memref_slice %dma_start3A_41[%mul3A_37, %dma_start3A_42] : memref<10240x128xf32, #tpu.memory_space<hbm>> -> memref<640x128xf32, #tpu.memory_space<hbm>>
      %dma_start3A_44 = arith.constant 0 : i32
      %dma_start3A_45 = tpu.memref_slice %arg10[%mul3A_35, %dma_start3A_44] : memref<10240x128xf32, #tpu.memory_space<vmem_shared>> -> memref<640x128xf32, #tpu.memory_space<vmem_shared>>
      tpu.enqueue_dma source(%dma_start3A_45 : memref<640x128xf32, #tpu.memory_space<vmem_shared>>) target(%dma_start3A_43 : memref<640x128xf32, #tpu.memory_space<hbm>>) target_semaphore(%run_scoped3A_38 : memref<!tpu.dma_semaphore, #tpu.memory_space<semaphore_mem>>)
      %dma_wait3A = arith.constant 0 : i32
      %dma_wait3A_46 = arith.constant 0 : i32
      %dma_wait3A_47 = tpu.memref_slice %arg6[%arg0, %dma_wait3A, %dma_wait3A_46] : memref<2x10240x128xf32, #tpu.memory_space<hbm>> -> memref<1x10240x128xf32, #tpu.memory_space<hbm>>
      %dma_wait3A_48 = tpu.memref_squeeze %dma_wait3A_47 : memref<1x10240x128xf32, #tpu.memory_space<hbm>> -> memref<10240x128xf32, #tpu.memory_space<hbm>>
      %dma_wait3A_49 = arith.constant 0 : i32
      %dma_wait3A_50 = tpu.memref_slice %dma_wait3A_48[%mul3A_37, %dma_wait3A_49] : memref<10240x128xf32, #tpu.memory_space<hbm>> -> memref<640x128xf32, #tpu.memory_space<hbm>>
      %dma_wait3A_51 = arith.constant 0 : i32
      %dma_wait3A_52 = tpu.memref_slice %arg10[%mul3A_35, %dma_wait3A_51] : memref<10240x128xf32, #tpu.memory_space<vmem_shared>> -> memref<640x128xf32, #tpu.memory_space<vmem_shared>>
      tpu.wait_dma2 semaphore(%run_scoped3A_38 : memref<!tpu.dma_semaphore, #tpu.memory_space<semaphore_mem>>) src(%dma_wait3A_52 : memref<640x128xf32, #tpu.memory_space<vmem_shared>>) dst(%dma_wait3A_50 : memref<640x128xf32, #tpu.memory_space<hbm>>)
      tpu.yield
    }) : () -> ()
    return
  }
}

#map = affine_map<(d0, d1) -> (0, 0)>
#map1 = affine_map<(d0, d1) -> (0, 0, 0, 0, 0)>
#map2 = affine_map<(d0, d1) -> (0, 0, 0)>
module attributes {stable_mosaic.version = 14 : i64} {
  func.func @_sc_agg_body(%arg0: i32, %arg1: i32, %arg2: memref<10000x128xf32, #tpu.memory_space<hbm>>, %arg3: memref<2x16x4x8x320xi32, #tpu.memory_space<hbm>>, %arg4: memref<2x16x4x8x320xi32, #tpu.memory_space<hbm>>, %arg5: memref<10240x128xf32, #tpu.memory_space<hbm>>, %arg6: memref<2x10240x128xf32, #tpu.memory_space<hbm>>, %arg7: memref<8x320xi32, #tpu.memory_space<vmem>>, %arg8: memref<8x320xi32, #tpu.memory_space<vmem>>, %arg9: memref<320x128xf32, #tpu.memory_space<vmem>>, %arg10: memref<10240x128xf32, #tpu.memory_space<vmem_shared>>, %arg11: memref<!tpu.dma_semaphore, #tpu.memory_space<semaphore_mem>>) attributes {dimension_semantics = [#tpu.dimension_semantics<core_parallel>, #tpu.dimension_semantics<subcore_parallel>], iteration_bounds = array<i64: 2, 16>, scalar_prefetch = 0 : i64, scratch_operands = 5 : i64, tpu.core_type = #tpu.core_type<sc_vector_subcore>, window_params = [{transform_indices = #map}, {transform_indices = #map1}, {transform_indices = #map1}, {transform_indices = #map}, {transform_indices = #map2}]} {
    %mul3A = arith.constant 640 : i32
    %mul3A_0 = arith.muli %arg1, %mul3A : i32
    %mul3A_1 = arith.constant 640 : i32
    %mul3A_2 = arith.muli %arg1, %mul3A_1 : i32
    "tpu.region"() ({
      %run_scoped3A_38 = tpu.sem_alloc : memref<!tpu.dma_semaphore, #tpu.memory_space<semaphore_mem>>
      %dma_start3A = arith.constant 0 : i32
      %dma_start3A_39 = tpu.memref_slice %arg10[%mul3A_2, %dma_start3A] : memref<10240x128xf32, #tpu.memory_space<vmem_shared>> -> memref<640x128xf32, #tpu.memory_space<vmem_shared>>
      %dma_start3A_40 = arith.constant 0 : i32
      %dma_start3A_41 = tpu.memref_slice %arg5[%mul3A_0, %dma_start3A_40] : memref<10240x128xf32, #tpu.memory_space<hbm>> -> memref<640x128xf32, #tpu.memory_space<hbm>>
      tpu.enqueue_dma source(%dma_start3A_41 : memref<640x128xf32, #tpu.memory_space<hbm>>) target(%dma_start3A_39 : memref<640x128xf32, #tpu.memory_space<vmem_shared>>) target_semaphore(%run_scoped3A_38 : memref<!tpu.dma_semaphore, #tpu.memory_space<semaphore_mem>>)
      %dma_wait3A = arith.constant 0 : i32
      %dma_wait3A_42 = tpu.memref_slice %arg10[%mul3A_2, %dma_wait3A] : memref<10240x128xf32, #tpu.memory_space<vmem_shared>> -> memref<640x128xf32, #tpu.memory_space<vmem_shared>>
      %dma_wait3A_43 = arith.constant 0 : i32
      %dma_wait3A_44 = tpu.memref_slice %arg5[%mul3A_0, %dma_wait3A_43] : memref<10240x128xf32, #tpu.memory_space<hbm>> -> memref<640x128xf32, #tpu.memory_space<hbm>>
      tpu.wait_dma2 semaphore(%run_scoped3A_38 : memref<!tpu.dma_semaphore, #tpu.memory_space<semaphore_mem>>) src(%dma_wait3A_44 : memref<640x128xf32, #tpu.memory_space<hbm>>) dst(%dma_wait3A_42 : memref<640x128xf32, #tpu.memory_space<vmem_shared>>)
      tpu.yield
    }) : () -> ()
    %barrier3A = arith.constant 0 : index
    tpu.barrier barrier_id(%barrier3A)
    %run_scoped3A = arith.constant 0 : i32
    "tpu.region"() ({
      %run_scoped3A_38 = tpu.sem_alloc : memref<!tpu.dma_semaphore, #tpu.memory_space<semaphore_mem>>
      %dma_start3A = arith.constant 0 : i32
      %dma_start3A_39 = arith.constant 0 : i32
      %dma_start3A_40 = arith.constant 0 : i32
      %dma_start3A_41 = arith.constant 0 : i32
      %dma_start3A_42 = tpu.memref_slice %arg3[%arg0, %dma_start3A, %dma_start3A_39, %dma_start3A_40, %dma_start3A_41] : memref<2x16x4x8x320xi32, #tpu.memory_space<hbm>> -> memref<1x16x4x8x320xi32, #tpu.memory_space<hbm>>
      %dma_start3A_43 = tpu.memref_squeeze %dma_start3A_42 : memref<1x16x4x8x320xi32, #tpu.memory_space<hbm>> -> memref<16x4x8x320xi32, #tpu.memory_space<hbm>>
      %dma_start3A_44 = arith.constant 0 : i32
      %dma_start3A_45 = arith.constant 0 : i32
      %dma_start3A_46 = arith.constant 0 : i32
      %dma_start3A_47 = tpu.memref_slice %dma_start3A_43[%arg1, %dma_start3A_44, %dma_start3A_45, %dma_start3A_46] : memref<16x4x8x320xi32, #tpu.memory_space<hbm>> -> memref<1x4x8x320xi32, #tpu.memory_space<hbm>>
      %dma_start3A_48 = tpu.memref_squeeze %dma_start3A_47 : memref<1x4x8x320xi32, #tpu.memory_space<hbm>> -> memref<4x8x320xi32, #tpu.memory_space<hbm>>
      %dma_start3A_49 = arith.constant 0 : i32
      %dma_start3A_50 = arith.constant 0 : i32
      %dma_start3A_51 = tpu.memref_slice %dma_start3A_48[%run_scoped3A, %dma_start3A_49, %dma_start3A_50] : memref<4x8x320xi32, #tpu.memory_space<hbm>> -> memref<1x8x320xi32, #tpu.memory_space<hbm>>
      %dma_start3A_52 = tpu.memref_squeeze %dma_start3A_51 : memref<1x8x320xi32, #tpu.memory_space<hbm>> -> memref<8x320xi32, #tpu.memory_space<hbm>>
      %dma_start3A_53 = arith.constant 0 : i32
      %dma_start3A_54 = arith.constant 0 : i32
      %dma_start3A_55 = arith.constant 0 : i32
      %dma_start3A_56 = arith.constant 0 : i32
      %dma_start3A_57 = tpu.memref_slice %arg3[%arg0, %dma_start3A_53, %dma_start3A_54, %dma_start3A_55, %dma_start3A_56] : memref<2x16x4x8x320xi32, #tpu.memory_space<hbm>> -> memref<1x16x4x8x320xi32, #tpu.memory_space<hbm>>
      %dma_start3A_58 = tpu.memref_squeeze %dma_start3A_57 : memref<1x16x4x8x320xi32, #tpu.memory_space<hbm>> -> memref<16x4x8x320xi32, #tpu.memory_space<hbm>>
      %dma_start3A_59 = arith.constant 0 : i32
      %dma_start3A_60 = arith.constant 0 : i32
      %dma_start3A_61 = arith.constant 0 : i32
      %dma_start3A_62 = tpu.memref_slice %dma_start3A_58[%arg1, %dma_start3A_59, %dma_start3A_60, %dma_start3A_61] : memref<16x4x8x320xi32, #tpu.memory_space<hbm>> -> memref<1x4x8x320xi32, #tpu.memory_space<hbm>>
      %dma_start3A_63 = tpu.memref_squeeze %dma_start3A_62 : memref<1x4x8x320xi32, #tpu.memory_space<hbm>> -> memref<4x8x320xi32, #tpu.memory_space<hbm>>
      %dma_start3A_64 = arith.constant 0 : i32
      %dma_start3A_65 = arith.constant 0 : i32
      %dma_start3A_66 = tpu.memref_slice %dma_start3A_63[%run_scoped3A, %dma_start3A_64, %dma_start3A_65] : memref<4x8x320xi32, #tpu.memory_space<hbm>> -> memref<1x8x320xi32, #tpu.memory_space<hbm>>
      %dma_start3A_67 = tpu.memref_squeeze %dma_start3A_66 : memref<1x8x320xi32, #tpu.memory_space<hbm>> -> memref<8x320xi32, #tpu.memory_space<hbm>>
      tpu.enqueue_dma source(%dma_start3A_67 : memref<8x320xi32, #tpu.memory_space<hbm>>) target(%arg7 : memref<8x320xi32, #tpu.memory_space<vmem>>) target_semaphore(%run_scoped3A_38 : memref<!tpu.dma_semaphore, #tpu.memory_space<semaphore_mem>>)
      %dma_wait3A = arith.constant 0 : i32
      %dma_wait3A_68 = arith.constant 0 : i32
      %dma_wait3A_69 = arith.constant 0 : i32
      %dma_wait3A_70 = arith.constant 0 : i32
      %dma_wait3A_71 = tpu.memref_slice %arg3[%arg0, %dma_wait3A, %dma_wait3A_68, %dma_wait3A_69, %dma_wait3A_70] : memref<2x16x4x8x320xi32, #tpu.memory_space<hbm>> -> memref<1x16x4x8x320xi32, #tpu.memory_space<hbm>>
      %dma_wait3A_72 = tpu.memref_squeeze %dma_wait3A_71 : memref<1x16x4x8x320xi32, #tpu.memory_space<hbm>> -> memref<16x4x8x320xi32, #tpu.memory_space<hbm>>
      %dma_wait3A_73 = arith.constant 0 : i32
      %dma_wait3A_74 = arith.constant 0 : i32
      %dma_wait3A_75 = arith.constant 0 : i32
      %dma_wait3A_76 = tpu.memref_slice %dma_wait3A_72[%arg1, %dma_wait3A_73, %dma_wait3A_74, %dma_wait3A_75] : memref<16x4x8x320xi32, #tpu.memory_space<hbm>> -> memref<1x4x8x320xi32, #tpu.memory_space<hbm>>
      %dma_wait3A_77 = tpu.memref_squeeze %dma_wait3A_76 : memref<1x4x8x320xi32, #tpu.memory_space<hbm>> -> memref<4x8x320xi32, #tpu.memory_space<hbm>>
      %dma_wait3A_78 = arith.constant 0 : i32
      %dma_wait3A_79 = arith.constant 0 : i32
      %dma_wait3A_80 = tpu.memref_slice %dma_wait3A_77[%run_scoped3A, %dma_wait3A_78, %dma_wait3A_79] : memref<4x8x320xi32, #tpu.memory_space<hbm>> -> memref<1x8x320xi32, #tpu.memory_space<hbm>>
      %dma_wait3A_81 = tpu.memref_squeeze %dma_wait3A_80 : memref<1x8x320xi32, #tpu.memory_space<hbm>> -> memref<8x320xi32, #tpu.memory_space<hbm>>
      %dma_wait3A_82 = arith.constant 0 : i32
      %dma_wait3A_83 = arith.constant 0 : i32
      %dma_wait3A_84 = arith.constant 0 : i32
      %dma_wait3A_85 = arith.constant 0 : i32
      %dma_wait3A_86 = tpu.memref_slice %arg3[%arg0, %dma_wait3A_82, %dma_wait3A_83, %dma_wait3A_84, %dma_wait3A_85] : memref<2x16x4x8x320xi32, #tpu.memory_space<hbm>> -> memref<1x16x4x8x320xi32, #tpu.memory_space<hbm>>
      %dma_wait3A_87 = tpu.memref_squeeze %dma_wait3A_86 : memref<1x16x4x8x320xi32, #tpu.memory_space<hbm>> -> memref<16x4x8x320xi32, #tpu.memory_space<hbm>>
      %dma_wait3A_88 = arith.constant 0 : i32
      %dma_wait3A_89 = arith.constant 0 : i32
      %dma_wait3A_90 = arith.constant 0 : i32
      %dma_wait3A_91 = tpu.memref_slice %dma_wait3A_87[%arg1, %dma_wait3A_88, %dma_wait3A_89, %dma_wait3A_90] : memref<16x4x8x320xi32, #tpu.memory_space<hbm>> -> memref<1x4x8x320xi32, #tpu.memory_space<hbm>>
      %dma_wait3A_92 = tpu.memref_squeeze %dma_wait3A_91 : memref<1x4x8x320xi32, #tpu.memory_space<hbm>> -> memref<4x8x320xi32, #tpu.memory_space<hbm>>
      %dma_wait3A_93 = arith.constant 0 : i32
      %dma_wait3A_94 = arith.constant 0 : i32
      %dma_wait3A_95 = tpu.memref_slice %dma_wait3A_92[%run_scoped3A, %dma_wait3A_93, %dma_wait3A_94] : memref<4x8x320xi32, #tpu.memory_space<hbm>> -> memref<1x8x320xi32, #tpu.memory_space<hbm>>
      %dma_wait3A_96 = tpu.memref_squeeze %dma_wait3A_95 : memref<1x8x320xi32, #tpu.memory_space<hbm>> -> memref<8x320xi32, #tpu.memory_space<hbm>>
      tpu.wait_dma2 semaphore(%run_scoped3A_38 : memref<!tpu.dma_semaphore, #tpu.memory_space<semaphore_mem>>) src(%dma_wait3A_96 : memref<8x320xi32, #tpu.memory_space<hbm>>) dst(%arg7 : memref<8x320xi32, #tpu.memory_space<vmem>>)
      tpu.yield
    }) : () -> ()
    %run_scoped3A_3 = arith.constant 0 : i32
    "tpu.region"() ({
      %run_scoped3A_38 = tpu.sem_alloc : memref<!tpu.dma_semaphore, #tpu.memory_space<semaphore_mem>>
      %dma_start3A = arith.constant 0 : i32
      %dma_start3A_39 = arith.constant 0 : i32
      %dma_start3A_40 = arith.constant 0 : i32
      %dma_start3A_41 = arith.constant 0 : i32
      %dma_start3A_42 = tpu.memref_slice %arg4[%arg0, %dma_start3A, %dma_start3A_39, %dma_start3A_40, %dma_start3A_41] : memref<2x16x4x8x320xi32, #tpu.memory_space<hbm>> -> memref<1x16x4x8x320xi32, #tpu.memory_space<hbm>>
      %dma_start3A_43 = tpu.memref_squeeze %dma_start3A_42 : memref<1x16x4x8x320xi32, #tpu.memory_space<hbm>> -> memref<16x4x8x320xi32, #tpu.memory_space<hbm>>
      %dma_start3A_44 = arith.constant 0 : i32
      %dma_start3A_45 = arith.constant 0 : i32
      %dma_start3A_46 = arith.constant 0 : i32
      %dma_start3A_47 = tpu.memref_slice %dma_start3A_43[%arg1, %dma_start3A_44, %dma_start3A_45, %dma_start3A_46] : memref<16x4x8x320xi32, #tpu.memory_space<hbm>> -> memref<1x4x8x320xi32, #tpu.memory_space<hbm>>
      %dma_start3A_48 = tpu.memref_squeeze %dma_start3A_47 : memref<1x4x8x320xi32, #tpu.memory_space<hbm>> -> memref<4x8x320xi32, #tpu.memory_space<hbm>>
      %dma_start3A_49 = arith.constant 0 : i32
      %dma_start3A_50 = arith.constant 0 : i32
      %dma_start3A_51 = tpu.memref_slice %dma_start3A_48[%run_scoped3A_3, %dma_start3A_49, %dma_start3A_50] : memref<4x8x320xi32, #tpu.memory_space<hbm>> -> memref<1x8x320xi32, #tpu.memory_space<hbm>>
      %dma_start3A_52 = tpu.memref_squeeze %dma_start3A_51 : memref<1x8x320xi32, #tpu.memory_space<hbm>> -> memref<8x320xi32, #tpu.memory_space<hbm>>
      %dma_start3A_53 = arith.constant 0 : i32
      %dma_start3A_54 = arith.constant 0 : i32
      %dma_start3A_55 = arith.constant 0 : i32
      %dma_start3A_56 = arith.constant 0 : i32
      %dma_start3A_57 = tpu.memref_slice %arg4[%arg0, %dma_start3A_53, %dma_start3A_54, %dma_start3A_55, %dma_start3A_56] : memref<2x16x4x8x320xi32, #tpu.memory_space<hbm>> -> memref<1x16x4x8x320xi32, #tpu.memory_space<hbm>>
      %dma_start3A_58 = tpu.memref_squeeze %dma_start3A_57 : memref<1x16x4x8x320xi32, #tpu.memory_space<hbm>> -> memref<16x4x8x320xi32, #tpu.memory_space<hbm>>
      %dma_start3A_59 = arith.constant 0 : i32
      %dma_start3A_60 = arith.constant 0 : i32
      %dma_start3A_61 = arith.constant 0 : i32
      %dma_start3A_62 = tpu.memref_slice %dma_start3A_58[%arg1, %dma_start3A_59, %dma_start3A_60, %dma_start3A_61] : memref<16x4x8x320xi32, #tpu.memory_space<hbm>> -> memref<1x4x8x320xi32, #tpu.memory_space<hbm>>
      %dma_start3A_63 = tpu.memref_squeeze %dma_start3A_62 : memref<1x4x8x320xi32, #tpu.memory_space<hbm>> -> memref<4x8x320xi32, #tpu.memory_space<hbm>>
      %dma_start3A_64 = arith.constant 0 : i32
      %dma_start3A_65 = arith.constant 0 : i32
      %dma_start3A_66 = tpu.memref_slice %dma_start3A_63[%run_scoped3A_3, %dma_start3A_64, %dma_start3A_65] : memref<4x8x320xi32, #tpu.memory_space<hbm>> -> memref<1x8x320xi32, #tpu.memory_space<hbm>>
      %dma_start3A_67 = tpu.memref_squeeze %dma_start3A_66 : memref<1x8x320xi32, #tpu.memory_space<hbm>> -> memref<8x320xi32, #tpu.memory_space<hbm>>
      tpu.enqueue_dma source(%dma_start3A_67 : memref<8x320xi32, #tpu.memory_space<hbm>>) target(%arg8 : memref<8x320xi32, #tpu.memory_space<vmem>>) target_semaphore(%run_scoped3A_38 : memref<!tpu.dma_semaphore, #tpu.memory_space<semaphore_mem>>)
      %dma_wait3A = arith.constant 0 : i32
      %dma_wait3A_68 = arith.constant 0 : i32
      %dma_wait3A_69 = arith.constant 0 : i32
      %dma_wait3A_70 = arith.constant 0 : i32
      %dma_wait3A_71 = tpu.memref_slice %arg4[%arg0, %dma_wait3A, %dma_wait3A_68, %dma_wait3A_69, %dma_wait3A_70] : memref<2x16x4x8x320xi32, #tpu.memory_space<hbm>> -> memref<1x16x4x8x320xi32, #tpu.memory_space<hbm>>
      %dma_wait3A_72 = tpu.memref_squeeze %dma_wait3A_71 : memref<1x16x4x8x320xi32, #tpu.memory_space<hbm>> -> memref<16x4x8x320xi32, #tpu.memory_space<hbm>>
      %dma_wait3A_73 = arith.constant 0 : i32
      %dma_wait3A_74 = arith.constant 0 : i32
      %dma_wait3A_75 = arith.constant 0 : i32
      %dma_wait3A_76 = tpu.memref_slice %dma_wait3A_72[%arg1, %dma_wait3A_73, %dma_wait3A_74, %dma_wait3A_75] : memref<16x4x8x320xi32, #tpu.memory_space<hbm>> -> memref<1x4x8x320xi32, #tpu.memory_space<hbm>>
      %dma_wait3A_77 = tpu.memref_squeeze %dma_wait3A_76 : memref<1x4x8x320xi32, #tpu.memory_space<hbm>> -> memref<4x8x320xi32, #tpu.memory_space<hbm>>
      %dma_wait3A_78 = arith.constant 0 : i32
      %dma_wait3A_79 = arith.constant 0 : i32
      %dma_wait3A_80 = tpu.memref_slice %dma_wait3A_77[%run_scoped3A_3, %dma_wait3A_78, %dma_wait3A_79] : memref<4x8x320xi32, #tpu.memory_space<hbm>> -> memref<1x8x320xi32, #tpu.memory_space<hbm>>
      %dma_wait3A_81 = tpu.memref_squeeze %dma_wait3A_80 : memref<1x8x320xi32, #tpu.memory_space<hbm>> -> memref<8x320xi32, #tpu.memory_space<hbm>>
      %dma_wait3A_82 = arith.constant 0 : i32
      %dma_wait3A_83 = arith.constant 0 : i32
      %dma_wait3A_84 = arith.constant 0 : i32
      %dma_wait3A_85 = arith.constant 0 : i32
      %dma_wait3A_86 = tpu.memref_slice %arg4[%arg0, %dma_wait3A_82, %dma_wait3A_83, %dma_wait3A_84, %dma_wait3A_85] : memref<2x16x4x8x320xi32, #tpu.memory_space<hbm>> -> memref<1x16x4x8x320xi32, #tpu.memory_space<hbm>>
      %dma_wait3A_87 = tpu.memref_squeeze %dma_wait3A_86 : memref<1x16x4x8x320xi32, #tpu.memory_space<hbm>> -> memref<16x4x8x320xi32, #tpu.memory_space<hbm>>
      %dma_wait3A_88 = arith.constant 0 : i32
      %dma_wait3A_89 = arith.constant 0 : i32
      %dma_wait3A_90 = arith.constant 0 : i32
      %dma_wait3A_91 = tpu.memref_slice %dma_wait3A_87[%arg1, %dma_wait3A_88, %dma_wait3A_89, %dma_wait3A_90] : memref<16x4x8x320xi32, #tpu.memory_space<hbm>> -> memref<1x4x8x320xi32, #tpu.memory_space<hbm>>
      %dma_wait3A_92 = tpu.memref_squeeze %dma_wait3A_91 : memref<1x4x8x320xi32, #tpu.memory_space<hbm>> -> memref<4x8x320xi32, #tpu.memory_space<hbm>>
      %dma_wait3A_93 = arith.constant 0 : i32
      %dma_wait3A_94 = arith.constant 0 : i32
      %dma_wait3A_95 = tpu.memref_slice %dma_wait3A_92[%run_scoped3A_3, %dma_wait3A_93, %dma_wait3A_94] : memref<4x8x320xi32, #tpu.memory_space<hbm>> -> memref<1x8x320xi32, #tpu.memory_space<hbm>>
      %dma_wait3A_96 = tpu.memref_squeeze %dma_wait3A_95 : memref<1x8x320xi32, #tpu.memory_space<hbm>> -> memref<8x320xi32, #tpu.memory_space<hbm>>
      tpu.wait_dma2 semaphore(%run_scoped3A_38 : memref<!tpu.dma_semaphore, #tpu.memory_space<semaphore_mem>>) src(%dma_wait3A_96 : memref<8x320xi32, #tpu.memory_space<hbm>>) dst(%arg8 : memref<8x320xi32, #tpu.memory_space<vmem>>)
      tpu.yield
    }) : () -> ()
    %scan3A = arith.constant 0 : i32
    %scan3A_4 = arith.constant 0 : i32
    %scan3A_5 = arith.constant 8 : i32
    %scan3A_6 = arith.addi %scan3A_4, %scan3A_5 : i32
    %scan3A_7 = arith.constant 1 : i32
    scf.for %scan3A_38 = %scan3A_4 to %scan3A_6 step %scan3A_7  : i32 {
      %dma_start3A = arith.constant 0 : i32
      %dma_start3A_39 = tpu.memref_slice %arg7[%scan3A_38, %dma_start3A] : memref<8x320xi32, #tpu.memory_space<vmem>> -> memref<1x320xi32, #tpu.memory_space<vmem>>
      %dma_start3A_40 = tpu.memref_squeeze %dma_start3A_39 : memref<1x320xi32, #tpu.memory_space<vmem>> -> memref<320xi32, #tpu.memory_space<vmem>>
      %dma_start3A_41 = arith.constant 0 : i32
      %dma_start3A_42 = arith.constant 0 : i32
      %dma_start3A_43 = tpu.memref_slice %arg2[%dma_start3A_41, %dma_start3A_42] : memref<10000x128xf32, #tpu.memory_space<hbm>> -> memref<10000x128xf32, #tpu.memory_space<hbm>>
      tpu.enqueue_indirect_dma source(%dma_start3A_43 : memref<10000x128xf32, #tpu.memory_space<hbm>>) target(%arg9 : memref<320x128xf32, #tpu.memory_space<vmem>>) offsets(%dma_start3A_40 : memref<320xi32, #tpu.memory_space<vmem>>) semaphore(%arg11 : memref<!tpu.dma_semaphore, #tpu.memory_space<semaphore_mem>>)
      %dma_wait3A = arith.constant 0 : i32
      %dma_wait3A_44 = tpu.memref_slice %arg7[%scan3A_38, %dma_wait3A] : memref<8x320xi32, #tpu.memory_space<vmem>> -> memref<1x320xi32, #tpu.memory_space<vmem>>
      %dma_wait3A_45 = tpu.memref_squeeze %dma_wait3A_44 : memref<1x320xi32, #tpu.memory_space<vmem>> -> memref<320xi32, #tpu.memory_space<vmem>>
      %dma_wait3A_46 = arith.constant 0 : i32
      %dma_wait3A_47 = arith.constant 0 : i32
      %dma_wait3A_48 = tpu.memref_slice %arg2[%dma_wait3A_46, %dma_wait3A_47] : memref<10000x128xf32, #tpu.memory_space<hbm>> -> memref<10000x128xf32, #tpu.memory_space<hbm>>
      tpu.wait_indirect_dma semaphore(%arg11 : memref<!tpu.dma_semaphore, #tpu.memory_space<semaphore_mem>>) src(%dma_wait3A_48 : memref<10000x128xf32, #tpu.memory_space<hbm>>) dst(%arg9 : memref<320x128xf32, #tpu.memory_space<vmem>>)
      "tpu.region"() ({
        %run_scoped3A_49 = tpu.sem_alloc : memref<!tpu.dma_semaphore, #tpu.memory_space<semaphore_mem>>
        %dma_start3A_50 = arith.constant 0 : i32
        %dma_start3A_51 = tpu.memref_slice %arg8[%scan3A_38, %dma_start3A_50] : memref<8x320xi32, #tpu.memory_space<vmem>> -> memref<1x320xi32, #tpu.memory_space<vmem>>
        %dma_start3A_52 = tpu.memref_squeeze %dma_start3A_51 : memref<1x320xi32, #tpu.memory_space<vmem>> -> memref<320xi32, #tpu.memory_space<vmem>>
        %dma_start3A_53 = arith.constant 0 : i32
        %dma_start3A_54 = arith.constant 0 : i32
        %dma_start3A_55 = tpu.memref_slice %arg10[%dma_start3A_53, %dma_start3A_54] : memref<10240x128xf32, #tpu.memory_space<vmem_shared>> -> memref<10240x128xf32, #tpu.memory_space<vmem_shared>>
        tpu.enqueue_indirect_dma source(%arg9 : memref<320x128xf32, #tpu.memory_space<vmem>>) target(%dma_start3A_55 : memref<10240x128xf32, #tpu.memory_space<vmem_shared>>) offsets(%dma_start3A_52 : memref<320xi32, #tpu.memory_space<vmem>>) semaphore(%run_scoped3A_49 : memref<!tpu.dma_semaphore, #tpu.memory_space<semaphore_mem>>) {add = true}
        %dma_wait3A_56 = arith.constant 0 : i32
        %dma_wait3A_57 = tpu.memref_slice %arg8[%scan3A_38, %dma_wait3A_56] : memref<8x320xi32, #tpu.memory_space<vmem>> -> memref<1x320xi32, #tpu.memory_space<vmem>>
        %dma_wait3A_58 = tpu.memref_squeeze %dma_wait3A_57 : memref<1x320xi32, #tpu.memory_space<vmem>> -> memref<320xi32, #tpu.memory_space<vmem>>
        %dma_wait3A_59 = arith.constant 0 : i32
        %dma_wait3A_60 = arith.constant 0 : i32
        %dma_wait3A_61 = tpu.memref_slice %arg10[%dma_wait3A_59, %dma_wait3A_60] : memref<10240x128xf32, #tpu.memory_space<vmem_shared>> -> memref<10240x128xf32, #tpu.memory_space<vmem_shared>>
        tpu.wait_indirect_dma semaphore(%run_scoped3A_49 : memref<!tpu.dma_semaphore, #tpu.memory_space<semaphore_mem>>) src(%arg9 : memref<320x128xf32, #tpu.memory_space<vmem>>) dst(%dma_wait3A_61 : memref<10240x128xf32, #tpu.memory_space<vmem_shared>>)
        tpu.yield
      }) : () -> ()
    }
    %scan3A_8 = arith.constant 8 : i32
    %run_scoped3A_9 = arith.constant 1 : i32
    "tpu.region"() ({
      %run_scoped3A_38 = tpu.sem_alloc : memref<!tpu.dma_semaphore, #tpu.memory_space<semaphore_mem>>
      %dma_start3A = arith.constant 0 : i32
      %dma_start3A_39 = arith.constant 0 : i32
      %dma_start3A_40 = arith.constant 0 : i32
      %dma_start3A_41 = arith.constant 0 : i32
      %dma_start3A_42 = tpu.memref_slice %arg3[%arg0, %dma_start3A, %dma_start3A_39, %dma_start3A_40, %dma_start3A_41] : memref<2x16x4x8x320xi32, #tpu.memory_space<hbm>> -> memref<1x16x4x8x320xi32, #tpu.memory_space<hbm>>
      %dma_start3A_43 = tpu.memref_squeeze %dma_start3A_42 : memref<1x16x4x8x320xi32, #tpu.memory_space<hbm>> -> memref<16x4x8x320xi32, #tpu.memory_space<hbm>>
      %dma_start3A_44 = arith.constant 0 : i32
      %dma_start3A_45 = arith.constant 0 : i32
      %dma_start3A_46 = arith.constant 0 : i32
      %dma_start3A_47 = tpu.memref_slice %dma_start3A_43[%arg1, %dma_start3A_44, %dma_start3A_45, %dma_start3A_46] : memref<16x4x8x320xi32, #tpu.memory_space<hbm>> -> memref<1x4x8x320xi32, #tpu.memory_space<hbm>>
      %dma_start3A_48 = tpu.memref_squeeze %dma_start3A_47 : memref<1x4x8x320xi32, #tpu.memory_space<hbm>> -> memref<4x8x320xi32, #tpu.memory_space<hbm>>
      %dma_start3A_49 = arith.constant 0 : i32
      %dma_start3A_50 = arith.constant 0 : i32
      %dma_start3A_51 = tpu.memref_slice %dma_start3A_48[%run_scoped3A_9, %dma_start3A_49, %dma_start3A_50] : memref<4x8x320xi32, #tpu.memory_space<hbm>> -> memref<1x8x320xi32, #tpu.memory_space<hbm>>
      %dma_start3A_52 = tpu.memref_squeeze %dma_start3A_51 : memref<1x8x320xi32, #tpu.memory_space<hbm>> -> memref<8x320xi32, #tpu.memory_space<hbm>>
      %dma_start3A_53 = arith.constant 0 : i32
      %dma_start3A_54 = arith.constant 0 : i32
      %dma_start3A_55 = arith.constant 0 : i32
      %dma_start3A_56 = arith.constant 0 : i32
      %dma_start3A_57 = tpu.memref_slice %arg3[%arg0, %dma_start3A_53, %dma_start3A_54, %dma_start3A_55, %dma_start3A_56] : memref<2x16x4x8x320xi32, #tpu.memory_space<hbm>> -> memref<1x16x4x8x320xi32, #tpu.memory_space<hbm>>
      %dma_start3A_58 = tpu.memref_squeeze %dma_start3A_57 : memref<1x16x4x8x320xi32, #tpu.memory_space<hbm>> -> memref<16x4x8x320xi32, #tpu.memory_space<hbm>>
      %dma_start3A_59 = arith.constant 0 : i32
      %dma_start3A_60 = arith.constant 0 : i32
      %dma_start3A_61 = arith.constant 0 : i32
      %dma_start3A_62 = tpu.memref_slice %dma_start3A_58[%arg1, %dma_start3A_59, %dma_start3A_60, %dma_start3A_61] : memref<16x4x8x320xi32, #tpu.memory_space<hbm>> -> memref<1x4x8x320xi32, #tpu.memory_space<hbm>>
      %dma_start3A_63 = tpu.memref_squeeze %dma_start3A_62 : memref<1x4x8x320xi32, #tpu.memory_space<hbm>> -> memref<4x8x320xi32, #tpu.memory_space<hbm>>
      %dma_start3A_64 = arith.constant 0 : i32
      %dma_start3A_65 = arith.constant 0 : i32
      %dma_start3A_66 = tpu.memref_slice %dma_start3A_63[%run_scoped3A_9, %dma_start3A_64, %dma_start3A_65] : memref<4x8x320xi32, #tpu.memory_space<hbm>> -> memref<1x8x320xi32, #tpu.memory_space<hbm>>
      %dma_start3A_67 = tpu.memref_squeeze %dma_start3A_66 : memref<1x8x320xi32, #tpu.memory_space<hbm>> -> memref<8x320xi32, #tpu.memory_space<hbm>>
      tpu.enqueue_dma source(%dma_start3A_67 : memref<8x320xi32, #tpu.memory_space<hbm>>) target(%arg7 : memref<8x320xi32, #tpu.memory_space<vmem>>) target_semaphore(%run_scoped3A_38 : memref<!tpu.dma_semaphore, #tpu.memory_space<semaphore_mem>>)
      %dma_wait3A = arith.constant 0 : i32
      %dma_wait3A_68 = arith.constant 0 : i32
      %dma_wait3A_69 = arith.constant 0 : i32
      %dma_wait3A_70 = arith.constant 0 : i32
      %dma_wait3A_71 = tpu.memref_slice %arg3[%arg0, %dma_wait3A, %dma_wait3A_68, %dma_wait3A_69, %dma_wait3A_70] : memref<2x16x4x8x320xi32, #tpu.memory_space<hbm>> -> memref<1x16x4x8x320xi32, #tpu.memory_space<hbm>>
      %dma_wait3A_72 = tpu.memref_squeeze %dma_wait3A_71 : memref<1x16x4x8x320xi32, #tpu.memory_space<hbm>> -> memref<16x4x8x320xi32, #tpu.memory_space<hbm>>
      %dma_wait3A_73 = arith.constant 0 : i32
      %dma_wait3A_74 = arith.constant 0 : i32
      %dma_wait3A_75 = arith.constant 0 : i32
      %dma_wait3A_76 = tpu.memref_slice %dma_wait3A_72[%arg1, %dma_wait3A_73, %dma_wait3A_74, %dma_wait3A_75] : memref<16x4x8x320xi32, #tpu.memory_space<hbm>> -> memref<1x4x8x320xi32, #tpu.memory_space<hbm>>
      %dma_wait3A_77 = tpu.memref_squeeze %dma_wait3A_76 : memref<1x4x8x320xi32, #tpu.memory_space<hbm>> -> memref<4x8x320xi32, #tpu.memory_space<hbm>>
      %dma_wait3A_78 = arith.constant 0 : i32
      %dma_wait3A_79 = arith.constant 0 : i32
      %dma_wait3A_80 = tpu.memref_slice %dma_wait3A_77[%run_scoped3A_9, %dma_wait3A_78, %dma_wait3A_79] : memref<4x8x320xi32, #tpu.memory_space<hbm>> -> memref<1x8x320xi32, #tpu.memory_space<hbm>>
      %dma_wait3A_81 = tpu.memref_squeeze %dma_wait3A_80 : memref<1x8x320xi32, #tpu.memory_space<hbm>> -> memref<8x320xi32, #tpu.memory_space<hbm>>
      %dma_wait3A_82 = arith.constant 0 : i32
      %dma_wait3A_83 = arith.constant 0 : i32
      %dma_wait3A_84 = arith.constant 0 : i32
      %dma_wait3A_85 = arith.constant 0 : i32
      %dma_wait3A_86 = tpu.memref_slice %arg3[%arg0, %dma_wait3A_82, %dma_wait3A_83, %dma_wait3A_84, %dma_wait3A_85] : memref<2x16x4x8x320xi32, #tpu.memory_space<hbm>> -> memref<1x16x4x8x320xi32, #tpu.memory_space<hbm>>
      %dma_wait3A_87 = tpu.memref_squeeze %dma_wait3A_86 : memref<1x16x4x8x320xi32, #tpu.memory_space<hbm>> -> memref<16x4x8x320xi32, #tpu.memory_space<hbm>>
      %dma_wait3A_88 = arith.constant 0 : i32
      %dma_wait3A_89 = arith.constant 0 : i32
      %dma_wait3A_90 = arith.constant 0 : i32
      %dma_wait3A_91 = tpu.memref_slice %dma_wait3A_87[%arg1, %dma_wait3A_88, %dma_wait3A_89, %dma_wait3A_90] : memref<16x4x8x320xi32, #tpu.memory_space<hbm>> -> memref<1x4x8x320xi32, #tpu.memory_space<hbm>>
      %dma_wait3A_92 = tpu.memref_squeeze %dma_wait3A_91 : memref<1x4x8x320xi32, #tpu.memory_space<hbm>> -> memref<4x8x320xi32, #tpu.memory_space<hbm>>
      %dma_wait3A_93 = arith.constant 0 : i32
      %dma_wait3A_94 = arith.constant 0 : i32
      %dma_wait3A_95 = tpu.memref_slice %dma_wait3A_92[%run_scoped3A_9, %dma_wait3A_93, %dma_wait3A_94] : memref<4x8x320xi32, #tpu.memory_space<hbm>> -> memref<1x8x320xi32, #tpu.memory_space<hbm>>
      %dma_wait3A_96 = tpu.memref_squeeze %dma_wait3A_95 : memref<1x8x320xi32, #tpu.memory_space<hbm>> -> memref<8x320xi32, #tpu.memory_space<hbm>>
      tpu.wait_dma2 semaphore(%run_scoped3A_38 : memref<!tpu.dma_semaphore, #tpu.memory_space<semaphore_mem>>) src(%dma_wait3A_96 : memref<8x320xi32, #tpu.memory_space<hbm>>) dst(%arg7 : memref<8x320xi32, #tpu.memory_space<vmem>>)
      tpu.yield
    }) : () -> ()
    %run_scoped3A_10 = arith.constant 1 : i32
    "tpu.region"() ({
      %run_scoped3A_38 = tpu.sem_alloc : memref<!tpu.dma_semaphore, #tpu.memory_space<semaphore_mem>>
      %dma_start3A = arith.constant 0 : i32
      %dma_start3A_39 = arith.constant 0 : i32
      %dma_start3A_40 = arith.constant 0 : i32
      %dma_start3A_41 = arith.constant 0 : i32
      %dma_start3A_42 = tpu.memref_slice %arg4[%arg0, %dma_start3A, %dma_start3A_39, %dma_start3A_40, %dma_start3A_41] : memref<2x16x4x8x320xi32, #tpu.memory_space<hbm>> -> memref<1x16x4x8x320xi32, #tpu.memory_space<hbm>>
      %dma_start3A_43 = tpu.memref_squeeze %dma_start3A_42 : memref<1x16x4x8x320xi32, #tpu.memory_space<hbm>> -> memref<16x4x8x320xi32, #tpu.memory_space<hbm>>
      %dma_start3A_44 = arith.constant 0 : i32
      %dma_start3A_45 = arith.constant 0 : i32
      %dma_start3A_46 = arith.constant 0 : i32
      %dma_start3A_47 = tpu.memref_slice %dma_start3A_43[%arg1, %dma_start3A_44, %dma_start3A_45, %dma_start3A_46] : memref<16x4x8x320xi32, #tpu.memory_space<hbm>> -> memref<1x4x8x320xi32, #tpu.memory_space<hbm>>
      %dma_start3A_48 = tpu.memref_squeeze %dma_start3A_47 : memref<1x4x8x320xi32, #tpu.memory_space<hbm>> -> memref<4x8x320xi32, #tpu.memory_space<hbm>>
      %dma_start3A_49 = arith.constant 0 : i32
      %dma_start3A_50 = arith.constant 0 : i32
      %dma_start3A_51 = tpu.memref_slice %dma_start3A_48[%run_scoped3A_10, %dma_start3A_49, %dma_start3A_50] : memref<4x8x320xi32, #tpu.memory_space<hbm>> -> memref<1x8x320xi32, #tpu.memory_space<hbm>>
      %dma_start3A_52 = tpu.memref_squeeze %dma_start3A_51 : memref<1x8x320xi32, #tpu.memory_space<hbm>> -> memref<8x320xi32, #tpu.memory_space<hbm>>
      %dma_start3A_53 = arith.constant 0 : i32
      %dma_start3A_54 = arith.constant 0 : i32
      %dma_start3A_55 = arith.constant 0 : i32
      %dma_start3A_56 = arith.constant 0 : i32
      %dma_start3A_57 = tpu.memref_slice %arg4[%arg0, %dma_start3A_53, %dma_start3A_54, %dma_start3A_55, %dma_start3A_56] : memref<2x16x4x8x320xi32, #tpu.memory_space<hbm>> -> memref<1x16x4x8x320xi32, #tpu.memory_space<hbm>>
      %dma_start3A_58 = tpu.memref_squeeze %dma_start3A_57 : memref<1x16x4x8x320xi32, #tpu.memory_space<hbm>> -> memref<16x4x8x320xi32, #tpu.memory_space<hbm>>
      %dma_start3A_59 = arith.constant 0 : i32
      %dma_start3A_60 = arith.constant 0 : i32
      %dma_start3A_61 = arith.constant 0 : i32
      %dma_start3A_62 = tpu.memref_slice %dma_start3A_58[%arg1, %dma_start3A_59, %dma_start3A_60, %dma_start3A_61] : memref<16x4x8x320xi32, #tpu.memory_space<hbm>> -> memref<1x4x8x320xi32, #tpu.memory_space<hbm>>
      %dma_start3A_63 = tpu.memref_squeeze %dma_start3A_62 : memref<1x4x8x320xi32, #tpu.memory_space<hbm>> -> memref<4x8x320xi32, #tpu.memory_space<hbm>>
      %dma_start3A_64 = arith.constant 0 : i32
      %dma_start3A_65 = arith.constant 0 : i32
      %dma_start3A_66 = tpu.memref_slice %dma_start3A_63[%run_scoped3A_10, %dma_start3A_64, %dma_start3A_65] : memref<4x8x320xi32, #tpu.memory_space<hbm>> -> memref<1x8x320xi32, #tpu.memory_space<hbm>>
      %dma_start3A_67 = tpu.memref_squeeze %dma_start3A_66 : memref<1x8x320xi32, #tpu.memory_space<hbm>> -> memref<8x320xi32, #tpu.memory_space<hbm>>
      tpu.enqueue_dma source(%dma_start3A_67 : memref<8x320xi32, #tpu.memory_space<hbm>>) target(%arg8 : memref<8x320xi32, #tpu.memory_space<vmem>>) target_semaphore(%run_scoped3A_38 : memref<!tpu.dma_semaphore, #tpu.memory_space<semaphore_mem>>)
      %dma_wait3A = arith.constant 0 : i32
      %dma_wait3A_68 = arith.constant 0 : i32
      %dma_wait3A_69 = arith.constant 0 : i32
      %dma_wait3A_70 = arith.constant 0 : i32
      %dma_wait3A_71 = tpu.memref_slice %arg4[%arg0, %dma_wait3A, %dma_wait3A_68, %dma_wait3A_69, %dma_wait3A_70] : memref<2x16x4x8x320xi32, #tpu.memory_space<hbm>> -> memref<1x16x4x8x320xi32, #tpu.memory_space<hbm>>
      %dma_wait3A_72 = tpu.memref_squeeze %dma_wait3A_71 : memref<1x16x4x8x320xi32, #tpu.memory_space<hbm>> -> memref<16x4x8x320xi32, #tpu.memory_space<hbm>>
      %dma_wait3A_73 = arith.constant 0 : i32
      %dma_wait3A_74 = arith.constant 0 : i32
      %dma_wait3A_75 = arith.constant 0 : i32
      %dma_wait3A_76 = tpu.memref_slice %dma_wait3A_72[%arg1, %dma_wait3A_73, %dma_wait3A_74, %dma_wait3A_75] : memref<16x4x8x320xi32, #tpu.memory_space<hbm>> -> memref<1x4x8x320xi32, #tpu.memory_space<hbm>>
      %dma_wait3A_77 = tpu.memref_squeeze %dma_wait3A_76 : memref<1x4x8x320xi32, #tpu.memory_space<hbm>> -> memref<4x8x320xi32, #tpu.memory_space<hbm>>
      %dma_wait3A_78 = arith.constant 0 : i32
      %dma_wait3A_79 = arith.constant 0 : i32
      %dma_wait3A_80 = tpu.memref_slice %dma_wait3A_77[%run_scoped3A_10, %dma_wait3A_78, %dma_wait3A_79] : memref<4x8x320xi32, #tpu.memory_space<hbm>> -> memref<1x8x320xi32, #tpu.memory_space<hbm>>
      %dma_wait3A_81 = tpu.memref_squeeze %dma_wait3A_80 : memref<1x8x320xi32, #tpu.memory_space<hbm>> -> memref<8x320xi32, #tpu.memory_space<hbm>>
      %dma_wait3A_82 = arith.constant 0 : i32
      %dma_wait3A_83 = arith.constant 0 : i32
      %dma_wait3A_84 = arith.constant 0 : i32
      %dma_wait3A_85 = arith.constant 0 : i32
      %dma_wait3A_86 = tpu.memref_slice %arg4[%arg0, %dma_wait3A_82, %dma_wait3A_83, %dma_wait3A_84, %dma_wait3A_85] : memref<2x16x4x8x320xi32, #tpu.memory_space<hbm>> -> memref<1x16x4x8x320xi32, #tpu.memory_space<hbm>>
      %dma_wait3A_87 = tpu.memref_squeeze %dma_wait3A_86 : memref<1x16x4x8x320xi32, #tpu.memory_space<hbm>> -> memref<16x4x8x320xi32, #tpu.memory_space<hbm>>
      %dma_wait3A_88 = arith.constant 0 : i32
      %dma_wait3A_89 = arith.constant 0 : i32
      %dma_wait3A_90 = arith.constant 0 : i32
      %dma_wait3A_91 = tpu.memref_slice %dma_wait3A_87[%arg1, %dma_wait3A_88, %dma_wait3A_89, %dma_wait3A_90] : memref<16x4x8x320xi32, #tpu.memory_space<hbm>> -> memref<1x4x8x320xi32, #tpu.memory_space<hbm>>
      %dma_wait3A_92 = tpu.memref_squeeze %dma_wait3A_91 : memref<1x4x8x320xi32, #tpu.memory_space<hbm>> -> memref<4x8x320xi32, #tpu.memory_space<hbm>>
      %dma_wait3A_93 = arith.constant 0 : i32
      %dma_wait3A_94 = arith.constant 0 : i32
      %dma_wait3A_95 = tpu.memref_slice %dma_wait3A_92[%run_scoped3A_10, %dma_wait3A_93, %dma_wait3A_94] : memref<4x8x320xi32, #tpu.memory_space<hbm>> -> memref<1x8x320xi32, #tpu.memory_space<hbm>>
      %dma_wait3A_96 = tpu.memref_squeeze %dma_wait3A_95 : memref<1x8x320xi32, #tpu.memory_space<hbm>> -> memref<8x320xi32, #tpu.memory_space<hbm>>
      tpu.wait_dma2 semaphore(%run_scoped3A_38 : memref<!tpu.dma_semaphore, #tpu.memory_space<semaphore_mem>>) src(%dma_wait3A_96 : memref<8x320xi32, #tpu.memory_space<hbm>>) dst(%arg8 : memref<8x320xi32, #tpu.memory_space<vmem>>)
      tpu.yield
    }) : () -> ()
    %scan3A_11 = arith.constant 0 : i32
    %scan3A_12 = arith.constant 0 : i32
    %scan3A_13 = arith.constant 8 : i32
    %scan3A_14 = arith.addi %scan3A_12, %scan3A_13 : i32
    %scan3A_15 = arith.constant 1 : i32
    scf.for %scan3A_38 = %scan3A_12 to %scan3A_14 step %scan3A_15  : i32 {
      %dma_start3A = arith.constant 0 : i32
      %dma_start3A_39 = tpu.memref_slice %arg7[%scan3A_38, %dma_start3A] : memref<8x320xi32, #tpu.memory_space<vmem>> -> memref<1x320xi32, #tpu.memory_space<vmem>>
      %dma_start3A_40 = tpu.memref_squeeze %dma_start3A_39 : memref<1x320xi32, #tpu.memory_space<vmem>> -> memref<320xi32, #tpu.memory_space<vmem>>
      %dma_start3A_41 = arith.constant 0 : i32
      %dma_start3A_42 = arith.constant 0 : i32
      %dma_start3A_43 = tpu.memref_slice %arg2[%dma_start3A_41, %dma_start3A_42] : memref<10000x128xf32, #tpu.memory_space<hbm>> -> memref<10000x128xf32, #tpu.memory_space<hbm>>
      tpu.enqueue_indirect_dma source(%dma_start3A_43 : memref<10000x128xf32, #tpu.memory_space<hbm>>) target(%arg9 : memref<320x128xf32, #tpu.memory_space<vmem>>) offsets(%dma_start3A_40 : memref<320xi32, #tpu.memory_space<vmem>>) semaphore(%arg11 : memref<!tpu.dma_semaphore, #tpu.memory_space<semaphore_mem>>)
      %dma_wait3A = arith.constant 0 : i32
      %dma_wait3A_44 = tpu.memref_slice %arg7[%scan3A_38, %dma_wait3A] : memref<8x320xi32, #tpu.memory_space<vmem>> -> memref<1x320xi32, #tpu.memory_space<vmem>>
      %dma_wait3A_45 = tpu.memref_squeeze %dma_wait3A_44 : memref<1x320xi32, #tpu.memory_space<vmem>> -> memref<320xi32, #tpu.memory_space<vmem>>
      %dma_wait3A_46 = arith.constant 0 : i32
      %dma_wait3A_47 = arith.constant 0 : i32
      %dma_wait3A_48 = tpu.memref_slice %arg2[%dma_wait3A_46, %dma_wait3A_47] : memref<10000x128xf32, #tpu.memory_space<hbm>> -> memref<10000x128xf32, #tpu.memory_space<hbm>>
      tpu.wait_indirect_dma semaphore(%arg11 : memref<!tpu.dma_semaphore, #tpu.memory_space<semaphore_mem>>) src(%dma_wait3A_48 : memref<10000x128xf32, #tpu.memory_space<hbm>>) dst(%arg9 : memref<320x128xf32, #tpu.memory_space<vmem>>)
      "tpu.region"() ({
        %run_scoped3A_49 = tpu.sem_alloc : memref<!tpu.dma_semaphore, #tpu.memory_space<semaphore_mem>>
        %dma_start3A_50 = arith.constant 0 : i32
        %dma_start3A_51 = tpu.memref_slice %arg8[%scan3A_38, %dma_start3A_50] : memref<8x320xi32, #tpu.memory_space<vmem>> -> memref<1x320xi32, #tpu.memory_space<vmem>>
        %dma_start3A_52 = tpu.memref_squeeze %dma_start3A_51 : memref<1x320xi32, #tpu.memory_space<vmem>> -> memref<320xi32, #tpu.memory_space<vmem>>
        %dma_start3A_53 = arith.constant 0 : i32
        %dma_start3A_54 = arith.constant 0 : i32
        %dma_start3A_55 = tpu.memref_slice %arg10[%dma_start3A_53, %dma_start3A_54] : memref<10240x128xf32, #tpu.memory_space<vmem_shared>> -> memref<10240x128xf32, #tpu.memory_space<vmem_shared>>
        tpu.enqueue_indirect_dma source(%arg9 : memref<320x128xf32, #tpu.memory_space<vmem>>) target(%dma_start3A_55 : memref<10240x128xf32, #tpu.memory_space<vmem_shared>>) offsets(%dma_start3A_52 : memref<320xi32, #tpu.memory_space<vmem>>) semaphore(%run_scoped3A_49 : memref<!tpu.dma_semaphore, #tpu.memory_space<semaphore_mem>>) {add = true}
        %dma_wait3A_56 = arith.constant 0 : i32
        %dma_wait3A_57 = tpu.memref_slice %arg8[%scan3A_38, %dma_wait3A_56] : memref<8x320xi32, #tpu.memory_space<vmem>> -> memref<1x320xi32, #tpu.memory_space<vmem>>
        %dma_wait3A_58 = tpu.memref_squeeze %dma_wait3A_57 : memref<1x320xi32, #tpu.memory_space<vmem>> -> memref<320xi32, #tpu.memory_space<vmem>>
        %dma_wait3A_59 = arith.constant 0 : i32
        %dma_wait3A_60 = arith.constant 0 : i32
        %dma_wait3A_61 = tpu.memref_slice %arg10[%dma_wait3A_59, %dma_wait3A_60] : memref<10240x128xf32, #tpu.memory_space<vmem_shared>> -> memref<10240x128xf32, #tpu.memory_space<vmem_shared>>
        tpu.wait_indirect_dma semaphore(%run_scoped3A_49 : memref<!tpu.dma_semaphore, #tpu.memory_space<semaphore_mem>>) src(%arg9 : memref<320x128xf32, #tpu.memory_space<vmem>>) dst(%dma_wait3A_61 : memref<10240x128xf32, #tpu.memory_space<vmem_shared>>)
        tpu.yield
      }) : () -> ()
    }
    %scan3A_16 = arith.constant 8 : i32
    %run_scoped3A_17 = arith.constant 2 : i32
    "tpu.region"() ({
      %run_scoped3A_38 = tpu.sem_alloc : memref<!tpu.dma_semaphore, #tpu.memory_space<semaphore_mem>>
      %dma_start3A = arith.constant 0 : i32
      %dma_start3A_39 = arith.constant 0 : i32
      %dma_start3A_40 = arith.constant 0 : i32
      %dma_start3A_41 = arith.constant 0 : i32
      %dma_start3A_42 = tpu.memref_slice %arg3[%arg0, %dma_start3A, %dma_start3A_39, %dma_start3A_40, %dma_start3A_41] : memref<2x16x4x8x320xi32, #tpu.memory_space<hbm>> -> memref<1x16x4x8x320xi32, #tpu.memory_space<hbm>>
      %dma_start3A_43 = tpu.memref_squeeze %dma_start3A_42 : memref<1x16x4x8x320xi32, #tpu.memory_space<hbm>> -> memref<16x4x8x320xi32, #tpu.memory_space<hbm>>
      %dma_start3A_44 = arith.constant 0 : i32
      %dma_start3A_45 = arith.constant 0 : i32
      %dma_start3A_46 = arith.constant 0 : i32
      %dma_start3A_47 = tpu.memref_slice %dma_start3A_43[%arg1, %dma_start3A_44, %dma_start3A_45, %dma_start3A_46] : memref<16x4x8x320xi32, #tpu.memory_space<hbm>> -> memref<1x4x8x320xi32, #tpu.memory_space<hbm>>
      %dma_start3A_48 = tpu.memref_squeeze %dma_start3A_47 : memref<1x4x8x320xi32, #tpu.memory_space<hbm>> -> memref<4x8x320xi32, #tpu.memory_space<hbm>>
      %dma_start3A_49 = arith.constant 0 : i32
      %dma_start3A_50 = arith.constant 0 : i32
      %dma_start3A_51 = tpu.memref_slice %dma_start3A_48[%run_scoped3A_17, %dma_start3A_49, %dma_start3A_50] : memref<4x8x320xi32, #tpu.memory_space<hbm>> -> memref<1x8x320xi32, #tpu.memory_space<hbm>>
      %dma_start3A_52 = tpu.memref_squeeze %dma_start3A_51 : memref<1x8x320xi32, #tpu.memory_space<hbm>> -> memref<8x320xi32, #tpu.memory_space<hbm>>
      %dma_start3A_53 = arith.constant 0 : i32
      %dma_start3A_54 = arith.constant 0 : i32
      %dma_start3A_55 = arith.constant 0 : i32
      %dma_start3A_56 = arith.constant 0 : i32
      %dma_start3A_57 = tpu.memref_slice %arg3[%arg0, %dma_start3A_53, %dma_start3A_54, %dma_start3A_55, %dma_start3A_56] : memref<2x16x4x8x320xi32, #tpu.memory_space<hbm>> -> memref<1x16x4x8x320xi32, #tpu.memory_space<hbm>>
      %dma_start3A_58 = tpu.memref_squeeze %dma_start3A_57 : memref<1x16x4x8x320xi32, #tpu.memory_space<hbm>> -> memref<16x4x8x320xi32, #tpu.memory_space<hbm>>
      %dma_start3A_59 = arith.constant 0 : i32
      %dma_start3A_60 = arith.constant 0 : i32
      %dma_start3A_61 = arith.constant 0 : i32
      %dma_start3A_62 = tpu.memref_slice %dma_start3A_58[%arg1, %dma_start3A_59, %dma_start3A_60, %dma_start3A_61] : memref<16x4x8x320xi32, #tpu.memory_space<hbm>> -> memref<1x4x8x320xi32, #tpu.memory_space<hbm>>
      %dma_start3A_63 = tpu.memref_squeeze %dma_start3A_62 : memref<1x4x8x320xi32, #tpu.memory_space<hbm>> -> memref<4x8x320xi32, #tpu.memory_space<hbm>>
      %dma_start3A_64 = arith.constant 0 : i32
      %dma_start3A_65 = arith.constant 0 : i32
      %dma_start3A_66 = tpu.memref_slice %dma_start3A_63[%run_scoped3A_17, %dma_start3A_64, %dma_start3A_65] : memref<4x8x320xi32, #tpu.memory_space<hbm>> -> memref<1x8x320xi32, #tpu.memory_space<hbm>>
      %dma_start3A_67 = tpu.memref_squeeze %dma_start3A_66 : memref<1x8x320xi32, #tpu.memory_space<hbm>> -> memref<8x320xi32, #tpu.memory_space<hbm>>
      tpu.enqueue_dma source(%dma_start3A_67 : memref<8x320xi32, #tpu.memory_space<hbm>>) target(%arg7 : memref<8x320xi32, #tpu.memory_space<vmem>>) target_semaphore(%run_scoped3A_38 : memref<!tpu.dma_semaphore, #tpu.memory_space<semaphore_mem>>)
      %dma_wait3A = arith.constant 0 : i32
      %dma_wait3A_68 = arith.constant 0 : i32
      %dma_wait3A_69 = arith.constant 0 : i32
      %dma_wait3A_70 = arith.constant 0 : i32
      %dma_wait3A_71 = tpu.memref_slice %arg3[%arg0, %dma_wait3A, %dma_wait3A_68, %dma_wait3A_69, %dma_wait3A_70] : memref<2x16x4x8x320xi32, #tpu.memory_space<hbm>> -> memref<1x16x4x8x320xi32, #tpu.memory_space<hbm>>
      %dma_wait3A_72 = tpu.memref_squeeze %dma_wait3A_71 : memref<1x16x4x8x320xi32, #tpu.memory_space<hbm>> -> memref<16x4x8x320xi32, #tpu.memory_space<hbm>>
      %dma_wait3A_73 = arith.constant 0 : i32
      %dma_wait3A_74 = arith.constant 0 : i32
      %dma_wait3A_75 = arith.constant 0 : i32
      %dma_wait3A_76 = tpu.memref_slice %dma_wait3A_72[%arg1, %dma_wait3A_73, %dma_wait3A_74, %dma_wait3A_75] : memref<16x4x8x320xi32, #tpu.memory_space<hbm>> -> memref<1x4x8x320xi32, #tpu.memory_space<hbm>>
      %dma_wait3A_77 = tpu.memref_squeeze %dma_wait3A_76 : memref<1x4x8x320xi32, #tpu.memory_space<hbm>> -> memref<4x8x320xi32, #tpu.memory_space<hbm>>
      %dma_wait3A_78 = arith.constant 0 : i32
      %dma_wait3A_79 = arith.constant 0 : i32
      %dma_wait3A_80 = tpu.memref_slice %dma_wait3A_77[%run_scoped3A_17, %dma_wait3A_78, %dma_wait3A_79] : memref<4x8x320xi32, #tpu.memory_space<hbm>> -> memref<1x8x320xi32, #tpu.memory_space<hbm>>
      %dma_wait3A_81 = tpu.memref_squeeze %dma_wait3A_80 : memref<1x8x320xi32, #tpu.memory_space<hbm>> -> memref<8x320xi32, #tpu.memory_space<hbm>>
      %dma_wait3A_82 = arith.constant 0 : i32
      %dma_wait3A_83 = arith.constant 0 : i32
      %dma_wait3A_84 = arith.constant 0 : i32
      %dma_wait3A_85 = arith.constant 0 : i32
      %dma_wait3A_86 = tpu.memref_slice %arg3[%arg0, %dma_wait3A_82, %dma_wait3A_83, %dma_wait3A_84, %dma_wait3A_85] : memref<2x16x4x8x320xi32, #tpu.memory_space<hbm>> -> memref<1x16x4x8x320xi32, #tpu.memory_space<hbm>>
      %dma_wait3A_87 = tpu.memref_squeeze %dma_wait3A_86 : memref<1x16x4x8x320xi32, #tpu.memory_space<hbm>> -> memref<16x4x8x320xi32, #tpu.memory_space<hbm>>
      %dma_wait3A_88 = arith.constant 0 : i32
      %dma_wait3A_89 = arith.constant 0 : i32
      %dma_wait3A_90 = arith.constant 0 : i32
      %dma_wait3A_91 = tpu.memref_slice %dma_wait3A_87[%arg1, %dma_wait3A_88, %dma_wait3A_89, %dma_wait3A_90] : memref<16x4x8x320xi32, #tpu.memory_space<hbm>> -> memref<1x4x8x320xi32, #tpu.memory_space<hbm>>
      %dma_wait3A_92 = tpu.memref_squeeze %dma_wait3A_91 : memref<1x4x8x320xi32, #tpu.memory_space<hbm>> -> memref<4x8x320xi32, #tpu.memory_space<hbm>>
      %dma_wait3A_93 = arith.constant 0 : i32
      %dma_wait3A_94 = arith.constant 0 : i32
      %dma_wait3A_95 = tpu.memref_slice %dma_wait3A_92[%run_scoped3A_17, %dma_wait3A_93, %dma_wait3A_94] : memref<4x8x320xi32, #tpu.memory_space<hbm>> -> memref<1x8x320xi32, #tpu.memory_space<hbm>>
      %dma_wait3A_96 = tpu.memref_squeeze %dma_wait3A_95 : memref<1x8x320xi32, #tpu.memory_space<hbm>> -> memref<8x320xi32, #tpu.memory_space<hbm>>
      tpu.wait_dma2 semaphore(%run_scoped3A_38 : memref<!tpu.dma_semaphore, #tpu.memory_space<semaphore_mem>>) src(%dma_wait3A_96 : memref<8x320xi32, #tpu.memory_space<hbm>>) dst(%arg7 : memref<8x320xi32, #tpu.memory_space<vmem>>)
      tpu.yield
    }) : () -> ()
    %run_scoped3A_18 = arith.constant 2 : i32
    "tpu.region"() ({
      %run_scoped3A_38 = tpu.sem_alloc : memref<!tpu.dma_semaphore, #tpu.memory_space<semaphore_mem>>
      %dma_start3A = arith.constant 0 : i32
      %dma_start3A_39 = arith.constant 0 : i32
      %dma_start3A_40 = arith.constant 0 : i32
      %dma_start3A_41 = arith.constant 0 : i32
      %dma_start3A_42 = tpu.memref_slice %arg4[%arg0, %dma_start3A, %dma_start3A_39, %dma_start3A_40, %dma_start3A_41] : memref<2x16x4x8x320xi32, #tpu.memory_space<hbm>> -> memref<1x16x4x8x320xi32, #tpu.memory_space<hbm>>
      %dma_start3A_43 = tpu.memref_squeeze %dma_start3A_42 : memref<1x16x4x8x320xi32, #tpu.memory_space<hbm>> -> memref<16x4x8x320xi32, #tpu.memory_space<hbm>>
      %dma_start3A_44 = arith.constant 0 : i32
      %dma_start3A_45 = arith.constant 0 : i32
      %dma_start3A_46 = arith.constant 0 : i32
      %dma_start3A_47 = tpu.memref_slice %dma_start3A_43[%arg1, %dma_start3A_44, %dma_start3A_45, %dma_start3A_46] : memref<16x4x8x320xi32, #tpu.memory_space<hbm>> -> memref<1x4x8x320xi32, #tpu.memory_space<hbm>>
      %dma_start3A_48 = tpu.memref_squeeze %dma_start3A_47 : memref<1x4x8x320xi32, #tpu.memory_space<hbm>> -> memref<4x8x320xi32, #tpu.memory_space<hbm>>
      %dma_start3A_49 = arith.constant 0 : i32
      %dma_start3A_50 = arith.constant 0 : i32
      %dma_start3A_51 = tpu.memref_slice %dma_start3A_48[%run_scoped3A_18, %dma_start3A_49, %dma_start3A_50] : memref<4x8x320xi32, #tpu.memory_space<hbm>> -> memref<1x8x320xi32, #tpu.memory_space<hbm>>
      %dma_start3A_52 = tpu.memref_squeeze %dma_start3A_51 : memref<1x8x320xi32, #tpu.memory_space<hbm>> -> memref<8x320xi32, #tpu.memory_space<hbm>>
      %dma_start3A_53 = arith.constant 0 : i32
      %dma_start3A_54 = arith.constant 0 : i32
      %dma_start3A_55 = arith.constant 0 : i32
      %dma_start3A_56 = arith.constant 0 : i32
      %dma_start3A_57 = tpu.memref_slice %arg4[%arg0, %dma_start3A_53, %dma_start3A_54, %dma_start3A_55, %dma_start3A_56] : memref<2x16x4x8x320xi32, #tpu.memory_space<hbm>> -> memref<1x16x4x8x320xi32, #tpu.memory_space<hbm>>
      %dma_start3A_58 = tpu.memref_squeeze %dma_start3A_57 : memref<1x16x4x8x320xi32, #tpu.memory_space<hbm>> -> memref<16x4x8x320xi32, #tpu.memory_space<hbm>>
      %dma_start3A_59 = arith.constant 0 : i32
      %dma_start3A_60 = arith.constant 0 : i32
      %dma_start3A_61 = arith.constant 0 : i32
      %dma_start3A_62 = tpu.memref_slice %dma_start3A_58[%arg1, %dma_start3A_59, %dma_start3A_60, %dma_start3A_61] : memref<16x4x8x320xi32, #tpu.memory_space<hbm>> -> memref<1x4x8x320xi32, #tpu.memory_space<hbm>>
      %dma_start3A_63 = tpu.memref_squeeze %dma_start3A_62 : memref<1x4x8x320xi32, #tpu.memory_space<hbm>> -> memref<4x8x320xi32, #tpu.memory_space<hbm>>
      %dma_start3A_64 = arith.constant 0 : i32
      %dma_start3A_65 = arith.constant 0 : i32
      %dma_start3A_66 = tpu.memref_slice %dma_start3A_63[%run_scoped3A_18, %dma_start3A_64, %dma_start3A_65] : memref<4x8x320xi32, #tpu.memory_space<hbm>> -> memref<1x8x320xi32, #tpu.memory_space<hbm>>
      %dma_start3A_67 = tpu.memref_squeeze %dma_start3A_66 : memref<1x8x320xi32, #tpu.memory_space<hbm>> -> memref<8x320xi32, #tpu.memory_space<hbm>>
      tpu.enqueue_dma source(%dma_start3A_67 : memref<8x320xi32, #tpu.memory_space<hbm>>) target(%arg8 : memref<8x320xi32, #tpu.memory_space<vmem>>) target_semaphore(%run_scoped3A_38 : memref<!tpu.dma_semaphore, #tpu.memory_space<semaphore_mem>>)
      %dma_wait3A = arith.constant 0 : i32
      %dma_wait3A_68 = arith.constant 0 : i32
      %dma_wait3A_69 = arith.constant 0 : i32
      %dma_wait3A_70 = arith.constant 0 : i32
      %dma_wait3A_71 = tpu.memref_slice %arg4[%arg0, %dma_wait3A, %dma_wait3A_68, %dma_wait3A_69, %dma_wait3A_70] : memref<2x16x4x8x320xi32, #tpu.memory_space<hbm>> -> memref<1x16x4x8x320xi32, #tpu.memory_space<hbm>>
      %dma_wait3A_72 = tpu.memref_squeeze %dma_wait3A_71 : memref<1x16x4x8x320xi32, #tpu.memory_space<hbm>> -> memref<16x4x8x320xi32, #tpu.memory_space<hbm>>
      %dma_wait3A_73 = arith.constant 0 : i32
      %dma_wait3A_74 = arith.constant 0 : i32
      %dma_wait3A_75 = arith.constant 0 : i32
      %dma_wait3A_76 = tpu.memref_slice %dma_wait3A_72[%arg1, %dma_wait3A_73, %dma_wait3A_74, %dma_wait3A_75] : memref<16x4x8x320xi32, #tpu.memory_space<hbm>> -> memref<1x4x8x320xi32, #tpu.memory_space<hbm>>
      %dma_wait3A_77 = tpu.memref_squeeze %dma_wait3A_76 : memref<1x4x8x320xi32, #tpu.memory_space<hbm>> -> memref<4x8x320xi32, #tpu.memory_space<hbm>>
      %dma_wait3A_78 = arith.constant 0 : i32
      %dma_wait3A_79 = arith.constant 0 : i32
      %dma_wait3A_80 = tpu.memref_slice %dma_wait3A_77[%run_scoped3A_18, %dma_wait3A_78, %dma_wait3A_79] : memref<4x8x320xi32, #tpu.memory_space<hbm>> -> memref<1x8x320xi32, #tpu.memory_space<hbm>>
      %dma_wait3A_81 = tpu.memref_squeeze %dma_wait3A_80 : memref<1x8x320xi32, #tpu.memory_space<hbm>> -> memref<8x320xi32, #tpu.memory_space<hbm>>
      %dma_wait3A_82 = arith.constant 0 : i32
      %dma_wait3A_83 = arith.constant 0 : i32
      %dma_wait3A_84 = arith.constant 0 : i32
      %dma_wait3A_85 = arith.constant 0 : i32
      %dma_wait3A_86 = tpu.memref_slice %arg4[%arg0, %dma_wait3A_82, %dma_wait3A_83, %dma_wait3A_84, %dma_wait3A_85] : memref<2x16x4x8x320xi32, #tpu.memory_space<hbm>> -> memref<1x16x4x8x320xi32, #tpu.memory_space<hbm>>
      %dma_wait3A_87 = tpu.memref_squeeze %dma_wait3A_86 : memref<1x16x4x8x320xi32, #tpu.memory_space<hbm>> -> memref<16x4x8x320xi32, #tpu.memory_space<hbm>>
      %dma_wait3A_88 = arith.constant 0 : i32
      %dma_wait3A_89 = arith.constant 0 : i32
      %dma_wait3A_90 = arith.constant 0 : i32
      %dma_wait3A_91 = tpu.memref_slice %dma_wait3A_87[%arg1, %dma_wait3A_88, %dma_wait3A_89, %dma_wait3A_90] : memref<16x4x8x320xi32, #tpu.memory_space<hbm>> -> memref<1x4x8x320xi32, #tpu.memory_space<hbm>>
      %dma_wait3A_92 = tpu.memref_squeeze %dma_wait3A_91 : memref<1x4x8x320xi32, #tpu.memory_space<hbm>> -> memref<4x8x320xi32, #tpu.memory_space<hbm>>
      %dma_wait3A_93 = arith.constant 0 : i32
      %dma_wait3A_94 = arith.constant 0 : i32
      %dma_wait3A_95 = tpu.memref_slice %dma_wait3A_92[%run_scoped3A_18, %dma_wait3A_93, %dma_wait3A_94] : memref<4x8x320xi32, #tpu.memory_space<hbm>> -> memref<1x8x320xi32, #tpu.memory_space<hbm>>
      %dma_wait3A_96 = tpu.memref_squeeze %dma_wait3A_95 : memref<1x8x320xi32, #tpu.memory_space<hbm>> -> memref<8x320xi32, #tpu.memory_space<hbm>>
      tpu.wait_dma2 semaphore(%run_scoped3A_38 : memref<!tpu.dma_semaphore, #tpu.memory_space<semaphore_mem>>) src(%dma_wait3A_96 : memref<8x320xi32, #tpu.memory_space<hbm>>) dst(%arg8 : memref<8x320xi32, #tpu.memory_space<vmem>>)
      tpu.yield
    }) : () -> ()
    %scan3A_19 = arith.constant 0 : i32
    %scan3A_20 = arith.constant 0 : i32
    %scan3A_21 = arith.constant 8 : i32
    %scan3A_22 = arith.addi %scan3A_20, %scan3A_21 : i32
    %scan3A_23 = arith.constant 1 : i32
    scf.for %scan3A_38 = %scan3A_20 to %scan3A_22 step %scan3A_23  : i32 {
      %dma_start3A = arith.constant 0 : i32
      %dma_start3A_39 = tpu.memref_slice %arg7[%scan3A_38, %dma_start3A] : memref<8x320xi32, #tpu.memory_space<vmem>> -> memref<1x320xi32, #tpu.memory_space<vmem>>
      %dma_start3A_40 = tpu.memref_squeeze %dma_start3A_39 : memref<1x320xi32, #tpu.memory_space<vmem>> -> memref<320xi32, #tpu.memory_space<vmem>>
      %dma_start3A_41 = arith.constant 0 : i32
      %dma_start3A_42 = arith.constant 0 : i32
      %dma_start3A_43 = tpu.memref_slice %arg2[%dma_start3A_41, %dma_start3A_42] : memref<10000x128xf32, #tpu.memory_space<hbm>> -> memref<10000x128xf32, #tpu.memory_space<hbm>>
      tpu.enqueue_indirect_dma source(%dma_start3A_43 : memref<10000x128xf32, #tpu.memory_space<hbm>>) target(%arg9 : memref<320x128xf32, #tpu.memory_space<vmem>>) offsets(%dma_start3A_40 : memref<320xi32, #tpu.memory_space<vmem>>) semaphore(%arg11 : memref<!tpu.dma_semaphore, #tpu.memory_space<semaphore_mem>>)
      %dma_wait3A = arith.constant 0 : i32
      %dma_wait3A_44 = tpu.memref_slice %arg7[%scan3A_38, %dma_wait3A] : memref<8x320xi32, #tpu.memory_space<vmem>> -> memref<1x320xi32, #tpu.memory_space<vmem>>
      %dma_wait3A_45 = tpu.memref_squeeze %dma_wait3A_44 : memref<1x320xi32, #tpu.memory_space<vmem>> -> memref<320xi32, #tpu.memory_space<vmem>>
      %dma_wait3A_46 = arith.constant 0 : i32
      %dma_wait3A_47 = arith.constant 0 : i32
      %dma_wait3A_48 = tpu.memref_slice %arg2[%dma_wait3A_46, %dma_wait3A_47] : memref<10000x128xf32, #tpu.memory_space<hbm>> -> memref<10000x128xf32, #tpu.memory_space<hbm>>
      tpu.wait_indirect_dma semaphore(%arg11 : memref<!tpu.dma_semaphore, #tpu.memory_space<semaphore_mem>>) src(%dma_wait3A_48 : memref<10000x128xf32, #tpu.memory_space<hbm>>) dst(%arg9 : memref<320x128xf32, #tpu.memory_space<vmem>>)
      "tpu.region"() ({
        %run_scoped3A_49 = tpu.sem_alloc : memref<!tpu.dma_semaphore, #tpu.memory_space<semaphore_mem>>
        %dma_start3A_50 = arith.constant 0 : i32
        %dma_start3A_51 = tpu.memref_slice %arg8[%scan3A_38, %dma_start3A_50] : memref<8x320xi32, #tpu.memory_space<vmem>> -> memref<1x320xi32, #tpu.memory_space<vmem>>
        %dma_start3A_52 = tpu.memref_squeeze %dma_start3A_51 : memref<1x320xi32, #tpu.memory_space<vmem>> -> memref<320xi32, #tpu.memory_space<vmem>>
        %dma_start3A_53 = arith.constant 0 : i32
        %dma_start3A_54 = arith.constant 0 : i32
        %dma_start3A_55 = tpu.memref_slice %arg10[%dma_start3A_53, %dma_start3A_54] : memref<10240x128xf32, #tpu.memory_space<vmem_shared>> -> memref<10240x128xf32, #tpu.memory_space<vmem_shared>>
        tpu.enqueue_indirect_dma source(%arg9 : memref<320x128xf32, #tpu.memory_space<vmem>>) target(%dma_start3A_55 : memref<10240x128xf32, #tpu.memory_space<vmem_shared>>) offsets(%dma_start3A_52 : memref<320xi32, #tpu.memory_space<vmem>>) semaphore(%run_scoped3A_49 : memref<!tpu.dma_semaphore, #tpu.memory_space<semaphore_mem>>) {add = true}
        %dma_wait3A_56 = arith.constant 0 : i32
        %dma_wait3A_57 = tpu.memref_slice %arg8[%scan3A_38, %dma_wait3A_56] : memref<8x320xi32, #tpu.memory_space<vmem>> -> memref<1x320xi32, #tpu.memory_space<vmem>>
        %dma_wait3A_58 = tpu.memref_squeeze %dma_wait3A_57 : memref<1x320xi32, #tpu.memory_space<vmem>> -> memref<320xi32, #tpu.memory_space<vmem>>
        %dma_wait3A_59 = arith.constant 0 : i32
        %dma_wait3A_60 = arith.constant 0 : i32
        %dma_wait3A_61 = tpu.memref_slice %arg10[%dma_wait3A_59, %dma_wait3A_60] : memref<10240x128xf32, #tpu.memory_space<vmem_shared>> -> memref<10240x128xf32, #tpu.memory_space<vmem_shared>>
        tpu.wait_indirect_dma semaphore(%run_scoped3A_49 : memref<!tpu.dma_semaphore, #tpu.memory_space<semaphore_mem>>) src(%arg9 : memref<320x128xf32, #tpu.memory_space<vmem>>) dst(%dma_wait3A_61 : memref<10240x128xf32, #tpu.memory_space<vmem_shared>>)
        tpu.yield
      }) : () -> ()
    }
    %scan3A_24 = arith.constant 8 : i32
    %run_scoped3A_25 = arith.constant 3 : i32
    "tpu.region"() ({
      %run_scoped3A_38 = tpu.sem_alloc : memref<!tpu.dma_semaphore, #tpu.memory_space<semaphore_mem>>
      %dma_start3A = arith.constant 0 : i32
      %dma_start3A_39 = arith.constant 0 : i32
      %dma_start3A_40 = arith.constant 0 : i32
      %dma_start3A_41 = arith.constant 0 : i32
      %dma_start3A_42 = tpu.memref_slice %arg3[%arg0, %dma_start3A, %dma_start3A_39, %dma_start3A_40, %dma_start3A_41] : memref<2x16x4x8x320xi32, #tpu.memory_space<hbm>> -> memref<1x16x4x8x320xi32, #tpu.memory_space<hbm>>
      %dma_start3A_43 = tpu.memref_squeeze %dma_start3A_42 : memref<1x16x4x8x320xi32, #tpu.memory_space<hbm>> -> memref<16x4x8x320xi32, #tpu.memory_space<hbm>>
      %dma_start3A_44 = arith.constant 0 : i32
      %dma_start3A_45 = arith.constant 0 : i32
      %dma_start3A_46 = arith.constant 0 : i32
      %dma_start3A_47 = tpu.memref_slice %dma_start3A_43[%arg1, %dma_start3A_44, %dma_start3A_45, %dma_start3A_46] : memref<16x4x8x320xi32, #tpu.memory_space<hbm>> -> memref<1x4x8x320xi32, #tpu.memory_space<hbm>>
      %dma_start3A_48 = tpu.memref_squeeze %dma_start3A_47 : memref<1x4x8x320xi32, #tpu.memory_space<hbm>> -> memref<4x8x320xi32, #tpu.memory_space<hbm>>
      %dma_start3A_49 = arith.constant 0 : i32
      %dma_start3A_50 = arith.constant 0 : i32
      %dma_start3A_51 = tpu.memref_slice %dma_start3A_48[%run_scoped3A_25, %dma_start3A_49, %dma_start3A_50] : memref<4x8x320xi32, #tpu.memory_space<hbm>> -> memref<1x8x320xi32, #tpu.memory_space<hbm>>
      %dma_start3A_52 = tpu.memref_squeeze %dma_start3A_51 : memref<1x8x320xi32, #tpu.memory_space<hbm>> -> memref<8x320xi32, #tpu.memory_space<hbm>>
      %dma_start3A_53 = arith.constant 0 : i32
      %dma_start3A_54 = arith.constant 0 : i32
      %dma_start3A_55 = arith.constant 0 : i32
      %dma_start3A_56 = arith.constant 0 : i32
      %dma_start3A_57 = tpu.memref_slice %arg3[%arg0, %dma_start3A_53, %dma_start3A_54, %dma_start3A_55, %dma_start3A_56] : memref<2x16x4x8x320xi32, #tpu.memory_space<hbm>> -> memref<1x16x4x8x320xi32, #tpu.memory_space<hbm>>
      %dma_start3A_58 = tpu.memref_squeeze %dma_start3A_57 : memref<1x16x4x8x320xi32, #tpu.memory_space<hbm>> -> memref<16x4x8x320xi32, #tpu.memory_space<hbm>>
      %dma_start3A_59 = arith.constant 0 : i32
      %dma_start3A_60 = arith.constant 0 : i32
      %dma_start3A_61 = arith.constant 0 : i32
      %dma_start3A_62 = tpu.memref_slice %dma_start3A_58[%arg1, %dma_start3A_59, %dma_start3A_60, %dma_start3A_61] : memref<16x4x8x320xi32, #tpu.memory_space<hbm>> -> memref<1x4x8x320xi32, #tpu.memory_space<hbm>>
      %dma_start3A_63 = tpu.memref_squeeze %dma_start3A_62 : memref<1x4x8x320xi32, #tpu.memory_space<hbm>> -> memref<4x8x320xi32, #tpu.memory_space<hbm>>
      %dma_start3A_64 = arith.constant 0 : i32
      %dma_start3A_65 = arith.constant 0 : i32
      %dma_start3A_66 = tpu.memref_slice %dma_start3A_63[%run_scoped3A_25, %dma_start3A_64, %dma_start3A_65] : memref<4x8x320xi32, #tpu.memory_space<hbm>> -> memref<1x8x320xi32, #tpu.memory_space<hbm>>
      %dma_start3A_67 = tpu.memref_squeeze %dma_start3A_66 : memref<1x8x320xi32, #tpu.memory_space<hbm>> -> memref<8x320xi32, #tpu.memory_space<hbm>>
      tpu.enqueue_dma source(%dma_start3A_67 : memref<8x320xi32, #tpu.memory_space<hbm>>) target(%arg7 : memref<8x320xi32, #tpu.memory_space<vmem>>) target_semaphore(%run_scoped3A_38 : memref<!tpu.dma_semaphore, #tpu.memory_space<semaphore_mem>>)
      %dma_wait3A = arith.constant 0 : i32
      %dma_wait3A_68 = arith.constant 0 : i32
      %dma_wait3A_69 = arith.constant 0 : i32
      %dma_wait3A_70 = arith.constant 0 : i32
      %dma_wait3A_71 = tpu.memref_slice %arg3[%arg0, %dma_wait3A, %dma_wait3A_68, %dma_wait3A_69, %dma_wait3A_70] : memref<2x16x4x8x320xi32, #tpu.memory_space<hbm>> -> memref<1x16x4x8x320xi32, #tpu.memory_space<hbm>>
      %dma_wait3A_72 = tpu.memref_squeeze %dma_wait3A_71 : memref<1x16x4x8x320xi32, #tpu.memory_space<hbm>> -> memref<16x4x8x320xi32, #tpu.memory_space<hbm>>
      %dma_wait3A_73 = arith.constant 0 : i32
      %dma_wait3A_74 = arith.constant 0 : i32
      %dma_wait3A_75 = arith.constant 0 : i32
      %dma_wait3A_76 = tpu.memref_slice %dma_wait3A_72[%arg1, %dma_wait3A_73, %dma_wait3A_74, %dma_wait3A_75] : memref<16x4x8x320xi32, #tpu.memory_space<hbm>> -> memref<1x4x8x320xi32, #tpu.memory_space<hbm>>
      %dma_wait3A_77 = tpu.memref_squeeze %dma_wait3A_76 : memref<1x4x8x320xi32, #tpu.memory_space<hbm>> -> memref<4x8x320xi32, #tpu.memory_space<hbm>>
      %dma_wait3A_78 = arith.constant 0 : i32
      %dma_wait3A_79 = arith.constant 0 : i32
      %dma_wait3A_80 = tpu.memref_slice %dma_wait3A_77[%run_scoped3A_25, %dma_wait3A_78, %dma_wait3A_79] : memref<4x8x320xi32, #tpu.memory_space<hbm>> -> memref<1x8x320xi32, #tpu.memory_space<hbm>>
      %dma_wait3A_81 = tpu.memref_squeeze %dma_wait3A_80 : memref<1x8x320xi32, #tpu.memory_space<hbm>> -> memref<8x320xi32, #tpu.memory_space<hbm>>
      %dma_wait3A_82 = arith.constant 0 : i32
      %dma_wait3A_83 = arith.constant 0 : i32
      %dma_wait3A_84 = arith.constant 0 : i32
      %dma_wait3A_85 = arith.constant 0 : i32
      %dma_wait3A_86 = tpu.memref_slice %arg3[%arg0, %dma_wait3A_82, %dma_wait3A_83, %dma_wait3A_84, %dma_wait3A_85] : memref<2x16x4x8x320xi32, #tpu.memory_space<hbm>> -> memref<1x16x4x8x320xi32, #tpu.memory_space<hbm>>
      %dma_wait3A_87 = tpu.memref_squeeze %dma_wait3A_86 : memref<1x16x4x8x320xi32, #tpu.memory_space<hbm>> -> memref<16x4x8x320xi32, #tpu.memory_space<hbm>>
      %dma_wait3A_88 = arith.constant 0 : i32
      %dma_wait3A_89 = arith.constant 0 : i32
      %dma_wait3A_90 = arith.constant 0 : i32
      %dma_wait3A_91 = tpu.memref_slice %dma_wait3A_87[%arg1, %dma_wait3A_88, %dma_wait3A_89, %dma_wait3A_90] : memref<16x4x8x320xi32, #tpu.memory_space<hbm>> -> memref<1x4x8x320xi32, #tpu.memory_space<hbm>>
      %dma_wait3A_92 = tpu.memref_squeeze %dma_wait3A_91 : memref<1x4x8x320xi32, #tpu.memory_space<hbm>> -> memref<4x8x320xi32, #tpu.memory_space<hbm>>
      %dma_wait3A_93 = arith.constant 0 : i32
      %dma_wait3A_94 = arith.constant 0 : i32
      %dma_wait3A_95 = tpu.memref_slice %dma_wait3A_92[%run_scoped3A_25, %dma_wait3A_93, %dma_wait3A_94] : memref<4x8x320xi32, #tpu.memory_space<hbm>> -> memref<1x8x320xi32, #tpu.memory_space<hbm>>
      %dma_wait3A_96 = tpu.memref_squeeze %dma_wait3A_95 : memref<1x8x320xi32, #tpu.memory_space<hbm>> -> memref<8x320xi32, #tpu.memory_space<hbm>>
      tpu.wait_dma2 semaphore(%run_scoped3A_38 : memref<!tpu.dma_semaphore, #tpu.memory_space<semaphore_mem>>) src(%dma_wait3A_96 : memref<8x320xi32, #tpu.memory_space<hbm>>) dst(%arg7 : memref<8x320xi32, #tpu.memory_space<vmem>>)
      tpu.yield
    }) : () -> ()
    %run_scoped3A_26 = arith.constant 3 : i32
    "tpu.region"() ({
      %run_scoped3A_38 = tpu.sem_alloc : memref<!tpu.dma_semaphore, #tpu.memory_space<semaphore_mem>>
      %dma_start3A = arith.constant 0 : i32
      %dma_start3A_39 = arith.constant 0 : i32
      %dma_start3A_40 = arith.constant 0 : i32
      %dma_start3A_41 = arith.constant 0 : i32
      %dma_start3A_42 = tpu.memref_slice %arg4[%arg0, %dma_start3A, %dma_start3A_39, %dma_start3A_40, %dma_start3A_41] : memref<2x16x4x8x320xi32, #tpu.memory_space<hbm>> -> memref<1x16x4x8x320xi32, #tpu.memory_space<hbm>>
      %dma_start3A_43 = tpu.memref_squeeze %dma_start3A_42 : memref<1x16x4x8x320xi32, #tpu.memory_space<hbm>> -> memref<16x4x8x320xi32, #tpu.memory_space<hbm>>
      %dma_start3A_44 = arith.constant 0 : i32
      %dma_start3A_45 = arith.constant 0 : i32
      %dma_start3A_46 = arith.constant 0 : i32
      %dma_start3A_47 = tpu.memref_slice %dma_start3A_43[%arg1, %dma_start3A_44, %dma_start3A_45, %dma_start3A_46] : memref<16x4x8x320xi32, #tpu.memory_space<hbm>> -> memref<1x4x8x320xi32, #tpu.memory_space<hbm>>
      %dma_start3A_48 = tpu.memref_squeeze %dma_start3A_47 : memref<1x4x8x320xi32, #tpu.memory_space<hbm>> -> memref<4x8x320xi32, #tpu.memory_space<hbm>>
      %dma_start3A_49 = arith.constant 0 : i32
      %dma_start3A_50 = arith.constant 0 : i32
      %dma_start3A_51 = tpu.memref_slice %dma_start3A_48[%run_scoped3A_26, %dma_start3A_49, %dma_start3A_50] : memref<4x8x320xi32, #tpu.memory_space<hbm>> -> memref<1x8x320xi32, #tpu.memory_space<hbm>>
      %dma_start3A_52 = tpu.memref_squeeze %dma_start3A_51 : memref<1x8x320xi32, #tpu.memory_space<hbm>> -> memref<8x320xi32, #tpu.memory_space<hbm>>
      %dma_start3A_53 = arith.constant 0 : i32
      %dma_start3A_54 = arith.constant 0 : i32
      %dma_start3A_55 = arith.constant 0 : i32
      %dma_start3A_56 = arith.constant 0 : i32
      %dma_start3A_57 = tpu.memref_slice %arg4[%arg0, %dma_start3A_53, %dma_start3A_54, %dma_start3A_55, %dma_start3A_56] : memref<2x16x4x8x320xi32, #tpu.memory_space<hbm>> -> memref<1x16x4x8x320xi32, #tpu.memory_space<hbm>>
      %dma_start3A_58 = tpu.memref_squeeze %dma_start3A_57 : memref<1x16x4x8x320xi32, #tpu.memory_space<hbm>> -> memref<16x4x8x320xi32, #tpu.memory_space<hbm>>
      %dma_start3A_59 = arith.constant 0 : i32
      %dma_start3A_60 = arith.constant 0 : i32
      %dma_start3A_61 = arith.constant 0 : i32
      %dma_start3A_62 = tpu.memref_slice %dma_start3A_58[%arg1, %dma_start3A_59, %dma_start3A_60, %dma_start3A_61] : memref<16x4x8x320xi32, #tpu.memory_space<hbm>> -> memref<1x4x8x320xi32, #tpu.memory_space<hbm>>
      %dma_start3A_63 = tpu.memref_squeeze %dma_start3A_62 : memref<1x4x8x320xi32, #tpu.memory_space<hbm>> -> memref<4x8x320xi32, #tpu.memory_space<hbm>>
      %dma_start3A_64 = arith.constant 0 : i32
      %dma_start3A_65 = arith.constant 0 : i32
      %dma_start3A_66 = tpu.memref_slice %dma_start3A_63[%run_scoped3A_26, %dma_start3A_64, %dma_start3A_65] : memref<4x8x320xi32, #tpu.memory_space<hbm>> -> memref<1x8x320xi32, #tpu.memory_space<hbm>>
      %dma_start3A_67 = tpu.memref_squeeze %dma_start3A_66 : memref<1x8x320xi32, #tpu.memory_space<hbm>> -> memref<8x320xi32, #tpu.memory_space<hbm>>
      tpu.enqueue_dma source(%dma_start3A_67 : memref<8x320xi32, #tpu.memory_space<hbm>>) target(%arg8 : memref<8x320xi32, #tpu.memory_space<vmem>>) target_semaphore(%run_scoped3A_38 : memref<!tpu.dma_semaphore, #tpu.memory_space<semaphore_mem>>)
      %dma_wait3A = arith.constant 0 : i32
      %dma_wait3A_68 = arith.constant 0 : i32
      %dma_wait3A_69 = arith.constant 0 : i32
      %dma_wait3A_70 = arith.constant 0 : i32
      %dma_wait3A_71 = tpu.memref_slice %arg4[%arg0, %dma_wait3A, %dma_wait3A_68, %dma_wait3A_69, %dma_wait3A_70] : memref<2x16x4x8x320xi32, #tpu.memory_space<hbm>> -> memref<1x16x4x8x320xi32, #tpu.memory_space<hbm>>
      %dma_wait3A_72 = tpu.memref_squeeze %dma_wait3A_71 : memref<1x16x4x8x320xi32, #tpu.memory_space<hbm>> -> memref<16x4x8x320xi32, #tpu.memory_space<hbm>>
      %dma_wait3A_73 = arith.constant 0 : i32
      %dma_wait3A_74 = arith.constant 0 : i32
      %dma_wait3A_75 = arith.constant 0 : i32
      %dma_wait3A_76 = tpu.memref_slice %dma_wait3A_72[%arg1, %dma_wait3A_73, %dma_wait3A_74, %dma_wait3A_75] : memref<16x4x8x320xi32, #tpu.memory_space<hbm>> -> memref<1x4x8x320xi32, #tpu.memory_space<hbm>>
      %dma_wait3A_77 = tpu.memref_squeeze %dma_wait3A_76 : memref<1x4x8x320xi32, #tpu.memory_space<hbm>> -> memref<4x8x320xi32, #tpu.memory_space<hbm>>
      %dma_wait3A_78 = arith.constant 0 : i32
      %dma_wait3A_79 = arith.constant 0 : i32
      %dma_wait3A_80 = tpu.memref_slice %dma_wait3A_77[%run_scoped3A_26, %dma_wait3A_78, %dma_wait3A_79] : memref<4x8x320xi32, #tpu.memory_space<hbm>> -> memref<1x8x320xi32, #tpu.memory_space<hbm>>
      %dma_wait3A_81 = tpu.memref_squeeze %dma_wait3A_80 : memref<1x8x320xi32, #tpu.memory_space<hbm>> -> memref<8x320xi32, #tpu.memory_space<hbm>>
      %dma_wait3A_82 = arith.constant 0 : i32
      %dma_wait3A_83 = arith.constant 0 : i32
      %dma_wait3A_84 = arith.constant 0 : i32
      %dma_wait3A_85 = arith.constant 0 : i32
      %dma_wait3A_86 = tpu.memref_slice %arg4[%arg0, %dma_wait3A_82, %dma_wait3A_83, %dma_wait3A_84, %dma_wait3A_85] : memref<2x16x4x8x320xi32, #tpu.memory_space<hbm>> -> memref<1x16x4x8x320xi32, #tpu.memory_space<hbm>>
      %dma_wait3A_87 = tpu.memref_squeeze %dma_wait3A_86 : memref<1x16x4x8x320xi32, #tpu.memory_space<hbm>> -> memref<16x4x8x320xi32, #tpu.memory_space<hbm>>
      %dma_wait3A_88 = arith.constant 0 : i32
      %dma_wait3A_89 = arith.constant 0 : i32
      %dma_wait3A_90 = arith.constant 0 : i32
      %dma_wait3A_91 = tpu.memref_slice %dma_wait3A_87[%arg1, %dma_wait3A_88, %dma_wait3A_89, %dma_wait3A_90] : memref<16x4x8x320xi32, #tpu.memory_space<hbm>> -> memref<1x4x8x320xi32, #tpu.memory_space<hbm>>
      %dma_wait3A_92 = tpu.memref_squeeze %dma_wait3A_91 : memref<1x4x8x320xi32, #tpu.memory_space<hbm>> -> memref<4x8x320xi32, #tpu.memory_space<hbm>>
      %dma_wait3A_93 = arith.constant 0 : i32
      %dma_wait3A_94 = arith.constant 0 : i32
      %dma_wait3A_95 = tpu.memref_slice %dma_wait3A_92[%run_scoped3A_26, %dma_wait3A_93, %dma_wait3A_94] : memref<4x8x320xi32, #tpu.memory_space<hbm>> -> memref<1x8x320xi32, #tpu.memory_space<hbm>>
      %dma_wait3A_96 = tpu.memref_squeeze %dma_wait3A_95 : memref<1x8x320xi32, #tpu.memory_space<hbm>> -> memref<8x320xi32, #tpu.memory_space<hbm>>
      tpu.wait_dma2 semaphore(%run_scoped3A_38 : memref<!tpu.dma_semaphore, #tpu.memory_space<semaphore_mem>>) src(%dma_wait3A_96 : memref<8x320xi32, #tpu.memory_space<hbm>>) dst(%arg8 : memref<8x320xi32, #tpu.memory_space<vmem>>)
      tpu.yield
    }) : () -> ()
    %scan3A_27 = arith.constant 0 : i32
    %scan3A_28 = arith.constant 0 : i32
    %scan3A_29 = arith.constant 8 : i32
    %scan3A_30 = arith.addi %scan3A_28, %scan3A_29 : i32
    %scan3A_31 = arith.constant 1 : i32
    scf.for %scan3A_38 = %scan3A_28 to %scan3A_30 step %scan3A_31  : i32 {
      %dma_start3A = arith.constant 0 : i32
      %dma_start3A_39 = tpu.memref_slice %arg7[%scan3A_38, %dma_start3A] : memref<8x320xi32, #tpu.memory_space<vmem>> -> memref<1x320xi32, #tpu.memory_space<vmem>>
      %dma_start3A_40 = tpu.memref_squeeze %dma_start3A_39 : memref<1x320xi32, #tpu.memory_space<vmem>> -> memref<320xi32, #tpu.memory_space<vmem>>
      %dma_start3A_41 = arith.constant 0 : i32
      %dma_start3A_42 = arith.constant 0 : i32
      %dma_start3A_43 = tpu.memref_slice %arg2[%dma_start3A_41, %dma_start3A_42] : memref<10000x128xf32, #tpu.memory_space<hbm>> -> memref<10000x128xf32, #tpu.memory_space<hbm>>
      tpu.enqueue_indirect_dma source(%dma_start3A_43 : memref<10000x128xf32, #tpu.memory_space<hbm>>) target(%arg9 : memref<320x128xf32, #tpu.memory_space<vmem>>) offsets(%dma_start3A_40 : memref<320xi32, #tpu.memory_space<vmem>>) semaphore(%arg11 : memref<!tpu.dma_semaphore, #tpu.memory_space<semaphore_mem>>)
      %dma_wait3A = arith.constant 0 : i32
      %dma_wait3A_44 = tpu.memref_slice %arg7[%scan3A_38, %dma_wait3A] : memref<8x320xi32, #tpu.memory_space<vmem>> -> memref<1x320xi32, #tpu.memory_space<vmem>>
      %dma_wait3A_45 = tpu.memref_squeeze %dma_wait3A_44 : memref<1x320xi32, #tpu.memory_space<vmem>> -> memref<320xi32, #tpu.memory_space<vmem>>
      %dma_wait3A_46 = arith.constant 0 : i32
      %dma_wait3A_47 = arith.constant 0 : i32
      %dma_wait3A_48 = tpu.memref_slice %arg2[%dma_wait3A_46, %dma_wait3A_47] : memref<10000x128xf32, #tpu.memory_space<hbm>> -> memref<10000x128xf32, #tpu.memory_space<hbm>>
      tpu.wait_indirect_dma semaphore(%arg11 : memref<!tpu.dma_semaphore, #tpu.memory_space<semaphore_mem>>) src(%dma_wait3A_48 : memref<10000x128xf32, #tpu.memory_space<hbm>>) dst(%arg9 : memref<320x128xf32, #tpu.memory_space<vmem>>)
      "tpu.region"() ({
        %run_scoped3A_49 = tpu.sem_alloc : memref<!tpu.dma_semaphore, #tpu.memory_space<semaphore_mem>>
        %dma_start3A_50 = arith.constant 0 : i32
        %dma_start3A_51 = tpu.memref_slice %arg8[%scan3A_38, %dma_start3A_50] : memref<8x320xi32, #tpu.memory_space<vmem>> -> memref<1x320xi32, #tpu.memory_space<vmem>>
        %dma_start3A_52 = tpu.memref_squeeze %dma_start3A_51 : memref<1x320xi32, #tpu.memory_space<vmem>> -> memref<320xi32, #tpu.memory_space<vmem>>
        %dma_start3A_53 = arith.constant 0 : i32
        %dma_start3A_54 = arith.constant 0 : i32
        %dma_start3A_55 = tpu.memref_slice %arg10[%dma_start3A_53, %dma_start3A_54] : memref<10240x128xf32, #tpu.memory_space<vmem_shared>> -> memref<10240x128xf32, #tpu.memory_space<vmem_shared>>
        tpu.enqueue_indirect_dma source(%arg9 : memref<320x128xf32, #tpu.memory_space<vmem>>) target(%dma_start3A_55 : memref<10240x128xf32, #tpu.memory_space<vmem_shared>>) offsets(%dma_start3A_52 : memref<320xi32, #tpu.memory_space<vmem>>) semaphore(%run_scoped3A_49 : memref<!tpu.dma_semaphore, #tpu.memory_space<semaphore_mem>>) {add = true}
        %dma_wait3A_56 = arith.constant 0 : i32
        %dma_wait3A_57 = tpu.memref_slice %arg8[%scan3A_38, %dma_wait3A_56] : memref<8x320xi32, #tpu.memory_space<vmem>> -> memref<1x320xi32, #tpu.memory_space<vmem>>
        %dma_wait3A_58 = tpu.memref_squeeze %dma_wait3A_57 : memref<1x320xi32, #tpu.memory_space<vmem>> -> memref<320xi32, #tpu.memory_space<vmem>>
        %dma_wait3A_59 = arith.constant 0 : i32
        %dma_wait3A_60 = arith.constant 0 : i32
        %dma_wait3A_61 = tpu.memref_slice %arg10[%dma_wait3A_59, %dma_wait3A_60] : memref<10240x128xf32, #tpu.memory_space<vmem_shared>> -> memref<10240x128xf32, #tpu.memory_space<vmem_shared>>
        tpu.wait_indirect_dma semaphore(%run_scoped3A_49 : memref<!tpu.dma_semaphore, #tpu.memory_space<semaphore_mem>>) src(%arg9 : memref<320x128xf32, #tpu.memory_space<vmem>>) dst(%dma_wait3A_61 : memref<10240x128xf32, #tpu.memory_space<vmem_shared>>)
        tpu.yield
      }) : () -> ()
    }
    %scan3A_32 = arith.constant 8 : i32
    %barrier3A_33 = arith.constant 0 : index
    tpu.barrier barrier_id(%barrier3A_33)
    %mul3A_34 = arith.constant 640 : i32
    %mul3A_35 = arith.muli %arg1, %mul3A_34 : i32
    %mul3A_36 = arith.constant 640 : i32
    %mul3A_37 = arith.muli %arg1, %mul3A_36 : i32
    "tpu.region"() ({
      %run_scoped3A_38 = tpu.sem_alloc : memref<!tpu.dma_semaphore, #tpu.memory_space<semaphore_mem>>
      %dma_start3A = arith.constant 0 : i32
      %dma_start3A_39 = arith.constant 0 : i32
      %dma_start3A_40 = tpu.memref_slice %arg6[%arg0, %dma_start3A, %dma_start3A_39] : memref<2x10240x128xf32, #tpu.memory_space<hbm>> -> memref<1x10240x128xf32, #tpu.memory_space<hbm>>
      %dma_start3A_41 = tpu.memref_squeeze %dma_start3A_40 : memref<1x10240x128xf32, #tpu.memory_space<hbm>> -> memref<10240x128xf32, #tpu.memory_space<hbm>>
      %dma_start3A_42 = arith.constant 0 : i32
      %dma_start3A_43 = tpu.memref_slice %dma_start3A_41[%mul3A_37, %dma_start3A_42] : memref<10240x128xf32, #tpu.memory_space<hbm>> -> memref<640x128xf32, #tpu.memory_space<hbm>>
      %dma_start3A_44 = arith.constant 0 : i32
      %dma_start3A_45 = tpu.memref_slice %arg10[%mul3A_35, %dma_start3A_44] : memref<10240x128xf32, #tpu.memory_space<vmem_shared>> -> memref<640x128xf32, #tpu.memory_space<vmem_shared>>
      tpu.enqueue_dma source(%dma_start3A_45 : memref<640x128xf32, #tpu.memory_space<vmem_shared>>) target(%dma_start3A_43 : memref<640x128xf32, #tpu.memory_space<hbm>>) target_semaphore(%run_scoped3A_38 : memref<!tpu.dma_semaphore, #tpu.memory_space<semaphore_mem>>)
      %dma_wait3A = arith.constant 0 : i32
      %dma_wait3A_46 = arith.constant 0 : i32
      %dma_wait3A_47 = tpu.memref_slice %arg6[%arg0, %dma_wait3A, %dma_wait3A_46] : memref<2x10240x128xf32, #tpu.memory_space<hbm>> -> memref<1x10240x128xf32, #tpu.memory_space<hbm>>
      %dma_wait3A_48 = tpu.memref_squeeze %dma_wait3A_47 : memref<1x10240x128xf32, #tpu.memory_space<hbm>> -> memref<10240x128xf32, #tpu.memory_space<hbm>>
      %dma_wait3A_49 = arith.constant 0 : i32
      %dma_wait3A_50 = tpu.memref_slice %dma_wait3A_48[%mul3A_37, %dma_wait3A_49] : memref<10240x128xf32, #tpu.memory_space<hbm>> -> memref<640x128xf32, #tpu.memory_space<hbm>>
      %dma_wait3A_51 = arith.constant 0 : i32
      %dma_wait3A_52 = tpu.memref_slice %arg10[%mul3A_35, %dma_wait3A_51] : memref<10240x128xf32, #tpu.memory_space<vmem_shared>> -> memref<640x128xf32, #tpu.memory_space<vmem_shared>>
      tpu.wait_dma2 semaphore(%run_scoped3A_38 : memref<!tpu.dma_semaphore, #tpu.memory_space<semaphore_mem>>) src(%dma_wait3A_52 : memref<640x128xf32, #tpu.memory_space<vmem_shared>>) dst(%dma_wait3A_50 : memref<640x128xf32, #tpu.memory_space<hbm>>)
      tpu.yield
    }) : () -> ()
    return
  }
}

module attributes {stable_mosaic.version = 14 : i64} {
  func.func @_tc_layer_body(%arg0: i32, %arg1: memref<1000x128xf32, #tpu.memory_space<vmem>>, %arg2: memref<1000x128xf32, #tpu.memory_space<vmem>>, %arg3: memref<1000x128xf32, #tpu.memory_space<vmem>>, %arg4: memref<1000x1xf32, #tpu.memory_space<vmem>>, %arg5: memref<1000x1xf32, #tpu.memory_space<vmem>>, %arg6: memref<128x128xf32, #tpu.memory_space<vmem>>, %arg7: memref<128x128xf32, #tpu.memory_space<vmem>>, %arg8: memref<1x128xf32, #tpu.memory_space<vmem>>, %arg9: memref<1000x128xf32, #tpu.memory_space<vmem>>) attributes {dimension_semantics = [#tpu.dimension_semantics<arbitrary>], iteration_bounds = array<i64: 10>, scalar_prefetch = 0 : i64, scratch_operands = 0 : i64, tpu.core_type = #tpu.core_type<tc>, window_params = [{transform_indices = @transform_0, window_bounds = array<i64: 1000, 128>}, {transform_indices = @transform_1, window_bounds = array<i64: 1000, 128>}, {transform_indices = @transform_2, window_bounds = array<i64: 1000, 128>}, {transform_indices = @transform_3, window_bounds = array<i64: 1000, 1>}, {transform_indices = @transform_4, window_bounds = array<i64: 1000, 1>}, {pipeline_mode = #tpu.pipeline_mode<synchronous>, transform_indices = @transform_5, window_bounds = array<i64: 128, 128>}, {pipeline_mode = #tpu.pipeline_mode<synchronous>, transform_indices = @transform_6, window_bounds = array<i64: 128, 128>}, {pipeline_mode = #tpu.pipeline_mode<synchronous>, transform_indices = @transform_7, window_bounds = array<i64: 1, 128>}, {transform_indices = @transform_8, window_bounds = array<i64: 1000, 128>}]} {
    %get3A = arith.constant 0 : index
    %get3A_0 = arith.constant 0 : index
    %get3A_1 = vector.load %arg4[%get3A, %get3A_0] : memref<1000x1xf32, #tpu.memory_space<vmem>>, vector<1000x1xf32>
    %get3A_2 = arith.constant 0 : index
    %get3A_3 = arith.constant 0 : index
    %get3A_4 = vector.load %arg5[%get3A_2, %get3A_3] : memref<1000x1xf32, #tpu.memory_space<vmem>>, vector<1000x1xf32>
    %add3A = arith.addf %get3A_1, %get3A_4 : vector<1000x1xf32>
    %add3A_5 = arith.constant 1.000000e+00 : f32
    %add3A_6 = vector.broadcast %add3A_5 : f32 to vector<1000x1xf32>
    %add3A_7 = arith.addf %add3A, %add3A_6 : vector<1000x1xf32>
    %get3A_8 = arith.constant 0 : index
    %get3A_9 = arith.constant 0 : index
    %get3A_10 = vector.load %arg2[%get3A_8, %get3A_9] : memref<1000x128xf32, #tpu.memory_space<vmem>>, vector<1000x128xf32>
    %get3A_11 = arith.constant 0 : index
    %get3A_12 = arith.constant 0 : index
    %get3A_13 = vector.load %arg3[%get3A_11, %get3A_12] : memref<1000x128xf32, #tpu.memory_space<vmem>>, vector<1000x128xf32>
    %add3A_14 = arith.addf %get3A_10, %get3A_13 : vector<1000x128xf32>
    %get3A_15 = arith.constant 0 : index
    %get3A_16 = arith.constant 0 : index
    %get3A_17 = vector.load %arg1[%get3A_15, %get3A_16] : memref<1000x128xf32, #tpu.memory_space<vmem>>, vector<1000x128xf32>
    %add3A_18 = arith.addf %add3A_14, %get3A_17 : vector<1000x128xf32>
    %div3A = vector.broadcast %add3A_7 : vector<1000x1xf32> to vector<1000x128xf32>
    %div3A_19 = arith.divf %add3A_18, %div3A : vector<1000x128xf32>
    %get3A_20 = arith.constant 0 : index
    %get3A_21 = arith.constant 0 : index
    %get3A_22 = vector.load %arg1[%get3A_20, %get3A_21] : memref<1000x128xf32, #tpu.memory_space<vmem>>, vector<1000x128xf32>
    %get3A_23 = arith.constant 0 : index
    %get3A_24 = arith.constant 0 : index
    %get3A_25 = vector.load %arg6[%get3A_23, %get3A_24] : memref<128x128xf32, #tpu.memory_space<vmem>>, vector<128x128xf32>
    %dot_general3A = arith.constant dense<0.000000e+00> : vector<1000x128xf32>
    %dot_general3A_26 = tpu.matmul %get3A_22, %get3A_25, %dot_general3A {dimension_numbers = #tpu.dot_dimension_numbers<[1], [0], [0], [1], [0, 0, 1, 1], [], []>, transpose_lhs_hint = false} : vector<1000x128xf32>, vector<128x128xf32>, vector<1000x128xf32> -> vector<1000x128xf32>
    %get3A_27 = arith.constant 0 : index
    %get3A_28 = arith.constant 0 : index
    %get3A_29 = vector.load %arg7[%get3A_27, %get3A_28] : memref<128x128xf32, #tpu.memory_space<vmem>>, vector<128x128xf32>
    %dot_general3A_30 = arith.constant dense<0.000000e+00> : vector<1000x128xf32>
    %dot_general3A_31 = tpu.matmul %div3A_19, %get3A_29, %dot_general3A_30 {dimension_numbers = #tpu.dot_dimension_numbers<[1], [0], [0], [1], [0, 0, 1, 1], [], []>, transpose_lhs_hint = false} : vector<1000x128xf32>, vector<128x128xf32>, vector<1000x128xf32> -> vector<1000x128xf32>
    %add3A_32 = arith.addf %dot_general3A_26, %dot_general3A_31 : vector<1000x128xf32>
    %get3A_33 = arith.constant 0 : index
    %get3A_34 = arith.constant 0 : index
    %get3A_35 = vector.load %arg8[%get3A_33, %get3A_34] : memref<1x128xf32, #tpu.memory_space<vmem>>, vector<1x128xf32>
    %add3A_36 = vector.broadcast %get3A_35 : vector<1x128xf32> to vector<1000x128xf32>
    %add3A_37 = arith.addf %add3A_32, %add3A_36 : vector<1000x128xf32>
    %max3A = arith.constant 0.000000e+00 : f32
    %max3A_38 = vector.broadcast %max3A : f32 to vector<1000x128xf32>
    %max3A_39 = arith.maximumf %add3A_37, %max3A_38 : vector<1000x128xf32>
    %swap3A = arith.constant 0 : index
    %swap3A_40 = arith.constant 0 : index
    %swap3A_41 = vector.load %arg9[%swap3A, %swap3A_40] : memref<1000x128xf32, #tpu.memory_space<vmem>>, vector<1000x128xf32>
    tpu.vector_store %arg9[%swap3A, %swap3A_40], %max3A_39 {strides = array<i32>} : memref<1000x128xf32, #tpu.memory_space<vmem>>, vector<1000x128xf32>,
    return
  }
  func.func @transform_0(%arg0: i32) -> (i32, i32) {
    %c0_i32 = arith.constant 0 : i32
    %c0_i32_0 = arith.constant 0 : i32
    return %arg0, %c0_i32 : i32, i32
  }
  func.func @transform_1(%arg0: i32) -> (i32, i32) {
    %c0_i32 = arith.constant 0 : i32
    %c0_i32_0 = arith.constant 0 : i32
    return %arg0, %c0_i32 : i32, i32
  }
  func.func @transform_2(%arg0: i32) -> (i32, i32) {
    %c0_i32 = arith.constant 0 : i32
    %c0_i32_0 = arith.constant 0 : i32
    return %arg0, %c0_i32 : i32, i32
  }
  func.func @transform_3(%arg0: i32) -> (i32, i32) {
    %c0_i32 = arith.constant 0 : i32
    %c0_i32_0 = arith.constant 0 : i32
    return %arg0, %c0_i32 : i32, i32
  }
  func.func @transform_4(%arg0: i32) -> (i32, i32) {
    %c0_i32 = arith.constant 0 : i32
    %c0_i32_0 = arith.constant 0 : i32
    return %arg0, %c0_i32 : i32, i32
  }
  func.func @transform_5(%arg0: i32) -> (i32, i32) {
    %c0_i32 = arith.constant 0 : i32
    %c0_i32_0 = arith.constant 0 : i32
    %c0_i32_1 = arith.constant 0 : i32
    return %c0_i32, %c0_i32_0 : i32, i32
  }
  func.func @transform_6(%arg0: i32) -> (i32, i32) {
    %c0_i32 = arith.constant 0 : i32
    %c0_i32_0 = arith.constant 0 : i32
    %c0_i32_1 = arith.constant 0 : i32
    return %c0_i32, %c0_i32_0 : i32, i32
  }
  func.func @transform_7(%arg0: i32) -> (i32, i32) {
    %c0_i32 = arith.constant 0 : i32
    %c0_i32_0 = arith.constant 0 : i32
    %c0_i32_1 = arith.constant 0 : i32
    return %c0_i32, %c0_i32_0 : i32, i32
  }
  func.func @transform_8(%arg0: i32) -> (i32, i32) {
    %c0_i32 = arith.constant 0 : i32
    %c0_i32_0 = arith.constant 0 : i32
    return %arg0, %c0_i32 : i32, i32
  }
}

module attributes {stable_mosaic.version = 14 : i64} {
  func.func @_tc_layer_body(%arg0: i32, %arg1: memref<1000x128xf32, #tpu.memory_space<vmem>>, %arg2: memref<1000x128xf32, #tpu.memory_space<vmem>>, %arg3: memref<1000x128xf32, #tpu.memory_space<vmem>>, %arg4: memref<1000x1xf32, #tpu.memory_space<vmem>>, %arg5: memref<1000x1xf32, #tpu.memory_space<vmem>>, %arg6: memref<128x128xf32, #tpu.memory_space<vmem>>, %arg7: memref<128x128xf32, #tpu.memory_space<vmem>>, %arg8: memref<1x128xf32, #tpu.memory_space<vmem>>, %arg9: memref<1000x128xf32, #tpu.memory_space<vmem>>) attributes {dimension_semantics = [#tpu.dimension_semantics<arbitrary>], iteration_bounds = array<i64: 10>, scalar_prefetch = 0 : i64, scratch_operands = 0 : i64, tpu.core_type = #tpu.core_type<tc>, window_params = [{transform_indices = @transform_0, window_bounds = array<i64: 1000, 128>}, {transform_indices = @transform_1, window_bounds = array<i64: 1000, 128>}, {transform_indices = @transform_2, window_bounds = array<i64: 1000, 128>}, {transform_indices = @transform_3, window_bounds = array<i64: 1000, 1>}, {transform_indices = @transform_4, window_bounds = array<i64: 1000, 1>}, {pipeline_mode = #tpu.pipeline_mode<synchronous>, transform_indices = @transform_5, window_bounds = array<i64: 128, 128>}, {pipeline_mode = #tpu.pipeline_mode<synchronous>, transform_indices = @transform_6, window_bounds = array<i64: 128, 128>}, {pipeline_mode = #tpu.pipeline_mode<synchronous>, transform_indices = @transform_7, window_bounds = array<i64: 1, 128>}, {transform_indices = @transform_8, window_bounds = array<i64: 1000, 128>}]} {
    %get3A = arith.constant 0 : index
    %get3A_0 = arith.constant 0 : index
    %get3A_1 = vector.load %arg4[%get3A, %get3A_0] : memref<1000x1xf32, #tpu.memory_space<vmem>>, vector<1000x1xf32>
    %get3A_2 = arith.constant 0 : index
    %get3A_3 = arith.constant 0 : index
    %get3A_4 = vector.load %arg5[%get3A_2, %get3A_3] : memref<1000x1xf32, #tpu.memory_space<vmem>>, vector<1000x1xf32>
    %add3A = arith.addf %get3A_1, %get3A_4 : vector<1000x1xf32>
    %add3A_5 = arith.constant 1.000000e+00 : f32
    %add3A_6 = vector.broadcast %add3A_5 : f32 to vector<1000x1xf32>
    %add3A_7 = arith.addf %add3A, %add3A_6 : vector<1000x1xf32>
    %get3A_8 = arith.constant 0 : index
    %get3A_9 = arith.constant 0 : index
    %get3A_10 = vector.load %arg2[%get3A_8, %get3A_9] : memref<1000x128xf32, #tpu.memory_space<vmem>>, vector<1000x128xf32>
    %get3A_11 = arith.constant 0 : index
    %get3A_12 = arith.constant 0 : index
    %get3A_13 = vector.load %arg3[%get3A_11, %get3A_12] : memref<1000x128xf32, #tpu.memory_space<vmem>>, vector<1000x128xf32>
    %add3A_14 = arith.addf %get3A_10, %get3A_13 : vector<1000x128xf32>
    %get3A_15 = arith.constant 0 : index
    %get3A_16 = arith.constant 0 : index
    %get3A_17 = vector.load %arg1[%get3A_15, %get3A_16] : memref<1000x128xf32, #tpu.memory_space<vmem>>, vector<1000x128xf32>
    %add3A_18 = arith.addf %add3A_14, %get3A_17 : vector<1000x128xf32>
    %div3A = vector.broadcast %add3A_7 : vector<1000x1xf32> to vector<1000x128xf32>
    %div3A_19 = arith.divf %add3A_18, %div3A : vector<1000x128xf32>
    %get3A_20 = arith.constant 0 : index
    %get3A_21 = arith.constant 0 : index
    %get3A_22 = vector.load %arg1[%get3A_20, %get3A_21] : memref<1000x128xf32, #tpu.memory_space<vmem>>, vector<1000x128xf32>
    %get3A_23 = arith.constant 0 : index
    %get3A_24 = arith.constant 0 : index
    %get3A_25 = vector.load %arg6[%get3A_23, %get3A_24] : memref<128x128xf32, #tpu.memory_space<vmem>>, vector<128x128xf32>
    %dot_general3A = arith.constant dense<0.000000e+00> : vector<1000x128xf32>
    %dot_general3A_26 = tpu.matmul %get3A_22, %get3A_25, %dot_general3A {dimension_numbers = #tpu.dot_dimension_numbers<[1], [0], [0], [1], [0, 0, 1, 1], [], []>, transpose_lhs_hint = false} : vector<1000x128xf32>, vector<128x128xf32>, vector<1000x128xf32> -> vector<1000x128xf32>
    %get3A_27 = arith.constant 0 : index
    %get3A_28 = arith.constant 0 : index
    %get3A_29 = vector.load %arg7[%get3A_27, %get3A_28] : memref<128x128xf32, #tpu.memory_space<vmem>>, vector<128x128xf32>
    %dot_general3A_30 = arith.constant dense<0.000000e+00> : vector<1000x128xf32>
    %dot_general3A_31 = tpu.matmul %div3A_19, %get3A_29, %dot_general3A_30 {dimension_numbers = #tpu.dot_dimension_numbers<[1], [0], [0], [1], [0, 0, 1, 1], [], []>, transpose_lhs_hint = false} : vector<1000x128xf32>, vector<128x128xf32>, vector<1000x128xf32> -> vector<1000x128xf32>
    %add3A_32 = arith.addf %dot_general3A_26, %dot_general3A_31 : vector<1000x128xf32>
    %get3A_33 = arith.constant 0 : index
    %get3A_34 = arith.constant 0 : index
    %get3A_35 = vector.load %arg8[%get3A_33, %get3A_34] : memref<1x128xf32, #tpu.memory_space<vmem>>, vector<1x128xf32>
    %add3A_36 = vector.broadcast %get3A_35 : vector<1x128xf32> to vector<1000x128xf32>
    %add3A_37 = arith.addf %add3A_32, %add3A_36 : vector<1000x128xf32>
    %swap3A = arith.constant 0 : index
    %swap3A_38 = arith.constant 0 : index
    %swap3A_39 = vector.load %arg9[%swap3A, %swap3A_38] : memref<1000x128xf32, #tpu.memory_space<vmem>>, vector<1000x128xf32>
    tpu.vector_store %arg9[%swap3A, %swap3A_38], %add3A_37 {strides = array<i32>} : memref<1000x128xf32, #tpu.memory_space<vmem>>, vector<1000x128xf32>,
    return
  }
  func.func @transform_0(%arg0: i32) -> (i32, i32) {
    %c0_i32 = arith.constant 0 : i32
    %c0_i32_0 = arith.constant 0 : i32
    return %arg0, %c0_i32 : i32, i32
  }
  func.func @transform_1(%arg0: i32) -> (i32, i32) {
    %c0_i32 = arith.constant 0 : i32
    %c0_i32_0 = arith.constant 0 : i32
    return %arg0, %c0_i32 : i32, i32
  }
  func.func @transform_2(%arg0: i32) -> (i32, i32) {
    %c0_i32 = arith.constant 0 : i32
    %c0_i32_0 = arith.constant 0 : i32
    return %arg0, %c0_i32 : i32, i32
  }
  func.func @transform_3(%arg0: i32) -> (i32, i32) {
    %c0_i32 = arith.constant 0 : i32
    %c0_i32_0 = arith.constant 0 : i32
    return %arg0, %c0_i32 : i32, i32
  }
  func.func @transform_4(%arg0: i32) -> (i32, i32) {
    %c0_i32 = arith.constant 0 : i32
    %c0_i32_0 = arith.constant 0 : i32
    return %arg0, %c0_i32 : i32, i32
  }
  func.func @transform_5(%arg0: i32) -> (i32, i32) {
    %c0_i32 = arith.constant 0 : i32
    %c0_i32_0 = arith.constant 0 : i32
    %c0_i32_1 = arith.constant 0 : i32
    return %c0_i32, %c0_i32_0 : i32, i32
  }
  func.func @transform_6(%arg0: i32) -> (i32, i32) {
    %c0_i32 = arith.constant 0 : i32
    %c0_i32_0 = arith.constant 0 : i32
    %c0_i32_1 = arith.constant 0 : i32
    return %c0_i32, %c0_i32_0 : i32, i32
  }
  func.func @transform_7(%arg0: i32) -> (i32, i32) {
    %c0_i32 = arith.constant 0 : i32
    %c0_i32_0 = arith.constant 0 : i32
    %c0_i32_1 = arith.constant 0 : i32
    return %c0_i32, %c0_i32_0 : i32, i32
  }
  func.func @transform_8(%arg0: i32) -> (i32, i32) {
    %c0_i32 = arith.constant 0 : i32
    %c0_i32_0 = arith.constant 0 : i32
    return %arg0, %c0_i32 : i32, i32
  }
}

</mosaic_0001>

<sc_bundles>
// kernel: kernel.10.cloned.1.call-start
scs
__scs_entry_jumppad:
0x0: {  	(pc) =	sbr.rel $0x88, $3  }
0x1: {  	(tag) =	ssettag $0x0;
	lr =	simm.s32 $0x1  }
0x2: {  	[smem:$0x3F99] =	sst lr;
	_ =	strace $0xD0000000  }
0x3: {  	_ = 	snop  }
0x4: {  	_ = 	snop  }
0x5: {  	_ = 	snop  }
0x6: {  	_ = 	snop  }
0x7: {  	_ = 	snop  }
__scs_overlays_trampoline_lowered:
0x8: {  	[smem:$0x3FA8] =	sst s0  }
0x9: {  	[smem:$0x3FA9] =	sst s1  }
0xa: {  	[smem:$0x3FAA] =	sst s2  }
0xb: {  	[smem:$0x3FAB] =	sst s3  }
0xc: {  	[smem:$0x3FAC] =	sst s4  }
0xd: {  	[smem:$0x3FAD] =	sst s5  }
0xe: {  	[smem:$0x3FAE] =	sst s6  }
0xf: {  	[smem:$0x3FAF] =	sst s7  }
0x10: {  	[smem:$0x3FB0] =	sst s8  }
0x11: {  	[smem:$0x3FB1] =	sst s9;
	s0 =	simm.s32 @!p0 $0x0  }
0x12: {  	s1 =	sld [smem:$0x3F97];
	s0 =	simm.s32 @p0 $0x1  }
0x13: {  	[smem:$0x3FB2] =	sst s0;
	s0 =	simm.s32 @!p1 $0x0  }
0x14: {  	s2 =	sld [smem:$0x3F96];
	s0 =	simm.s32 @p1 $0x1  }
0x15: {  	[smem:$0x3FB3] =	sst s0;
	s0 =	simm.s32 @!p2 $0x0  }
0x16: {  	s3 =	sld [smem:$0x3FDB];
	s0 =	simm.s32 @p2 $0x1  }
0x17: {  	s4 =	simm.s32 $0x1BF5;
	[smem:$0x3FB5] =	sst s0  }
0x18: {  	s0 =	sld [smem:$0x3F98];
	_ =	swait.ge [sflag:s4], $0x0  }
0x19: {  	s7 =	sld [smem:$0x3F99]  }
0x1a: {  	s8 =	sadd.s32 $0xFFFFE003, lr  }
0x1b: {  	s9 =	sadd.s32 $0xFFFFFEF7, lr;
	s5 =	simm.s32 $0xFFFFFFFF;
	p2 =	slt.u32 s8, $0xFFFFF086  }
0x1c: {  	p1 =	slt.u32 s9, $0xF7A;
	s5 =	simm.s32 @!p2 $0x0  }
0x1d: {  	s5 =	simm.s32 @p1 $0x1;
	p0 =	seq.s32 s7, s2  }
0x1e: {  	s7 =	smul.u32 @!p0 $0xF7A, s2;
	p2 =	seq.s32 @!p0 s5, $0x0  }
0x1f: {  	s9 =	smul.u32 $0xF7A, s1;
	s8 =	simm.s32 @!p0 $0x1BF5;
	p2 =	por !p2, p0  }
0x20: {  	[sflag:s8] =	ssyncset.s32 @!p0 $0xFFFFF086;
	s6 =	sadd.s32 @!p0 s3, s7;
	s7 =	simm.s32 @!p0 $0x108  }
0x21: {  	s3 =	sadd.s32 s3, s9;
	s6 =	sadd.s32 @!p0 $0x88, s6;
	s7 =	simm.s32 @p2 $0x1082  }
0x22: {  	[simem:s7], [sflag:s8] =	dma.local @!p0 [hbm:s6], $0xF7A  }
0x23: {  	s9 =	sor.u32 $0xD0000000, s2;
	s6 =	simm.s32 $0x108;
	_ =	swait.ge @!p0 [sflag:s8], $0x0  }
0x24: {  	s3 =	sadd.s32 $0x88, s3;
	s6 =	simm.s32 @!p1 $0x1082;
	[sflag:s4] =	ssyncset.s32 $0xFFFFF086  }
0x25: {  	[simem:s6], [sflag:s4] =	dma.local [hbm:s3], $0xF7A  }
0x26: {  	[smem:$0x3F99] =	sst s1;
	(tag) =	ssettag s2;
	_ =	strace s9  }
0x27: {  	s1 =	sld [smem:$0x3FA9]  }
0x28: {  	s2 =	sld [smem:$0x3FAA]  }
0x29: {  	s4 =	sld [smem:$0x3FAC]  }
0x2a: {  	p0 =	seq.s32 s5, $0x0;
	s5 =	sld [smem:$0x3FAD]  }
0x2b: {  	s6 =	sld [smem:$0x3FAE]  }
0x2c: {  	s7 =	sld [smem:$0x3FAF]  }
0x2d: {  	s3 =	simm.s32 $0x108;
	s8 =	sld [smem:$0x3FB0]  }
0x2e: {  	s3 =	simm.s32 @!p0 $0x1082;
	s9 =	sld [smem:$0x3FB1]  }
0x2f: {  	lr =	sadd.s32 s0, s3;
	s0 =	sld [smem:$0x3FA8]  }
0x30: {  	s3 =	sld [smem:$0x3FAB]  }
0x31: {  	[smem:$0x3FB4] =	sst s10  }
0x32: {  	s10 =	sld [smem:$0x3FB2];
	_ =	sdelay $0x3  }
0x33: {  	p0 =	seq.s32 s10, $0x1;
	s10 =	sld [smem:$0x3FB4];
	_ =	sdelay $0x3  }
0x34: {  	[smem:$0x3FB4] =	sst s10  }
0x35: {  	s10 =	sld [smem:$0x3FB3];
	_ =	sdelay $0x3  }
0x36: {  	p1 =	seq.s32 s10, $0x1;
	s10 =	sld [smem:$0x3FB4];
	_ =	sdelay $0x3  }
0x37: {  	[smem:$0x3FB4] =	sst s10  }
0x38: {  	s10 =	sld [smem:$0x3FB5]  }
0x39: {  	_ = 	snop;
	(pc) =	sbr.ind lr, $3  }
0x3a: {  	_ = 	snop  }
0x3b: {  	_ = 	snop  }
0x3c: {  	p2 =	seq.s32 s10, $0x1;
	s10 =	sld [smem:$0x3FB4]  }
0x3d: {  	_ =	shalt  }
0x3e: {  	_ =	shalt  }
0x3f: {  	_ =	shalt  }
0x40: {  	_ =	shalt  }
0x41: {  	_ =	shalt  }
0x42: {  	_ =	shalt  }
0x43: {  	_ =	shalt  }
0x44: {  	_ =	shalt  }
0x45: {  	_ =	shalt  }
0x46: {  	_ =	shalt  }
0x47: {  	_ =	shalt  }
0x48: {  	_ =	shalt  }
0x49: {  	_ =	shalt  }
0x4a: {  	_ =	shalt  }
0x4b: {  	_ =	shalt  }
0x4c: {  	_ =	shalt  }
0x4d: {  	_ =	shalt  }
0x4e: {  	_ =	shalt  }
0x4f: {  	_ =	shalt  }
0x50: {  	_ =	shalt  }
0x51: {  	_ =	shalt  }
0x52: {  	_ =	shalt  }
0x53: {  	_ =	shalt  }
0x54: {  	_ =	shalt  }
0x55: {  	_ =	shalt  }
0x56: {  	_ =	shalt  }
0x57: {  	_ =	shalt  }
0x58: {  	_ =	shalt  }
0x59: {  	_ =	shalt  }
0x5a: {  	_ =	shalt  }
0x5b: {  	_ =	shalt  }
0x5c: {  	_ =	shalt  }
0x5d: {  	_ =	shalt  }
0x5e: {  	_ =	shalt  }
0x5f: {  	_ =	shalt  }
0x60: {  	_ =	shalt  }
0x61: {  	_ =	shalt  }
0x62: {  	_ =	shalt  }
0x63: {  	_ =	shalt  }
0x64: {  	_ =	shalt  }
0x65: {  	_ =	shalt  }
0x66: {  	_ =	shalt  }
0x67: {  	_ =	shalt  }
0x68: {  	_ =	shalt  }
0x69: {  	_ =	shalt  }
0x6a: {  	_ =	shalt  }
0x6b: {  	_ =	shalt  }
0x6c: {  	_ =	shalt  }
0x6d: {  	_ =	shalt  }
0x6e: {  	_ =	shalt  }
0x6f: {  	_ =	shalt  }
0x70: {  	_ =	shalt  }
0x71: {  	_ =	shalt  }
0x72: {  	_ =	shalt  }
0x73: {  	_ =	shalt  }
0x74: {  	_ =	shalt  }
0x75: {  	_ =	shalt  }
0x76: {  	_ =	shalt  }
0x77: {  	_ =	shalt  }
0x78: {  	_ =	shalt  }
0x79: {  	_ =	shalt  }
0x7a: {  	_ =	shalt  }
0x7b: {  	_ =	shalt  }
0x7c: {  	_ =	shalt  }
0x7d: {  	_ =	shalt  }
0x7e: {  	_ =	shalt  }
0x7f: {  	_ =	shalt  }
0x80: {  	_ =	shalt  }
0x81: {  	_ =	shalt  }
0x82: {  	_ =	shalt  }
0x83: {  	_ =	shalt  }
0x84: {  	_ =	shalt  }
0x85: {  	_ =	shalt  }
0x86: {  	_ =	shalt  }
0x87: {  	_ =	shalt  }
.Lfunc_end0:
.L_simem_size_0:
called_computation.1_lowered:
.L_overlay_start_0:
0x88: {  	s2 =	sld [smem:$0x3FD9]  }
0x89: {  	s3 =	sld [smem:$0x3FFE];
	_ =	sdelay $0x1  }
0x8a: {  	s1 =	srdreg.scid  }
0x8b: {  	s0 =	sand.u32 $0x1, s1  }
0x8c: {  	s17 =	sshll.u32 s0, $0xA;
	s2 =	sadd.s32 s3, s2  }
0x8d: {  	s2 =	sadd.s32 s2, s17  }
0x8e: {  	[smem:$0x3FC0] =	sst s2  }
0x8f: {  	_ = 	snop  }
0x90: {  	s18 =	sld [smem:$0x3FC9];
	(tm) =	ssettm $0x1  }
0x91: {  	s19 =	sld [smem:$0x3FFB];
	_ =	sdelay $0x3  }
0x92: {  	_ =	strace s19  }
0x93: {  	s2 =	sld [smem:$0x3FFC];
	_ =	sdelay $0x3  }
0x94: {  	_ =	strace s2  }
0x95: {  	s2 =	sld [smem:$0x3FFD];
	_ =	sdelay $0x3  }
0x96: {  	_ =	strace s2  }
0x97: {  	_ =	strace $0x8FFFFFFF  }
0x98: {  	s20 =	sld [smem:$0x3FDB];
	_ =	sdelay $0x1  }
0x99: {  	s4 =	simm.s32 $_scs_section_size  }
0x9a: {  	s5 =	simm.s32 $_size__tile_overlayer_lowered;
	s6 =	simm.s32 $_tile_overlayer_lowered  }
0x9b: {  	s7 =	simm.s32 $0x1BFF;
	s21 =	sshll.u32 s6, $0x1;
	s4 =	sadd.s32 s4, s20  }
0x9c: {  	s22 =	simm.s32 $0x0;
	s5 =	sshll.u32 s5, $0x1;
	s6 =	sadd.s32 s21, s4  }
0x9d: {  	[timem:s22], [sflag:s7] =	dma.local [hbm:s6], s5  }
0x9e: {  	_ =	swait.ge [sflag:s7], s5  }
0x9f: {  	s5 =	ssub.s32 $0x0, s5;
	[sflag:s7] =	ssyncset.done $0x0  }
0xa0: {  	[sflag:s7] =	ssyncadd.s32 s5;
	_ =	sdelay $0x1  }
0xa1: {  	s23 =	simm.s32 $0x1B8B  }
0xa2: {  	_ =	swait.ge [sflag:s23], $0x1  }
0xa3: {  	[sflag:s23] =	ssyncset.done $0x0  }
0xa4: {  	[sflag:s23] =	ssyncadd.s32 $0xFFFFFFFF  }
0xa5: {  	s5 =	sld [smem:$0x0]  }
0xa6: {  	s6 =	sand.u32 $0xFFFFFFFE, s1  }
0xa7: {  	p0 =	sne.s32 s1, s6  }
0xa8: {  	s6 =	sshll.u32 @p0 s6, $0xE  }
0xa9: {  	s6 =	sadd.s32 @p0 $0x11B8D, s6;
	s7 =	sshll.u32 @p0 s5, $0x11  }
0xaa: {  	s6 =	sor.u32 @p0 s7, s6  }
0xab: {  	[sflag:s6] =	ssyncadd.remote.s32 @p0 $0x1;
	_ =	sdelay $0x1  }
0xac: {  	s6 =	simm.s32 @p0 $0x1B8D  }
0xad: {  	_ =	swait.eq @p0 [sflag:s6], $0x1  }
0xae: {  	[sflag:s6] =	ssyncadd.s32 @p0 $0xFFFFFFFF  }
0xaf: {  	s7 =	sshll.u32 @!p0 s1, $0xE  }
0xb0: {  	s7 =	sor.u32 @!p0 $0x4000, s7;
	s6 =	simm.s32 @!p0 $0x1B8D  }
0xb1: {  	s5 =	sshll.u32 @!p0 s5, $0x11;
	s7 =	sadd.s32 @!p0 $0x11B8D, s7;
	_ =	swait.eq @!p0 [sflag:s6], $0x1  }
0xb2: {  	s5 =	sor.u32 @!p0 s5, s7;
	[sflag:s6] =	ssyncadd.s32 @!p0 $0xFFFFFFFF  }
0xb3: {  	s25 =	simm.s32 $0x1B8E;
	s24 =	sld [smem:$0x3FFE];
	[sflag:s5] =	ssyncadd.remote.s32 @!p0 $0x1  }
0xb4: {  	s26 =	simm.s32 $execute0_lowered;
	[smem:$0x3FD2] =	sst s25  }
0xb5: {  	s6 =	sshll.u32 s26, $0x1;
	_ =	strace $0x80000049;
	[dreg:$0x1] =	wrdreg $0xFFFFFFFF  }
0xb6: {  	s28 =	simm.s32 $_size_execute0_lowered;
	s4 =	sadd.s32 s4, s6;
	[dreg:$0x0] =	wrdreg $0x0  }
0xb7: {  	s6 =	sshll.u32 s28, $0x1;
	[dreg:$0x2] =	wrdreg s4  }
0xb8: {  	[dreg:$0x3] =	wrdreg s6  }
0xb9: {  	[dreg:$0x4] =	wrdreg $0xC0  }
0xba: {  	_ =	task [dreg:s22], $0x5FFFF  }
0xbb: {  	[dreg:$0x1] =	wrdreg $0xFFFFFFFF  }
0xbc: {  	[dreg:$0x0] =	wrdreg $0x60  }
0xbd: {  	[dreg:$0x2] =	wrdreg s18  }
0xbe: {  	[dreg:$0x3] =	wrdreg s24  }
0xbf: {  	[dreg:$0x4] =	wrdreg $0xB4000  }
0xc0: {  	[dreg:$0x5] =	wrdreg $0xA  }
0xc1: {  	_ =	task.clear_ibuf [dreg:s22], $0x6FFFF;
	_ =	strace $0x90000049  }
0xc2: {  	s29 =	simm.s32 $0xA;
	_ =	strace $0x8000004B  }
0xc3: {  	_ =	swait.ge [sflag:s29], $0x1  }
0xc4: {  	[sflag:s29] =	ssyncadd.s32 $0xFFFFFFFF  }
0xc5: {  	_ =	strace $0x9000004B  }
0xc6: {  	_ =	sfence  }
0xc7: {  	s30 =	sld [smem:$0x0];
	_ =	sdelay $0x2  }
0xc8: {  	s31 =	sshll.u32 s1, $0xD;
	s1 =	sshrl.u32 s1, $0x2  }
0xc9: {  	s4 =	sand.u32 $0x4000, s31;
	s1 =	sadd.s32 s1, s30  }
0xca: {  	s0 =	sor.u32 s4, s0;
	s1 =	sshll.u32 s1, $0x11  }
0xcb: {  	s0 =	sor.u32 s1, s0  }
0xcc: {  	s0 =	sadd.s32 $0x8F2B, s0  }
0xcd: {  	[sflag:s0] =	ssyncadd.remote.s32 $0x1  }
0xce: {  	_ =	sfence.sel $0xFFFF  }
0xcf: {  	[dreg:$0x0] =	wrdreg $0xFFFFFFFF;
	(pc) =	sbr.abs _section_cstart, $3  }
0xd0: {  	[dreg:$0x1] =	wrdreg $0xFFFFFFFF  }
0xd1: {  	_ =	task.clear_ibuf [dreg:s22], $0x2FFFF;
	_ =	strace $0x9FFFFFFF  }
0xd2: {  	(tm) =	ssettm $0x7FFFFFFF  }
0xd3: {  	_ =	shalt  }
tec
execute0_lowered:
.L_overlay_start_1:
0x0: {  	(tag) =	ssettag $0x1  }
0x1: {  	s2 =	rddreg [dreg:$0x0]  }
0x2: {  	s0 =	rddreg [dreg:$0x1];
	s12 =	stileid.u32  }
0x3: {  	s5 =	srdreg.scid;
	s1 =	smul.u32 $0x14000, s12  }
0x4: {  	s3 =	rddreg [dreg:$0x2];
	s4 =	simm.s32 $0x0;
	s8 =	sand.u32 $0x1, s5  }
0x5: {  	[smem:$0x7FF] =	sst s4;
	s7 =	smul.u32 $0x28000, s8;
	s6 =	sshrl.u32 s1, $0x3  }
0x6: {  	s25 =	sshll.u32 s12, $0x6;
	_ =	strace $0x8000004A;
	s24 =	sadd.s32 s6, s0  }
0x7: {  	s9 =	smul.u32 $0x5000, s8;
	s7 =	sadd.s32 s7, s0;
	s5 =	sadd.s32 $0x1BE00, s24  }
0x8: {  	s1 =	sadd.s32 s1, s3;
	s7 =	sadd.s32 $0x43E00, s7;
	[dreg:$0x4] =	wrdreg s5  }
0x9: {  	s5 =	sor.u32 $0x1C02, s25;
	s11 =	sadd.s32 s6, s7;
	s10 =	rddreg [dreg:$0x4]  }
0xa: {  	s7 =	sshrl.u32 s1, $0x3;
	s6 =	simm.s32 $0x2;
	[dreg:$0x5] =	wrdreg s11  }
0xb: {  	[spmem:s7], [sflag:s5] =	dma.local [hbm:s10], $0x2800  }
0xc: {  	_ =	swait.ge [sflag:s6], $0x2800  }
0xd: {  	s26 =	smul.u32 $0x500, s12;
	s0 =	sadd.s32 s9, s0;
	[sflag:s6] =	ssyncset.done $0x0  }
0xe: {  	s9 =	sadd.s32 $0x11E00, s0;
	[sflag:s6] =	ssyncadd.s32 $0xFFFFD800  }
0xf: {  	s9 =	sadd.s32 s26, s9;
	[bflag:$0x0] =	sbarrier.arrive $0xFFFF  }
0x10: {  	[tilespmem:s4], [sflag:$0x2] =	stream.linear.gather [hbm4b:s9+s4], $0xA00, $0x38;
	[tilespmem:$0x1F400] =	vst v63  }
0x11: {  	_ =	swait.ge [sflag:s6], $0xA00  }
0x12: {  	s0 =	sadd.s32 $0x2A00, s0;
	[sflag:s6] =	ssyncset.done $0x0  }
0x13: {  	s0 =	sadd.s32 s26, s0;
	s10 =	simm.s32 $0xA00;
	[sflag:s6] =	ssyncadd.s32 $0xFFFFF600  }
0x14: {  	[tilespmem:s10], [sflag:$0x2] =	stream.linear.gather [hbm4b:s0+s4], $0xA00, $0x38;
	[tilespmem:$0x1F400] =	vst v63  }
0x15: {  	_ =	swait.ge [sflag:s6], $0xA00  }
0x16: {  	s13 =	simm.s32 $0x1;
	[sflag:s6] =	ssyncset.done $0x0  }
0x17: {  	s12 =	simm.s32 $0x1400;
	s11 =	simm.s32 $0x140;
	[sflag:s6] =	ssyncadd.s32 $0xFFFFF600  }
0x18: {  	[tilespmem:s12], [sflag:$0x1] =	stream.indirect.gather [hbm4b:s2+s11], $0x80, s4, s11, $0xb8;
	[tilespmem:$0x1F400] =	vst v63  }
0x19: {  	_ =	swait.ge [sflag:s13], $0xA000  }
0x1a: {  	[sflag:s13] =	ssyncset.done $0x0  }
0x1b: {  	[sflag:s13] =	ssyncadd.s32 $0xFFFF6000  }
0x1c: {  	[spmem:s3] =	stream.indirect.scatter.add.f32 [tilespmem:s12], [sflag:$0x2], $0x80, s10, s11, $0xb8;
	[tilespmem:$0x1F400] =	vst v63  }
0x1d: {  	_ =	swait.ge [sflag:s6], $0xA000  }
0x1e: {  	[sflag:s6] =	ssyncset.done $0x0  }
0x1f: {  	[sflag:s6] =	ssyncadd.s32 $0xFFFF6000  }
0x20: {  	[tilespmem:s12], [sflag:$0x1] =	stream.indirect.gather [hbm4b:s2+s11], $0x80, s11, s11, $0xb8;
	[tilespmem:$0x1F400] =	vst v63  }
0x21: {  	_ =	swait.ge [sflag:s13], $0xA000  }
0x22: {  	[sflag:s13] =	ssyncset.done $0x0  }
0x23: {  	s14 =	simm.s32 $0xB40;
	[sflag:s13] =	ssyncadd.s32 $0xFFFF6000  }
0x24: {  	[spmem:s3] =	stream.indirect.scatter.add.f32 [tilespmem:s12], [sflag:$0x2], $0x80, s14, s11, $0xb8;
	[tilespmem:$0x1F400] =	vst v63  }
0x25: {  	_ =	swait.ge [sflag:s6], $0xA000  }
0x26: {  	[sflag:s6] =	ssyncset.done $0x0  }
0x27: {  	s15 =	simm.s32 $0x280;
	[sflag:s6] =	ssyncadd.s32 $0xFFFF6000  }
0x28: {  	[tilespmem:s12], [sflag:$0x1] =	stream.indirect.gather [hbm4b:s2+s11], $0x80, s15, s11, $0xb8;
	[tilespmem:$0x1F400] =	vst v63  }
0x29: {  	_ =	swait.ge [sflag:s13], $0xA000  }
0x2a: {  	[sflag:s13] =	ssyncset.done $0x0  }
0x2b: {  	s16 =	simm.s32 $0xC80;
	[sflag:s13] =	ssyncadd.s32 $0xFFFF6000  }
0x2c: {  	[spmem:s3] =	stream.indirect.scatter.add.f32 [tilespmem:s12], [sflag:$0x2], $0x80, s16, s11, $0xb8;
	[tilespmem:$0x1F400] =	vst v63  }
0x2d: {  	_ =	swait.ge [sflag:s6], $0xA000  }
0x2e: {  	[sflag:s6] =	ssyncset.done $0x0  }
0x2f: {  	s17 =	simm.s32 $0x3C0;
	[sflag:s6] =	ssyncadd.s32 $0xFFFF6000  }
0x30: {  	[tilespmem:s12], [sflag:$0x1] =	stream.indirect.gather [hbm4b:s2+s11], $0x80, s17, s11, $0xb8;
	[tilespmem:$0x1F400] =	vst v63  }
0x31: {  	_ =	swait.ge [sflag:s13], $0xA000  }
0x32: {  	[sflag:s13] =	ssyncset.done $0x0  }
0x33: {  	s18 =	simm.s32 $0xDC0;
	[sflag:s13] =	ssyncadd.s32 $0xFFFF6000  }
0x34: {  	[spmem:s3] =	stream.indirect.scatter.add.f32 [tilespmem:s12], [sflag:$0x2], $0x80, s18, s11, $0xb8;
	[tilespmem:$0x1F400] =	vst v63  }
0x35: {  	_ =	swait.ge [sflag:s6], $0xA000  }
0x36: {  	[sflag:s6] =	ssyncset.done $0x0  }
0x37: {  	s19 =	simm.s32 $0x500;
	[sflag:s6] =	ssyncadd.s32 $0xFFFF6000  }
0x38: {  	[tilespmem:s12], [sflag:$0x1] =	stream.indirect.gather [hbm4b:s2+s11], $0x80, s19, s11, $0xb8;
	[tilespmem:$0x1F400] =	vst v63  }
0x39: {  	_ =	swait.ge [sflag:s13], $0xA000  }
0x3a: {  	[sflag:s13] =	ssyncset.done $0x0  }
0x3b: {  	s20 =	simm.s32 $0xF00;
	[sflag:s13] =	ssyncadd.s32 $0xFFFF6000  }
0x3c: {  	[spmem:s3] =	stream.indirect.scatter.add.f32 [tilespmem:s12], [sflag:$0x2], $0x80, s20, s11, $0xb8;
	[tilespmem:$0x1F400] =	vst v63  }
0x3d: {  	_ =	swait.ge [sflag:s6], $0xA000  }
0x3e: {  	[sflag:s6] =	ssyncset.done $0x0  }
0x3f: {  	s21 =	simm.s32 $0x640;
	[sflag:s6] =	ssyncadd.s32 $0xFFFF6000  }
0x40: {  	[tilespmem:s12], [sflag:$0x1] =	stream.indirect.gather [hbm4b:s2+s11], $0x80, s21, s11, $0xb8;
	[tilespmem:$0x1F400] =	vst v63  }
0x41: {  	_ =	swait.ge [sflag:s13], $0xA000  }
0x42: {  	[sflag:s13] =	ssyncset.done $0x0  }
0x43: {  	s22 =	simm.s32 $0x1040;
	[sflag:s13] =	ssyncadd.s32 $0xFFFF6000  }
0x44: {  	[spmem:s3] =	stream.indirect.scatter.add.f32 [tilespmem:s12], [sflag:$0x2], $0x80, s22, s11, $0xb8;
	[tilespmem:$0x1F400] =	vst v63  }
0x45: {  	_ =	swait.ge [sflag:s6], $0xA000  }
0x46: {  	[sflag:s6] =	ssyncset.done $0x0  }
0x47: {  	s23 =	simm.s32 $0x780;
	[sflag:s6] =	ssyncadd.s32 $0xFFFF6000  }
0x48: {  	[tilespmem:s12], [sflag:$0x1] =	stream.indirect.gather [hbm4b:s2+s11], $0x80, s23, s11, $0xb8;
	[tilespmem:$0x1F400] =	vst v63  }
0x49: {  	_ =	swait.ge [sflag:s13], $0xA000  }
0x4a: {  	[sflag:s13] =	ssyncset.done $0x0  }
0x4b: {  	s24 =	simm.s32 $0x1180;
	[sflag:s13] =	ssyncadd.s32 $0xFFFF6000  }
0x4c: {  	[spmem:s3] =	stream.indirect.scatter.add.f32 [tilespmem:s12], [sflag:$0x2], $0x80, s24, s11, $0xb8;
	[tilespmem:$0x1F400] =	vst v63  }
0x4d: {  	_ =	swait.ge [sflag:s6], $0xA000  }
0x4e: {  	[sflag:s6] =	ssyncset.done $0x0  }
0x4f: {  	s25 =	simm.s32 $0x8C0;
	[sflag:s6] =	ssyncadd.s32 $0xFFFF6000  }
0x50: {  	[tilespmem:s12], [sflag:$0x1] =	stream.indirect.gather [hbm4b:s2+s11], $0x80, s25, s11, $0xb8;
	[tilespmem:$0x1F400] =	vst v63  }
0x51: {  	_ =	swait.ge [sflag:s13], $0xA000  }
0x52: {  	[sflag:s13] =	ssyncset.done $0x0  }
0x53: {  	s26 =	simm.s32 $0x12C0;
	[sflag:s13] =	ssyncadd.s32 $0xFFFF6000  }
0x54: {  	[spmem:s3] =	stream.indirect.scatter.add.f32 [tilespmem:s12], [sflag:$0x2], $0x80, s26, s11, $0xb8;
	[tilespmem:$0x1F400] =	vst v63  }
0x55: {  	_ =	swait.ge [sflag:s6], $0xA000  }
0x56: {  	s1 =	sadd.s32 $0x140, s9;
	[sflag:s6] =	ssyncset.done $0x0  }
0x57: {  	[dreg:$0x6] =	wrdreg s1;
	[sflag:s6] =	ssyncadd.s32 $0xFFFF6000  }
0x58: {  	[tilespmem:s4], [sflag:$0x2] =	stream.linear.gather [hbm4b:s1+s4], $0xA00, $0x38;
	[tilespmem:$0x1F400] =	vst v63  }
0x59: {  	_ =	swait.ge [sflag:s6], $0xA00  }
0x5a: {  	s1 =	sadd.s32 $0x140, s0;
	[sflag:s6] =	ssyncset.done $0x0  }
0x5b: {  	[dreg:$0x7] =	wrdreg s1;
	[sflag:s6] =	ssyncadd.s32 $0xFFFFF600  }
0x5c: {  	[tilespmem:s10], [sflag:$0x2] =	stream.linear.gather [hbm4b:s1+s4], $0xA00, $0x38;
	[tilespmem:$0x1F400] =	vst v63  }
0x5d: {  	_ =	swait.ge [sflag:s6], $0xA00  }
0x5e: {  	[sflag:s6] =	ssyncset.done $0x0  }
0x5f: {  	[sflag:s6] =	ssyncadd.s32 $0xFFFFF600  }
0x60: {  	[tilespmem:s12], [sflag:$0x1] =	stream.indirect.gather [hbm4b:s2+s11], $0x80, s4, s11, $0xb8;
	[tilespmem:$0x1F400] =	vst v63  }
0x61: {  	_ =	swait.ge [sflag:s13], $0xA000  }
0x62: {  	[sflag:s13] =	ssyncset.done $0x0  }
0x63: {  	[sflag:s13] =	ssyncadd.s32 $0xFFFF6000  }
0x64: {  	[spmem:s3] =	stream.indirect.scatter.add.f32 [tilespmem:s12], [sflag:$0x2], $0x80, s10, s11, $0xb8;
	[tilespmem:$0x1F400] =	vst v63  }
0x65: {  	_ =	swait.ge [sflag:s6], $0xA000  }
0x66: {  	[sflag:s6] =	ssyncset.done $0x0  }
0x67: {  	[sflag:s6] =	ssyncadd.s32 $0xFFFF6000  }
0x68: {  	[tilespmem:s12], [sflag:$0x1] =	stream.indirect.gather [hbm4b:s2+s11], $0x80, s11, s11, $0xb8;
	[tilespmem:$0x1F400] =	vst v63  }
0x69: {  	_ =	swait.ge [sflag:s13], $0xA000  }
0x6a: {  	[sflag:s13] =	ssyncset.done $0x0  }
0x6b: {  	[sflag:s13] =	ssyncadd.s32 $0xFFFF6000  }
0x6c: {  	[spmem:s3] =	stream.indirect.scatter.add.f32 [tilespmem:s12], [sflag:$0x2], $0x80, s14, s11, $0xb8;
	[tilespmem:$0x1F400] =	vst v63  }
0x6d: {  	_ =	swait.ge [sflag:s6], $0xA000  }
0x6e: {  	[sflag:s6] =	ssyncset.done $0x0  }
0x6f: {  	[sflag:s6] =	ssyncadd.s32 $0xFFFF6000  }
0x70: {  	[tilespmem:s12], [sflag:$0x1] =	stream.indirect.gather [hbm4b:s2+s11], $0x80, s15, s11, $0xb8;
	[tilespmem:$0x1F400] =	vst v63  }
0x71: {  	_ =	swait.ge [sflag:s13], $0xA000  }
0x72: {  	[sflag:s13] =	ssyncset.done $0x0  }
0x73: {  	[sflag:s13] =	ssyncadd.s32 $0xFFFF6000  }
0x74: {  	[spmem:s3] =	stream.indirect.scatter.add.f32 [tilespmem:s12], [sflag:$0x2], $0x80, s16, s11, $0xb8;
	[tilespmem:$0x1F400] =	vst v63  }
0x75: {  	_ =	swait.ge [sflag:s6], $0xA000  }
0x76: {  	[sflag:s6] =	ssyncset.done $0x0  }
0x77: {  	[sflag:s6] =	ssyncadd.s32 $0xFFFF6000  }
0x78: {  	[tilespmem:s12], [sflag:$0x1] =	stream.indirect.gather [hbm4b:s2+s11], $0x80, s17, s11, $0xb8;
	[tilespmem:$0x1F400] =	vst v63  }
0x79: {  	_ =	swait.ge [sflag:s13], $0xA000  }
0x7a: {  	[sflag:s13] =	ssyncset.done $0x0  }
0x7b: {  	[sflag:s13] =	ssyncadd.s32 $0xFFFF6000  }
0x7c: {  	[spmem:s3] =	stream.indirect.scatter.add.f32 [tilespmem:s12], [sflag:$0x2], $0x80, s18, s11, $0xb8;
	[tilespmem:$0x1F400] =	vst v63  }
0x7d: {  	_ =	swait.ge [sflag:s6], $0xA000  }
0x7e: {  	[sflag:s6] =	ssyncset.done $0x0  }
0x7f: {  	[sflag:s6] =	ssyncadd.s32 $0xFFFF6000  }
0x80: {  	[tilespmem:s12], [sflag:$0x1] =	stream.indirect.gather [hbm4b:s2+s11], $0x80, s19, s11, $0xb8;
	[tilespmem:$0x1F400] =	vst v63  }
0x81: {  	_ =	swait.ge [sflag:s13], $0xA000  }
0x82: {  	[sflag:s13] =	ssyncset.done $0x0  }
0x83: {  	[sflag:s13] =	ssyncadd.s32 $0xFFFF6000  }
0x84: {  	[spmem:s3] =	stream.indirect.scatter.add.f32 [tilespmem:s12], [sflag:$0x2], $0x80, s20, s11, $0xb8;
	[tilespmem:$0x1F400] =	vst v63  }
0x85: {  	_ =	swait.ge [sflag:s6], $0xA000  }
0x86: {  	[sflag:s6] =	ssyncset.done $0x0  }
0x87: {  	[sflag:s6] =	ssyncadd.s32 $0xFFFF6000  }
0x88: {  	[tilespmem:s12], [sflag:$0x1] =	stream.indirect.gather [hbm4b:s2+s11], $0x80, s21, s11, $0xb8;
	[tilespmem:$0x1F400] =	vst v63  }
0x89: {  	_ =	swait.ge [sflag:s13], $0xA000  }
0x8a: {  	[sflag:s13] =	ssyncset.done $0x0  }
0x8b: {  	[sflag:s13] =	ssyncadd.s32 $0xFFFF6000  }
0x8c: {  	[spmem:s3] =	stream.indirect.scatter.add.f32 [tilespmem:s12], [sflag:$0x2], $0x80, s22, s11, $0xb8;
	[tilespmem:$0x1F400] =	vst v63  }
0x8d: {  	_ =	swait.ge [sflag:s6], $0xA000  }
0x8e: {  	[sflag:s6] =	ssyncset.done $0x0  }
0x8f: {  	[sflag:s6] =	ssyncadd.s32 $0xFFFF6000  }
0x90: {  	[tilespmem:s12], [sflag:$0x1] =	stream.indirect.gather [hbm4b:s2+s11], $0x80, s23, s11, $0xb8;
	[tilespmem:$0x1F400] =	vst v63  }
0x91: {  	_ =	swait.ge [sflag:s13], $0xA000  }
0x92: {  	[sflag:s13] =	ssyncset.done $0x0  }
0x93: {  	[sflag:s13] =	ssyncadd.s32 $0xFFFF6000  }
0x94: {  	[spmem:s3] =	stream.indirect.scatter.add.f32 [tilespmem:s12], [sflag:$0x2], $0x80, s24, s11, $0xb8;
	[tilespmem:$0x1F400] =	vst v63  }
0x95: {  	_ =	swait.ge [sflag:s6], $0xA000  }
0x96: {  	[sflag:s6] =	ssyncset.done $0x0  }
0x97: {  	[sflag:s6] =	ssyncadd.s32 $0xFFFF6000  }
0x98: {  	[tilespmem:s12], [sflag:$0x1] =	stream.indirect.gather [hbm4b:s2+s11], $0x80, s25, s11, $0xb8;
	[tilespmem:$0x1F400] =	vst v63  }
0x99: {  	_ =	swait.ge [sflag:s13], $0xA000  }
0x9a: {  	[sflag:s13] =	ssyncset.done $0x0  }
0x9b: {  	[sflag:s13] =	ssyncadd.s32 $0xFFFF6000  }
0x9c: {  	[spmem:s3] =	stream.indirect.scatter.add.f32 [tilespmem:s12], [sflag:$0x2], $0x80, s26, s11, $0xb8;
	[tilespmem:$0x1F400] =	vst v63  }
0x9d: {  	_ =	swait.ge [sflag:s6], $0xA000  }
0x9e: {  	[sflag:s6] =	ssyncset.done $0x0  }
0x9f: {  	s30 =	sadd.s32 $0x280, s9;
	[sflag:s6] =	ssyncadd.s32 $0xFFFF6000  }
0xa0: {  	[tilespmem:s4], [sflag:$0x2] =	stream.linear.gather [hbm4b:s30+s4], $0xA00, $0x38;
	[tilespmem:$0x1F400] =	vst v63  }
0xa1: {  	_ =	swait.ge [sflag:s6], $0xA00  }
0xa2: {  	[sflag:s6] =	ssyncset.done $0x0  }
0xa3: {  	s31 =	sadd.s32 $0x280, s0;
	[sflag:s6] =	ssyncadd.s32 $0xFFFFF600  }
0xa4: {  	[tilespmem:s10], [sflag:$0x2] =	stream.linear.gather [hbm4b:s31+s4], $0xA00, $0x38;
	[tilespmem:$0x1F400] =	vst v63  }
0xa5: {  	_ =	swait.ge [sflag:s6], $0xA00  }
0xa6: {  	[sflag:s6] =	ssyncset.done $0x0  }
0xa7: {  	[sflag:s6] =	ssyncadd.s32 $0xFFFFF600  }
0xa8: {  	[tilespmem:s12], [sflag:$0x1] =	stream.indirect.gather [hbm4b:s2+s11], $0x80, s4, s11, $0xb8;
	[tilespmem:$0x1F400] =	vst v63  }
0xa9: {  	_ =	swait.ge [sflag:s13], $0xA000  }
0xaa: {  	[sflag:s13] =	ssyncset.done $0x0  }
0xab: {  	[sflag:s13] =	ssyncadd.s32 $0xFFFF6000  }
0xac: {  	[spmem:s3] =	stream.indirect.scatter.add.f32 [tilespmem:s12], [sflag:$0x2], $0x80, s10, s11, $0xb8;
	[tilespmem:$0x1F400] =	vst v63  }
0xad: {  	_ =	swait.ge [sflag:s6], $0xA000  }
0xae: {  	[sflag:s6] =	ssyncset.done $0x0  }
0xaf: {  	[sflag:s6] =	ssyncadd.s32 $0xFFFF6000  }
0xb0: {  	[tilespmem:s12], [sflag:$0x1] =	stream.indirect.gather [hbm4b:s2+s11], $0x80, s11, s11, $0xb8;
	[tilespmem:$0x1F400] =	vst v63  }
0xb1: {  	_ =	swait.ge [sflag:s13], $0xA000  }
0xb2: {  	[sflag:s13] =	ssyncset.done $0x0  }
0xb3: {  	[sflag:s13] =	ssyncadd.s32 $0xFFFF6000  }
0xb4: {  	[spmem:s3] =	stream.indirect.scatter.add.f32 [tilespmem:s12], [sflag:$0x2], $0x80, s14, s11, $0xb8;
	[tilespmem:$0x1F400] =	vst v63  }
0xb5: {  	_ =	swait.ge [sflag:s6], $0xA000  }
0xb6: {  	[sflag:s6] =	ssyncset.done $0x0  }
0xb7: {  	[sflag:s6] =	ssyncadd.s32 $0xFFFF6000  }
0xb8: {  	[tilespmem:s12], [sflag:$0x1] =	stream.indirect.gather [hbm4b:s2+s11], $0x80, s15, s11, $0xb8;
	[tilespmem:$0x1F400] =	vst v63  }
0xb9: {  	_ =	swait.ge [sflag:s13], $0xA000  }
0xba: {  	[sflag:s13] =	ssyncset.done $0x0  }
0xbb: {  	[sflag:s13] =	ssyncadd.s32 $0xFFFF6000  }
0xbc: {  	[spmem:s3] =	stream.indirect.scatter.add.f32 [tilespmem:s12], [sflag:$0x2], $0x80, s16, s11, $0xb8;
	[tilespmem:$0x1F400] =	vst v63  }
0xbd: {  	_ =	swait.ge [sflag:s6], $0xA000  }
0xbe: {  	[sflag:s6] =	ssyncset.done $0x0  }
0xbf: {  	[sflag:s6] =	ssyncadd.s32 $0xFFFF6000  }
0xc0: {  	[tilespmem:s12], [sflag:$0x1] =	stream.indirect.gather [hbm4b:s2+s11], $0x80, s17, s11, $0xb8;
	[tilespmem:$0x1F400] =	vst v63  }
0xc1: {  	_ =	swait.ge [sflag:s13], $0xA000  }
0xc2: {  	[sflag:s13] =	ssyncset.done $0x0  }
0xc3: {  	[sflag:s13] =	ssyncadd.s32 $0xFFFF6000  }
0xc4: {  	[spmem:s3] =	stream.indirect.scatter.add.f32 [tilespmem:s12], [sflag:$0x2], $0x80, s18, s11, $0xb8;
	[tilespmem:$0x1F400] =	vst v63  }
0xc5: {  	_ =	swait.ge [sflag:s6], $0xA000  }
0xc6: {  	[sflag:s6] =	ssyncset.done $0x0  }
0xc7: {  	[sflag:s6] =	ssyncadd.s32 $0xFFFF6000  }
0xc8: {  	[tilespmem:s12], [sflag:$0x1] =	stream.indirect.gather [hbm4b:s2+s11], $0x80, s19, s11, $0xb8;
	[tilespmem:$0x1F400] =	vst v63  }
0xc9: {  	_ =	swait.ge [sflag:s13], $0xA000  }
0xca: {  	[sflag:s13] =	ssyncset.done $0x0  }
0xcb: {  	[sflag:s13] =	ssyncadd.s32 $0xFFFF6000  }
0xcc: {  	[spmem:s3] =	stream.indirect.scatter.add.f32 [tilespmem:s12], [sflag:$0x2], $0x80, s20, s11, $0xb8;
	[tilespmem:$0x1F400] =	vst v63  }
0xcd: {  	_ =	swait.ge [sflag:s6], $0xA000  }
0xce: {  	[sflag:s6] =	ssyncset.done $0x0  }
0xcf: {  	[sflag:s6] =	ssyncadd.s32 $0xFFFF6000  }
0xd0: {  	[tilespmem:s12], [sflag:$0x1] =	stream.indirect.gather [hbm4b:s2+s11], $0x80, s21, s11, $0xb8;
	[tilespmem:$0x1F400] =	vst v63  }
0xd1: {  	_ =	swait.ge [sflag:s13], $0xA000  }
0xd2: {  	[sflag:s13] =	ssyncset.done $0x0  }
0xd3: {  	[sflag:s13] =	ssyncadd.s32 $0xFFFF6000  }
0xd4: {  	[spmem:s3] =	stream.indirect.scatter.add.f32 [tilespmem:s12], [sflag:$0x2], $0x80, s22, s11, $0xb8;
	[tilespmem:$0x1F400] =	vst v63  }
0xd5: {  	_ =	swait.ge [sflag:s6], $0xA000  }
0xd6: {  	[sflag:s6] =	ssyncset.done $0x0  }
0xd7: {  	[sflag:s6] =	ssyncadd.s32 $0xFFFF6000  }
0xd8: {  	[tilespmem:s12], [sflag:$0x1] =	stream.indirect.gather [hbm4b:s2+s11], $0x80, s23, s11, $0xb8;
	[tilespmem:$0x1F400] =	vst v63  }
0xd9: {  	_ =	swait.ge [sflag:s13], $0xA000  }
0xda: {  	[sflag:s13] =	ssyncset.done $0x0  }
0xdb: {  	[sflag:s13] =	ssyncadd.s32 $0xFFFF6000  }
0xdc: {  	[spmem:s3] =	stream.indirect.scatter.add.f32 [tilespmem:s12], [sflag:$0x2], $0x80, s24, s11, $0xb8;
	[tilespmem:$0x1F400] =	vst v63  }
0xdd: {  	_ =	swait.ge [sflag:s6], $0xA000  }
0xde: {  	[sflag:s6] =	ssyncset.done $0x0  }
0xdf: {  	[sflag:s6] =	ssyncadd.s32 $0xFFFF6000  }
0xe0: {  	[tilespmem:s12], [sflag:$0x1] =	stream.indirect.gather [hbm4b:s2+s11], $0x80, s25, s11, $0xb8;
	[tilespmem:$0x1F400] =	vst v63  }
0xe1: {  	_ =	swait.ge [sflag:s13], $0xA000  }
0xe2: {  	[sflag:s13] =	ssyncset.done $0x0  }
0xe3: {  	[sflag:s13] =	ssyncadd.s32 $0xFFFF6000  }
0xe4: {  	[spmem:s3] =	stream.indirect.scatter.add.f32 [tilespmem:s12], [sflag:$0x2], $0x80, s26, s11, $0xb8;
	[tilespmem:$0x1F400] =	vst v63  }
0xe5: {  	_ =	swait.ge [sflag:s6], $0xA000  }
0xe6: {  	[sflag:s6] =	ssyncset.done $0x0  }
0xe7: {  	s1 =	sadd.s32 $0x3C0, s9;
	[sflag:s6] =	ssyncadd.s32 $0xFFFF6000  }
0xe8: {  	[tilespmem:s4], [sflag:$0x2] =	stream.linear.gather [hbm4b:s1+s4], $0xA00, $0x38;
	[tilespmem:$0x1F400] =	vst v63  }
0xe9: {  	_ =	swait.ge [sflag:s6], $0xA00  }
0xea: {  	[sflag:s6] =	ssyncset.done $0x0  }
0xeb: {  	s29 =	smov.u32 s0;
	s0 =	sadd.s32 $0x3C0, s0;
	[sflag:s6] =	ssyncadd.s32 $0xFFFFF600  }
0xec: {  	[tilespmem:s10], [sflag:$0x2] =	stream.linear.gather [hbm4b:s0+s4], $0xA00, $0x38;
	[tilespmem:$0x1F400] =	vst v63  }
0xed: {  	_ =	swait.ge [sflag:s6], $0xA00  }
0xee: {  	[sflag:s6] =	ssyncset.done $0x0  }
0xef: {  	[sflag:s6] =	ssyncadd.s32 $0xFFFFF600  }
0xf0: {  	[tilespmem:s12], [sflag:$0x1] =	stream.indirect.gather [hbm4b:s2+s11], $0x80, s4, s11, $0xb8;
	[tilespmem:$0x1F400] =	vst v63  }
0xf1: {  	_ =	swait.ge [sflag:s13], $0xA000  }
0xf2: {  	[sflag:s13] =	ssyncset.done $0x0  }
0xf3: {  	[sflag:s13] =	ssyncadd.s32 $0xFFFF6000  }
0xf4: {  	[spmem:s3] =	stream.indirect.scatter.add.f32 [tilespmem:s12], [sflag:$0x2], $0x80, s10, s11, $0xb8;
	[tilespmem:$0x1F400] =	vst v63  }
0xf5: {  	_ =	swait.ge [sflag:s6], $0xA000  }
0xf6: {  	[sflag:s6] =	ssyncset.done $0x0  }
0xf7: {  	[sflag:s6] =	ssyncadd.s32 $0xFFFF6000  }
0xf8: {  	[tilespmem:s12], [sflag:$0x1] =	stream.indirect.gather [hbm4b:s2+s11], $0x80, s11, s11, $0xb8;
	[tilespmem:$0x1F400] =	vst v63  }
0xf9: {  	_ =	swait.ge [sflag:s13], $0xA000  }
0xfa: {  	[sflag:s13] =	ssyncset.done $0x0  }
0xfb: {  	[sflag:s13] =	ssyncadd.s32 $0xFFFF6000  }
0xfc: {  	[spmem:s3] =	stream.indirect.scatter.add.f32 [tilespmem:s12], [sflag:$0x2], $0x80, s14, s11, $0xb8;
	[tilespmem:$0x1F400] =	vst v63  }
0xfd: {  	_ =	swait.ge [sflag:s6], $0xA000  }
0xfe: {  	[sflag:s6] =	ssyncset.done $0x0  }
0xff: {  	[sflag:s6] =	ssyncadd.s32 $0xFFFF6000  }
0x100: {  	[tilespmem:s12], [sflag:$0x1] =	stream.indirect.gather [hbm4b:s2+s11], $0x80, s15, s11, $0xb8;
	[tilespmem:$0x1F400] =	vst v63  }
0x101: {  	_ =	swait.ge [sflag:s13], $0xA000  }
0x102: {  	[sflag:s13] =	ssyncset.done $0x0  }
0x103: {  	[sflag:s13] =	ssyncadd.s32 $0xFFFF6000  }
0x104: {  	[spmem:s3] =	stream.indirect.scatter.add.f32 [tilespmem:s12], [sflag:$0x2], $0x80, s16, s11, $0xb8;
	[tilespmem:$0x1F400] =	vst v63  }
0x105: {  	_ =	swait.ge [sflag:s6], $0xA000  }
0x106: {  	[sflag:s6] =	ssyncset.done $0x0  }
0x107: {  	[sflag:s6] =	ssyncadd.s32 $0xFFFF6000  }
0x108: {  	[tilespmem:s12], [sflag:$0x1] =	stream.indirect.gather [hbm4b:s2+s11], $0x80, s17, s11, $0xb8;
	[tilespmem:$0x1F400] =	vst v63  }
0x109: {  	_ =	swait.ge [sflag:s13], $0xA000  }
0x10a: {  	[sflag:s13] =	ssyncset.done $0x0  }
0x10b: {  	[sflag:s13] =	ssyncadd.s32 $0xFFFF6000  }
0x10c: {  	[spmem:s3] =	stream.indirect.scatter.add.f32 [tilespmem:s12], [sflag:$0x2], $0x80, s18, s11, $0xb8;
	[tilespmem:$0x1F400] =	vst v63  }
0x10d: {  	_ =	swait.ge [sflag:s6], $0xA000  }
0x10e: {  	[sflag:s6] =	ssyncset.done $0x0  }
0x10f: {  	[sflag:s6] =	ssyncadd.s32 $0xFFFF6000  }
0x110: {  	[tilespmem:s12], [sflag:$0x1] =	stream.indirect.gather [hbm4b:s2+s11], $0x80, s19, s11, $0xb8;
	[tilespmem:$0x1F400] =	vst v63  }
0x111: {  	_ =	swait.ge [sflag:s13], $0xA000  }
0x112: {  	[sflag:s13] =	ssyncset.done $0x0  }
0x113: {  	[sflag:s13] =	ssyncadd.s32 $0xFFFF6000  }
0x114: {  	[spmem:s3] =	stream.indirect.scatter.add.f32 [tilespmem:s12], [sflag:$0x2], $0x80, s20, s11, $0xb8;
	[tilespmem:$0x1F400] =	vst v63  }
0x115: {  	_ =	swait.ge [sflag:s6], $0xA000  }
0x116: {  	[sflag:s6] =	ssyncset.done $0x0  }
0x117: {  	[sflag:s6] =	ssyncadd.s32 $0xFFFF6000  }
0x118: {  	[tilespmem:s12], [sflag:$0x1] =	stream.indirect.gather [hbm4b:s2+s11], $0x80, s21, s11, $0xb8;
	[tilespmem:$0x1F400] =	vst v63  }
0x119: {  	_ =	swait.ge [sflag:s13], $0xA000  }
0x11a: {  	[sflag:s13] =	ssyncset.done $0x0  }
0x11b: {  	[sflag:s13] =	ssyncadd.s32 $0xFFFF6000  }
0x11c: {  	[spmem:s3] =	stream.indirect.scatter.add.f32 [tilespmem:s12], [sflag:$0x2], $0x80, s22, s11, $0xb8;
	[tilespmem:$0x1F400] =	vst v63  }
0x11d: {  	_ =	swait.ge [sflag:s6], $0xA000  }
0x11e: {  	[sflag:s6] =	ssyncset.done $0x0  }
0x11f: {  	[sflag:s6] =	ssyncadd.s32 $0xFFFF6000  }
0x120: {  	[tilespmem:s12], [sflag:$0x1] =	stream.indirect.gather [hbm4b:s2+s11], $0x80, s23, s11, $0xb8;
	[tilespmem:$0x1F400] =	vst v63  }
0x121: {  	_ =	swait.ge [sflag:s13], $0xA000  }
0x122: {  	[sflag:s13] =	ssyncset.done $0x0  }
0x123: {  	[sflag:s13] =	ssyncadd.s32 $0xFFFF6000  }
0x124: {  	[spmem:s3] =	stream.indirect.scatter.add.f32 [tilespmem:s12], [sflag:$0x2], $0x80, s24, s11, $0xb8;
	[tilespmem:$0x1F400] =	vst v63  }
0x125: {  	_ =	swait.ge [sflag:s6], $0xA000  }
0x126: {  	[sflag:s6] =	ssyncset.done $0x0  }
0x127: {  	[sflag:s6] =	ssyncadd.s32 $0xFFFF6000  }
0x128: {  	[tilespmem:s12], [sflag:$0x1] =	stream.indirect.gather [hbm4b:s2+s11], $0x80, s25, s11, $0xb8;
	[tilespmem:$0x1F400] =	vst v63  }
0x129: {  	_ =	swait.ge [sflag:s13], $0xA000  }
0x12a: {  	[sflag:s13] =	ssyncset.done $0x0  }
0x12b: {  	[sflag:s13] =	ssyncadd.s32 $0xFFFF6000  }
0x12c: {  	[spmem:s3] =	stream.indirect.scatter.add.f32 [tilespmem:s12], [sflag:$0x2], $0x80, s26, s11, $0xb8;
	[tilespmem:$0x1F400] =	vst v63  }
0x12d: {  	_ =	swait.ge [sflag:s6], $0xA000  }
0x12e: {  	[sflag:s6] =	ssyncset.done $0x0  }
0x12f: {  	[sflag:s6] =	ssyncadd.s32 $0xFFFF6000  }
0x130: {  	[bflag:$0x0] =	sbarrier.arrive $0xFFFF  }
0x131: {  	s28 =	smov.u32 s9;
	s9 =	ssub.s32 $0x2, s8;
	s8 =	rddreg [dreg:$0x5]  }
0x132: {  	[dreg:$0x8] =	wrdreg s8;
	s8 =	sshrl.u32 s9, $0x1  }
0x133: {  	s8 =	ssub.s32 s9, s8  }
0x134: {  	s8 =	smax.u32 s8, $0x1  }
0x135: {  	p0 =	sne.s32 s8, $0x1  }
.Ltmp0:
0x136: {  	_ = 	snop;
	(pc) =	sbr.rel @!p0 .LBB2_2-.Ltmp0, $4  }
0x137: {  	_ = 	snop  }
0x138: {  	s9 =	rddreg [dreg:$0x8]  }
0x139: {  	[hbm:s9], [sflag:s5] =	dma.local [spmem:s7], $0x2800  }
0x13a: {  	s8 =	sadd.s32 $0xFFFFFFFF, s8;
	_ =	swait.ge [sflag:s6], $0x2800  }
.LBB2_1:
0x13b: {  	[sflag:s6] =	ssyncset.done $0x0  }
0x13c: {  	s9 =	rddreg [dreg:$0x4];
	[sflag:s6] =	ssyncadd.s32 $0xFFFFD800  }
0x13d: {  	[spmem:s7], [sflag:s5] =	dma.local [hbm:s9], $0x2800  }
0x13e: {  	_ =	swait.ge [sflag:s6], $0x2800  }
0x13f: {  	[sflag:s6] =	ssyncset.done $0x0  }
0x140: {  	[sflag:s6] =	ssyncadd.s32 $0xFFFFD800  }
0x141: {  	[bflag:$0x0] =	sbarrier.arrive $0xFFFF  }
0x142: {  	[tilespmem:s4], [sflag:$0x2] =	stream.linear.gather [hbm4b:s28+s4], $0xA00, $0x38;
	[tilespmem:$0x1F400] =	vst v63  }
0x143: {  	_ =	swait.ge [sflag:s6], $0xA00  }
0x144: {  	[sflag:s6] =	ssyncset.done $0x0  }
0x145: {  	[sflag:s6] =	ssyncadd.s32 $0xFFFFF600  }
0x146: {  	[tilespmem:s10], [sflag:$0x2] =	stream.linear.gather [hbm4b:s29+s4], $0xA00, $0x38;
	[tilespmem:$0x1F400] =	vst v63  }
0x147: {  	_ =	swait.ge [sflag:s6], $0xA00  }
0x148: {  	[sflag:s6] =	ssyncset.done $0x0  }
0x149: {  	[sflag:s6] =	ssyncadd.s32 $0xFFFFF600  }
0x14a: {  	[tilespmem:s12], [sflag:$0x1] =	stream.indirect.gather [hbm4b:s2+s11], $0x80, s4, s11, $0xb8;
	[tilespmem:$0x1F400] =	vst v63  }
0x14b: {  	_ =	swait.ge [sflag:s13], $0xA000  }
0x14c: {  	[sflag:s13] =	ssyncset.done $0x0  }
0x14d: {  	[sflag:s13] =	ssyncadd.s32 $0xFFFF6000  }
0x14e: {  	[spmem:s3] =	stream.indirect.scatter.add.f32 [tilespmem:s12], [sflag:$0x2], $0x80, s10, s11, $0xb8;
	[tilespmem:$0x1F400] =	vst v63  }
0x14f: {  	_ =	swait.ge [sflag:s6], $0xA000  }
0x150: {  	[sflag:s6] =	ssyncset.done $0x0  }
0x151: {  	[sflag:s6] =	ssyncadd.s32 $0xFFFF6000  }
0x152: {  	[tilespmem:s12], [sflag:$0x1] =	stream.indirect.gather [hbm4b:s2+s11], $0x80, s11, s11, $0xb8;
	[tilespmem:$0x1F400] =	vst v63  }
0x153: {  	_ =	swait.ge [sflag:s13], $0xA000  }
0x154: {  	[sflag:s13] =	ssyncset.done $0x0  }
0x155: {  	[sflag:s13] =	ssyncadd.s32 $0xFFFF6000  }
0x156: {  	[spmem:s3] =	stream.indirect.scatter.add.f32 [tilespmem:s12], [sflag:$0x2], $0x80, s14, s11, $0xb8;
	[tilespmem:$0x1F400] =	vst v63  }
0x157: {  	_ =	swait.ge [sflag:s6], $0xA000  }
0x158: {  	[sflag:s6] =	ssyncset.done $0x0  }
0x159: {  	[sflag:s6] =	ssyncadd.s32 $0xFFFF6000  }
0x15a: {  	[tilespmem:s12], [sflag:$0x1] =	stream.indirect.gather [hbm4b:s2+s11], $0x80, s15, s11, $0xb8;
	[tilespmem:$0x1F400] =	vst v63  }
0x15b: {  	_ =	swait.ge [sflag:s13], $0xA000  }
0x15c: {  	[sflag:s13] =	ssyncset.done $0x0  }
0x15d: {  	[sflag:s13] =	ssyncadd.s32 $0xFFFF6000  }
0x15e: {  	[spmem:s3] =	stream.indirect.scatter.add.f32 [tilespmem:s12], [sflag:$0x2], $0x80, s16, s11, $0xb8;
	[tilespmem:$0x1F400] =	vst v63  }
0x15f: {  	_ =	swait.ge [sflag:s6], $0xA000  }
0x160: {  	[sflag:s6] =	ssyncset.done $0x0  }
0x161: {  	[sflag:s6] =	ssyncadd.s32 $0xFFFF6000  }
0x162: {  	[tilespmem:s12], [sflag:$0x1] =	stream.indirect.gather [hbm4b:s2+s11], $0x80, s17, s11, $0xb8;
	[tilespmem:$0x1F400] =	vst v63  }
0x163: {  	_ =	swait.ge [sflag:s13], $0xA000  }
0x164: {  	[sflag:s13] =	ssyncset.done $0x0  }
0x165: {  	[sflag:s13] =	ssyncadd.s32 $0xFFFF6000  }
0x166: {  	[spmem:s3] =	stream.indirect.scatter.add.f32 [tilespmem:s12], [sflag:$0x2], $0x80, s18, s11, $0xb8;
	[tilespmem:$0x1F400] =	vst v63  }
0x167: {  	_ =	swait.ge [sflag:s6], $0xA000  }
0x168: {  	[sflag:s6] =	ssyncset.done $0x0  }
0x169: {  	[sflag:s6] =	ssyncadd.s32 $0xFFFF6000  }
0x16a: {  	[tilespmem:s12], [sflag:$0x1] =	stream.indirect.gather [hbm4b:s2+s11], $0x80, s19, s11, $0xb8;
	[tilespmem:$0x1F400] =	vst v63  }
0x16b: {  	_ =	swait.ge [sflag:s13], $0xA000  }
0x16c: {  	[sflag:s13] =	ssyncset.done $0x0  }
0x16d: {  	[sflag:s13] =	ssyncadd.s32 $0xFFFF6000  }
0x16e: {  	[spmem:s3] =	stream.indirect.scatter.add.f32 [tilespmem:s12], [sflag:$0x2], $0x80, s20, s11, $0xb8;
	[tilespmem:$0x1F400] =	vst v63  }
0x16f: {  	_ =	swait.ge [sflag:s6], $0xA000  }
0x170: {  	[sflag:s6] =	ssyncset.done $0x0  }
0x171: {  	[sflag:s6] =	ssyncadd.s32 $0xFFFF6000  }
0x172: {  	[tilespmem:s12], [sflag:$0x1] =	stream.indirect.gather [hbm4b:s2+s11], $0x80, s21, s11, $0xb8;
	[tilespmem:$0x1F400] =	vst v63  }
0x173: {  	_ =	swait.ge [sflag:s13], $0xA000  }
0x174: {  	[sflag:s13] =	ssyncset.done $0x0  }
0x175: {  	[sflag:s13] =	ssyncadd.s32 $0xFFFF6000  }
0x176: {  	[spmem:s3] =	stream.indirect.scatter.add.f32 [tilespmem:s12], [sflag:$0x2], $0x80, s22, s11, $0xb8;
	[tilespmem:$0x1F400] =	vst v63  }
0x177: {  	_ =	swait.ge [sflag:s6], $0xA000  }
0x178: {  	[sflag:s6] =	ssyncset.done $0x0  }
0x179: {  	[sflag:s6] =	ssyncadd.s32 $0xFFFF6000  }
0x17a: {  	[tilespmem:s12], [sflag:$0x1] =	stream.indirect.gather [hbm4b:s2+s11], $0x80, s23, s11, $0xb8;
	[tilespmem:$0x1F400] =	vst v63  }
0x17b: {  	_ =	swait.ge [sflag:s13], $0xA000  }
0x17c: {  	[sflag:s13] =	ssyncset.done $0x0  }
0x17d: {  	[sflag:s13] =	ssyncadd.s32 $0xFFFF6000  }
0x17e: {  	[spmem:s3] =	stream.indirect.scatter.add.f32 [tilespmem:s12], [sflag:$0x2], $0x80, s24, s11, $0xb8;
	[tilespmem:$0x1F400] =	vst v63  }
0x17f: {  	_ =	swait.ge [sflag:s6], $0xA000  }
0x180: {  	[sflag:s6] =	ssyncset.done $0x0  }
0x181: {  	[sflag:s6] =	ssyncadd.s32 $0xFFFF6000  }
0x182: {  	[tilespmem:s12], [sflag:$0x1] =	stream.indirect.gather [hbm4b:s2+s11], $0x80, s25, s11, $0xb8;
	[tilespmem:$0x1F400] =	vst v63  }
0x183: {  	_ =	swait.ge [sflag:s13], $0xA000  }
0x184: {  	[sflag:s13] =	ssyncset.done $0x0  }
0x185: {  	[sflag:s13] =	ssyncadd.s32 $0xFFFF6000  }
0x186: {  	[spmem:s3] =	stream.indirect.scatter.add.f32 [tilespmem:s12], [sflag:$0x2], $0x80, s26, s11, $0xb8;
	[tilespmem:$0x1F400] =	vst v63  }
0x187: {  	_ =	swait.ge [sflag:s6], $0xA000  }
0x188: {  	[sflag:s6] =	ssyncset.done $0x0  }
0x189: {  	s9 =	rddreg [dreg:$0x6];
	[sflag:s6] =	ssyncadd.s32 $0xFFFF6000  }
0x18a: {  	[tilespmem:s4], [sflag:$0x2] =	stream.linear.gather [hbm4b:s9+s4], $0xA00, $0x38;
	[tilespmem:$0x1F400] =	vst v63  }
0x18b: {  	_ =	swait.ge [sflag:s6], $0xA00  }
0x18c: {  	[sflag:s6] =	ssyncset.done $0x0  }
0x18d: {  	s9 =	rddreg [dreg:$0x7];
	[sflag:s6] =	ssyncadd.s32 $0xFFFFF600  }
0x18e: {  	[tilespmem:s10], [sflag:$0x2] =	stream.linear.gather [hbm4b:s9+s4], $0xA00, $0x38;
	[tilespmem:$0x1F400] =	vst v63  }
0x18f: {  	_ =	swait.ge [sflag:s6], $0xA00  }
0x190: {  	[sflag:s6] =	ssyncset.done $0x0  }
0x191: {  	[sflag:s6] =	ssyncadd.s32 $0xFFFFF600  }
0x192: {  	[tilespmem:s12], [sflag:$0x1] =	stream.indirect.gather [hbm4b:s2+s11], $0x80, s4, s11, $0xb8;
	[tilespmem:$0x1F400] =	vst v63  }
0x193: {  	_ =	swait.ge [sflag:s13], $0xA000  }
0x194: {  	[sflag:s13] =	ssyncset.done $0x0  }
0x195: {  	[sflag:s13] =	ssyncadd.s32 $0xFFFF6000  }
0x196: {  	[spmem:s3] =	stream.indirect.scatter.add.f32 [tilespmem:s12], [sflag:$0x2], $0x80, s10, s11, $0xb8;
	[tilespmem:$0x1F400] =	vst v63  }
0x197: {  	_ =	swait.ge [sflag:s6], $0xA000  }
0x198: {  	[sflag:s6] =	ssyncset.done $0x0  }
0x199: {  	[sflag:s6] =	ssyncadd.s32 $0xFFFF6000  }
0x19a: {  	[tilespmem:s12], [sflag:$0x1] =	stream.indirect.gather [hbm4b:s2+s11], $0x80, s11, s11, $0xb8;
	[tilespmem:$0x1F400] =	vst v63  }
0x19b: {  	_ =	swait.ge [sflag:s13], $0xA000  }
0x19c: {  	[sflag:s13] =	ssyncset.done $0x0  }
0x19d: {  	[sflag:s13] =	ssyncadd.s32 $0xFFFF6000  }
0x19e: {  	[spmem:s3] =	stream.indirect.scatter.add.f32 [tilespmem:s12], [sflag:$0x2], $0x80, s14, s11, $0xb8;
	[tilespmem:$0x1F400] =	vst v63  }
0x19f: {  	_ =	swait.ge [sflag:s6], $0xA000  }
0x1a0: {  	[sflag:s6] =	ssyncset.done $0x0  }
0x1a1: {  	[sflag:s6] =	ssyncadd.s32 $0xFFFF6000  }
0x1a2: {  	[tilespmem:s12], [sflag:$0x1] =	stream.indirect.gather [hbm4b:s2+s11], $0x80, s15, s11, $0xb8;
	[tilespmem:$0x1F400] =	vst v63  }
0x1a3: {  	_ =	swait.ge [sflag:s13], $0xA000  }
0x1a4: {  	[sflag:s13] =	ssyncset.done $0x0  }
0x1a5: {  	[sflag:s13] =	ssyncadd.s32 $0xFFFF6000  }
0x1a6: {  	[spmem:s3] =	stream.indirect.scatter.add.f32 [tilespmem:s12], [sflag:$0x2], $0x80, s16, s11, $0xb8;
	[tilespmem:$0x1F400] =	vst v63  }
0x1a7: {  	_ =	swait.ge [sflag:s6], $0xA000  }
0x1a8: {  	[sflag:s6] =	ssyncset.done $0x0  }
0x1a9: {  	[sflag:s6] =	ssyncadd.s32 $0xFFFF6000  }
0x1aa: {  	[tilespmem:s12], [sflag:$0x1] =	stream.indirect.gather [hbm4b:s2+s11], $0x80, s17, s11, $0xb8;
	[tilespmem:$0x1F400] =	vst v63  }
0x1ab: {  	_ =	swait.ge [sflag:s13], $0xA000  }
0x1ac: {  	[sflag:s13] =	ssyncset.done $0x0  }
0x1ad: {  	[sflag:s13] =	ssyncadd.s32 $0xFFFF6000  }
0x1ae: {  	[spmem:s3] =	stream.indirect.scatter.add.f32 [tilespmem:s12], [sflag:$0x2], $0x80, s18, s11, $0xb8;
	[tilespmem:$0x1F400] =	vst v63  }
0x1af: {  	_ =	swait.ge [sflag:s6], $0xA000  }
0x1b0: {  	[sflag:s6] =	ssyncset.done $0x0  }
0x1b1: {  	[sflag:s6] =	ssyncadd.s32 $0xFFFF6000  }
0x1b2: {  	[tilespmem:s12], [sflag:$0x1] =	stream.indirect.gather [hbm4b:s2+s11], $0x80, s19, s11, $0xb8;
	[tilespmem:$0x1F400] =	vst v63  }
0x1b3: {  	_ =	swait.ge [sflag:s13], $0xA000  }
0x1b4: {  	[sflag:s13] =	ssyncset.done $0x0  }
0x1b5: {  	[sflag:s13] =	ssyncadd.s32 $0xFFFF6000  }
0x1b6: {  	[spmem:s3] =	stream.indirect.scatter.add.f32 [tilespmem:s12], [sflag:$0x2], $0x80, s20, s11, $0xb8;
	[tilespmem:$0x1F400] =	vst v63  }
0x1b7: {  	_ =	swait.ge [sflag:s6], $0xA000  }
0x1b8: {  	[sflag:s6] =	ssyncset.done $0x0  }
0x1b9: {  	[sflag:s6] =	ssyncadd.s32 $0xFFFF6000  }
0x1ba: {  	[tilespmem:s12], [sflag:$0x1] =	stream.indirect.gather [hbm4b:s2+s11], $0x80, s21, s11, $0xb8;
	[tilespmem:$0x1F400] =	vst v63  }
0x1bb: {  	_ =	swait.ge [sflag:s13], $0xA000  }
0x1bc: {  	[sflag:s13] =	ssyncset.done $0x0  }
0x1bd: {  	[sflag:s13] =	ssyncadd.s32 $0xFFFF6000  }
0x1be: {  	[spmem:s3] =	stream.indirect.scatter.add.f32 [tilespmem:s12], [sflag:$0x2], $0x80, s22, s11, $0xb8;
	[tilespmem:$0x1F400] =	vst v63  }
0x1bf: {  	_ =	swait.ge [sflag:s6], $0xA000  }
0x1c0: {  	[sflag:s6] =	ssyncset.done $0x0  }
0x1c1: {  	[sflag:s6] =	ssyncadd.s32 $0xFFFF6000  }
0x1c2: {  	[tilespmem:s12], [sflag:$0x1] =	stream.indirect.gather [hbm4b:s2+s11], $0x80, s23, s11, $0xb8;
	[tilespmem:$0x1F400] =	vst v63  }
0x1c3: {  	_ =	swait.ge [sflag:s13], $0xA000  }
0x1c4: {  	[sflag:s13] =	ssyncset.done $0x0  }
0x1c5: {  	[sflag:s13] =	ssyncadd.s32 $0xFFFF6000  }
0x1c6: {  	[spmem:s3] =	stream.indirect.scatter.add.f32 [tilespmem:s12], [sflag:$0x2], $0x80, s24, s11, $0xb8;
	[tilespmem:$0x1F400] =	vst v63  }
0x1c7: {  	_ =	swait.ge [sflag:s6], $0xA000  }
0x1c8: {  	[sflag:s6] =	ssyncset.done $0x0  }
0x1c9: {  	[sflag:s6] =	ssyncadd.s32 $0xFFFF6000  }
0x1ca: {  	[tilespmem:s12], [sflag:$0x1] =	stream.indirect.gather [hbm4b:s2+s11], $0x80, s25, s11, $0xb8;
	[tilespmem:$0x1F400] =	vst v63  }
0x1cb: {  	_ =	swait.ge [sflag:s13], $0xA000  }
0x1cc: {  	[sflag:s13] =	ssyncset.done $0x0  }
0x1cd: {  	[sflag:s13] =	ssyncadd.s32 $0xFFFF6000  }
0x1ce: {  	[spmem:s3] =	stream.indirect.scatter.add.f32 [tilespmem:s12], [sflag:$0x2], $0x80, s26, s11, $0xb8;
	[tilespmem:$0x1F400] =	vst v63  }
0x1cf: {  	_ =	swait.ge [sflag:s6], $0xA000  }
0x1d0: {  	[sflag:s6] =	ssyncset.done $0x0  }
0x1d1: {  	[sflag:s6] =	ssyncadd.s32 $0xFFFF6000  }
0x1d2: {  	[tilespmem:s4], [sflag:$0x2] =	stream.linear.gather [hbm4b:s30+s4], $0xA00, $0x38;
	[tilespmem:$0x1F400] =	vst v63  }
0x1d3: {  	_ =	swait.ge [sflag:s6], $0xA00  }
0x1d4: {  	[sflag:s6] =	ssyncset.done $0x0  }
0x1d5: {  	[sflag:s6] =	ssyncadd.s32 $0xFFFFF600  }
0x1d6: {  	[tilespmem:s10], [sflag:$0x2] =	stream.linear.gather [hbm4b:s31+s4], $0xA00, $0x38;
	[tilespmem:$0x1F400] =	vst v63  }
0x1d7: {  	_ =	swait.ge [sflag:s6], $0xA00  }
0x1d8: {  	[sflag:s6] =	ssyncset.done $0x0  }
0x1d9: {  	[sflag:s6] =	ssyncadd.s32 $0xFFFFF600  }
0x1da: {  	[tilespmem:s12], [sflag:$0x1] =	stream.indirect.gather [hbm4b:s2+s11], $0x80, s4, s11, $0xb8;
	[tilespmem:$0x1F400] =	vst v63  }
0x1db: {  	_ =	swait.ge [sflag:s13], $0xA000  }
0x1dc: {  	[sflag:s13] =	ssyncset.done $0x0  }
0x1dd: {  	[sflag:s13] =	ssyncadd.s32 $0xFFFF6000  }
0x1de: {  	[spmem:s3] =	stream.indirect.scatter.add.f32 [tilespmem:s12], [sflag:$0x2], $0x80, s10, s11, $0xb8;
	[tilespmem:$0x1F400] =	vst v63  }
0x1df: {  	_ =	swait.ge [sflag:s6], $0xA000  }
0x1e0: {  	[sflag:s6] =	ssyncset.done $0x0  }
0x1e1: {  	[sflag:s6] =	ssyncadd.s32 $0xFFFF6000  }
0x1e2: {  	[tilespmem:s12], [sflag:$0x1] =	stream.indirect.gather [hbm4b:s2+s11], $0x80, s11, s11, $0xb8;
	[tilespmem:$0x1F400] =	vst v63  }
0x1e3: {  	_ =	swait.ge [sflag:s13], $0xA000  }
0x1e4: {  	[sflag:s13] =	ssyncset.done $0x0  }
0x1e5: {  	[sflag:s13] =	ssyncadd.s32 $0xFFFF6000  }
0x1e6: {  	[spmem:s3] =	stream.indirect.scatter.add.f32 [tilespmem:s12], [sflag:$0x2], $0x80, s14, s11, $0xb8;
	[tilespmem:$0x1F400] =	vst v63  }
0x1e7: {  	_ =	swait.ge [sflag:s6], $0xA000  }
0x1e8: {  	[sflag:s6] =	ssyncset.done $0x0  }
0x1e9: {  	[sflag:s6] =	ssyncadd.s32 $0xFFFF6000  }
0x1ea: {  	[tilespmem:s12], [sflag:$0x1] =	stream.indirect.gather [hbm4b:s2+s11], $0x80, s15, s11, $0xb8;
	[tilespmem:$0x1F400] =	vst v63  }
0x1eb: {  	_ =	swait.ge [sflag:s13], $0xA000  }
0x1ec: {  	[sflag:s13] =	ssyncset.done $0x0  }
0x1ed: {  	[sflag:s13] =	ssyncadd.s32 $0xFFFF6000  }
0x1ee: {  	[spmem:s3] =	stream.indirect.scatter.add.f32 [tilespmem:s12], [sflag:$0x2], $0x80, s16, s11, $0xb8;
	[tilespmem:$0x1F400] =	vst v63  }
0x1ef: {  	_ =	swait.ge [sflag:s6], $0xA000  }
0x1f0: {  	[sflag:s6] =	ssyncset.done $0x0  }
0x1f1: {  	[sflag:s6] =	ssyncadd.s32 $0xFFFF6000  }
0x1f2: {  	[tilespmem:s12], [sflag:$0x1] =	stream.indirect.gather [hbm4b:s2+s11], $0x80, s17, s11, $0xb8;
	[tilespmem:$0x1F400] =	vst v63  }
0x1f3: {  	_ =	swait.ge [sflag:s13], $0xA000  }
0x1f4: {  	[sflag:s13] =	ssyncset.done $0x0  }
0x1f5: {  	[sflag:s13] =	ssyncadd.s32 $0xFFFF6000  }
0x1f6: {  	[spmem:s3] =	stream.indirect.scatter.add.f32 [tilespmem:s12], [sflag:$0x2], $0x80, s18, s11, $0xb8;
	[tilespmem:$0x1F400] =	vst v63  }
0x1f7: {  	_ =	swait.ge [sflag:s6], $0xA000  }
0x1f8: {  	[sflag:s6] =	ssyncset.done $0x0  }
0x1f9: {  	[sflag:s6] =	ssyncadd.s32 $0xFFFF6000  }
0x1fa: {  	[tilespmem:s12], [sflag:$0x1] =	stream.indirect.gather [hbm4b:s2+s11], $0x80, s19, s11, $0xb8;
	[tilespmem:$0x1F400] =	vst v63  }
0x1fb: {  	_ =	swait.ge [sflag:s13], $0xA000  }
0x1fc: {  	[sflag:s13] =	ssyncset.done $0x0  }
0x1fd: {  	[sflag:s13] =	ssyncadd.s32 $0xFFFF6000  }
0x1fe: {  	[spmem:s3] =	stream.indirect.scatter.add.f32 [tilespmem:s12], [sflag:$0x2], $0x80, s20, s11, $0xb8;
	[tilespmem:$0x1F400] =	vst v63  }
0x1ff: {  	_ =	swait.ge [sflag:s6], $0xA000  }
0x200: {  	[sflag:s6] =	ssyncset.done $0x0  }
0x201: {  	[sflag:s6] =	ssyncadd.s32 $0xFFFF6000  }
0x202: {  	[tilespmem:s12], [sflag:$0x1] =	stream.indirect.gather [hbm4b:s2+s11], $0x80, s21, s11, $0xb8;
	[tilespmem:$0x1F400] =	vst v63  }
0x203: {  	_ =	swait.ge [sflag:s13], $0xA000  }
0x204: {  	[sflag:s13] =	ssyncset.done $0x0  }
0x205: {  	[sflag:s13] =	ssyncadd.s32 $0xFFFF6000  }
0x206: {  	[spmem:s3] =	stream.indirect.scatter.add.f32 [tilespmem:s12], [sflag:$0x2], $0x80, s22, s11, $0xb8;
	[tilespmem:$0x1F400] =	vst v63  }
0x207: {  	_ =	swait.ge [sflag:s6], $0xA000  }
0x208: {  	[sflag:s6] =	ssyncset.done $0x0  }
0x209: {  	[sflag:s6] =	ssyncadd.s32 $0xFFFF6000  }
0x20a: {  	[tilespmem:s12], [sflag:$0x1] =	stream.indirect.gather [hbm4b:s2+s11], $0x80, s23, s11, $0xb8;
	[tilespmem:$0x1F400] =	vst v63  }
0x20b: {  	_ =	swait.ge [sflag:s13], $0xA000  }
0x20c: {  	[sflag:s13] =	ssyncset.done $0x0  }
0x20d: {  	[sflag:s13] =	ssyncadd.s32 $0xFFFF6000  }
0x20e: {  	[spmem:s3] =	stream.indirect.scatter.add.f32 [tilespmem:s12], [sflag:$0x2], $0x80, s24, s11, $0xb8;
	[tilespmem:$0x1F400] =	vst v63  }
0x20f: {  	_ =	swait.ge [sflag:s6], $0xA000  }
0x210: {  	[sflag:s6] =	ssyncset.done $0x0  }
0x211: {  	[sflag:s6] =	ssyncadd.s32 $0xFFFF6000  }
0x212: {  	[tilespmem:s12], [sflag:$0x1] =	stream.indirect.gather [hbm4b:s2+s11], $0x80, s25, s11, $0xb8;
	[tilespmem:$0x1F400] =	vst v63  }
0x213: {  	_ =	swait.ge [sflag:s13], $0xA000  }
0x214: {  	[sflag:s13] =	ssyncset.done $0x0  }
0x215: {  	[sflag:s13] =	ssyncadd.s32 $0xFFFF6000  }
0x216: {  	[spmem:s3] =	stream.indirect.scatter.add.f32 [tilespmem:s12], [sflag:$0x2], $0x80, s26, s11, $0xb8;
	[tilespmem:$0x1F400] =	vst v63  }
0x217: {  	_ =	swait.ge [sflag:s6], $0xA000  }
0x218: {  	[sflag:s6] =	ssyncset.done $0x0  }
0x219: {  	[sflag:s6] =	ssyncadd.s32 $0xFFFF6000  }
0x21a: {  	[tilespmem:s4], [sflag:$0x2] =	stream.linear.gather [hbm4b:s1+s4], $0xA00, $0x38;
	[tilespmem:$0x1F400] =	vst v63  }
0x21b: {  	_ =	swait.ge [sflag:s6], $0xA00  }
0x21c: {  	[sflag:s6] =	ssyncset.done $0x0  }
0x21d: {  	[sflag:s6] =	ssyncadd.s32 $0xFFFFF600  }
0x21e: {  	[tilespmem:s10], [sflag:$0x2] =	stream.linear.gather [hbm4b:s0+s4], $0xA00, $0x38;
	[tilespmem:$0x1F400] =	vst v63  }
0x21f: {  	_ =	swait.ge [sflag:s6], $0xA00  }
0x220: {  	[sflag:s6] =	ssyncset.done $0x0  }
0x221: {  	[sflag:s6] =	ssyncadd.s32 $0xFFFFF600  }
0x222: {  	[tilespmem:s12], [sflag:$0x1] =	stream.indirect.gather [hbm4b:s2+s11], $0x80, s4, s11, $0xb8;
	[tilespmem:$0x1F400] =	vst v63  }
0x223: {  	_ =	swait.ge [sflag:s13], $0xA000  }
0x224: {  	[sflag:s13] =	ssyncset.done $0x0  }
0x225: {  	[sflag:s13] =	ssyncadd.s32 $0xFFFF6000  }
0x226: {  	[spmem:s3] =	stream.indirect.scatter.add.f32 [tilespmem:s12], [sflag:$0x2], $0x80, s10, s11, $0xb8;
	[tilespmem:$0x1F400] =	vst v63  }
0x227: {  	_ =	swait.ge [sflag:s6], $0xA000  }
0x228: {  	[sflag:s6] =	ssyncset.done $0x0  }
0x229: {  	[sflag:s6] =	ssyncadd.s32 $0xFFFF6000  }
0x22a: {  	[tilespmem:s12], [sflag:$0x1] =	stream.indirect.gather [hbm4b:s2+s11], $0x80, s11, s11, $0xb8;
	[tilespmem:$0x1F400] =	vst v63  }
0x22b: {  	_ =	swait.ge [sflag:s13], $0xA000  }
0x22c: {  	[sflag:s13] =	ssyncset.done $0x0  }
0x22d: {  	[sflag:s13] =	ssyncadd.s32 $0xFFFF6000  }
0x22e: {  	[spmem:s3] =	stream.indirect.scatter.add.f32 [tilespmem:s12], [sflag:$0x2], $0x80, s14, s11, $0xb8;
	[tilespmem:$0x1F400] =	vst v63  }
0x22f: {  	_ =	swait.ge [sflag:s6], $0xA000  }
0x230: {  	[sflag:s6] =	ssyncset.done $0x0  }
0x231: {  	[sflag:s6] =	ssyncadd.s32 $0xFFFF6000  }
0x232: {  	[tilespmem:s12], [sflag:$0x1] =	stream.indirect.gather [hbm4b:s2+s11], $0x80, s15, s11, $0xb8;
	[tilespmem:$0x1F400] =	vst v63  }
0x233: {  	_ =	swait.ge [sflag:s13], $0xA000  }
0x234: {  	[sflag:s13] =	ssyncset.done $0x0  }
0x235: {  	[sflag:s13] =	ssyncadd.s32 $0xFFFF6000  }
0x236: {  	[spmem:s3] =	stream.indirect.scatter.add.f32 [tilespmem:s12], [sflag:$0x2], $0x80, s16, s11, $0xb8;
	[tilespmem:$0x1F400] =	vst v63  }
0x237: {  	_ =	swait.ge [sflag:s6], $0xA000  }
0x238: {  	[sflag:s6] =	ssyncset.done $0x0  }
0x239: {  	[sflag:s6] =	ssyncadd.s32 $0xFFFF6000  }
0x23a: {  	[tilespmem:s12], [sflag:$0x1] =	stream.indirect.gather [hbm4b:s2+s11], $0x80, s17, s11, $0xb8;
	[tilespmem:$0x1F400] =	vst v63  }
0x23b: {  	_ =	swait.ge [sflag:s13], $0xA000  }
0x23c: {  	[sflag:s13] =	ssyncset.done $0x0  }
0x23d: {  	[sflag:s13] =	ssyncadd.s32 $0xFFFF6000  }
0x23e: {  	[spmem:s3] =	stream.indirect.scatter.add.f32 [tilespmem:s12], [sflag:$0x2], $0x80, s18, s11, $0xb8;
	[tilespmem:$0x1F400] =	vst v63  }
0x23f: {  	_ =	swait.ge [sflag:s6], $0xA000  }
0x240: {  	[sflag:s6] =	ssyncset.done $0x0  }
0x241: {  	[sflag:s6] =	ssyncadd.s32 $0xFFFF6000  }
0x242: {  	[tilespmem:s12], [sflag:$0x1] =	stream.indirect.gather [hbm4b:s2+s11], $0x80, s19, s11, $0xb8;
	[tilespmem:$0x1F400] =	vst v63  }
0x243: {  	_ =	swait.ge [sflag:s13], $0xA000  }
0x244: {  	[sflag:s13] =	ssyncset.done $0x0  }
0x245: {  	[sflag:s13] =	ssyncadd.s32 $0xFFFF6000  }
0x246: {  	[spmem:s3] =	stream.indirect.scatter.add.f32 [tilespmem:s12], [sflag:$0x2], $0x80, s20, s11, $0xb8;
	[tilespmem:$0x1F400] =	vst v63  }
0x247: {  	_ =	swait.ge [sflag:s6], $0xA000  }
0x248: {  	[sflag:s6] =	ssyncset.done $0x0  }
0x249: {  	[sflag:s6] =	ssyncadd.s32 $0xFFFF6000  }
0x24a: {  	[tilespmem:s12], [sflag:$0x1] =	stream.indirect.gather [hbm4b:s2+s11], $0x80, s21, s11, $0xb8;
	[tilespmem:$0x1F400] =	vst v63  }
0x24b: {  	_ =	swait.ge [sflag:s13], $0xA000  }
0x24c: {  	[sflag:s13] =	ssyncset.done $0x0  }
0x24d: {  	[sflag:s13] =	ssyncadd.s32 $0xFFFF6000  }
0x24e: {  	[spmem:s3] =	stream.indirect.scatter.add.f32 [tilespmem:s12], [sflag:$0x2], $0x80, s22, s11, $0xb8;
	[tilespmem:$0x1F400] =	vst v63  }
0x24f: {  	_ =	swait.ge [sflag:s6], $0xA000  }
0x250: {  	[sflag:s6] =	ssyncset.done $0x0  }
0x251: {  	[sflag:s6] =	ssyncadd.s32 $0xFFFF6000  }
0x252: {  	[tilespmem:s12], [sflag:$0x1] =	stream.indirect.gather [hbm4b:s2+s11], $0x80, s23, s11, $0xb8;
	[tilespmem:$0x1F400] =	vst v63  }
0x253: {  	_ =	swait.ge [sflag:s13], $0xA000  }
0x254: {  	[sflag:s13] =	ssyncset.done $0x0  }
0x255: {  	[sflag:s13] =	ssyncadd.s32 $0xFFFF6000  }
0x256: {  	[spmem:s3] =	stream.indirect.scatter.add.f32 [tilespmem:s12], [sflag:$0x2], $0x80, s24, s11, $0xb8;
	[tilespmem:$0x1F400] =	vst v63  }
0x257: {  	_ =	swait.ge [sflag:s6], $0xA000  }
0x258: {  	[sflag:s6] =	ssyncset.done $0x0  }
0x259: {  	[sflag:s6] =	ssyncadd.s32 $0xFFFF6000  }
0x25a: {  	[tilespmem:s12], [sflag:$0x1] =	stream.indirect.gather [hbm4b:s2+s11], $0x80, s25, s11, $0xb8;
	[tilespmem:$0x1F400] =	vst v63  }
0x25b: {  	_ =	swait.ge [sflag:s13], $0xA000  }
0x25c: {  	[sflag:s13] =	ssyncset.done $0x0  }
0x25d: {  	[sflag:s13] =	ssyncadd.s32 $0xFFFF6000  }
0x25e: {  	[spmem:s3] =	stream.indirect.scatter.add.f32 [tilespmem:s12], [sflag:$0x2], $0x80, s26, s11, $0xb8;
	[tilespmem:$0x1F400] =	vst v63  }
0x25f: {  	_ =	swait.ge [sflag:s6], $0xA000  }
0x260: {  	p0 =	sne.s32 s8, $0x1;
	[sflag:s6] =	ssyncset.done $0x0  }
.Ltmp1:
0x261: {  	[sflag:s6] =	ssyncadd.s32 $0xFFFF6000;
	(pc) =	sbr.rel @p0 .LBB2_1-.Ltmp1, $4  }
0x262: {  	[bflag:$0x0] =	sbarrier.arrive $0xFFFF  }
0x263: {  	s9 =	rddreg [dreg:$0x5]  }
0x264: {  	[hbm:s9], [sflag:s5] =	dma.local [spmem:s7], $0x2800  }
0x265: {  	s8 =	sadd.s32 $0xFFFFFFFF, s8;
	_ =	swait.ge [sflag:s6], $0x2800  }
.LBB2_2:
0x266: {  	[sflag:s6] =	ssyncset.done $0x0  }
0x267: {  	[sflag:s6] =	ssyncadd.s32 $0xFFFFD800  }
0x268: {  	_ =	sfence.sel $0x180000  }
0x269: {  	[bflag:$0x0] =	sbarrier.arrive $0xFFFF  }
0x26a: {  	_ =	strace $0x9000004A  }
0x26b: {  	s0 =	stileid.u32;
	[bflag:$0x2] =	sbarrier.arrive $0xFFFF  }
0x26c: {  	p0 =	sne.s32 s0, $0x0;
	s0 =	rddreg [dreg:$0x3]  }
0x26d: {  	s0 =	sadd.s32 @!p0 $0x100000, s0  }
0x26e: {  	[sflag:s0] =	ssyncadd.tile.s32 @!p0 $0x1;
	_ =	shalt  }
.Lfunc_end2:
_tile_overlayer_lowered:
.L_overlay_start_2:
0x26f: {  	(tag) =	ssettag $0x2  }
0x270: {  	s0 =	rddreg [dreg:$0x0];
	s2 =	stileid.u32  }
0x271: {  	s1 =	rddreg [dreg:$0x1];
	p0 =	sne.s32 s2, $0x0  }
0x272: {  	s3 =	rddreg [dreg:$0x2];
	[bflag:$0x3] =	sbarrier.arrive $0xFFFF;
	s2 =	simm.s32 @!p0 $0x1C02  }
0x273: {  	[timem:s3], [sflag:s2] =	dma.local @!p0 [hbm:s0], s1  }
0x274: {  	s0 =	simm.s32 @!p0 $0x2  }
0x275: {  	_ =	swait.ge @!p0 [sflag:s0], s1  }
0x276: {  	s1 =	ssub.s32 @!p0 $0x0, s1;
	[sflag:s0] =	ssyncset.done @!p0 $0x0  }
0x277: {  	[sflag:s0] =	ssyncadd.s32 @!p0 s1  }
0x278: {  	[bflag:$0x3] =	sbarrier.arrive $0xFFFF  }
0x279: {  	_ =	shalt  }

// kernel: kernel.13.cloned.1.call-start
scs
__scs_entry_jumppad:
0x0: {  	(pc) =	sbr.rel $0x88, $3  }
0x1: {  	(tag) =	ssettag $0x0;
	lr =	simm.s32 $0x1  }
0x2: {  	[smem:$0x3F99] =	sst lr;
	_ =	strace $0xD0000000  }
0x3: {  	_ = 	snop  }
0x4: {  	_ = 	snop  }
0x5: {  	_ = 	snop  }
0x6: {  	_ = 	snop  }
0x7: {  	_ = 	snop  }
__scs_overlays_trampoline_lowered:
0x8: {  	[smem:$0x3FA8] =	sst s0  }
0x9: {  	[smem:$0x3FA9] =	sst s1  }
0xa: {  	[smem:$0x3FAA] =	sst s2  }
0xb: {  	[smem:$0x3FAB] =	sst s3  }
0xc: {  	[smem:$0x3FAC] =	sst s4  }
0xd: {  	[smem:$0x3FAD] =	sst s5  }
0xe: {  	[smem:$0x3FAE] =	sst s6  }
0xf: {  	[smem:$0x3FAF] =	sst s7  }
0x10: {  	[smem:$0x3FB0] =	sst s8  }
0x11: {  	[smem:$0x3FB1] =	sst s9;
	s0 =	simm.s32 @!p0 $0x0  }
0x12: {  	s1 =	sld [smem:$0x3F97];
	s0 =	simm.s32 @p0 $0x1  }
0x13: {  	[smem:$0x3FB2] =	sst s0;
	s0 =	simm.s32 @!p1 $0x0  }
0x14: {  	s2 =	sld [smem:$0x3F96];
	s0 =	simm.s32 @p1 $0x1  }
0x15: {  	[smem:$0x3FB3] =	sst s0;
	s0 =	simm.s32 @!p2 $0x0  }
0x16: {  	s3 =	sld [smem:$0x3FDB];
	s0 =	simm.s32 @p2 $0x1  }
0x17: {  	s4 =	simm.s32 $0x1BF5;
	[smem:$0x3FB5] =	sst s0  }
0x18: {  	s0 =	sld [smem:$0x3F98];
	_ =	swait.ge [sflag:s4], $0x0  }
0x19: {  	s7 =	sld [smem:$0x3F99]  }
0x1a: {  	s8 =	sadd.s32 $0xFFFFE003, lr  }
0x1b: {  	s9 =	sadd.s32 $0xFFFFFEF7, lr;
	s5 =	simm.s32 $0xFFFFFFFF;
	p2 =	slt.u32 s8, $0xFFFFF086  }
0x1c: {  	p1 =	slt.u32 s9, $0xF7A;
	s5 =	simm.s32 @!p2 $0x0  }
0x1d: {  	s5 =	simm.s32 @p1 $0x1;
	p0 =	seq.s32 s7, s2  }
0x1e: {  	s7 =	smul.u32 @!p0 $0xF7A, s2;
	p2 =	seq.s32 @!p0 s5, $0x0  }
0x1f: {  	s9 =	smul.u32 $0xF7A, s1;
	s8 =	simm.s32 @!p0 $0x1BF5;
	p2 =	por !p2, p0  }
0x20: {  	[sflag:s8] =	ssyncset.s32 @!p0 $0xFFFFF086;
	s6 =	sadd.s32 @!p0 s3, s7;
	s7 =	simm.s32 @!p0 $0x108  }
0x21: {  	s3 =	sadd.s32 s3, s9;
	s6 =	sadd.s32 @!p0 $0x88, s6;
	s7 =	simm.s32 @p2 $0x1082  }
0x22: {  	[simem:s7], [sflag:s8] =	dma.local @!p0 [hbm:s6], $0xF7A  }
0x23: {  	s9 =	sor.u32 $0xD0000000, s2;
	s6 =	simm.s32 $0x108;
	_ =	swait.ge @!p0 [sflag:s8], $0x0  }
0x24: {  	s3 =	sadd.s32 $0x88, s3;
	s6 =	simm.s32 @!p1 $0x1082;
	[sflag:s4] =	ssyncset.s32 $0xFFFFF086  }
0x25: {  	[simem:s6], [sflag:s4] =	dma.local [hbm:s3], $0xF7A  }
0x26: {  	[smem:$0x3F99] =	sst s1;
	(tag) =	ssettag s2;
	_ =	strace s9  }
0x27: {  	s1 =	sld [smem:$0x3FA9]  }
0x28: {  	s2 =	sld [smem:$0x3FAA]  }
0x29: {  	s4 =	sld [smem:$0x3FAC]  }
0x2a: {  	p0 =	seq.s32 s5, $0x0;
	s5 =	sld [smem:$0x3FAD]  }
0x2b: {  	s6 =	sld [smem:$0x3FAE]  }
0x2c: {  	s7 =	sld [smem:$0x3FAF]  }
0x2d: {  	s3 =	simm.s32 $0x108;
	s8 =	sld [smem:$0x3FB0]  }
0x2e: {  	s3 =	simm.s32 @!p0 $0x1082;
	s9 =	sld [smem:$0x3FB1]  }
0x2f: {  	lr =	sadd.s32 s0, s3;
	s0 =	sld [smem:$0x3FA8]  }
0x30: {  	s3 =	sld [smem:$0x3FAB]  }
0x31: {  	[smem:$0x3FB4] =	sst s10  }
0x32: {  	s10 =	sld [smem:$0x3FB2];
	_ =	sdelay $0x3  }
0x33: {  	p0 =	seq.s32 s10, $0x1;
	s10 =	sld [smem:$0x3FB4];
	_ =	sdelay $0x3  }
0x34: {  	[smem:$0x3FB4] =	sst s10  }
0x35: {  	s10 =	sld [smem:$0x3FB3];
	_ =	sdelay $0x3  }
0x36: {  	p1 =	seq.s32 s10, $0x1;
	s10 =	sld [smem:$0x3FB4];
	_ =	sdelay $0x3  }
0x37: {  	[smem:$0x3FB4] =	sst s10  }
0x38: {  	s10 =	sld [smem:$0x3FB5]  }
0x39: {  	_ = 	snop;
	(pc) =	sbr.ind lr, $3  }
0x3a: {  	_ = 	snop  }
0x3b: {  	_ = 	snop  }
0x3c: {  	p2 =	seq.s32 s10, $0x1;
	s10 =	sld [smem:$0x3FB4]  }
0x3d: {  	_ =	shalt  }
0x3e: {  	_ =	shalt  }
0x3f: {  	_ =	shalt  }
0x40: {  	_ =	shalt  }
0x41: {  	_ =	shalt  }
0x42: {  	_ =	shalt  }
0x43: {  	_ =	shalt  }
0x44: {  	_ =	shalt  }
0x45: {  	_ =	shalt  }
0x46: {  	_ =	shalt  }
0x47: {  	_ =	shalt  }
0x48: {  	_ =	shalt  }
0x49: {  	_ =	shalt  }
0x4a: {  	_ =	shalt  }
0x4b: {  	_ =	shalt  }
0x4c: {  	_ =	shalt  }
0x4d: {  	_ =	shalt  }
0x4e: {  	_ =	shalt  }
0x4f: {  	_ =	shalt  }
0x50: {  	_ =	shalt  }
0x51: {  	_ =	shalt  }
0x52: {  	_ =	shalt  }
0x53: {  	_ =	shalt  }
0x54: {  	_ =	shalt  }
0x55: {  	_ =	shalt  }
0x56: {  	_ =	shalt  }
0x57: {  	_ =	shalt  }
0x58: {  	_ =	shalt  }
0x59: {  	_ =	shalt  }
0x5a: {  	_ =	shalt  }
0x5b: {  	_ =	shalt  }
0x5c: {  	_ =	shalt  }
0x5d: {  	_ =	shalt  }
0x5e: {  	_ =	shalt  }
0x5f: {  	_ =	shalt  }
0x60: {  	_ =	shalt  }
0x61: {  	_ =	shalt  }
0x62: {  	_ =	shalt  }
0x63: {  	_ =	shalt  }
0x64: {  	_ =	shalt  }
0x65: {  	_ =	shalt  }
0x66: {  	_ =	shalt  }
0x67: {  	_ =	shalt  }
0x68: {  	_ =	shalt  }
0x69: {  	_ =	shalt  }
0x6a: {  	_ =	shalt  }
0x6b: {  	_ =	shalt  }
0x6c: {  	_ =	shalt  }
0x6d: {  	_ =	shalt  }
0x6e: {  	_ =	shalt  }
0x6f: {  	_ =	shalt  }
0x70: {  	_ =	shalt  }
0x71: {  	_ =	shalt  }
0x72: {  	_ =	shalt  }
0x73: {  	_ =	shalt  }
0x74: {  	_ =	shalt  }
0x75: {  	_ =	shalt  }
0x76: {  	_ =	shalt  }
0x77: {  	_ =	shalt  }
0x78: {  	_ =	shalt  }
0x79: {  	_ =	shalt  }
0x7a: {  	_ =	shalt  }
0x7b: {  	_ =	shalt  }
0x7c: {  	_ =	shalt  }
0x7d: {  	_ =	shalt  }
0x7e: {  	_ =	shalt  }
0x7f: {  	_ =	shalt  }
0x80: {  	_ =	shalt  }
0x81: {  	_ =	shalt  }
0x82: {  	_ =	shalt  }
0x83: {  	_ =	shalt  }
0x84: {  	_ =	shalt  }
0x85: {  	_ =	shalt  }
0x86: {  	_ =	shalt  }
0x87: {  	_ =	shalt  }
.Lfunc_end0:
.L_simem_size_0:
called_computation.2_lowered:
.L_overlay_start_0:
0x88: {  	s2 =	sld [smem:$0x3FD9]  }
0x89: {  	s3 =	sld [smem:$0x3FFE];
	_ =	sdelay $0x1  }
0x8a: {  	s1 =	srdreg.scid  }
0x8b: {  	s0 =	sand.u32 $0x1, s1  }
0x8c: {  	s16 =	sshll.u32 s0, $0xA;
	s2 =	sadd.s32 s3, s2  }
0x8d: {  	s2 =	sadd.s32 s2, s16  }
0x8e: {  	[smem:$0x3FC0] =	sst s2  }
0x8f: {  	_ = 	snop  }
0x90: {  	(tm) =	ssettm $0x1  }
0x91: {  	s17 =	sld [smem:$0x3FFB];
	_ =	sdelay $0x3  }
0x92: {  	_ =	strace s17  }
0x93: {  	s2 =	sld [smem:$0x3FFC];
	_ =	sdelay $0x3  }
0x94: {  	_ =	strace s2  }
0x95: {  	s2 =	sld [smem:$0x3FFD];
	_ =	sdelay $0x3  }
0x96: {  	_ =	strace s2  }
0x97: {  	_ =	strace $0x8FFFFFFF  }
0x98: {  	s18 =	sld [smem:$0x3FDB];
	_ =	sdelay $0x1  }
0x99: {  	s19 =	simm.s32 $_scs_section_size  }
0x9a: {  	s4 =	simm.s32 $_size__tile_overlayer_lowered;
	s5 =	simm.s32 $_tile_overlayer_lowered  }
0x9b: {  	s22 =	simm.s32 $0x1BFF;
	s21 =	sshll.u32 s5, $0x1;
	s2 =	sadd.s32 s19, s18  }
0x9c: {  	s6 =	simm.s32 $0x0;
	s20 =	sshll.u32 s4, $0x1;
	s4 =	sadd.s32 s21, s2  }
0x9d: {  	[timem:s6], [sflag:s22] =	dma.local [hbm:s4], s20  }
0x9e: {  	_ =	swait.ge [sflag:s22], s20  }
0x9f: {  	s3 =	ssub.s32 $0x0, s20;
	[sflag:s22] =	ssyncset.done $0x0  }
0xa0: {  	[sflag:s22] =	ssyncadd.s32 s3;
	_ =	sdelay $0x1  }
0xa1: {  	s23 =	simm.s32 $0x1B8B  }
0xa2: {  	_ =	swait.ge [sflag:s23], $0x1  }
0xa3: {  	[sflag:s23] =	ssyncset.done $0x0  }
0xa4: {  	s25 =	simm.s32 $0x1B8E;
	s24 =	sld [smem:$0x3FFE];
	[sflag:s23] =	ssyncadd.s32 $0xFFFFFFFF  }
0xa5: {  	s26 =	simm.s32 $execute0_lowered;
	[smem:$0x3FD2] =	sst s25  }
0xa6: {  	s4 =	sshll.u32 s26, $0x1;
	_ =	strace $0x8000004C;
	[dreg:$0x1] =	wrdreg $0xFFFFFFFF  }
0xa7: {  	s28 =	simm.s32 $_size_execute0_lowered;
	s2 =	sadd.s32 s2, s4;
	[dreg:$0x0] =	wrdreg $0x0  }
0xa8: {  	s4 =	sshll.u32 s28, $0x1;
	[dreg:$0x2] =	wrdreg s2  }
0xa9: {  	[dreg:$0x3] =	wrdreg s4  }
0xaa: {  	[dreg:$0x4] =	wrdreg $0xC0  }
0xab: {  	_ =	task [dreg:s6], $0x5FFFF  }
0xac: {  	[dreg:$0x1] =	wrdreg $0xFFFFFFFF  }
0xad: {  	[dreg:$0x0] =	wrdreg $0x60  }
0xae: {  	[dreg:$0x2] =	wrdreg s24  }
0xaf: {  	[dreg:$0x3] =	wrdreg $0xB4000  }
0xb0: {  	[dreg:$0x4] =	wrdreg $0x9  }
0xb1: {  	_ =	task.clear_ibuf [dreg:s6], $0x5FFFF;
	_ =	strace $0x9000004C  }
0xb2: {  	s29 =	simm.s32 $0x9;
	_ =	strace $0x8000004E  }
0xb3: {  	_ =	swait.ge [sflag:s29], $0x1  }
0xb4: {  	[sflag:s29] =	ssyncadd.s32 $0xFFFFFFFF  }
0xb5: {  	_ =	strace $0x9000004E  }
0xb6: {  	_ =	sfence  }
0xb7: {  	s30 =	sld [smem:$0x0];
	_ =	sdelay $0x2  }
0xb8: {  	s31 =	sshll.u32 s1, $0xD;
	s1 =	sshrl.u32 s1, $0x2  }
0xb9: {  	s3 =	sand.u32 $0x4000, s31;
	s1 =	sadd.s32 s1, s30  }
0xba: {  	s0 =	sor.u32 s3, s0;
	s1 =	sshll.u32 s1, $0x11  }
0xbb: {  	s0 =	sor.u32 s1, s0  }
0xbc: {  	s0 =	sadd.s32 $0x8F2B, s0  }
0xbd: {  	[sflag:s0] =	ssyncadd.remote.s32 $0x1  }
0xbe: {  	_ =	sfence.sel $0xFFFF  }
0xbf: {  	[dreg:$0x0] =	wrdreg $0xFFFFFFFF;
	(pc) =	sbr.abs _section_cstart, $3  }
0xc0: {  	[dreg:$0x1] =	wrdreg $0xFFFFFFFF  }
0xc1: {  	_ =	task.clear_ibuf [dreg:s6], $0x2FFFF;
	_ =	strace $0x9FFFFFFF  }
0xc2: {  	(tm) =	ssettm $0x7FFFFFFF  }
0xc3: {  	_ =	shalt  }
tec
execute0_lowered:
.L_overlay_start_1:
0x0: {  	(tag) =	ssettag $0x1  }
0x1: {  	s0 =	rddreg [dreg:$0x0]  }
0x2: {  	s11 =	stileid.u32;
	s2 =	rddreg [dreg:$0x1]  }
0x3: {  	s4 =	srdreg.scid;
	s3 =	simm.s32 $0x0;
	s1 =	smul.u32 $0x14000, s11  }
0x4: {  	s7 =	sand.u32 $0x1, s4;
	[smem:$0x7FF] =	sst s3  }
0x5: {  	s23 =	sshll.u32 s11, $0x6;
	s6 =	smul.u32 $0x28000, s7;
	s5 =	sshrl.u32 s1, $0x3  }
0x6: {  	[dreg:$0x7] =	wrdreg s7;
	s8 =	smul.u32 $0x5000, s7;
	s22 =	sadd.s32 s5, s0  }
0x7: {  	_ =	strace $0x8000004D;
	s6 =	sadd.s32 s6, s0;
	s4 =	sadd.s32 $0x1BE00, s22  }
0x8: {  	s1 =	sadd.s32 s1, s2;
	s6 =	sadd.s32 $0xBB000, s6;
	[dreg:$0x3] =	wrdreg s4  }
0x9: {  	s4 =	sor.u32 $0x1C02, s23;
	s10 =	sadd.s32 s5, s6;
	s9 =	rddreg [dreg:$0x3]  }
0xa: {  	s6 =	sshrl.u32 s1, $0x3;
	s5 =	simm.s32 $0x2;
	[dreg:$0x4] =	wrdreg s10  }
0xb: {  	[spmem:s6], [sflag:s4] =	dma.local [hbm:s9], $0x2800  }
0xc: {  	_ =	swait.ge [sflag:s5], $0x2800  }
0xd: {  	s25 =	smul.u32 $0x500, s11;
	s24 =	sadd.s32 s8, s0;
	[sflag:s5] =	ssyncset.done $0x0  }
0xe: {  	s26 =	sadd.s32 $0x11E00, s24;
	[sflag:s5] =	ssyncadd.s32 $0xFFFFD800  }
0xf: {  	s7 =	sadd.s32 s25, s26;
	[bflag:$0x0] =	sbarrier.arrive $0xFFFF  }
0x10: {  	[tilespmem:s3], [sflag:$0x2] =	stream.linear.gather [hbm4b:s7+s3], $0xA00, $0x38;
	[tilespmem:$0x1F400] =	vst v63  }
0x11: {  	_ =	swait.ge [sflag:s5], $0xA00  }
0x12: {  	s1 =	sadd.s32 $0x2A00, s24;
	[sflag:s5] =	ssyncset.done $0x0  }
0x13: {  	s8 =	sadd.s32 s25, s1;
	s9 =	simm.s32 $0xA00;
	[sflag:s5] =	ssyncadd.s32 $0xFFFFF600  }
0x14: {  	[tilespmem:s9], [sflag:$0x2] =	stream.linear.gather [hbm4b:s8+s3], $0xA00, $0x38;
	[tilespmem:$0x1F400] =	vst v63  }
0x15: {  	_ =	swait.ge [sflag:s5], $0xA00  }
0x16: {  	s12 =	simm.s32 $0x1400;
	s13 =	simm.s32 $0x1;
	[sflag:s5] =	ssyncset.done $0x0  }
0x17: {  	s11 =	simm.s32 $0x140;
	s10 =	sadd.s32 $0x43E00, s0;
	[sflag:s5] =	ssyncadd.s32 $0xFFFFF600  }
0x18: {  	[tilespmem:s12], [sflag:$0x1] =	stream.indirect.gather [hbm4b:s10+s11], $0x80, s3, s11, $0xb8;
	[tilespmem:$0x1F400] =	vst v63  }
0x19: {  	_ =	swait.ge [sflag:s13], $0xA000  }
0x1a: {  	[sflag:s13] =	ssyncset.done $0x0  }
0x1b: {  	[sflag:s13] =	ssyncadd.s32 $0xFFFF6000  }
0x1c: {  	[spmem:s2] =	stream.indirect.scatter.add.f32 [tilespmem:s12], [sflag:$0x2], $0x80, s9, s11, $0xb8;
	[tilespmem:$0x1F400] =	vst v63  }
0x1d: {  	_ =	swait.ge [sflag:s5], $0xA000  }
0x1e: {  	[sflag:s5] =	ssyncset.done $0x0  }
0x1f: {  	[sflag:s5] =	ssyncadd.s32 $0xFFFF6000  }
0x20: {  	[tilespmem:s12], [sflag:$0x1] =	stream.indirect.gather [hbm4b:s10+s11], $0x80, s11, s11, $0xb8;
	[tilespmem:$0x1F400] =	vst v63  }
0x21: {  	_ =	swait.ge [sflag:s13], $0xA000  }
0x22: {  	[sflag:s13] =	ssyncset.done $0x0  }
0x23: {  	s14 =	simm.s32 $0xB40;
	[sflag:s13] =	ssyncadd.s32 $0xFFFF6000  }
0x24: {  	[spmem:s2] =	stream.indirect.scatter.add.f32 [tilespmem:s12], [sflag:$0x2], $0x80, s14, s11, $0xb8;
	[tilespmem:$0x1F400] =	vst v63  }
0x25: {  	_ =	swait.ge [sflag:s5], $0xA000  }
0x26: {  	[sflag:s5] =	ssyncset.done $0x0  }
0x27: {  	s15 =	simm.s32 $0x280;
	[sflag:s5] =	ssyncadd.s32 $0xFFFF6000  }
0x28: {  	[tilespmem:s12], [sflag:$0x1] =	stream.indirect.gather [hbm4b:s10+s11], $0x80, s15, s11, $0xb8;
	[tilespmem:$0x1F400] =	vst v63  }
0x29: {  	_ =	swait.ge [sflag:s13], $0xA000  }
0x2a: {  	[sflag:s13] =	ssyncset.done $0x0  }
0x2b: {  	s16 =	simm.s32 $0xC80;
	[sflag:s13] =	ssyncadd.s32 $0xFFFF6000  }
0x2c: {  	[spmem:s2] =	stream.indirect.scatter.add.f32 [tilespmem:s12], [sflag:$0x2], $0x80, s16, s11, $0xb8;
	[tilespmem:$0x1F400] =	vst v63  }
0x2d: {  	_ =	swait.ge [sflag:s5], $0xA000  }
0x2e: {  	[sflag:s5] =	ssyncset.done $0x0  }
0x2f: {  	s17 =	simm.s32 $0x3C0;
	[sflag:s5] =	ssyncadd.s32 $0xFFFF6000  }
0x30: {  	[tilespmem:s12], [sflag:$0x1] =	stream.indirect.gather [hbm4b:s10+s11], $0x80, s17, s11, $0xb8;
	[tilespmem:$0x1F400] =	vst v63  }
0x31: {  	_ =	swait.ge [sflag:s13], $0xA000  }
0x32: {  	[sflag:s13] =	ssyncset.done $0x0  }
0x33: {  	s18 =	simm.s32 $0xDC0;
	[sflag:s13] =	ssyncadd.s32 $0xFFFF6000  }
0x34: {  	[spmem:s2] =	stream.indirect.scatter.add.f32 [tilespmem:s12], [sflag:$0x2], $0x80, s18, s11, $0xb8;
	[tilespmem:$0x1F400] =	vst v63  }
0x35: {  	_ =	swait.ge [sflag:s5], $0xA000  }
0x36: {  	[sflag:s5] =	ssyncset.done $0x0  }
0x37: {  	s19 =	simm.s32 $0x500;
	[sflag:s5] =	ssyncadd.s32 $0xFFFF6000  }
0x38: {  	[tilespmem:s12], [sflag:$0x1] =	stream.indirect.gather [hbm4b:s10+s11], $0x80, s19, s11, $0xb8;
	[tilespmem:$0x1F400] =	vst v63  }
0x39: {  	_ =	swait.ge [sflag:s13], $0xA000  }
0x3a: {  	[sflag:s13] =	ssyncset.done $0x0  }
0x3b: {  	s20 =	simm.s32 $0xF00;
	[sflag:s13] =	ssyncadd.s32 $0xFFFF6000  }
0x3c: {  	[spmem:s2] =	stream.indirect.scatter.add.f32 [tilespmem:s12], [sflag:$0x2], $0x80, s20, s11, $0xb8;
	[tilespmem:$0x1F400] =	vst v63  }
0x3d: {  	_ =	swait.ge [sflag:s5], $0xA000  }
0x3e: {  	[sflag:s5] =	ssyncset.done $0x0  }
0x3f: {  	s21 =	simm.s32 $0x640;
	[sflag:s5] =	ssyncadd.s32 $0xFFFF6000  }
0x40: {  	[tilespmem:s12], [sflag:$0x1] =	stream.indirect.gather [hbm4b:s10+s11], $0x80, s21, s11, $0xb8;
	[tilespmem:$0x1F400] =	vst v63  }
0x41: {  	_ =	swait.ge [sflag:s13], $0xA000  }
0x42: {  	[sflag:s13] =	ssyncset.done $0x0  }
0x43: {  	s22 =	simm.s32 $0x1040;
	[sflag:s13] =	ssyncadd.s32 $0xFFFF6000  }
0x44: {  	[spmem:s2] =	stream.indirect.scatter.add.f32 [tilespmem:s12], [sflag:$0x2], $0x80, s22, s11, $0xb8;
	[tilespmem:$0x1F400] =	vst v63  }
0x45: {  	_ =	swait.ge [sflag:s5], $0xA000  }
0x46: {  	[sflag:s5] =	ssyncset.done $0x0  }
0x47: {  	s23 =	simm.s32 $0x780;
	[sflag:s5] =	ssyncadd.s32 $0xFFFF6000  }
0x48: {  	[tilespmem:s12], [sflag:$0x1] =	stream.indirect.gather [hbm4b:s10+s11], $0x80, s23, s11, $0xb8;
	[tilespmem:$0x1F400] =	vst v63  }
0x49: {  	_ =	swait.ge [sflag:s13], $0xA000  }
0x4a: {  	[sflag:s13] =	ssyncset.done $0x0  }
0x4b: {  	s24 =	simm.s32 $0x1180;
	[sflag:s13] =	ssyncadd.s32 $0xFFFF6000  }
0x4c: {  	[spmem:s2] =	stream.indirect.scatter.add.f32 [tilespmem:s12], [sflag:$0x2], $0x80, s24, s11, $0xb8;
	[tilespmem:$0x1F400] =	vst v63  }
0x4d: {  	_ =	swait.ge [sflag:s5], $0xA000  }
0x4e: {  	[sflag:s5] =	ssyncset.done $0x0  }
0x4f: {  	s25 =	simm.s32 $0x8C0;
	[sflag:s5] =	ssyncadd.s32 $0xFFFF6000  }
0x50: {  	[tilespmem:s12], [sflag:$0x1] =	stream.indirect.gather [hbm4b:s10+s11], $0x80, s25, s11, $0xb8;
	[tilespmem:$0x1F400] =	vst v63  }
0x51: {  	_ =	swait.ge [sflag:s13], $0xA000  }
0x52: {  	[sflag:s13] =	ssyncset.done $0x0  }
0x53: {  	s26 =	simm.s32 $0x12C0;
	[sflag:s13] =	ssyncadd.s32 $0xFFFF6000  }
0x54: {  	[spmem:s2] =	stream.indirect.scatter.add.f32 [tilespmem:s12], [sflag:$0x2], $0x80, s26, s11, $0xb8;
	[tilespmem:$0x1F400] =	vst v63  }
0x55: {  	_ =	swait.ge [sflag:s5], $0xA000  }
0x56: {  	s1 =	sadd.s32 $0x140, s7;
	[sflag:s5] =	ssyncset.done $0x0  }
0x57: {  	[dreg:$0x5] =	wrdreg s1;
	[sflag:s5] =	ssyncadd.s32 $0xFFFF6000  }
0x58: {  	[tilespmem:s3], [sflag:$0x2] =	stream.linear.gather [hbm4b:s1+s3], $0xA00, $0x38;
	[tilespmem:$0x1F400] =	vst v63  }
0x59: {  	_ =	swait.ge [sflag:s5], $0xA00  }
0x5a: {  	s1 =	sadd.s32 $0x140, s8;
	[sflag:s5] =	ssyncset.done $0x0  }
0x5b: {  	[dreg:$0x6] =	wrdreg s1;
	[sflag:s5] =	ssyncadd.s32 $0xFFFFF600  }
0x5c: {  	[tilespmem:s9], [sflag:$0x2] =	stream.linear.gather [hbm4b:s1+s3], $0xA00, $0x38;
	[tilespmem:$0x1F400] =	vst v63  }
0x5d: {  	_ =	swait.ge [sflag:s5], $0xA00  }
0x5e: {  	[sflag:s5] =	ssyncset.done $0x0  }
0x5f: {  	[sflag:s5] =	ssyncadd.s32 $0xFFFFF600  }
0x60: {  	[tilespmem:s12], [sflag:$0x1] =	stream.indirect.gather [hbm4b:s10+s11], $0x80, s3, s11, $0xb8;
	[tilespmem:$0x1F400] =	vst v63  }
0x61: {  	_ =	swait.ge [sflag:s13], $0xA000  }
0x62: {  	[sflag:s13] =	ssyncset.done $0x0  }
0x63: {  	[sflag:s13] =	ssyncadd.s32 $0xFFFF6000  }
0x64: {  	[spmem:s2] =	stream.indirect.scatter.add.f32 [tilespmem:s12], [sflag:$0x2], $0x80, s9, s11, $0xb8;
	[tilespmem:$0x1F400] =	vst v63  }
0x65: {  	_ =	swait.ge [sflag:s5], $0xA000  }
0x66: {  	[sflag:s5] =	ssyncset.done $0x0  }
0x67: {  	[sflag:s5] =	ssyncadd.s32 $0xFFFF6000  }
0x68: {  	[tilespmem:s12], [sflag:$0x1] =	stream.indirect.gather [hbm4b:s10+s11], $0x80, s11, s11, $0xb8;
	[tilespmem:$0x1F400] =	vst v63  }
0x69: {  	_ =	swait.ge [sflag:s13], $0xA000  }
0x6a: {  	[sflag:s13] =	ssyncset.done $0x0  }
0x6b: {  	[sflag:s13] =	ssyncadd.s32 $0xFFFF6000  }
0x6c: {  	[spmem:s2] =	stream.indirect.scatter.add.f32 [tilespmem:s12], [sflag:$0x2], $0x80, s14, s11, $0xb8;
	[tilespmem:$0x1F400] =	vst v63  }
0x6d: {  	_ =	swait.ge [sflag:s5], $0xA000  }
0x6e: {  	[sflag:s5] =	ssyncset.done $0x0  }
0x6f: {  	[sflag:s5] =	ssyncadd.s32 $0xFFFF6000  }
0x70: {  	[tilespmem:s12], [sflag:$0x1] =	stream.indirect.gather [hbm4b:s10+s11], $0x80, s15, s11, $0xb8;
	[tilespmem:$0x1F400] =	vst v63  }
0x71: {  	_ =	swait.ge [sflag:s13], $0xA000  }
0x72: {  	[sflag:s13] =	ssyncset.done $0x0  }
0x73: {  	[sflag:s13] =	ssyncadd.s32 $0xFFFF6000  }
0x74: {  	[spmem:s2] =	stream.indirect.scatter.add.f32 [tilespmem:s12], [sflag:$0x2], $0x80, s16, s11, $0xb8;
	[tilespmem:$0x1F400] =	vst v63  }
0x75: {  	_ =	swait.ge [sflag:s5], $0xA000  }
0x76: {  	[sflag:s5] =	ssyncset.done $0x0  }
0x77: {  	[sflag:s5] =	ssyncadd.s32 $0xFFFF6000  }
0x78: {  	[tilespmem:s12], [sflag:$0x1] =	stream.indirect.gather [hbm4b:s10+s11], $0x80, s17, s11, $0xb8;
	[tilespmem:$0x1F400] =	vst v63  }
0x79: {  	_ =	swait.ge [sflag:s13], $0xA000  }
0x7a: {  	[sflag:s13] =	ssyncset.done $0x0  }
0x7b: {  	[sflag:s13] =	ssyncadd.s32 $0xFFFF6000  }
0x7c: {  	[spmem:s2] =	stream.indirect.scatter.add.f32 [tilespmem:s12], [sflag:$0x2], $0x80, s18, s11, $0xb8;
	[tilespmem:$0x1F400] =	vst v63  }
0x7d: {  	_ =	swait.ge [sflag:s5], $0xA000  }
0x7e: {  	[sflag:s5] =	ssyncset.done $0x0  }
0x7f: {  	[sflag:s5] =	ssyncadd.s32 $0xFFFF6000  }
0x80: {  	[tilespmem:s12], [sflag:$0x1] =	stream.indirect.gather [hbm4b:s10+s11], $0x80, s19, s11, $0xb8;
	[tilespmem:$0x1F400] =	vst v63  }
0x81: {  	_ =	swait.ge [sflag:s13], $0xA000  }
0x82: {  	[sflag:s13] =	ssyncset.done $0x0  }
0x83: {  	[sflag:s13] =	ssyncadd.s32 $0xFFFF6000  }
0x84: {  	[spmem:s2] =	stream.indirect.scatter.add.f32 [tilespmem:s12], [sflag:$0x2], $0x80, s20, s11, $0xb8;
	[tilespmem:$0x1F400] =	vst v63  }
0x85: {  	_ =	swait.ge [sflag:s5], $0xA000  }
0x86: {  	[sflag:s5] =	ssyncset.done $0x0  }
0x87: {  	[sflag:s5] =	ssyncadd.s32 $0xFFFF6000  }
0x88: {  	[tilespmem:s12], [sflag:$0x1] =	stream.indirect.gather [hbm4b:s10+s11], $0x80, s21, s11, $0xb8;
	[tilespmem:$0x1F400] =	vst v63  }
0x89: {  	_ =	swait.ge [sflag:s13], $0xA000  }
0x8a: {  	[sflag:s13] =	ssyncset.done $0x0  }
0x8b: {  	[sflag:s13] =	ssyncadd.s32 $0xFFFF6000  }
0x8c: {  	[spmem:s2] =	stream.indirect.scatter.add.f32 [tilespmem:s12], [sflag:$0x2], $0x80, s22, s11, $0xb8;
	[tilespmem:$0x1F400] =	vst v63  }
0x8d: {  	_ =	swait.ge [sflag:s5], $0xA000  }
0x8e: {  	[sflag:s5] =	ssyncset.done $0x0  }
0x8f: {  	[sflag:s5] =	ssyncadd.s32 $0xFFFF6000  }
0x90: {  	[tilespmem:s12], [sflag:$0x1] =	stream.indirect.gather [hbm4b:s10+s11], $0x80, s23, s11, $0xb8;
	[tilespmem:$0x1F400] =	vst v63  }
0x91: {  	_ =	swait.ge [sflag:s13], $0xA000  }
0x92: {  	[sflag:s13] =	ssyncset.done $0x0  }
0x93: {  	[sflag:s13] =	ssyncadd.s32 $0xFFFF6000  }
0x94: {  	[spmem:s2] =	stream.indirect.scatter.add.f32 [tilespmem:s12], [sflag:$0x2], $0x80, s24, s11, $0xb8;
	[tilespmem:$0x1F400] =	vst v63  }
0x95: {  	_ =	swait.ge [sflag:s5], $0xA000  }
0x96: {  	[sflag:s5] =	ssyncset.done $0x0  }
0x97: {  	[sflag:s5] =	ssyncadd.s32 $0xFFFF6000  }
0x98: {  	[tilespmem:s12], [sflag:$0x1] =	stream.indirect.gather [hbm4b:s10+s11], $0x80, s25, s11, $0xb8;
	[tilespmem:$0x1F400] =	vst v63  }
0x99: {  	_ =	swait.ge [sflag:s13], $0xA000  }
0x9a: {  	[sflag:s13] =	ssyncset.done $0x0  }
0x9b: {  	[sflag:s13] =	ssyncadd.s32 $0xFFFF6000  }
0x9c: {  	[spmem:s2] =	stream.indirect.scatter.add.f32 [tilespmem:s12], [sflag:$0x2], $0x80, s26, s11, $0xb8;
	[tilespmem:$0x1F400] =	vst v63  }
0x9d: {  	_ =	swait.ge [sflag:s5], $0xA000  }
0x9e: {  	[sflag:s5] =	ssyncset.done $0x0  }
0x9f: {  	s30 =	sadd.s32 $0x280, s7;
	[sflag:s5] =	ssyncadd.s32 $0xFFFF6000  }
0xa0: {  	[tilespmem:s3], [sflag:$0x2] =	stream.linear.gather [hbm4b:s30+s3], $0xA00, $0x38;
	[tilespmem:$0x1F400] =	vst v63  }
0xa1: {  	_ =	swait.ge [sflag:s5], $0xA00  }
0xa2: {  	[sflag:s5] =	ssyncset.done $0x0  }
0xa3: {  	s31 =	sadd.s32 $0x280, s8;
	[sflag:s5] =	ssyncadd.s32 $0xFFFFF600  }
0xa4: {  	[tilespmem:s9], [sflag:$0x2] =	stream.linear.gather [hbm4b:s31+s3], $0xA00, $0x38;
	[tilespmem:$0x1F400] =	vst v63  }
0xa5: {  	_ =	swait.ge [sflag:s5], $0xA00  }
0xa6: {  	[sflag:s5] =	ssyncset.done $0x0  }
0xa7: {  	[sflag:s5] =	ssyncadd.s32 $0xFFFFF600  }
0xa8: {  	[tilespmem:s12], [sflag:$0x1] =	stream.indirect.gather [hbm4b:s10+s11], $0x80, s3, s11, $0xb8;
	[tilespmem:$0x1F400] =	vst v63  }
0xa9: {  	_ =	swait.ge [sflag:s13], $0xA000  }
0xaa: {  	[sflag:s13] =	ssyncset.done $0x0  }
0xab: {  	[sflag:s13] =	ssyncadd.s32 $0xFFFF6000  }
0xac: {  	[spmem:s2] =	stream.indirect.scatter.add.f32 [tilespmem:s12], [sflag:$0x2], $0x80, s9, s11, $0xb8;
	[tilespmem:$0x1F400] =	vst v63  }
0xad: {  	_ =	swait.ge [sflag:s5], $0xA000  }
0xae: {  	[sflag:s5] =	ssyncset.done $0x0  }
0xaf: {  	[sflag:s5] =	ssyncadd.s32 $0xFFFF6000  }
0xb0: {  	[tilespmem:s12], [sflag:$0x1] =	stream.indirect.gather [hbm4b:s10+s11], $0x80, s11, s11, $0xb8;
	[tilespmem:$0x1F400] =	vst v63  }
0xb1: {  	_ =	swait.ge [sflag:s13], $0xA000  }
0xb2: {  	[sflag:s13] =	ssyncset.done $0x0  }
0xb3: {  	[sflag:s13] =	ssyncadd.s32 $0xFFFF6000  }
0xb4: {  	[spmem:s2] =	stream.indirect.scatter.add.f32 [tilespmem:s12], [sflag:$0x2], $0x80, s14, s11, $0xb8;
	[tilespmem:$0x1F400] =	vst v63  }
0xb5: {  	_ =	swait.ge [sflag:s5], $0xA000  }
0xb6: {  	[sflag:s5] =	ssyncset.done $0x0  }
0xb7: {  	[sflag:s5] =	ssyncadd.s32 $0xFFFF6000  }
0xb8: {  	[tilespmem:s12], [sflag:$0x1] =	stream.indirect.gather [hbm4b:s10+s11], $0x80, s15, s11, $0xb8;
	[tilespmem:$0x1F400] =	vst v63  }
0xb9: {  	_ =	swait.ge [sflag:s13], $0xA000  }
0xba: {  	[sflag:s13] =	ssyncset.done $0x0  }
0xbb: {  	[sflag:s13] =	ssyncadd.s32 $0xFFFF6000  }
0xbc: {  	[spmem:s2] =	stream.indirect.scatter.add.f32 [tilespmem:s12], [sflag:$0x2], $0x80, s16, s11, $0xb8;
	[tilespmem:$0x1F400] =	vst v63  }
0xbd: {  	_ =	swait.ge [sflag:s5], $0xA000  }
0xbe: {  	[sflag:s5] =	ssyncset.done $0x0  }
0xbf: {  	[sflag:s5] =	ssyncadd.s32 $0xFFFF6000  }
0xc0: {  	[tilespmem:s12], [sflag:$0x1] =	stream.indirect.gather [hbm4b:s10+s11], $0x80, s17, s11, $0xb8;
	[tilespmem:$0x1F400] =	vst v63  }
0xc1: {  	_ =	swait.ge [sflag:s13], $0xA000  }
0xc2: {  	[sflag:s13] =	ssyncset.done $0x0  }
0xc3: {  	[sflag:s13] =	ssyncadd.s32 $0xFFFF6000  }
0xc4: {  	[spmem:s2] =	stream.indirect.scatter.add.f32 [tilespmem:s12], [sflag:$0x2], $0x80, s18, s11, $0xb8;
	[tilespmem:$0x1F400] =	vst v63  }
0xc5: {  	_ =	swait.ge [sflag:s5], $0xA000  }
0xc6: {  	[sflag:s5] =	ssyncset.done $0x0  }
0xc7: {  	[sflag:s5] =	ssyncadd.s32 $0xFFFF6000  }
0xc8: {  	[tilespmem:s12], [sflag:$0x1] =	stream.indirect.gather [hbm4b:s10+s11], $0x80, s19, s11, $0xb8;
	[tilespmem:$0x1F400] =	vst v63  }
0xc9: {  	_ =	swait.ge [sflag:s13], $0xA000  }
0xca: {  	[sflag:s13] =	ssyncset.done $0x0  }
0xcb: {  	[sflag:s13] =	ssyncadd.s32 $0xFFFF6000  }
0xcc: {  	[spmem:s2] =	stream.indirect.scatter.add.f32 [tilespmem:s12], [sflag:$0x2], $0x80, s20, s11, $0xb8;
	[tilespmem:$0x1F400] =	vst v63  }
0xcd: {  	_ =	swait.ge [sflag:s5], $0xA000  }
0xce: {  	[sflag:s5] =	ssyncset.done $0x0  }
0xcf: {  	[sflag:s5] =	ssyncadd.s32 $0xFFFF6000  }
0xd0: {  	[tilespmem:s12], [sflag:$0x1] =	stream.indirect.gather [hbm4b:s10+s11], $0x80, s21, s11, $0xb8;
	[tilespmem:$0x1F400] =	vst v63  }
0xd1: {  	_ =	swait.ge [sflag:s13], $0xA000  }
0xd2: {  	[sflag:s13] =	ssyncset.done $0x0  }
0xd3: {  	[sflag:s13] =	ssyncadd.s32 $0xFFFF6000  }
0xd4: {  	[spmem:s2] =	stream.indirect.scatter.add.f32 [tilespmem:s12], [sflag:$0x2], $0x80, s22, s11, $0xb8;
	[tilespmem:$0x1F400] =	vst v63  }
0xd5: {  	_ =	swait.ge [sflag:s5], $0xA000  }
0xd6: {  	[sflag:s5] =	ssyncset.done $0x0  }
0xd7: {  	[sflag:s5] =	ssyncadd.s32 $0xFFFF6000  }
0xd8: {  	[tilespmem:s12], [sflag:$0x1] =	stream.indirect.gather [hbm4b:s10+s11], $0x80, s23, s11, $0xb8;
	[tilespmem:$0x1F400] =	vst v63  }
0xd9: {  	_ =	swait.ge [sflag:s13], $0xA000  }
0xda: {  	[sflag:s13] =	ssyncset.done $0x0  }
0xdb: {  	[sflag:s13] =	ssyncadd.s32 $0xFFFF6000  }
0xdc: {  	[spmem:s2] =	stream.indirect.scatter.add.f32 [tilespmem:s12], [sflag:$0x2], $0x80, s24, s11, $0xb8;
	[tilespmem:$0x1F400] =	vst v63  }
0xdd: {  	_ =	swait.ge [sflag:s5], $0xA000  }
0xde: {  	[sflag:s5] =	ssyncset.done $0x0  }
0xdf: {  	[sflag:s5] =	ssyncadd.s32 $0xFFFF6000  }
0xe0: {  	[tilespmem:s12], [sflag:$0x1] =	stream.indirect.gather [hbm4b:s10+s11], $0x80, s25, s11, $0xb8;
	[tilespmem:$0x1F400] =	vst v63  }
0xe1: {  	_ =	swait.ge [sflag:s13], $0xA000  }
0xe2: {  	[sflag:s13] =	ssyncset.done $0x0  }
0xe3: {  	[sflag:s13] =	ssyncadd.s32 $0xFFFF6000  }
0xe4: {  	[spmem:s2] =	stream.indirect.scatter.add.f32 [tilespmem:s12], [sflag:$0x2], $0x80, s26, s11, $0xb8;
	[tilespmem:$0x1F400] =	vst v63  }
0xe5: {  	_ =	swait.ge [sflag:s5], $0xA000  }
0xe6: {  	[sflag:s5] =	ssyncset.done $0x0  }
0xe7: {  	s1 =	sadd.s32 $0x3C0, s7;
	[sflag:s5] =	ssyncadd.s32 $0xFFFF6000  }
0xe8: {  	[tilespmem:s3], [sflag:$0x2] =	stream.linear.gather [hbm4b:s1+s3], $0xA00, $0x38;
	[tilespmem:$0x1F400] =	vst v63  }
0xe9: {  	_ =	swait.ge [sflag:s5], $0xA00  }
0xea: {  	[sflag:s5] =	ssyncset.done $0x0  }
0xeb: {  	s0 =	sadd.s32 $0x3C0, s8;
	[sflag:s5] =	ssyncadd.s32 $0xFFFFF600  }
0xec: {  	[tilespmem:s9], [sflag:$0x2] =	stream.linear.gather [hbm4b:s0+s3], $0xA00, $0x38;
	[tilespmem:$0x1F400] =	vst v63  }
0xed: {  	_ =	swait.ge [sflag:s5], $0xA00  }
0xee: {  	[sflag:s5] =	ssyncset.done $0x0  }
0xef: {  	[sflag:s5] =	ssyncadd.s32 $0xFFFFF600  }
0xf0: {  	[tilespmem:s12], [sflag:$0x1] =	stream.indirect.gather [hbm4b:s10+s11], $0x80, s3, s11, $0xb8;
	[tilespmem:$0x1F400] =	vst v63  }
0xf1: {  	_ =	swait.ge [sflag:s13], $0xA000  }
0xf2: {  	[sflag:s13] =	ssyncset.done $0x0  }
0xf3: {  	[sflag:s13] =	ssyncadd.s32 $0xFFFF6000  }
0xf4: {  	[spmem:s2] =	stream.indirect.scatter.add.f32 [tilespmem:s12], [sflag:$0x2], $0x80, s9, s11, $0xb8;
	[tilespmem:$0x1F400] =	vst v63  }
0xf5: {  	_ =	swait.ge [sflag:s5], $0xA000  }
0xf6: {  	[sflag:s5] =	ssyncset.done $0x0  }
0xf7: {  	[sflag:s5] =	ssyncadd.s32 $0xFFFF6000  }
0xf8: {  	[tilespmem:s12], [sflag:$0x1] =	stream.indirect.gather [hbm4b:s10+s11], $0x80, s11, s11, $0xb8;
	[tilespmem:$0x1F400] =	vst v63  }
0xf9: {  	_ =	swait.ge [sflag:s13], $0xA000  }
0xfa: {  	[sflag:s13] =	ssyncset.done $0x0  }
0xfb: {  	[sflag:s13] =	ssyncadd.s32 $0xFFFF6000  }
0xfc: {  	[spmem:s2] =	stream.indirect.scatter.add.f32 [tilespmem:s12], [sflag:$0x2], $0x80, s14, s11, $0xb8;
	[tilespmem:$0x1F400] =	vst v63  }
0xfd: {  	_ =	swait.ge [sflag:s5], $0xA000  }
0xfe: {  	[sflag:s5] =	ssyncset.done $0x0  }
0xff: {  	[sflag:s5] =	ssyncadd.s32 $0xFFFF6000  }
0x100: {  	[tilespmem:s12], [sflag:$0x1] =	stream.indirect.gather [hbm4b:s10+s11], $0x80, s15, s11, $0xb8;
	[tilespmem:$0x1F400] =	vst v63  }
0x101: {  	_ =	swait.ge [sflag:s13], $0xA000  }
0x102: {  	[sflag:s13] =	ssyncset.done $0x0  }
0x103: {  	[sflag:s13] =	ssyncadd.s32 $0xFFFF6000  }
0x104: {  	[spmem:s2] =	stream.indirect.scatter.add.f32 [tilespmem:s12], [sflag:$0x2], $0x80, s16, s11, $0xb8;
	[tilespmem:$0x1F400] =	vst v63  }
0x105: {  	_ =	swait.ge [sflag:s5], $0xA000  }
0x106: {  	[sflag:s5] =	ssyncset.done $0x0  }
0x107: {  	[sflag:s5] =	ssyncadd.s32 $0xFFFF6000  }
0x108: {  	[tilespmem:s12], [sflag:$0x1] =	stream.indirect.gather [hbm4b:s10+s11], $0x80, s17, s11, $0xb8;
	[tilespmem:$0x1F400] =	vst v63  }
0x109: {  	_ =	swait.ge [sflag:s13], $0xA000  }
0x10a: {  	[sflag:s13] =	ssyncset.done $0x0  }
0x10b: {  	[sflag:s13] =	ssyncadd.s32 $0xFFFF6000  }
0x10c: {  	[spmem:s2] =	stream.indirect.scatter.add.f32 [tilespmem:s12], [sflag:$0x2], $0x80, s18, s11, $0xb8;
	[tilespmem:$0x1F400] =	vst v63  }
0x10d: {  	_ =	swait.ge [sflag:s5], $0xA000  }
0x10e: {  	[sflag:s5] =	ssyncset.done $0x0  }
0x10f: {  	[sflag:s5] =	ssyncadd.s32 $0xFFFF6000  }
0x110: {  	[tilespmem:s12], [sflag:$0x1] =	stream.indirect.gather [hbm4b:s10+s11], $0x80, s19, s11, $0xb8;
	[tilespmem:$0x1F400] =	vst v63  }
0x111: {  	_ =	swait.ge [sflag:s13], $0xA000  }
0x112: {  	[sflag:s13] =	ssyncset.done $0x0  }
0x113: {  	[sflag:s13] =	ssyncadd.s32 $0xFFFF6000  }
0x114: {  	[spmem:s2] =	stream.indirect.scatter.add.f32 [tilespmem:s12], [sflag:$0x2], $0x80, s20, s11, $0xb8;
	[tilespmem:$0x1F400] =	vst v63  }
0x115: {  	_ =	swait.ge [sflag:s5], $0xA000  }
0x116: {  	[sflag:s5] =	ssyncset.done $0x0  }
0x117: {  	[sflag:s5] =	ssyncadd.s32 $0xFFFF6000  }
0x118: {  	[tilespmem:s12], [sflag:$0x1] =	stream.indirect.gather [hbm4b:s10+s11], $0x80, s21, s11, $0xb8;
	[tilespmem:$0x1F400] =	vst v63  }
0x119: {  	_ =	swait.ge [sflag:s13], $0xA000  }
0x11a: {  	[sflag:s13] =	ssyncset.done $0x0  }
0x11b: {  	[sflag:s13] =	ssyncadd.s32 $0xFFFF6000  }
0x11c: {  	[spmem:s2] =	stream.indirect.scatter.add.f32 [tilespmem:s12], [sflag:$0x2], $0x80, s22, s11, $0xb8;
	[tilespmem:$0x1F400] =	vst v63  }
0x11d: {  	_ =	swait.ge [sflag:s5], $0xA000  }
0x11e: {  	[sflag:s5] =	ssyncset.done $0x0  }
0x11f: {  	[sflag:s5] =	ssyncadd.s32 $0xFFFF6000  }
0x120: {  	[tilespmem:s12], [sflag:$0x1] =	stream.indirect.gather [hbm4b:s10+s11], $0x80, s23, s11, $0xb8;
	[tilespmem:$0x1F400] =	vst v63  }
0x121: {  	_ =	swait.ge [sflag:s13], $0xA000  }
0x122: {  	[sflag:s13] =	ssyncset.done $0x0  }
0x123: {  	[sflag:s13] =	ssyncadd.s32 $0xFFFF6000  }
0x124: {  	[spmem:s2] =	stream.indirect.scatter.add.f32 [tilespmem:s12], [sflag:$0x2], $0x80, s24, s11, $0xb8;
	[tilespmem:$0x1F400] =	vst v63  }
0x125: {  	_ =	swait.ge [sflag:s5], $0xA000  }
0x126: {  	[sflag:s5] =	ssyncset.done $0x0  }
0x127: {  	[sflag:s5] =	ssyncadd.s32 $0xFFFF6000  }
0x128: {  	[tilespmem:s12], [sflag:$0x1] =	stream.indirect.gather [hbm4b:s10+s11], $0x80, s25, s11, $0xb8;
	[tilespmem:$0x1F400] =	vst v63  }
0x129: {  	_ =	swait.ge [sflag:s13], $0xA000  }
0x12a: {  	[sflag:s13] =	ssyncset.done $0x0  }
0x12b: {  	[sflag:s13] =	ssyncadd.s32 $0xFFFF6000  }
0x12c: {  	[spmem:s2] =	stream.indirect.scatter.add.f32 [tilespmem:s12], [sflag:$0x2], $0x80, s26, s11, $0xb8;
	[tilespmem:$0x1F400] =	vst v63  }
0x12d: {  	_ =	swait.ge [sflag:s5], $0xA000  }
0x12e: {  	[sflag:s5] =	ssyncset.done $0x0  }
0x12f: {  	[sflag:s5] =	ssyncadd.s32 $0xFFFF6000  }
0x130: {  	[bflag:$0x0] =	sbarrier.arrive $0xFFFF  }
0x131: {  	s29 =	smov.u32 s8;
	s8 =	rddreg [dreg:$0x7]  }
0x132: {  	s28 =	smov.u32 s7;
	s7 =	rddreg [dreg:$0x4];
	s8 =	ssub.s32 $0x2, s8  }
0x133: {  	[dreg:$0x8] =	wrdreg s7;
	s7 =	sshrl.u32 s8, $0x1  }
0x134: {  	s7 =	ssub.s32 s8, s7  }
0x135: {  	s7 =	smax.u32 s7, $0x1  }
0x136: {  	p0 =	sne.s32 s7, $0x1  }
.Ltmp0:
0x137: {  	_ = 	snop;
	(pc) =	sbr.rel @!p0 .LBB2_2-.Ltmp0, $4  }
0x138: {  	_ = 	snop  }
0x139: {  	s8 =	rddreg [dreg:$0x8]  }
0x13a: {  	[hbm:s8], [sflag:s4] =	dma.local [spmem:s6], $0x2800  }
0x13b: {  	s7 =	sadd.s32 $0xFFFFFFFF, s7;
	_ =	swait.ge [sflag:s5], $0x2800  }
.LBB2_1:
0x13c: {  	[sflag:s5] =	ssyncset.done $0x0  }
0x13d: {  	s8 =	rddreg [dreg:$0x3];
	[sflag:s5] =	ssyncadd.s32 $0xFFFFD800  }
0x13e: {  	[spmem:s6], [sflag:s4] =	dma.local [hbm:s8], $0x2800  }
0x13f: {  	_ =	swait.ge [sflag:s5], $0x2800  }
0x140: {  	[sflag:s5] =	ssyncset.done $0x0  }
0x141: {  	[sflag:s5] =	ssyncadd.s32 $0xFFFFD800  }
0x142: {  	[bflag:$0x0] =	sbarrier.arrive $0xFFFF  }
0x143: {  	[tilespmem:s3], [sflag:$0x2] =	stream.linear.gather [hbm4b:s28+s3], $0xA00, $0x38;
	[tilespmem:$0x1F400] =	vst v63  }
0x144: {  	_ =	swait.ge [sflag:s5], $0xA00  }
0x145: {  	[sflag:s5] =	ssyncset.done $0x0  }
0x146: {  	[sflag:s5] =	ssyncadd.s32 $0xFFFFF600  }
0x147: {  	[tilespmem:s9], [sflag:$0x2] =	stream.linear.gather [hbm4b:s29+s3], $0xA00, $0x38;
	[tilespmem:$0x1F400] =	vst v63  }
0x148: {  	_ =	swait.ge [sflag:s5], $0xA00  }
0x149: {  	[sflag:s5] =	ssyncset.done $0x0  }
0x14a: {  	[sflag:s5] =	ssyncadd.s32 $0xFFFFF600  }
0x14b: {  	[tilespmem:s12], [sflag:$0x1] =	stream.indirect.gather [hbm4b:s10+s11], $0x80, s3, s11, $0xb8;
	[tilespmem:$0x1F400] =	vst v63  }
0x14c: {  	_ =	swait.ge [sflag:s13], $0xA000  }
0x14d: {  	[sflag:s13] =	ssyncset.done $0x0  }
0x14e: {  	[sflag:s13] =	ssyncadd.s32 $0xFFFF6000  }
0x14f: {  	[spmem:s2] =	stream.indirect.scatter.add.f32 [tilespmem:s12], [sflag:$0x2], $0x80, s9, s11, $0xb8;
	[tilespmem:$0x1F400] =	vst v63  }
0x150: {  	_ =	swait.ge [sflag:s5], $0xA000  }
0x151: {  	[sflag:s5] =	ssyncset.done $0x0  }
0x152: {  	[sflag:s5] =	ssyncadd.s32 $0xFFFF6000  }
0x153: {  	[tilespmem:s12], [sflag:$0x1] =	stream.indirect.gather [hbm4b:s10+s11], $0x80, s11, s11, $0xb8;
	[tilespmem:$0x1F400] =	vst v63  }
0x154: {  	_ =	swait.ge [sflag:s13], $0xA000  }
0x155: {  	[sflag:s13] =	ssyncset.done $0x0  }
0x156: {  	[sflag:s13] =	ssyncadd.s32 $0xFFFF6000  }
0x157: {  	[spmem:s2] =	stream.indirect.scatter.add.f32 [tilespmem:s12], [sflag:$0x2], $0x80, s14, s11, $0xb8;
	[tilespmem:$0x1F400] =	vst v63  }
0x158: {  	_ =	swait.ge [sflag:s5], $0xA000  }
0x159: {  	[sflag:s5] =	ssyncset.done $0x0  }
0x15a: {  	[sflag:s5] =	ssyncadd.s32 $0xFFFF6000  }
0x15b: {  	[tilespmem:s12], [sflag:$0x1] =	stream.indirect.gather [hbm4b:s10+s11], $0x80, s15, s11, $0xb8;
	[tilespmem:$0x1F400] =	vst v63  }
0x15c: {  	_ =	swait.ge [sflag:s13], $0xA000  }
0x15d: {  	[sflag:s13] =	ssyncset.done $0x0  }
0x15e: {  	[sflag:s13] =	ssyncadd.s32 $0xFFFF6000  }
0x15f: {  	[spmem:s2] =	stream.indirect.scatter.add.f32 [tilespmem:s12], [sflag:$0x2], $0x80, s16, s11, $0xb8;
	[tilespmem:$0x1F400] =	vst v63  }
0x160: {  	_ =	swait.ge [sflag:s5], $0xA000  }
0x161: {  	[sflag:s5] =	ssyncset.done $0x0  }
0x162: {  	[sflag:s5] =	ssyncadd.s32 $0xFFFF6000  }
0x163: {  	[tilespmem:s12], [sflag:$0x1] =	stream.indirect.gather [hbm4b:s10+s11], $0x80, s17, s11, $0xb8;
	[tilespmem:$0x1F400] =	vst v63  }
0x164: {  	_ =	swait.ge [sflag:s13], $0xA000  }
0x165: {  	[sflag:s13] =	ssyncset.done $0x0  }
0x166: {  	[sflag:s13] =	ssyncadd.s32 $0xFFFF6000  }
0x167: {  	[spmem:s2] =	stream.indirect.scatter.add.f32 [tilespmem:s12], [sflag:$0x2], $0x80, s18, s11, $0xb8;
	[tilespmem:$0x1F400] =	vst v63  }
0x168: {  	_ =	swait.ge [sflag:s5], $0xA000  }
0x169: {  	[sflag:s5] =	ssyncset.done $0x0  }
0x16a: {  	[sflag:s5] =	ssyncadd.s32 $0xFFFF6000  }
0x16b: {  	[tilespmem:s12], [sflag:$0x1] =	stream.indirect.gather [hbm4b:s10+s11], $0x80, s19, s11, $0xb8;
	[tilespmem:$0x1F400] =	vst v63  }
0x16c: {  	_ =	swait.ge [sflag:s13], $0xA000  }
0x16d: {  	[sflag:s13] =	ssyncset.done $0x0  }
0x16e: {  	[sflag:s13] =	ssyncadd.s32 $0xFFFF6000  }
0x16f: {  	[spmem:s2] =	stream.indirect.scatter.add.f32 [tilespmem:s12], [sflag:$0x2], $0x80, s20, s11, $0xb8;
	[tilespmem:$0x1F400] =	vst v63  }
0x170: {  	_ =	swait.ge [sflag:s5], $0xA000  }
0x171: {  	[sflag:s5] =	ssyncset.done $0x0  }
0x172: {  	[sflag:s5] =	ssyncadd.s32 $0xFFFF6000  }
0x173: {  	[tilespmem:s12], [sflag:$0x1] =	stream.indirect.gather [hbm4b:s10+s11], $0x80, s21, s11, $0xb8;
	[tilespmem:$0x1F400] =	vst v63  }
0x174: {  	_ =	swait.ge [sflag:s13], $0xA000  }
0x175: {  	[sflag:s13] =	ssyncset.done $0x0  }
0x176: {  	[sflag:s13] =	ssyncadd.s32 $0xFFFF6000  }
0x177: {  	[spmem:s2] =	stream.indirect.scatter.add.f32 [tilespmem:s12], [sflag:$0x2], $0x80, s22, s11, $0xb8;
	[tilespmem:$0x1F400] =	vst v63  }
0x178: {  	_ =	swait.ge [sflag:s5], $0xA000  }
0x179: {  	[sflag:s5] =	ssyncset.done $0x0  }
0x17a: {  	[sflag:s5] =	ssyncadd.s32 $0xFFFF6000  }
0x17b: {  	[tilespmem:s12], [sflag:$0x1] =	stream.indirect.gather [hbm4b:s10+s11], $0x80, s23, s11, $0xb8;
	[tilespmem:$0x1F400] =	vst v63  }
0x17c: {  	_ =	swait.ge [sflag:s13], $0xA000  }
0x17d: {  	[sflag:s13] =	ssyncset.done $0x0  }
0x17e: {  	[sflag:s13] =	ssyncadd.s32 $0xFFFF6000  }
0x17f: {  	[spmem:s2] =	stream.indirect.scatter.add.f32 [tilespmem:s12], [sflag:$0x2], $0x80, s24, s11, $0xb8;
	[tilespmem:$0x1F400] =	vst v63  }
0x180: {  	_ =	swait.ge [sflag:s5], $0xA000  }
0x181: {  	[sflag:s5] =	ssyncset.done $0x0  }
0x182: {  	[sflag:s5] =	ssyncadd.s32 $0xFFFF6000  }
0x183: {  	[tilespmem:s12], [sflag:$0x1] =	stream.indirect.gather [hbm4b:s10+s11], $0x80, s25, s11, $0xb8;
	[tilespmem:$0x1F400] =	vst v63  }
0x184: {  	_ =	swait.ge [sflag:s13], $0xA000  }
0x185: {  	[sflag:s13] =	ssyncset.done $0x0  }
0x186: {  	[sflag:s13] =	ssyncadd.s32 $0xFFFF6000  }
0x187: {  	[spmem:s2] =	stream.indirect.scatter.add.f32 [tilespmem:s12], [sflag:$0x2], $0x80, s26, s11, $0xb8;
	[tilespmem:$0x1F400] =	vst v63  }
0x188: {  	_ =	swait.ge [sflag:s5], $0xA000  }
0x189: {  	[sflag:s5] =	ssyncset.done $0x0  }
0x18a: {  	s8 =	rddreg [dreg:$0x5];
	[sflag:s5] =	ssyncadd.s32 $0xFFFF6000  }
0x18b: {  	[tilespmem:s3], [sflag:$0x2] =	stream.linear.gather [hbm4b:s8+s3], $0xA00, $0x38;
	[tilespmem:$0x1F400] =	vst v63  }
0x18c: {  	_ =	swait.ge [sflag:s5], $0xA00  }
0x18d: {  	[sflag:s5] =	ssyncset.done $0x0  }
0x18e: {  	s8 =	rddreg [dreg:$0x6];
	[sflag:s5] =	ssyncadd.s32 $0xFFFFF600  }
0x18f: {  	[tilespmem:s9], [sflag:$0x2] =	stream.linear.gather [hbm4b:s8+s3], $0xA00, $0x38;
	[tilespmem:$0x1F400] =	vst v63  }
0x190: {  	_ =	swait.ge [sflag:s5], $0xA00  }
0x191: {  	[sflag:s5] =	ssyncset.done $0x0  }
0x192: {  	[sflag:s5] =	ssyncadd.s32 $0xFFFFF600  }
0x193: {  	[tilespmem:s12], [sflag:$0x1] =	stream.indirect.gather [hbm4b:s10+s11], $0x80, s3, s11, $0xb8;
	[tilespmem:$0x1F400] =	vst v63  }
0x194: {  	_ =	swait.ge [sflag:s13], $0xA000  }
0x195: {  	[sflag:s13] =	ssyncset.done $0x0  }
0x196: {  	[sflag:s13] =	ssyncadd.s32 $0xFFFF6000  }
0x197: {  	[spmem:s2] =	stream.indirect.scatter.add.f32 [tilespmem:s12], [sflag:$0x2], $0x80, s9, s11, $0xb8;
	[tilespmem:$0x1F400] =	vst v63  }
0x198: {  	_ =	swait.ge [sflag:s5], $0xA000  }
0x199: {  	[sflag:s5] =	ssyncset.done $0x0  }
0x19a: {  	[sflag:s5] =	ssyncadd.s32 $0xFFFF6000  }
0x19b: {  	[tilespmem:s12], [sflag:$0x1] =	stream.indirect.gather [hbm4b:s10+s11], $0x80, s11, s11, $0xb8;
	[tilespmem:$0x1F400] =	vst v63  }
0x19c: {  	_ =	swait.ge [sflag:s13], $0xA000  }
0x19d: {  	[sflag:s13] =	ssyncset.done $0x0  }
0x19e: {  	[sflag:s13] =	ssyncadd.s32 $0xFFFF6000  }
0x19f: {  	[spmem:s2] =	stream.indirect.scatter.add.f32 [tilespmem:s12], [sflag:$0x2], $0x80, s14, s11, $0xb8;
	[tilespmem:$0x1F400] =	vst v63  }
0x1a0: {  	_ =	swait.ge [sflag:s5], $0xA000  }
0x1a1: {  	[sflag:s5] =	ssyncset.done $0x0  }
0x1a2: {  	[sflag:s5] =	ssyncadd.s32 $0xFFFF6000  }
0x1a3: {  	[tilespmem:s12], [sflag:$0x1] =	stream.indirect.gather [hbm4b:s10+s11], $0x80, s15, s11, $0xb8;
	[tilespmem:$0x1F400] =	vst v63  }
0x1a4: {  	_ =	swait.ge [sflag:s13], $0xA000  }
0x1a5: {  	[sflag:s13] =	ssyncset.done $0x0  }
0x1a6: {  	[sflag:s13] =	ssyncadd.s32 $0xFFFF6000  }
0x1a7: {  	[spmem:s2] =	stream.indirect.scatter.add.f32 [tilespmem:s12], [sflag:$0x2], $0x80, s16, s11, $0xb8;
	[tilespmem:$0x1F400] =	vst v63  }
0x1a8: {  	_ =	swait.ge [sflag:s5], $0xA000  }
0x1a9: {  	[sflag:s5] =	ssyncset.done $0x0  }
0x1aa: {  	[sflag:s5] =	ssyncadd.s32 $0xFFFF6000  }
0x1ab: {  	[tilespmem:s12], [sflag:$0x1] =	stream.indirect.gather [hbm4b:s10+s11], $0x80, s17, s11, $0xb8;
	[tilespmem:$0x1F400] =	vst v63  }
0x1ac: {  	_ =	swait.ge [sflag:s13], $0xA000  }
0x1ad: {  	[sflag:s13] =	ssyncset.done $0x0  }
0x1ae: {  	[sflag:s13] =	ssyncadd.s32 $0xFFFF6000  }
0x1af: {  	[spmem:s2] =	stream.indirect.scatter.add.f32 [tilespmem:s12], [sflag:$0x2], $0x80, s18, s11, $0xb8;
	[tilespmem:$0x1F400] =	vst v63  }
0x1b0: {  	_ =	swait.ge [sflag:s5], $0xA000  }
0x1b1: {  	[sflag:s5] =	ssyncset.done $0x0  }
0x1b2: {  	[sflag:s5] =	ssyncadd.s32 $0xFFFF6000  }
0x1b3: {  	[tilespmem:s12], [sflag:$0x1] =	stream.indirect.gather [hbm4b:s10+s11], $0x80, s19, s11, $0xb8;
	[tilespmem:$0x1F400] =	vst v63  }
0x1b4: {  	_ =	swait.ge [sflag:s13], $0xA000  }
0x1b5: {  	[sflag:s13] =	ssyncset.done $0x0  }
0x1b6: {  	[sflag:s13] =	ssyncadd.s32 $0xFFFF6000  }
0x1b7: {  	[spmem:s2] =	stream.indirect.scatter.add.f32 [tilespmem:s12], [sflag:$0x2], $0x80, s20, s11, $0xb8;
	[tilespmem:$0x1F400] =	vst v63  }
0x1b8: {  	_ =	swait.ge [sflag:s5], $0xA000  }
0x1b9: {  	[sflag:s5] =	ssyncset.done $0x0  }
0x1ba: {  	[sflag:s5] =	ssyncadd.s32 $0xFFFF6000  }
0x1bb: {  	[tilespmem:s12], [sflag:$0x1] =	stream.indirect.gather [hbm4b:s10+s11], $0x80, s21, s11, $0xb8;
	[tilespmem:$0x1F400] =	vst v63  }
0x1bc: {  	_ =	swait.ge [sflag:s13], $0xA000  }
0x1bd: {  	[sflag:s13] =	ssyncset.done $0x0  }
0x1be: {  	[sflag:s13] =	ssyncadd.s32 $0xFFFF6000  }
0x1bf: {  	[spmem:s2] =	stream.indirect.scatter.add.f32 [tilespmem:s12], [sflag:$0x2], $0x80, s22, s11, $0xb8;
	[tilespmem:$0x1F400] =	vst v63  }
0x1c0: {  	_ =	swait.ge [sflag:s5], $0xA000  }
0x1c1: {  	[sflag:s5] =	ssyncset.done $0x0  }
0x1c2: {  	[sflag:s5] =	ssyncadd.s32 $0xFFFF6000  }
0x1c3: {  	[tilespmem:s12], [sflag:$0x1] =	stream.indirect.gather [hbm4b:s10+s11], $0x80, s23, s11, $0xb8;
	[tilespmem:$0x1F400] =	vst v63  }
0x1c4: {  	_ =	swait.ge [sflag:s13], $0xA000  }
0x1c5: {  	[sflag:s13] =	ssyncset.done $0x0  }
0x1c6: {  	[sflag:s13] =	ssyncadd.s32 $0xFFFF6000  }
0x1c7: {  	[spmem:s2] =	stream.indirect.scatter.add.f32 [tilespmem:s12], [sflag:$0x2], $0x80, s24, s11, $0xb8;
	[tilespmem:$0x1F400] =	vst v63  }
0x1c8: {  	_ =	swait.ge [sflag:s5], $0xA000  }
0x1c9: {  	[sflag:s5] =	ssyncset.done $0x0  }
0x1ca: {  	[sflag:s5] =	ssyncadd.s32 $0xFFFF6000  }
0x1cb: {  	[tilespmem:s12], [sflag:$0x1] =	stream.indirect.gather [hbm4b:s10+s11], $0x80, s25, s11, $0xb8;
	[tilespmem:$0x1F400] =	vst v63  }
0x1cc: {  	_ =	swait.ge [sflag:s13], $0xA000  }
0x1cd: {  	[sflag:s13] =	ssyncset.done $0x0  }
0x1ce: {  	[sflag:s13] =	ssyncadd.s32 $0xFFFF6000  }
0x1cf: {  	[spmem:s2] =	stream.indirect.scatter.add.f32 [tilespmem:s12], [sflag:$0x2], $0x80, s26, s11, $0xb8;
	[tilespmem:$0x1F400] =	vst v63  }
0x1d0: {  	_ =	swait.ge [sflag:s5], $0xA000  }
0x1d1: {  	[sflag:s5] =	ssyncset.done $0x0  }
0x1d2: {  	[sflag:s5] =	ssyncadd.s32 $0xFFFF6000  }
0x1d3: {  	[tilespmem:s3], [sflag:$0x2] =	stream.linear.gather [hbm4b:s30+s3], $0xA00, $0x38;
	[tilespmem:$0x1F400] =	vst v63  }
0x1d4: {  	_ =	swait.ge [sflag:s5], $0xA00  }
0x1d5: {  	[sflag:s5] =	ssyncset.done $0x0  }
0x1d6: {  	[sflag:s5] =	ssyncadd.s32 $0xFFFFF600  }
0x1d7: {  	[tilespmem:s9], [sflag:$0x2] =	stream.linear.gather [hbm4b:s31+s3], $0xA00, $0x38;
	[tilespmem:$0x1F400] =	vst v63  }
0x1d8: {  	_ =	swait.ge [sflag:s5], $0xA00  }
0x1d9: {  	[sflag:s5] =	ssyncset.done $0x0  }
0x1da: {  	[sflag:s5] =	ssyncadd.s32 $0xFFFFF600  }
0x1db: {  	[tilespmem:s12], [sflag:$0x1] =	stream.indirect.gather [hbm4b:s10+s11], $0x80, s3, s11, $0xb8;
	[tilespmem:$0x1F400] =	vst v63  }
0x1dc: {  	_ =	swait.ge [sflag:s13], $0xA000  }
0x1dd: {  	[sflag:s13] =	ssyncset.done $0x0  }
0x1de: {  	[sflag:s13] =	ssyncadd.s32 $0xFFFF6000  }
0x1df: {  	[spmem:s2] =	stream.indirect.scatter.add.f32 [tilespmem:s12], [sflag:$0x2], $0x80, s9, s11, $0xb8;
	[tilespmem:$0x1F400] =	vst v63  }
0x1e0: {  	_ =	swait.ge [sflag:s5], $0xA000  }
0x1e1: {  	[sflag:s5] =	ssyncset.done $0x0  }
0x1e2: {  	[sflag:s5] =	ssyncadd.s32 $0xFFFF6000  }
0x1e3: {  	[tilespmem:s12], [sflag:$0x1] =	stream.indirect.gather [hbm4b:s10+s11], $0x80, s11, s11, $0xb8;
	[tilespmem:$0x1F400] =	vst v63  }
0x1e4: {  	_ =	swait.ge [sflag:s13], $0xA000  }
0x1e5: {  	[sflag:s13] =	ssyncset.done $0x0  }
0x1e6: {  	[sflag:s13] =	ssyncadd.s32 $0xFFFF6000  }
0x1e7: {  	[spmem:s2] =	stream.indirect.scatter.add.f32 [tilespmem:s12], [sflag:$0x2], $0x80, s14, s11, $0xb8;
	[tilespmem:$0x1F400] =	vst v63  }
0x1e8: {  	_ =	swait.ge [sflag:s5], $0xA000  }
0x1e9: {  	[sflag:s5] =	ssyncset.done $0x0  }
0x1ea: {  	[sflag:s5] =	ssyncadd.s32 $0xFFFF6000  }
0x1eb: {  	[tilespmem:s12], [sflag:$0x1] =	stream.indirect.gather [hbm4b:s10+s11], $0x80, s15, s11, $0xb8;
	[tilespmem:$0x1F400] =	vst v63  }
0x1ec: {  	_ =	swait.ge [sflag:s13], $0xA000  }
0x1ed: {  	[sflag:s13] =	ssyncset.done $0x0  }
0x1ee: {  	[sflag:s13] =	ssyncadd.s32 $0xFFFF6000  }
0x1ef: {  	[spmem:s2] =	stream.indirect.scatter.add.f32 [tilespmem:s12], [sflag:$0x2], $0x80, s16, s11, $0xb8;
	[tilespmem:$0x1F400] =	vst v63  }
0x1f0: {  	_ =	swait.ge [sflag:s5], $0xA000  }
0x1f1: {  	[sflag:s5] =	ssyncset.done $0x0  }
0x1f2: {  	[sflag:s5] =	ssyncadd.s32 $0xFFFF6000  }
0x1f3: {  	[tilespmem:s12], [sflag:$0x1] =	stream.indirect.gather [hbm4b:s10+s11], $0x80, s17, s11, $0xb8;
	[tilespmem:$0x1F400] =	vst v63  }
0x1f4: {  	_ =	swait.ge [sflag:s13], $0xA000  }
0x1f5: {  	[sflag:s13] =	ssyncset.done $0x0  }
0x1f6: {  	[sflag:s13] =	ssyncadd.s32 $0xFFFF6000  }
0x1f7: {  	[spmem:s2] =	stream.indirect.scatter.add.f32 [tilespmem:s12], [sflag:$0x2], $0x80, s18, s11, $0xb8;
	[tilespmem:$0x1F400] =	vst v63  }
0x1f8: {  	_ =	swait.ge [sflag:s5], $0xA000  }
0x1f9: {  	[sflag:s5] =	ssyncset.done $0x0  }
0x1fa: {  	[sflag:s5] =	ssyncadd.s32 $0xFFFF6000  }
0x1fb: {  	[tilespmem:s12], [sflag:$0x1] =	stream.indirect.gather [hbm4b:s10+s11], $0x80, s19, s11, $0xb8;
	[tilespmem:$0x1F400] =	vst v63  }
0x1fc: {  	_ =	swait.ge [sflag:s13], $0xA000  }
0x1fd: {  	[sflag:s13] =	ssyncset.done $0x0  }
0x1fe: {  	[sflag:s13] =	ssyncadd.s32 $0xFFFF6000  }
0x1ff: {  	[spmem:s2] =	stream.indirect.scatter.add.f32 [tilespmem:s12], [sflag:$0x2], $0x80, s20, s11, $0xb8;
	[tilespmem:$0x1F400] =	vst v63  }
0x200: {  	_ =	swait.ge [sflag:s5], $0xA000  }
0x201: {  	[sflag:s5] =	ssyncset.done $0x0  }
0x202: {  	[sflag:s5] =	ssyncadd.s32 $0xFFFF6000  }
0x203: {  	[tilespmem:s12], [sflag:$0x1] =	stream.indirect.gather [hbm4b:s10+s11], $0x80, s21, s11, $0xb8;
	[tilespmem:$0x1F400] =	vst v63  }
0x204: {  	_ =	swait.ge [sflag:s13], $0xA000  }
0x205: {  	[sflag:s13] =	ssyncset.done $0x0  }
0x206: {  	[sflag:s13] =	ssyncadd.s32 $0xFFFF6000  }
0x207: {  	[spmem:s2] =	stream.indirect.scatter.add.f32 [tilespmem:s12], [sflag:$0x2], $0x80, s22, s11, $0xb8;
	[tilespmem:$0x1F400] =	vst v63  }
0x208: {  	_ =	swait.ge [sflag:s5], $0xA000  }
0x209: {  	[sflag:s5] =	ssyncset.done $0x0  }
0x20a: {  	[sflag:s5] =	ssyncadd.s32 $0xFFFF6000  }
0x20b: {  	[tilespmem:s12], [sflag:$0x1] =	stream.indirect.gather [hbm4b:s10+s11], $0x80, s23, s11, $0xb8;
	[tilespmem:$0x1F400] =	vst v63  }
0x20c: {  	_ =	swait.ge [sflag:s13], $0xA000  }
0x20d: {  	[sflag:s13] =	ssyncset.done $0x0  }
0x20e: {  	[sflag:s13] =	ssyncadd.s32 $0xFFFF6000  }
0x20f: {  	[spmem:s2] =	stream.indirect.scatter.add.f32 [tilespmem:s12], [sflag:$0x2], $0x80, s24, s11, $0xb8;
	[tilespmem:$0x1F400] =	vst v63  }
0x210: {  	_ =	swait.ge [sflag:s5], $0xA000  }
0x211: {  	[sflag:s5] =	ssyncset.done $0x0  }
0x212: {  	[sflag:s5] =	ssyncadd.s32 $0xFFFF6000  }
0x213: {  	[tilespmem:s12], [sflag:$0x1] =	stream.indirect.gather [hbm4b:s10+s11], $0x80, s25, s11, $0xb8;
	[tilespmem:$0x1F400] =	vst v63  }
0x214: {  	_ =	swait.ge [sflag:s13], $0xA000  }
0x215: {  	[sflag:s13] =	ssyncset.done $0x0  }
0x216: {  	[sflag:s13] =	ssyncadd.s32 $0xFFFF6000  }
0x217: {  	[spmem:s2] =	stream.indirect.scatter.add.f32 [tilespmem:s12], [sflag:$0x2], $0x80, s26, s11, $0xb8;
	[tilespmem:$0x1F400] =	vst v63  }
0x218: {  	_ =	swait.ge [sflag:s5], $0xA000  }
0x219: {  	[sflag:s5] =	ssyncset.done $0x0  }
0x21a: {  	[sflag:s5] =	ssyncadd.s32 $0xFFFF6000  }
0x21b: {  	[tilespmem:s3], [sflag:$0x2] =	stream.linear.gather [hbm4b:s1+s3], $0xA00, $0x38;
	[tilespmem:$0x1F400] =	vst v63  }
0x21c: {  	_ =	swait.ge [sflag:s5], $0xA00  }
0x21d: {  	[sflag:s5] =	ssyncset.done $0x0  }
0x21e: {  	[sflag:s5] =	ssyncadd.s32 $0xFFFFF600  }
0x21f: {  	[tilespmem:s9], [sflag:$0x2] =	stream.linear.gather [hbm4b:s0+s3], $0xA00, $0x38;
	[tilespmem:$0x1F400] =	vst v63  }
0x220: {  	_ =	swait.ge [sflag:s5], $0xA00  }
0x221: {  	[sflag:s5] =	ssyncset.done $0x0  }
0x222: {  	[sflag:s5] =	ssyncadd.s32 $0xFFFFF600  }
0x223: {  	[tilespmem:s12], [sflag:$0x1] =	stream.indirect.gather [hbm4b:s10+s11], $0x80, s3, s11, $0xb8;
	[tilespmem:$0x1F400] =	vst v63  }
0x224: {  	_ =	swait.ge [sflag:s13], $0xA000  }
0x225: {  	[sflag:s13] =	ssyncset.done $0x0  }
0x226: {  	[sflag:s13] =	ssyncadd.s32 $0xFFFF6000  }
0x227: {  	[spmem:s2] =	stream.indirect.scatter.add.f32 [tilespmem:s12], [sflag:$0x2], $0x80, s9, s11, $0xb8;
	[tilespmem:$0x1F400] =	vst v63  }
0x228: {  	_ =	swait.ge [sflag:s5], $0xA000  }
0x229: {  	[sflag:s5] =	ssyncset.done $0x0  }
0x22a: {  	[sflag:s5] =	ssyncadd.s32 $0xFFFF6000  }
0x22b: {  	[tilespmem:s12], [sflag:$0x1] =	stream.indirect.gather [hbm4b:s10+s11], $0x80, s11, s11, $0xb8;
	[tilespmem:$0x1F400] =	vst v63  }
0x22c: {  	_ =	swait.ge [sflag:s13], $0xA000  }
0x22d: {  	[sflag:s13] =	ssyncset.done $0x0  }
0x22e: {  	[sflag:s13] =	ssyncadd.s32 $0xFFFF6000  }
0x22f: {  	[spmem:s2] =	stream.indirect.scatter.add.f32 [tilespmem:s12], [sflag:$0x2], $0x80, s14, s11, $0xb8;
	[tilespmem:$0x1F400] =	vst v63  }
0x230: {  	_ =	swait.ge [sflag:s5], $0xA000  }
0x231: {  	[sflag:s5] =	ssyncset.done $0x0  }
0x232: {  	[sflag:s5] =	ssyncadd.s32 $0xFFFF6000  }
0x233: {  	[tilespmem:s12], [sflag:$0x1] =	stream.indirect.gather [hbm4b:s10+s11], $0x80, s15, s11, $0xb8;
	[tilespmem:$0x1F400] =	vst v63  }
0x234: {  	_ =	swait.ge [sflag:s13], $0xA000  }
0x235: {  	[sflag:s13] =	ssyncset.done $0x0  }
0x236: {  	[sflag:s13] =	ssyncadd.s32 $0xFFFF6000  }
0x237: {  	[spmem:s2] =	stream.indirect.scatter.add.f32 [tilespmem:s12], [sflag:$0x2], $0x80, s16, s11, $0xb8;
	[tilespmem:$0x1F400] =	vst v63  }
0x238: {  	_ =	swait.ge [sflag:s5], $0xA000  }
0x239: {  	[sflag:s5] =	ssyncset.done $0x0  }
0x23a: {  	[sflag:s5] =	ssyncadd.s32 $0xFFFF6000  }
0x23b: {  	[tilespmem:s12], [sflag:$0x1] =	stream.indirect.gather [hbm4b:s10+s11], $0x80, s17, s11, $0xb8;
	[tilespmem:$0x1F400] =	vst v63  }
0x23c: {  	_ =	swait.ge [sflag:s13], $0xA000  }
0x23d: {  	[sflag:s13] =	ssyncset.done $0x0  }
0x23e: {  	[sflag:s13] =	ssyncadd.s32 $0xFFFF6000  }
0x23f: {  	[spmem:s2] =	stream.indirect.scatter.add.f32 [tilespmem:s12], [sflag:$0x2], $0x80, s18, s11, $0xb8;
	[tilespmem:$0x1F400] =	vst v63  }
0x240: {  	_ =	swait.ge [sflag:s5], $0xA000  }
0x241: {  	[sflag:s5] =	ssyncset.done $0x0  }
0x242: {  	[sflag:s5] =	ssyncadd.s32 $0xFFFF6000  }
0x243: {  	[tilespmem:s12], [sflag:$0x1] =	stream.indirect.gather [hbm4b:s10+s11], $0x80, s19, s11, $0xb8;
	[tilespmem:$0x1F400] =	vst v63  }
0x244: {  	_ =	swait.ge [sflag:s13], $0xA000  }
0x245: {  	[sflag:s13] =	ssyncset.done $0x0  }
0x246: {  	[sflag:s13] =	ssyncadd.s32 $0xFFFF6000  }
0x247: {  	[spmem:s2] =	stream.indirect.scatter.add.f32 [tilespmem:s12], [sflag:$0x2], $0x80, s20, s11, $0xb8;
	[tilespmem:$0x1F400] =	vst v63  }
0x248: {  	_ =	swait.ge [sflag:s5], $0xA000  }
0x249: {  	[sflag:s5] =	ssyncset.done $0x0  }
0x24a: {  	[sflag:s5] =	ssyncadd.s32 $0xFFFF6000  }
0x24b: {  	[tilespmem:s12], [sflag:$0x1] =	stream.indirect.gather [hbm4b:s10+s11], $0x80, s21, s11, $0xb8;
	[tilespmem:$0x1F400] =	vst v63  }
0x24c: {  	_ =	swait.ge [sflag:s13], $0xA000  }
0x24d: {  	[sflag:s13] =	ssyncset.done $0x0  }
0x24e: {  	[sflag:s13] =	ssyncadd.s32 $0xFFFF6000  }
0x24f: {  	[spmem:s2] =	stream.indirect.scatter.add.f32 [tilespmem:s12], [sflag:$0x2], $0x80, s22, s11, $0xb8;
	[tilespmem:$0x1F400] =	vst v63  }
0x250: {  	_ =	swait.ge [sflag:s5], $0xA000  }
0x251: {  	[sflag:s5] =	ssyncset.done $0x0  }
0x252: {  	[sflag:s5] =	ssyncadd.s32 $0xFFFF6000  }
0x253: {  	[tilespmem:s12], [sflag:$0x1] =	stream.indirect.gather [hbm4b:s10+s11], $0x80, s23, s11, $0xb8;
	[tilespmem:$0x1F400] =	vst v63  }
0x254: {  	_ =	swait.ge [sflag:s13], $0xA000  }
0x255: {  	[sflag:s13] =	ssyncset.done $0x0  }
0x256: {  	[sflag:s13] =	ssyncadd.s32 $0xFFFF6000  }
0x257: {  	[spmem:s2] =	stream.indirect.scatter.add.f32 [tilespmem:s12], [sflag:$0x2], $0x80, s24, s11, $0xb8;
	[tilespmem:$0x1F400] =	vst v63  }
0x258: {  	_ =	swait.ge [sflag:s5], $0xA000  }
0x259: {  	[sflag:s5] =	ssyncset.done $0x0  }
0x25a: {  	[sflag:s5] =	ssyncadd.s32 $0xFFFF6000  }
0x25b: {  	[tilespmem:s12], [sflag:$0x1] =	stream.indirect.gather [hbm4b:s10+s11], $0x80, s25, s11, $0xb8;
	[tilespmem:$0x1F400] =	vst v63  }
0x25c: {  	_ =	swait.ge [sflag:s13], $0xA000  }
0x25d: {  	[sflag:s13] =	ssyncset.done $0x0  }
0x25e: {  	[sflag:s13] =	ssyncadd.s32 $0xFFFF6000  }
0x25f: {  	[spmem:s2] =	stream.indirect.scatter.add.f32 [tilespmem:s12], [sflag:$0x2], $0x80, s26, s11, $0xb8;
	[tilespmem:$0x1F400] =	vst v63  }
0x260: {  	_ =	swait.ge [sflag:s5], $0xA000  }
0x261: {  	p0 =	sne.s32 s7, $0x1;
	[sflag:s5] =	ssyncset.done $0x0  }
.Ltmp1:
0x262: {  	[sflag:s5] =	ssyncadd.s32 $0xFFFF6000;
	(pc) =	sbr.rel @p0 .LBB2_1-.Ltmp1, $4  }
0x263: {  	[bflag:$0x0] =	sbarrier.arrive $0xFFFF  }
0x264: {  	s8 =	rddreg [dreg:$0x4]  }
0x265: {  	[hbm:s8], [sflag:s4] =	dma.local [spmem:s6], $0x2800  }
0x266: {  	s7 =	sadd.s32 $0xFFFFFFFF, s7;
	_ =	swait.ge [sflag:s5], $0x2800  }
.LBB2_2:
0x267: {  	[sflag:s5] =	ssyncset.done $0x0  }
0x268: {  	[sflag:s5] =	ssyncadd.s32 $0xFFFFD800  }
0x269: {  	_ =	sfence.sel $0x180000  }
0x26a: {  	[bflag:$0x0] =	sbarrier.arrive $0xFFFF  }
0x26b: {  	_ =	strace $0x9000004D  }
0x26c: {  	s0 =	stileid.u32;
	[bflag:$0x2] =	sbarrier.arrive $0xFFFF  }
0x26d: {  	p0 =	sne.s32 s0, $0x0;
	s0 =	rddreg [dreg:$0x2]  }
0x26e: {  	s0 =	sadd.s32 @!p0 $0x100000, s0  }
0x26f: {  	[sflag:s0] =	ssyncadd.tile.s32 @!p0 $0x1;
	_ =	shalt  }
.Lfunc_end2:
_tile_overlayer_lowered:
.L_overlay_start_2:
0x270: {  	(tag) =	ssettag $0x2  }
0x271: {  	s0 =	rddreg [dreg:$0x0];
	s2 =	stileid.u32  }
0x272: {  	s1 =	rddreg [dreg:$0x1];
	p0 =	sne.s32 s2, $0x0  }
0x273: {  	s3 =	rddreg [dreg:$0x2];
	[bflag:$0x3] =	sbarrier.arrive $0xFFFF;
	s2 =	simm.s32 @!p0 $0x1C02  }
0x274: {  	[timem:s3], [sflag:s2] =	dma.local @!p0 [hbm:s0], s1  }
0x275: {  	s0 =	simm.s32 @!p0 $0x2  }
0x276: {  	_ =	swait.ge @!p0 [sflag:s0], s1  }
0x277: {  	s1 =	ssub.s32 @!p0 $0x0, s1;
	[sflag:s0] =	ssyncset.done @!p0 $0x0  }
0x278: {  	[sflag:s0] =	ssyncadd.s32 @!p0 s1  }
0x279: {  	[bflag:$0x3] =	sbarrier.arrive $0xFFFF  }
0x27a: {  	_ =	shalt  }

// kernel: kernel.7.cloned.1.call-start
scs
__scs_entry_jumppad:
0x0: {  	(pc) =	sbr.rel $0x88, $3  }
0x1: {  	(tag) =	ssettag $0x0;
	lr =	simm.s32 $0x1  }
0x2: {  	[smem:$0x3F99] =	sst lr;
	_ =	strace $0xD0000000  }
0x3: {  	_ = 	snop  }
0x4: {  	_ = 	snop  }
0x5: {  	_ = 	snop  }
0x6: {  	_ = 	snop  }
0x7: {  	_ = 	snop  }
__scs_overlays_trampoline_lowered:
0x8: {  	[smem:$0x3FA8] =	sst s0  }
0x9: {  	[smem:$0x3FA9] =	sst s1  }
0xa: {  	[smem:$0x3FAA] =	sst s2  }
0xb: {  	[smem:$0x3FAB] =	sst s3  }
0xc: {  	[smem:$0x3FAC] =	sst s4  }
0xd: {  	[smem:$0x3FAD] =	sst s5  }
0xe: {  	[smem:$0x3FAE] =	sst s6  }
0xf: {  	[smem:$0x3FAF] =	sst s7  }
0x10: {  	[smem:$0x3FB0] =	sst s8  }
0x11: {  	[smem:$0x3FB1] =	sst s9;
	s0 =	simm.s32 @!p0 $0x0  }
0x12: {  	s1 =	sld [smem:$0x3F97];
	s0 =	simm.s32 @p0 $0x1  }
0x13: {  	[smem:$0x3FB2] =	sst s0;
	s0 =	simm.s32 @!p1 $0x0  }
0x14: {  	s2 =	sld [smem:$0x3F96];
	s0 =	simm.s32 @p1 $0x1  }
0x15: {  	[smem:$0x3FB3] =	sst s0;
	s0 =	simm.s32 @!p2 $0x0  }
0x16: {  	s3 =	sld [smem:$0x3FDB];
	s0 =	simm.s32 @p2 $0x1  }
0x17: {  	s4 =	simm.s32 $0x1BF5;
	[smem:$0x3FB5] =	sst s0  }
0x18: {  	s0 =	sld [smem:$0x3F98];
	_ =	swait.ge [sflag:s4], $0x0  }
0x19: {  	s7 =	sld [smem:$0x3F99]  }
0x1a: {  	s8 =	sadd.s32 $0xFFFFE003, lr  }
0x1b: {  	s9 =	sadd.s32 $0xFFFFFEF7, lr;
	s5 =	simm.s32 $0xFFFFFFFF;
	p2 =	slt.u32 s8, $0xFFFFF086  }
0x1c: {  	p1 =	slt.u32 s9, $0xF7A;
	s5 =	simm.s32 @!p2 $0x0  }
0x1d: {  	s5 =	simm.s32 @p1 $0x1;
	p0 =	seq.s32 s7, s2  }
0x1e: {  	s7 =	smul.u32 @!p0 $0xF7A, s2;
	p2 =	seq.s32 @!p0 s5, $0x0  }
0x1f: {  	s9 =	smul.u32 $0xF7A, s1;
	s8 =	simm.s32 @!p0 $0x1BF5;
	p2 =	por !p2, p0  }
0x20: {  	[sflag:s8] =	ssyncset.s32 @!p0 $0xFFFFF086;
	s6 =	sadd.s32 @!p0 s3, s7;
	s7 =	simm.s32 @!p0 $0x108  }
0x21: {  	s3 =	sadd.s32 s3, s9;
	s6 =	sadd.s32 @!p0 $0x88, s6;
	s7 =	simm.s32 @p2 $0x1082  }
0x22: {  	[simem:s7], [sflag:s8] =	dma.local @!p0 [hbm:s6], $0xF7A  }
0x23: {  	s9 =	sor.u32 $0xD0000000, s2;
	s6 =	simm.s32 $0x108;
	_ =	swait.ge @!p0 [sflag:s8], $0x0  }
0x24: {  	s3 =	sadd.s32 $0x88, s3;
	s6 =	simm.s32 @!p1 $0x1082;
	[sflag:s4] =	ssyncset.s32 $0xFFFFF086  }
0x25: {  	[simem:s6], [sflag:s4] =	dma.local [hbm:s3], $0xF7A  }
0x26: {  	[smem:$0x3F99] =	sst s1;
	(tag) =	ssettag s2;
	_ =	strace s9  }
0x27: {  	s1 =	sld [smem:$0x3FA9]  }
0x28: {  	s2 =	sld [smem:$0x3FAA]  }
0x29: {  	s4 =	sld [smem:$0x3FAC]  }
0x2a: {  	p0 =	seq.s32 s5, $0x0;
	s5 =	sld [smem:$0x3FAD]  }
0x2b: {  	s6 =	sld [smem:$0x3FAE]  }
0x2c: {  	s7 =	sld [smem:$0x3FAF]  }
0x2d: {  	s3 =	simm.s32 $0x108;
	s8 =	sld [smem:$0x3FB0]  }
0x2e: {  	s3 =	simm.s32 @!p0 $0x1082;
	s9 =	sld [smem:$0x3FB1]  }
0x2f: {  	lr =	sadd.s32 s0, s3;
	s0 =	sld [smem:$0x3FA8]  }
0x30: {  	s3 =	sld [smem:$0x3FAB]  }
0x31: {  	[smem:$0x3FB4] =	sst s10  }
0x32: {  	s10 =	sld [smem:$0x3FB2];
	_ =	sdelay $0x3  }
0x33: {  	p0 =	seq.s32 s10, $0x1;
	s10 =	sld [smem:$0x3FB4];
	_ =	sdelay $0x3  }
0x34: {  	[smem:$0x3FB4] =	sst s10  }
0x35: {  	s10 =	sld [smem:$0x3FB3];
	_ =	sdelay $0x3  }
0x36: {  	p1 =	seq.s32 s10, $0x1;
	s10 =	sld [smem:$0x3FB4];
	_ =	sdelay $0x3  }
0x37: {  	[smem:$0x3FB4] =	sst s10  }
0x38: {  	s10 =	sld [smem:$0x3FB5]  }
0x39: {  	_ = 	snop;
	(pc) =	sbr.ind lr, $3  }
0x3a: {  	_ = 	snop  }
0x3b: {  	_ = 	snop  }
0x3c: {  	p2 =	seq.s32 s10, $0x1;
	s10 =	sld [smem:$0x3FB4]  }
0x3d: {  	_ =	shalt  }
0x3e: {  	_ =	shalt  }
0x3f: {  	_ =	shalt  }
0x40: {  	_ =	shalt  }
0x41: {  	_ =	shalt  }
0x42: {  	_ =	shalt  }
0x43: {  	_ =	shalt  }
0x44: {  	_ =	shalt  }
0x45: {  	_ =	shalt  }
0x46: {  	_ =	shalt  }
0x47: {  	_ =	shalt  }
0x48: {  	_ =	shalt  }
0x49: {  	_ =	shalt  }
0x4a: {  	_ =	shalt  }
0x4b: {  	_ =	shalt  }
0x4c: {  	_ =	shalt  }
0x4d: {  	_ =	shalt  }
0x4e: {  	_ =	shalt  }
0x4f: {  	_ =	shalt  }
0x50: {  	_ =	shalt  }
0x51: {  	_ =	shalt  }
0x52: {  	_ =	shalt  }
0x53: {  	_ =	shalt  }
0x54: {  	_ =	shalt  }
0x55: {  	_ =	shalt  }
0x56: {  	_ =	shalt  }
0x57: {  	_ =	shalt  }
0x58: {  	_ =	shalt  }
0x59: {  	_ =	shalt  }
0x5a: {  	_ =	shalt  }
0x5b: {  	_ =	shalt  }
0x5c: {  	_ =	shalt  }
0x5d: {  	_ =	shalt  }
0x5e: {  	_ =	shalt  }
0x5f: {  	_ =	shalt  }
0x60: {  	_ =	shalt  }
0x61: {  	_ =	shalt  }
0x62: {  	_ =	shalt  }
0x63: {  	_ =	shalt  }
0x64: {  	_ =	shalt  }
0x65: {  	_ =	shalt  }
0x66: {  	_ =	shalt  }
0x67: {  	_ =	shalt  }
0x68: {  	_ =	shalt  }
0x69: {  	_ =	shalt  }
0x6a: {  	_ =	shalt  }
0x6b: {  	_ =	shalt  }
0x6c: {  	_ =	shalt  }
0x6d: {  	_ =	shalt  }
0x6e: {  	_ =	shalt  }
0x6f: {  	_ =	shalt  }
0x70: {  	_ =	shalt  }
0x71: {  	_ =	shalt  }
0x72: {  	_ =	shalt  }
0x73: {  	_ =	shalt  }
0x74: {  	_ =	shalt  }
0x75: {  	_ =	shalt  }
0x76: {  	_ =	shalt  }
0x77: {  	_ =	shalt  }
0x78: {  	_ =	shalt  }
0x79: {  	_ =	shalt  }
0x7a: {  	_ =	shalt  }
0x7b: {  	_ =	shalt  }
0x7c: {  	_ =	shalt  }
0x7d: {  	_ =	shalt  }
0x7e: {  	_ =	shalt  }
0x7f: {  	_ =	shalt  }
0x80: {  	_ =	shalt  }
0x81: {  	_ =	shalt  }
0x82: {  	_ =	shalt  }
0x83: {  	_ =	shalt  }
0x84: {  	_ =	shalt  }
0x85: {  	_ =	shalt  }
0x86: {  	_ =	shalt  }
0x87: {  	_ =	shalt  }
.Lfunc_end0:
.L_simem_size_0:
called_computation_lowered:
.L_overlay_start_0:
0x88: {  	s2 =	sld [smem:$0x3FD9]  }
0x89: {  	s3 =	sld [smem:$0x3FFE];
	_ =	sdelay $0x1  }
0x8a: {  	s1 =	srdreg.scid  }
0x8b: {  	s0 =	sand.u32 $0x1, s1  }
0x8c: {  	s17 =	sshll.u32 s0, $0xA;
	s2 =	sadd.s32 s3, s2  }
0x8d: {  	s2 =	sadd.s32 s2, s17  }
0x8e: {  	[smem:$0x3FC0] =	sst s2  }
0x8f: {  	_ = 	snop  }
0x90: {  	s2 =	sld [smem:$0x3FD0];
	(tm) =	ssettm $0x1  }
0x91: {  	s18 =	sld [smem:$0x3FFB];
	_ =	sdelay $0x3  }
0x92: {  	_ =	strace s18  }
0x93: {  	s3 =	sld [smem:$0x3FFC];
	_ =	sdelay $0x3  }
0x94: {  	_ =	strace s3  }
0x95: {  	s3 =	sld [smem:$0x3FFD];
	_ =	sdelay $0x3  }
0x96: {  	_ =	strace s3  }
0x97: {  	_ =	strace $0x8FFFFFFF  }
0x98: {  	s19 =	sld [smem:$0x3FDB];
	_ =	sdelay $0x1  }
0x99: {  	s4 =	simm.s32 $_scs_section_size  }
0x9a: {  	s5 =	simm.s32 $_size__tile_overlayer_lowered;
	s6 =	simm.s32 $_tile_overlayer_lowered  }
0x9b: {  	s22 =	simm.s32 $0x1BFF;
	s21 =	sshll.u32 s6, $0x1;
	s3 =	sadd.s32 s4, s19  }
0x9c: {  	s7 =	simm.s32 $0x0;
	s20 =	sshll.u32 s5, $0x1;
	s5 =	sadd.s32 s21, s3  }
0x9d: {  	[timem:s7], [sflag:s22] =	dma.local [hbm:s5], s20  }
0x9e: {  	_ =	swait.ge [sflag:s22], s20  }
0x9f: {  	s4 =	ssub.s32 $0x0, s20;
	[sflag:s22] =	ssyncset.done $0x0  }
0xa0: {  	[sflag:s22] =	ssyncadd.s32 s4;
	_ =	sdelay $0x1  }
0xa1: {  	s23 =	simm.s32 $0x1B8B  }
0xa2: {  	_ =	swait.ge [sflag:s23], $0x1  }
0xa3: {  	[sflag:s23] =	ssyncset.done $0x0  }
0xa4: {  	s25 =	simm.s32 $0x1B8E;
	s24 =	sld [smem:$0x3FFE];
	[sflag:s23] =	ssyncadd.s32 $0xFFFFFFFF  }
0xa5: {  	s26 =	simm.s32 $execute0_lowered;
	[smem:$0x3FD2] =	sst s25  }
0xa6: {  	s5 =	sshll.u32 s26, $0x1;
	_ =	strace $0x80000046;
	[dreg:$0x1] =	wrdreg $0xFFFFFFFF  }
0xa7: {  	s28 =	simm.s32 $_size_execute0_lowered;
	s3 =	sadd.s32 s3, s5;
	[dreg:$0x0] =	wrdreg $0x0  }
0xa8: {  	s5 =	sshll.u32 s28, $0x1;
	[dreg:$0x2] =	wrdreg s3  }
0xa9: {  	[dreg:$0x3] =	wrdreg s5  }
0xaa: {  	[dreg:$0x4] =	wrdreg $0xC0  }
0xab: {  	_ =	task [dreg:s7], $0x5FFFF  }
0xac: {  	[dreg:$0x1] =	wrdreg $0xFFFFFFFF  }
0xad: {  	[dreg:$0x0] =	wrdreg $0x60  }
0xae: {  	[dreg:$0x2] =	wrdreg s24  }
0xaf: {  	[dreg:$0x3] =	wrdreg s2  }
0xb0: {  	[dreg:$0x4] =	wrdreg $0x1E000  }
0xb1: {  	[dreg:$0x5] =	wrdreg $0x9  }
0xb2: {  	_ =	task.clear_ibuf [dreg:s7], $0x6FFFF;
	_ =	strace $0x90000046  }
0xb3: {  	s29 =	simm.s32 $0x9;
	_ =	strace $0x80000048  }
0xb4: {  	_ =	swait.ge [sflag:s29], $0x1  }
0xb5: {  	[sflag:s29] =	ssyncadd.s32 $0xFFFFFFFF  }
0xb6: {  	_ =	strace $0x90000048  }
0xb7: {  	_ =	sfence  }
0xb8: {  	s30 =	sld [smem:$0x0];
	_ =	sdelay $0x2  }
0xb9: {  	s31 =	sshll.u32 s1, $0xD;
	s1 =	sshrl.u32 s1, $0x2  }
0xba: {  	s3 =	sand.u32 $0x4000, s31;
	s1 =	sadd.s32 s1, s30  }
0xbb: {  	s0 =	sor.u32 s3, s0;
	s1 =	sshll.u32 s1, $0x11  }
0xbc: {  	s0 =	sor.u32 s1, s0  }
0xbd: {  	s0 =	sadd.s32 $0x8F2B, s0  }
0xbe: {  	[sflag:s0] =	ssyncadd.remote.s32 $0x1  }
0xbf: {  	_ =	sfence.sel $0xFFFF  }
0xc0: {  	[dreg:$0x0] =	wrdreg $0xFFFFFFFF;
	(pc) =	sbr.abs _section_cstart, $3  }
0xc1: {  	[dreg:$0x1] =	wrdreg $0xFFFFFFFF  }
0xc2: {  	_ =	task.clear_ibuf [dreg:s7], $0x2FFFF;
	_ =	strace $0x9FFFFFFF  }
0xc3: {  	(tm) =	ssettm $0x7FFFFFFF  }
tec
execute0_lowered:
.L_overlay_start_1:
0x0: {  	(tag) =	ssettag $0x1  }
0x1: {  	s10 =	rddreg [dreg:$0x0]  }
0x2: {  	s21 =	rddreg [dreg:$0x1]  }
0x3: {  	s0 =	stileid.u32;
	s2 =	rddreg [dreg:$0x2]  }
0x4: {  	s1 =	rddreg [dreg:$0x3];
	s3 =	simm.s32 $0x0;
	s4 =	smul.u32 $0x2800, s0  }
0x5: {  	[smem:$0x7FF] =	sst s3  }
0x6: {  	s30 =	sshll.u32 s0, $0x6;
	s22 =	sshrl.u32 s4, $0x3;
	s6 =	sadd.s32 s4, s2  }
0x7: {  	_ =	strace $0x80000047;
	s5 =	sadd.s32 s22, s10;
	s7 =	sshrl.u32 s6, $0x3  }
0x8: {  	s6 =	simm.s32 $0x1;
	s4 =	sadd.s32 $0xCE00, s5;
	s5 =	sor.u32 $0x1C01, s30  }
0x9: {  	[spmem:s7], [sflag:s5] =	dma.local [hbm:s4], $0x500  }
0xa: {  	s8 =	srdreg.scid;
	_ =	swait.ge [sflag:s6], $0x500  }
0xb: {  	s9 =	simm.s32 $0xA00;
	s24 =	sand.u32 $0x1, s8;
	[sflag:s6] =	ssyncset.done $0x0  }
0xc: {  	s8 =	sadd.s32 $0xCA00, s10;
	s23 =	smul.u32 $0x5000, s24;
	[sflag:s6] =	ssyncadd.s32 $0xFFFFFB00  }
0xd: {  	[tilespmem:s9], [sflag:$0x1] =	stream.linear.gather [hbm4b:s8+s3], $0x1400, $0x38;
	[tilespmem:$0x4600] =	vst v63  }
0xe: {  	_ =	swait.ge [sflag:s6], $0x1400  }
0xf: {  	s11 =	smul.u32 $0x500, s0;
	s10 =	sadd.s32 s23, s10;
	[sflag:s6] =	ssyncset.done $0x0  }
0x10: {  	s10 =	sadd.s32 $0x2A00, s10;
	[sflag:s6] =	ssyncadd.s32 $0xFFFFEC00  }
0x11: {  	s10 =	sadd.s32 s11, s10;
	[bflag:$0x0] =	sbarrier.arrive $0xFFFF  }
0x12: {  	[tilespmem:s3], [sflag:$0x1] =	stream.linear.gather [hbm4b:s10+s3], $0xA00, $0x38;
	[tilespmem:$0x4600] =	vst v63  }
0x13: {  	_ =	swait.ge [sflag:s6], $0xA00  }
0x14: {  	[sflag:s6] =	ssyncset.done $0x0  }
0x15: {  	s11 =	simm.s32 $0x140;
	[sflag:s6] =	ssyncadd.s32 $0xFFFFF600  }
0x16: {  	[spmem:s2] =	stream.indirect.scatter.add.f32 [tilespmem:s9], [sflag:$0x1], $0x10, s3, s11, $0xb8;
	[tilespmem:$0x4600] =	vst v63  }
0x17: {  	_ =	swait.ge [sflag:s6], $0x1400  }
0x18: {  	[sflag:s6] =	ssyncset.done $0x0  }
0x19: {  	[sflag:s6] =	ssyncadd.s32 $0xFFFFEC00  }
0x1a: {  	[spmem:s2] =	stream.indirect.scatter.add.f32 [tilespmem:s9], [sflag:$0x1], $0x10, s11, s11, $0xb8;
	[tilespmem:$0x4600] =	vst v63  }
0x1b: {  	_ =	swait.ge [sflag:s6], $0x1400  }
0x1c: {  	[sflag:s6] =	ssyncset.done $0x0  }
0x1d: {  	s12 =	simm.s32 $0x280;
	[sflag:s6] =	ssyncadd.s32 $0xFFFFEC00  }
0x1e: {  	[spmem:s2] =	stream.indirect.scatter.add.f32 [tilespmem:s9], [sflag:$0x1], $0x10, s12, s11, $0xb8;
	[tilespmem:$0x4600] =	vst v63  }
0x1f: {  	_ =	swait.ge [sflag:s6], $0x1400  }
0x20: {  	[sflag:s6] =	ssyncset.done $0x0  }
0x21: {  	s13 =	simm.s32 $0x3C0;
	[sflag:s6] =	ssyncadd.s32 $0xFFFFEC00  }
0x22: {  	[spmem:s2] =	stream.indirect.scatter.add.f32 [tilespmem:s9], [sflag:$0x1], $0x10, s13, s11, $0xb8;
	[tilespmem:$0x4600] =	vst v63  }
0x23: {  	_ =	swait.ge [sflag:s6], $0x1400  }
0x24: {  	[sflag:s6] =	ssyncset.done $0x0  }
0x25: {  	s14 =	simm.s32 $0x500;
	[sflag:s6] =	ssyncadd.s32 $0xFFFFEC00  }
0x26: {  	[spmem:s2] =	stream.indirect.scatter.add.f32 [tilespmem:s9], [sflag:$0x1], $0x10, s14, s11, $0xb8;
	[tilespmem:$0x4600] =	vst v63  }
0x27: {  	_ =	swait.ge [sflag:s6], $0x1400  }
0x28: {  	[sflag:s6] =	ssyncset.done $0x0  }
0x29: {  	s15 =	simm.s32 $0x640;
	[sflag:s6] =	ssyncadd.s32 $0xFFFFEC00  }
0x2a: {  	[spmem:s2] =	stream.indirect.scatter.add.f32 [tilespmem:s9], [sflag:$0x1], $0x10, s15, s11, $0xb8;
	[tilespmem:$0x4600] =	vst v63  }
0x2b: {  	_ =	swait.ge [sflag:s6], $0x1400  }
0x2c: {  	[sflag:s6] =	ssyncset.done $0x0  }
0x2d: {  	s16 =	simm.s32 $0x780;
	[sflag:s6] =	ssyncadd.s32 $0xFFFFEC00  }
0x2e: {  	[spmem:s2] =	stream.indirect.scatter.add.f32 [tilespmem:s9], [sflag:$0x1], $0x10, s16, s11, $0xb8;
	[tilespmem:$0x4600] =	vst v63  }
0x2f: {  	_ =	swait.ge [sflag:s6], $0x1400  }
0x30: {  	[sflag:s6] =	ssyncset.done $0x0  }
0x31: {  	s17 =	simm.s32 $0x8C0;
	[sflag:s6] =	ssyncadd.s32 $0xFFFFEC00  }
0x32: {  	[spmem:s2] =	stream.indirect.scatter.add.f32 [tilespmem:s9], [sflag:$0x1], $0x10, s17, s11, $0xb8;
	[tilespmem:$0x4600] =	vst v63  }
0x33: {  	_ =	swait.ge [sflag:s6], $0x1400  }
0x34: {  	[sflag:s6] =	ssyncset.done $0x0  }
0x35: {  	s18 =	sadd.s32 $0x140, s10;
	[sflag:s6] =	ssyncadd.s32 $0xFFFFEC00  }
0x36: {  	[tilespmem:s3], [sflag:$0x1] =	stream.linear.gather [hbm4b:s18+s3], $0xA00, $0x38;
	[tilespmem:$0x4600] =	vst v63  }
0x37: {  	_ =	swait.ge [sflag:s6], $0xA00  }
0x38: {  	[sflag:s6] =	ssyncset.done $0x0  }
0x39: {  	[sflag:s6] =	ssyncadd.s32 $0xFFFFF600  }
0x3a: {  	[spmem:s2] =	stream.indirect.scatter.add.f32 [tilespmem:s9], [sflag:$0x1], $0x10, s3, s11, $0xb8;
	[tilespmem:$0x4600] =	vst v63  }
0x3b: {  	_ =	swait.ge [sflag:s6], $0x1400  }
0x3c: {  	[sflag:s6] =	ssyncset.done $0x0  }
0x3d: {  	[sflag:s6] =	ssyncadd.s32 $0xFFFFEC00  }
0x3e: {  	[spmem:s2] =	stream.indirect.scatter.add.f32 [tilespmem:s9], [sflag:$0x1], $0x10, s11, s11, $0xb8;
	[tilespmem:$0x4600] =	vst v63  }
0x3f: {  	_ =	swait.ge [sflag:s6], $0x1400  }
0x40: {  	[sflag:s6] =	ssyncset.done $0x0  }
0x41: {  	[sflag:s6] =	ssyncadd.s32 $0xFFFFEC00  }
0x42: {  	[spmem:s2] =	stream.indirect.scatter.add.f32 [tilespmem:s9], [sflag:$0x1], $0x10, s12, s11, $0xb8;
	[tilespmem:$0x4600] =	vst v63  }
0x43: {  	_ =	swait.ge [sflag:s6], $0x1400  }
0x44: {  	[sflag:s6] =	ssyncset.done $0x0  }
0x45: {  	[sflag:s6] =	ssyncadd.s32 $0xFFFFEC00  }
0x46: {  	[spmem:s2] =	stream.indirect.scatter.add.f32 [tilespmem:s9], [sflag:$0x1], $0x10, s13, s11, $0xb8;
	[tilespmem:$0x4600] =	vst v63  }
0x47: {  	_ =	swait.ge [sflag:s6], $0x1400  }
0x48: {  	[sflag:s6] =	ssyncset.done $0x0  }
0x49: {  	[sflag:s6] =	ssyncadd.s32 $0xFFFFEC00  }
0x4a: {  	[spmem:s2] =	stream.indirect.scatter.add.f32 [tilespmem:s9], [sflag:$0x1], $0x10, s14, s11, $0xb8;
	[tilespmem:$0x4600] =	vst v63  }
0x4b: {  	_ =	swait.ge [sflag:s6], $0x1400  }
0x4c: {  	[sflag:s6] =	ssyncset.done $0x0  }
0x4d: {  	[sflag:s6] =	ssyncadd.s32 $0xFFFFEC00  }
0x4e: {  	[spmem:s2] =	stream.indirect.scatter.add.f32 [tilespmem:s9], [sflag:$0x1], $0x10, s15, s11, $0xb8;
	[tilespmem:$0x4600] =	vst v63  }
0x4f: {  	_ =	swait.ge [sflag:s6], $0x1400  }
0x50: {  	[sflag:s6] =	ssyncset.done $0x0  }
0x51: {  	[sflag:s6] =	ssyncadd.s32 $0xFFFFEC00  }
0x52: {  	[spmem:s2] =	stream.indirect.scatter.add.f32 [tilespmem:s9], [sflag:$0x1], $0x10, s16, s11, $0xb8;
	[tilespmem:$0x4600] =	vst v63  }
0x53: {  	_ =	swait.ge [sflag:s6], $0x1400  }
0x54: {  	[sflag:s6] =	ssyncset.done $0x0  }
0x55: {  	[sflag:s6] =	ssyncadd.s32 $0xFFFFEC00  }
0x56: {  	[spmem:s2] =	stream.indirect.scatter.add.f32 [tilespmem:s9], [sflag:$0x1], $0x10, s17, s11, $0xb8;
	[tilespmem:$0x4600] =	vst v63  }
0x57: {  	_ =	swait.ge [sflag:s6], $0x1400  }
0x58: {  	[sflag:s6] =	ssyncset.done $0x0  }
0x59: {  	s19 =	sadd.s32 $0x280, s10;
	[sflag:s6] =	ssyncadd.s32 $0xFFFFEC00  }
0x5a: {  	[tilespmem:s3], [sflag:$0x1] =	stream.linear.gather [hbm4b:s19+s3], $0xA00, $0x38;
	[tilespmem:$0x4600] =	vst v63  }
0x5b: {  	_ =	swait.ge [sflag:s6], $0xA00  }
0x5c: {  	[sflag:s6] =	ssyncset.done $0x0  }
0x5d: {  	[sflag:s6] =	ssyncadd.s32 $0xFFFFF600  }
0x5e: {  	[spmem:s2] =	stream.indirect.scatter.add.f32 [tilespmem:s9], [sflag:$0x1], $0x10, s3, s11, $0xb8;
	[tilespmem:$0x4600] =	vst v63  }
0x5f: {  	_ =	swait.ge [sflag:s6], $0x1400  }
0x60: {  	[sflag:s6] =	ssyncset.done $0x0  }
0x61: {  	[sflag:s6] =	ssyncadd.s32 $0xFFFFEC00  }
0x62: {  	[spmem:s2] =	stream.indirect.scatter.add.f32 [tilespmem:s9], [sflag:$0x1], $0x10, s11, s11, $0xb8;
	[tilespmem:$0x4600] =	vst v63  }
0x63: {  	_ =	swait.ge [sflag:s6], $0x1400  }
0x64: {  	[sflag:s6] =	ssyncset.done $0x0  }
0x65: {  	[sflag:s6] =	ssyncadd.s32 $0xFFFFEC00  }
0x66: {  	[spmem:s2] =	stream.indirect.scatter.add.f32 [tilespmem:s9], [sflag:$0x1], $0x10, s12, s11, $0xb8;
	[tilespmem:$0x4600] =	vst v63  }
0x67: {  	_ =	swait.ge [sflag:s6], $0x1400  }
0x68: {  	[sflag:s6] =	ssyncset.done $0x0  }
0x69: {  	[sflag:s6] =	ssyncadd.s32 $0xFFFFEC00  }
0x6a: {  	[spmem:s2] =	stream.indirect.scatter.add.f32 [tilespmem:s9], [sflag:$0x1], $0x10, s13, s11, $0xb8;
	[tilespmem:$0x4600] =	vst v63  }
0x6b: {  	_ =	swait.ge [sflag:s6], $0x1400  }
0x6c: {  	[sflag:s6] =	ssyncset.done $0x0  }
0x6d: {  	[sflag:s6] =	ssyncadd.s32 $0xFFFFEC00  }
0x6e: {  	[spmem:s2] =	stream.indirect.scatter.add.f32 [tilespmem:s9], [sflag:$0x1], $0x10, s14, s11, $0xb8;
	[tilespmem:$0x4600] =	vst v63  }
0x6f: {  	_ =	swait.ge [sflag:s6], $0x1400  }
0x70: {  	[sflag:s6] =	ssyncset.done $0x0  }
0x71: {  	[sflag:s6] =	ssyncadd.s32 $0xFFFFEC00  }
0x72: {  	[spmem:s2] =	stream.indirect.scatter.add.f32 [tilespmem:s9], [sflag:$0x1], $0x10, s15, s11, $0xb8;
	[tilespmem:$0x4600] =	vst v63  }
0x73: {  	_ =	swait.ge [sflag:s6], $0x1400  }
0x74: {  	[sflag:s6] =	ssyncset.done $0x0  }
0x75: {  	[sflag:s6] =	ssyncadd.s32 $0xFFFFEC00  }
0x76: {  	[spmem:s2] =	stream.indirect.scatter.add.f32 [tilespmem:s9], [sflag:$0x1], $0x10, s16, s11, $0xb8;
	[tilespmem:$0x4600] =	vst v63  }
0x77: {  	_ =	swait.ge [sflag:s6], $0x1400  }
0x78: {  	[sflag:s6] =	ssyncset.done $0x0  }
0x79: {  	[sflag:s6] =	ssyncadd.s32 $0xFFFFEC00  }
0x7a: {  	[spmem:s2] =	stream.indirect.scatter.add.f32 [tilespmem:s9], [sflag:$0x1], $0x10, s17, s11, $0xb8;
	[tilespmem:$0x4600] =	vst v63  }
0x7b: {  	_ =	swait.ge [sflag:s6], $0x1400  }
0x7c: {  	[sflag:s6] =	ssyncset.done $0x0  }
0x7d: {  	s20 =	sadd.s32 $0x3C0, s10;
	[sflag:s6] =	ssyncadd.s32 $0xFFFFEC00  }
0x7e: {  	[tilespmem:s3], [sflag:$0x1] =	stream.linear.gather [hbm4b:s20+s3], $0xA00, $0x38;
	[tilespmem:$0x4600] =	vst v63  }
0x7f: {  	_ =	swait.ge [sflag:s6], $0xA00  }
0x80: {  	[sflag:s6] =	ssyncset.done $0x0  }
0x81: {  	[sflag:s6] =	ssyncadd.s32 $0xFFFFF600  }
0x82: {  	[spmem:s2] =	stream.indirect.scatter.add.f32 [tilespmem:s9], [sflag:$0x1], $0x10, s3, s11, $0xb8;
	[tilespmem:$0x4600] =	vst v63  }
0x83: {  	_ =	swait.ge [sflag:s6], $0x1400  }
0x84: {  	[sflag:s6] =	ssyncset.done $0x0  }
0x85: {  	[sflag:s6] =	ssyncadd.s32 $0xFFFFEC00  }
0x86: {  	[spmem:s2] =	stream.indirect.scatter.add.f32 [tilespmem:s9], [sflag:$0x1], $0x10, s11, s11, $0xb8;
	[tilespmem:$0x4600] =	vst v63  }
0x87: {  	_ =	swait.ge [sflag:s6], $0x1400  }
0x88: {  	[sflag:s6] =	ssyncset.done $0x0  }
0x89: {  	[sflag:s6] =	ssyncadd.s32 $0xFFFFEC00  }
0x8a: {  	[spmem:s2] =	stream.indirect.scatter.add.f32 [tilespmem:s9], [sflag:$0x1], $0x10, s12, s11, $0xb8;
	[tilespmem:$0x4600] =	vst v63  }
0x8b: {  	_ =	swait.ge [sflag:s6], $0x1400  }
0x8c: {  	[sflag:s6] =	ssyncset.done $0x0  }
0x8d: {  	[sflag:s6] =	ssyncadd.s32 $0xFFFFEC00  }
0x8e: {  	[spmem:s2] =	stream.indirect.scatter.add.f32 [tilespmem:s9], [sflag:$0x1], $0x10, s13, s11, $0xb8;
	[tilespmem:$0x4600] =	vst v63  }
0x8f: {  	_ =	swait.ge [sflag:s6], $0x1400  }
0x90: {  	[sflag:s6] =	ssyncset.done $0x0  }
0x91: {  	[sflag:s6] =	ssyncadd.s32 $0xFFFFEC00  }
0x92: {  	[spmem:s2] =	stream.indirect.scatter.add.f32 [tilespmem:s9], [sflag:$0x1], $0x10, s14, s11, $0xb8;
	[tilespmem:$0x4600] =	vst v63  }
0x93: {  	_ =	swait.ge [sflag:s6], $0x1400  }
0x94: {  	[sflag:s6] =	ssyncset.done $0x0  }
0x95: {  	[sflag:s6] =	ssyncadd.s32 $0xFFFFEC00  }
0x96: {  	[spmem:s2] =	stream.indirect.scatter.add.f32 [tilespmem:s9], [sflag:$0x1], $0x10, s15, s11, $0xb8;
	[tilespmem:$0x4600] =	vst v63  }
0x97: {  	_ =	swait.ge [sflag:s6], $0x1400  }
0x98: {  	[sflag:s6] =	ssyncset.done $0x0  }
0x99: {  	[sflag:s6] =	ssyncadd.s32 $0xFFFFEC00  }
0x9a: {  	[spmem:s2] =	stream.indirect.scatter.add.f32 [tilespmem:s9], [sflag:$0x1], $0x10, s16, s11, $0xb8;
	[tilespmem:$0x4600] =	vst v63  }
0x9b: {  	s24 =	ssub.s32 $0x2, s24;
	_ =	swait.ge [sflag:s6], $0x1400  }
0x9c: {  	s25 =	sshrl.u32 s24, $0x1;
	[sflag:s6] =	ssyncset.done $0x0  }
0x9d: {  	s24 =	ssub.s32 s24, s25;
	[sflag:s6] =	ssyncadd.s32 $0xFFFFEC00  }
0x9e: {  	[spmem:s2] =	stream.indirect.scatter.add.f32 [tilespmem:s9], [sflag:$0x1], $0x10, s17, s11, $0xb8;
	[tilespmem:$0x4600] =	vst v63  }
0x9f: {  	s31 =	smax.u32 s24, $0x1;
	_ =	swait.ge [sflag:s6], $0x1400  }
0xa0: {  	p0 =	sne.s32 s31, $0x1;
	[sflag:s6] =	ssyncset.done $0x0  }
.Ltmp0:
0xa1: {  	s21 =	sadd.s32 s21, s23;
	[sflag:s6] =	ssyncadd.s32 $0xFFFFEC00;
	(pc) =	sbr.rel @!p0 .LBB2_2-.Ltmp0, $4  }
0xa2: {  	s21 =	sadd.s32 s22, s21;
	[bflag:$0x0] =	sbarrier.arrive $0xFFFF  }
0xa3: {  	[hbm:s21], [sflag:s5] =	dma.local [spmem:s7], $0x500  }
0xa4: {  	_ =	swait.ge [sflag:s6], $0x500  }
0xa5: {  	s22 =	sadd.s32 $0xFFFFFFFF, s31;
	[sflag:s6] =	ssyncset.done $0x0  }
.LBB2_1:
0xa6: {  	p0 =	sne.s32 s22, $0x1;
	s22 =	sadd.s32 $0xFFFFFFFF, s22;
	[sflag:s6] =	ssyncadd.s32 $0xFFFFFB00  }
0xa7: {  	[spmem:s7], [sflag:s5] =	dma.local [hbm:s4], $0x500  }
0xa8: {  	_ =	swait.ge [sflag:s6], $0x500  }
0xa9: {  	[sflag:s6] =	ssyncset.done $0x0  }
0xaa: {  	[sflag:s6] =	ssyncadd.s32 $0xFFFFFB00  }
0xab: {  	[tilespmem:s9], [sflag:$0x1] =	stream.linear.gather [hbm4b:s8+s3], $0x1400, $0x38;
	[tilespmem:$0x4600] =	vst v63  }
0xac: {  	_ =	swait.ge [sflag:s6], $0x1400  }
0xad: {  	[sflag:s6] =	ssyncset.done $0x0  }
0xae: {  	[sflag:s6] =	ssyncadd.s32 $0xFFFFEC00  }
0xaf: {  	[bflag:$0x0] =	sbarrier.arrive $0xFFFF  }
0xb0: {  	[tilespmem:s3], [sflag:$0x1] =	stream.linear.gather [hbm4b:s10+s3], $0xA00, $0x38;
	[tilespmem:$0x4600] =	vst v63  }
0xb1: {  	_ =	swait.ge [sflag:s6], $0xA00  }
0xb2: {  	[sflag:s6] =	ssyncset.done $0x0  }
0xb3: {  	[sflag:s6] =	ssyncadd.s32 $0xFFFFF600  }
0xb4: {  	[spmem:s2] =	stream.indirect.scatter.add.f32 [tilespmem:s9], [sflag:$0x1], $0x10, s3, s11, $0xb8;
	[tilespmem:$0x4600] =	vst v63  }
0xb5: {  	_ =	swait.ge [sflag:s6], $0x1400  }
0xb6: {  	[sflag:s6] =	ssyncset.done $0x0  }
0xb7: {  	[sflag:s6] =	ssyncadd.s32 $0xFFFFEC00  }
0xb8: {  	[spmem:s2] =	stream.indirect.scatter.add.f32 [tilespmem:s9], [sflag:$0x1], $0x10, s11, s11, $0xb8;
	[tilespmem:$0x4600] =	vst v63  }
0xb9: {  	_ =	swait.ge [sflag:s6], $0x1400  }
0xba: {  	[sflag:s6] =	ssyncset.done $0x0  }
0xbb: {  	[sflag:s6] =	ssyncadd.s32 $0xFFFFEC00  }
0xbc: {  	[spmem:s2] =	stream.indirect.scatter.add.f32 [tilespmem:s9], [sflag:$0x1], $0x10, s12, s11, $0xb8;
	[tilespmem:$0x4600] =	vst v63  }
0xbd: {  	_ =	swait.ge [sflag:s6], $0x1400  }
0xbe: {  	[sflag:s6] =	ssyncset.done $0x0  }
0xbf: {  	[sflag:s6] =	ssyncadd.s32 $0xFFFFEC00  }
0xc0: {  	[spmem:s2] =	stream.indirect.scatter.add.f32 [tilespmem:s9], [sflag:$0x1], $0x10, s13, s11, $0xb8;
	[tilespmem:$0x4600] =	vst v63  }
0xc1: {  	_ =	swait.ge [sflag:s6], $0x1400  }
0xc2: {  	[sflag:s6] =	ssyncset.done $0x0  }
0xc3: {  	[sflag:s6] =	ssyncadd.s32 $0xFFFFEC00  }
0xc4: {  	[spmem:s2] =	stream.indirect.scatter.add.f32 [tilespmem:s9], [sflag:$0x1], $0x10, s14, s11, $0xb8;
	[tilespmem:$0x4600] =	vst v63  }
0xc5: {  	_ =	swait.ge [sflag:s6], $0x1400  }
0xc6: {  	[sflag:s6] =	ssyncset.done $0x0  }
0xc7: {  	[sflag:s6] =	ssyncadd.s32 $0xFFFFEC00  }
0xc8: {  	[spmem:s2] =	stream.indirect.scatter.add.f32 [tilespmem:s9], [sflag:$0x1], $0x10, s15, s11, $0xb8;
	[tilespmem:$0x4600] =	vst v63  }
0xc9: {  	_ =	swait.ge [sflag:s6], $0x1400  }
0xca: {  	[sflag:s6] =	ssyncset.done $0x0  }
0xcb: {  	[sflag:s6] =	ssyncadd.s32 $0xFFFFEC00  }
0xcc: {  	[spmem:s2] =	stream.indirect.scatter.add.f32 [tilespmem:s9], [sflag:$0x1], $0x10, s16, s11, $0xb8;
	[tilespmem:$0x4600] =	vst v63  }
0xcd: {  	_ =	swait.ge [sflag:s6], $0x1400  }
0xce: {  	[sflag:s6] =	ssyncset.done $0x0  }
0xcf: {  	[sflag:s6] =	ssyncadd.s32 $0xFFFFEC00  }
0xd0: {  	[spmem:s2] =	stream.indirect.scatter.add.f32 [tilespmem:s9], [sflag:$0x1], $0x10, s17, s11, $0xb8;
	[tilespmem:$0x4600] =	vst v63  }
0xd1: {  	_ =	swait.ge [sflag:s6], $0x1400  }
0xd2: {  	[sflag:s6] =	ssyncset.done $0x0  }
0xd3: {  	[sflag:s6] =	ssyncadd.s32 $0xFFFFEC00  }
0xd4: {  	[tilespmem:s3], [sflag:$0x1] =	stream.linear.gather [hbm4b:s18+s3], $0xA00, $0x38;
	[tilespmem:$0x4600] =	vst v63  }
0xd5: {  	_ =	swait.ge [sflag:s6], $0xA00  }
0xd6: {  	[sflag:s6] =	ssyncset.done $0x0  }
0xd7: {  	[sflag:s6] =	ssyncadd.s32 $0xFFFFF600  }
0xd8: {  	[spmem:s2] =	stream.indirect.scatter.add.f32 [tilespmem:s9], [sflag:$0x1], $0x10, s3, s11, $0xb8;
	[tilespmem:$0x4600] =	vst v63  }
0xd9: {  	_ =	swait.ge [sflag:s6], $0x1400  }
0xda: {  	[sflag:s6] =	ssyncset.done $0x0  }
0xdb: {  	[sflag:s6] =	ssyncadd.s32 $0xFFFFEC00  }
0xdc: {  	[spmem:s2] =	stream.indirect.scatter.add.f32 [tilespmem:s9], [sflag:$0x1], $0x10, s11, s11, $0xb8;
	[tilespmem:$0x4600] =	vst v63  }
0xdd: {  	_ =	swait.ge [sflag:s6], $0x1400  }
0xde: {  	[sflag:s6] =	ssyncset.done $0x0  }
0xdf: {  	[sflag:s6] =	ssyncadd.s32 $0xFFFFEC00  }
0xe0: {  	[spmem:s2] =	stream.indirect.scatter.add.f32 [tilespmem:s9], [sflag:$0x1], $0x10, s12, s11, $0xb8;
	[tilespmem:$0x4600] =	vst v63  }
0xe1: {  	_ =	swait.ge [sflag:s6], $0x1400  }
0xe2: {  	[sflag:s6] =	ssyncset.done $0x0  }
0xe3: {  	[sflag:s6] =	ssyncadd.s32 $0xFFFFEC00  }
0xe4: {  	[spmem:s2] =	stream.indirect.scatter.add.f32 [tilespmem:s9], [sflag:$0x1], $0x10, s13, s11, $0xb8;
	[tilespmem:$0x4600] =	vst v63  }
0xe5: {  	_ =	swait.ge [sflag:s6], $0x1400  }
0xe6: {  	[sflag:s6] =	ssyncset.done $0x0  }
0xe7: {  	[sflag:s6] =	ssyncadd.s32 $0xFFFFEC00  }
0xe8: {  	[spmem:s2] =	stream.indirect.scatter.add.f32 [tilespmem:s9], [sflag:$0x1], $0x10, s14, s11, $0xb8;
	[tilespmem:$0x4600] =	vst v63  }
0xe9: {  	_ =	swait.ge [sflag:s6], $0x1400  }
0xea: {  	[sflag:s6] =	ssyncset.done $0x0  }
0xeb: {  	[sflag:s6] =	ssyncadd.s32 $0xFFFFEC00  }
0xec: {  	[spmem:s2] =	stream.indirect.scatter.add.f32 [tilespmem:s9], [sflag:$0x1], $0x10, s15, s11, $0xb8;
	[tilespmem:$0x4600] =	vst v63  }
0xed: {  	_ =	swait.ge [sflag:s6], $0x1400  }
0xee: {  	[sflag:s6] =	ssyncset.done $0x0  }
0xef: {  	[sflag:s6] =	ssyncadd.s32 $0xFFFFEC00  }
0xf0: {  	[spmem:s2] =	stream.indirect.scatter.add.f32 [tilespmem:s9], [sflag:$0x1], $0x10, s16, s11, $0xb8;
	[tilespmem:$0x4600] =	vst v63  }
0xf1: {  	_ =	swait.ge [sflag:s6], $0x1400  }
0xf2: {  	[sflag:s6] =	ssyncset.done $0x0  }
0xf3: {  	[sflag:s6] =	ssyncadd.s32 $0xFFFFEC00  }
0xf4: {  	[spmem:s2] =	stream.indirect.scatter.add.f32 [tilespmem:s9], [sflag:$0x1], $0x10, s17, s11, $0xb8;
	[tilespmem:$0x4600] =	vst v63  }
0xf5: {  	_ =	swait.ge [sflag:s6], $0x1400  }
0xf6: {  	[sflag:s6] =	ssyncset.done $0x0  }
0xf7: {  	[sflag:s6] =	ssyncadd.s32 $0xFFFFEC00  }
0xf8: {  	[tilespmem:s3], [sflag:$0x1] =	stream.linear.gather [hbm4b:s19+s3], $0xA00, $0x38;
	[tilespmem:$0x4600] =	vst v63  }
0xf9: {  	_ =	swait.ge [sflag:s6], $0xA00  }
0xfa: {  	[sflag:s6] =	ssyncset.done $0x0  }
0xfb: {  	[sflag:s6] =	ssyncadd.s32 $0xFFFFF600  }
0xfc: {  	[spmem:s2] =	stream.indirect.scatter.add.f32 [tilespmem:s9], [sflag:$0x1], $0x10, s3, s11, $0xb8;
	[tilespmem:$0x4600] =	vst v63  }
0xfd: {  	_ =	swait.ge [sflag:s6], $0x1400  }
0xfe: {  	[sflag:s6] =	ssyncset.done $0x0  }
0xff: {  	[sflag:s6] =	ssyncadd.s32 $0xFFFFEC00  }
0x100: {  	[spmem:s2] =	stream.indirect.scatter.add.f32 [tilespmem:s9], [sflag:$0x1], $0x10, s11, s11, $0xb8;
	[tilespmem:$0x4600] =	vst v63  }
0x101: {  	_ =	swait.ge [sflag:s6], $0x1400  }
0x102: {  	[sflag:s6] =	ssyncset.done $0x0  }
0x103: {  	[sflag:s6] =	ssyncadd.s32 $0xFFFFEC00  }
0x104: {  	[spmem:s2] =	stream.indirect.scatter.add.f32 [tilespmem:s9], [sflag:$0x1], $0x10, s12, s11, $0xb8;
	[tilespmem:$0x4600] =	vst v63  }
0x105: {  	_ =	swait.ge [sflag:s6], $0x1400  }
0x106: {  	[sflag:s6] =	ssyncset.done $0x0  }
0x107: {  	[sflag:s6] =	ssyncadd.s32 $0xFFFFEC00  }
0x108: {  	[spmem:s2] =	stream.indirect.scatter.add.f32 [tilespmem:s9], [sflag:$0x1], $0x10, s13, s11, $0xb8;
	[tilespmem:$0x4600] =	vst v63  }
0x109: {  	_ =	swait.ge [sflag:s6], $0x1400  }
0x10a: {  	[sflag:s6] =	ssyncset.done $0x0  }
0x10b: {  	[sflag:s6] =	ssyncadd.s32 $0xFFFFEC00  }
0x10c: {  	[spmem:s2] =	stream.indirect.scatter.add.f32 [tilespmem:s9], [sflag:$0x1], $0x10, s14, s11, $0xb8;
	[tilespmem:$0x4600] =	vst v63  }
0x10d: {  	_ =	swait.ge [sflag:s6], $0x1400  }
0x10e: {  	[sflag:s6] =	ssyncset.done $0x0  }
0x10f: {  	[sflag:s6] =	ssyncadd.s32 $0xFFFFEC00  }
0x110: {  	[spmem:s2] =	stream.indirect.scatter.add.f32 [tilespmem:s9], [sflag:$0x1], $0x10, s15, s11, $0xb8;
	[tilespmem:$0x4600] =	vst v63  }
0x111: {  	_ =	swait.ge [sflag:s6], $0x1400  }
0x112: {  	[sflag:s6] =	ssyncset.done $0x0  }
0x113: {  	[sflag:s6] =	ssyncadd.s32 $0xFFFFEC00  }
0x114: {  	[spmem:s2] =	stream.indirect.scatter.add.f32 [tilespmem:s9], [sflag:$0x1], $0x10, s16, s11, $0xb8;
	[tilespmem:$0x4600] =	vst v63  }
0x115: {  	_ =	swait.ge [sflag:s6], $0x1400  }
0x116: {  	[sflag:s6] =	ssyncset.done $0x0  }
0x117: {  	[sflag:s6] =	ssyncadd.s32 $0xFFFFEC00  }
0x118: {  	[spmem:s2] =	stream.indirect.scatter.add.f32 [tilespmem:s9], [sflag:$0x1], $0x10, s17, s11, $0xb8;
	[tilespmem:$0x4600] =	vst v63  }
0x119: {  	_ =	swait.ge [sflag:s6], $0x1400  }
0x11a: {  	[sflag:s6] =	ssyncset.done $0x0  }
0x11b: {  	[sflag:s6] =	ssyncadd.s32 $0xFFFFEC00  }
0x11c: {  	[tilespmem:s3], [sflag:$0x1] =	stream.linear.gather [hbm4b:s20+s3], $0xA00, $0x38;
	[tilespmem:$0x4600] =	vst v63  }
0x11d: {  	_ =	swait.ge [sflag:s6], $0xA00  }
0x11e: {  	[sflag:s6] =	ssyncset.done $0x0  }
0x11f: {  	[sflag:s6] =	ssyncadd.s32 $0xFFFFF600  }
0x120: {  	[spmem:s2] =	stream.indirect.scatter.add.f32 [tilespmem:s9], [sflag:$0x1], $0x10, s3, s11, $0xb8;
	[tilespmem:$0x4600] =	vst v63  }
0x121: {  	_ =	swait.ge [sflag:s6], $0x1400  }
0x122: {  	[sflag:s6] =	ssyncset.done $0x0  }
0x123: {  	[sflag:s6] =	ssyncadd.s32 $0xFFFFEC00  }
0x124: {  	[spmem:s2] =	stream.indirect.scatter.add.f32 [tilespmem:s9], [sflag:$0x1], $0x10, s11, s11, $0xb8;
	[tilespmem:$0x4600] =	vst v63  }
0x125: {  	_ =	swait.ge [sflag:s6], $0x1400  }
0x126: {  	[sflag:s6] =	ssyncset.done $0x0  }
0x127: {  	[sflag:s6] =	ssyncadd.s32 $0xFFFFEC00  }
0x128: {  	[spmem:s2] =	stream.indirect.scatter.add.f32 [tilespmem:s9], [sflag:$0x1], $0x10, s12, s11, $0xb8;
	[tilespmem:$0x4600] =	vst v63  }
0x129: {  	_ =	swait.ge [sflag:s6], $0x1400  }
0x12a: {  	[sflag:s6] =	ssyncset.done $0x0  }
0x12b: {  	[sflag:s6] =	ssyncadd.s32 $0xFFFFEC00  }
0x12c: {  	[spmem:s2] =	stream.indirect.scatter.add.f32 [tilespmem:s9], [sflag:$0x1], $0x10, s13, s11, $0xb8;
	[tilespmem:$0x4600] =	vst v63  }
0x12d: {  	_ =	swait.ge [sflag:s6], $0x1400  }
0x12e: {  	[sflag:s6] =	ssyncset.done $0x0  }
0x12f: {  	[sflag:s6] =	ssyncadd.s32 $0xFFFFEC00  }
0x130: {  	[spmem:s2] =	stream.indirect.scatter.add.f32 [tilespmem:s9], [sflag:$0x1], $0x10, s14, s11, $0xb8;
	[tilespmem:$0x4600] =	vst v63  }
0x131: {  	_ =	swait.ge [sflag:s6], $0x1400  }
0x132: {  	[sflag:s6] =	ssyncset.done $0x0  }
0x133: {  	[sflag:s6] =	ssyncadd.s32 $0xFFFFEC00  }
0x134: {  	[spmem:s2] =	stream.indirect.scatter.add.f32 [tilespmem:s9], [sflag:$0x1], $0x10, s15, s11, $0xb8;
	[tilespmem:$0x4600] =	vst v63  }
0x135: {  	_ =	swait.ge [sflag:s6], $0x1400  }
0x136: {  	[sflag:s6] =	ssyncset.done $0x0  }
0x137: {  	[sflag:s6] =	ssyncadd.s32 $0xFFFFEC00  }
0x138: {  	[spmem:s2] =	stream.indirect.scatter.add.f32 [tilespmem:s9], [sflag:$0x1], $0x10, s16, s11, $0xb8;
	[tilespmem:$0x4600] =	vst v63  }
0x139: {  	_ =	swait.ge [sflag:s6], $0x1400  }
0x13a: {  	[sflag:s6] =	ssyncset.done $0x0  }
0x13b: {  	[sflag:s6] =	ssyncadd.s32 $0xFFFFEC00  }
0x13c: {  	[spmem:s2] =	stream.indirect.scatter.add.f32 [tilespmem:s9], [sflag:$0x1], $0x10, s17, s11, $0xb8;
	[tilespmem:$0x4600] =	vst v63  }
0x13d: {  	_ =	swait.ge [sflag:s6], $0x1400  }
0x13e: {  	[sflag:s6] =	ssyncset.done $0x0  }
.Ltmp1:
0x13f: {  	[sflag:s6] =	ssyncadd.s32 $0xFFFFEC00;
	(pc) =	sbr.rel @p0 .LBB2_1-.Ltmp1, $4  }
0x140: {  	[bflag:$0x0] =	sbarrier.arrive $0xFFFF  }
0x141: {  	[hbm:s21], [sflag:s5] =	dma.local [spmem:s7], $0x500  }
0x142: {  	_ =	swait.ge [sflag:s6], $0x500  }
0x143: {  	[sflag:s6] =	ssyncset.done $0x0  }
.LBB2_2:
0x144: {  	[sflag:s6] =	ssyncadd.s32 $0xFFFFFB00  }
0x145: {  	_ =	sfence.sel $0x180000  }
0x146: {  	[bflag:$0x0] =	sbarrier.arrive $0xFFFF  }
0x147: {  	p0 =	sne.s32 s0, $0x0;
	_ =	strace $0x90000047  }
0x148: {  	s0 =	sadd.s32 @!p0 $0x100000, s1;
	[bflag:$0x2] =	sbarrier.arrive $0xFFFF  }
0x149: {  	[sflag:s0] =	ssyncadd.tile.s32 @!p0 $0x1;
	_ =	shalt  }
.Lfunc_end2:
_tile_overlayer_lowered:
.L_overlay_start_2:
0x14a: {  	(tag) =	ssettag $0x2  }
0x14b: {  	s0 =	rddreg [dreg:$0x0];
	s2 =	stileid.u32  }
0x14c: {  	s1 =	rddreg [dreg:$0x1];
	p0 =	sne.s32 s2, $0x0  }
0x14d: {  	s3 =	rddreg [dreg:$0x2];
	[bflag:$0x3] =	sbarrier.arrive $0xFFFF;
	s2 =	simm.s32 @!p0 $0x1C01  }
0x14e: {  	[timem:s3], [sflag:s2] =	dma.local @!p0 [hbm:s0], s1  }
0x14f: {  	s0 =	simm.s32 @!p0 $0x1  }
0x150: {  	_ =	swait.ge @!p0 [sflag:s0], s1  }
0x151: {  	s1 =	ssub.s32 @!p0 $0x0, s1;
	[sflag:s0] =	ssyncset.done @!p0 $0x0  }
0x152: {  	[sflag:s0] =	ssyncadd.s32 @!p0 s1  }
0x153: {  	[bflag:$0x3] =	sbarrier.arrive $0xFFFF  }
0x154: {  	_ =	shalt  }

</sc_bundles>
